<compile_context>
chip_gen: v7x
topology: tpu7x:2x2x1
jax: 0.10.2.dev20260603
libtpu: 0.0.44.dev20260713+nightly
codegen_flags: <defaults>
</compile_context>

<pallas_src>
import functools

import jax
import jax.numpy as jnp
from jax import lax
from jax.experimental import pallas as pl
from jax.experimental.pallas import tpu as pltpu
from jax.experimental.pallas import tpu_sc as plsc

DIM = 16
LANES = 16
TILE = 128
NUM_CORES = 2
NUM_SUBCORES = 16
NUM_WORKERS = NUM_CORES * NUM_SUBCORES
CHUNK = 8
REG_COEF = 0.001


def _make_sc_fused(batch):
    b_per_w = batch // NUM_WORKERS
    n_chunks = b_per_w // CHUNK
    mesh = plsc.VectorSubcoreMesh(core_axis_name="c", subcore_axis_name="s")

    @functools.partial(
        pl.kernel,
        mesh=mesh,
        out_type=(
            jax.ShapeDtypeStruct((batch,), jnp.float32),
            jax.ShapeDtypeStruct((NUM_WORKERS, LANES), jnp.float32),
        ),
        scratch_types=[
            pltpu.VMEM((b_per_w,), jnp.int32),
            pltpu.VMEM((b_per_w,), jnp.int32),
            pltpu.VMEM((CHUNK, DIM, TILE), jnp.float32),
            pltpu.VMEM((CHUNK, DIM, TILE), jnp.float32),
            pltpu.VMEM((CHUNK, DIM, TILE), jnp.float32),
            pltpu.VMEM((CHUNK, DIM, TILE), jnp.float32),
            pltpu.VMEM((b_per_w * DIM,), jnp.float32),
            pltpu.VMEM((b_per_w * DIM,), jnp.float32),
            pltpu.VMEM((b_per_w,), jnp.float32),
            pltpu.VMEM((LANES,), jnp.float32),
            pltpu.SemaphoreType.DMA,
            pltpu.SemaphoreType.DMA,
            pltpu.SemaphoreType.DMA,
            pltpu.SemaphoreType.DMA,
        ],
        compiler_params=pltpu.CompilerParams(needs_layout_passes=False),
    )
    def sc_kernel(users_hbm, items_hbm, utab_hbm, itab_hbm,
                  inf_out, reg_out,
                  uidx_v, iidx_v, ubuf0, ubuf1, vbuf0, vbuf1,
                  ustag_v, vstag_v, inf_v, racc_v,
                  semu0, semu1, semv0, semv1):
        ubufs, vbufs = (ubuf0, ubuf1), (vbuf0, vbuf1)
        semus, semvs = (semu0, semu1), (semv0, semv1)
        wid = lax.axis_index("s") * NUM_CORES + lax.axis_index("c")
        base = wid * b_per_w
        iota = lax.iota(jnp.int32, LANES)

        pltpu.sync_copy(users_hbm.at[pl.ds(base, b_per_w)], uidx_v)
        pltpu.sync_copy(items_hbm.at[pl.ds(base, b_per_w)], iidx_v)

        racc_v[...] = jnp.zeros((LANES,), jnp.float32)

        def fire(c, slot, uvec, ivec, half):
            for k in range(CHUNK):
                ui = uvec[half * CHUNK + k]
                vi = ivec[half * CHUNK + k]
                uo = pl.multiple_of((ui >> 7) << 7, TILE)
                vo = pl.multiple_of((vi >> 7) << 7, TILE)
                pltpu.async_copy(utab_hbm.at[pl.ds(0, 8), pl.ds(uo, TILE)],
                                 ubufs[slot].at[k, pl.ds(0, 8)], semus[slot])
                pltpu.async_copy(utab_hbm.at[pl.ds(8, 8), pl.ds(uo, TILE)],
                                 ubufs[slot].at[k, pl.ds(8, 8)], semus[slot])
                pltpu.async_copy(itab_hbm.at[pl.ds(0, 8), pl.ds(vo, TILE)],
                                 vbufs[slot].at[k, pl.ds(0, 8)], semvs[slot])
                pltpu.async_copy(itab_hbm.at[pl.ds(8, 8), pl.ds(vo, TILE)],
                                 vbufs[slot].at[k, pl.ds(8, 8)], semvs[slot])

        def drain_extract(c, slot, uvec, ivec, half):
            for k in range(2 * CHUNK):
                pltpu.make_async_copy(utab_hbm.at[pl.ds(0, 8), pl.ds(0, TILE)],
                                      ubufs[slot].at[0, pl.ds(0, 8)],
                                      semus[slot]).wait()
                pltpu.make_async_copy(itab_hbm.at[pl.ds(0, 8), pl.ds(0, TILE)],
                                      vbufs[slot].at[0, pl.ds(0, 8)],
                                      semvs[slot]).wait()
            for k in range(CHUNK):
                j = c * CHUNK + k
                lane_u = uvec[half * CHUNK + k] & (TILE - 1)
                lane_v = ivec[half * CHUNK + k] & (TILE - 1)
                ku = jnp.full((LANES,), k, jnp.int32)
                cu16 = plsc.load_gather(
                    ubufs[slot], [ku, iota, jnp.full((LANES,), 0, jnp.int32) + lane_u])
                cv16 = plsc.load_gather(
                    vbufs[slot], [ku, iota, jnp.full((LANES,), 0, jnp.int32) + lane_v])
                pos = iota * b_per_w + j
                plsc.store_scatter(ustag_v, [pos], cu16)
                plsc.store_scatter(vstag_v, [pos], cv16)

        def load_pair(c):
            uvec = uidx_v[pl.ds(c * CHUNK, LANES)]
            ivec = iidx_v[pl.ds(c * CHUNK, LANES)]
            return uvec, ivec

        uv0 = load_pair(0)
        fire(0, 0, uv0[0], uv0[1], 0)

        @pl.loop(0, n_chunks, step=2)
        def _(c):
            uvec, ivec = load_pair(c)
            fire_next = c + 1
            fire(fire_next, 1, uvec, ivec, 1)
            drain_extract(c, 0, uvec, ivec, 0)

            @pl.when(c + 2 < n_chunks)
            def _():
                uvec2, ivec2 = load_pair(c + 2)
                fire(c + 2, 0, uvec2, ivec2, 0)

            drain_extract(c + 1, 1, uvec, ivec, 1)

        @pl.loop(0, b_per_w, step=LANES)
        def _(t):
            acc = jnp.zeros((LANES,), jnp.float32)
            rloc = jnp.zeros((LANES,), jnp.float32)
            for l in range(DIM):
                sl = pl.ds(l * b_per_w + t, LANES)
                cu16 = ustag_v[sl]
                cv16 = vstag_v[sl]
                acc = acc + cu16 * cv16
                rloc = rloc + (cu16 * cu16 + cv16 * cv16)
            inf_v[pl.ds(t, LANES)] = acc
            racc_v[...] = racc_v[...] + rloc

        pltpu.sync_copy(inf_v, inf_out.at[pl.ds(base, b_per_w)])
        pltpu.sync_copy(racc_v, reg_out.at[wid])

    return sc_kernel


def _reg_body(p_ref, out_ref):
    out_ref[0, 0] = REG_COEF * jnp.sum(p_ref[...])


def kernel(users, items, user_table, item_table):
    batch = users.shape[0]
    users = users.astype(jnp.int32)
    items = items.astype(jnp.int32)
    inf, reg_partials = _make_sc_fused(batch)(
        users, items, user_table.T, item_table.T)

    regs = pl.pallas_call(
        _reg_body,
        out_shape=jax.ShapeDtypeStruct((1, 1), jnp.float32),
        out_specs=pl.BlockSpec(memory_space=pltpu.SMEM),
    )(reg_partials)
    return inf.reshape(batch, 1), regs[0, 0]

# --- scband reference (transcript-rebuilt; emitter-appended) ---
"""Pipeline reference for scband-base-model-13864154432063 (READ-ONLY COPY).

The authoritative reference and input builder live on the scoring server;
editing this copy changes nothing except your own understanding.
"""

import jax, jax.numpy as jnp
import numpy as np

NUM_USERS = 1000000
NUM_ITEMS = 1000000
DIM = 16
BATCH = 16384
REG = 0.001


def setup_inputs(seed: int = 0) -> dict:
    key = jax.random.key(seed)
    k1, k2, k3, k4 = jax.random.split(key, 4)
    users = jax.random.randint(k1, (BATCH,), 0, NUM_USERS, dtype=jnp.int64) if jax.config.read('jax_enable_x64') else jax.random.randint(k1, (BATCH,), 0, NUM_USERS, dtype=jnp.int32)
    items = jax.random.randint(k2, (BATCH,), 0, NUM_ITEMS, dtype=jnp.int64) if jax.config.read('jax_enable_x64') else jax.random.randint(k2, (BATCH,), 0, NUM_ITEMS, dtype=jnp.int32)
    user_table = jax.random.normal(k3, (NUM_USERS, DIM), dtype=jnp.float32) * 0.01
    item_table = jax.random.normal(k4, (NUM_ITEMS, DIM), dtype=jnp.float32) * 0.01
    return {"users": users, "items": items, "user_table": user_table, "item_table": item_table}


def reference(users, items, user_table, item_table):
    # Matrix-factorization style forward: embedding lookups + dot product + L2 regularizer.
    u = jnp.take(user_table, users, axis=0)            # [B, D] gather (SparseCore embedding lookup)
    v = jnp.take(item_table, items, axis=0)            # [B, D] gather
    inferences = jnp.sum(u * v, axis=1, keepdims=True)  # [B, 1]
    regs = REG * (jnp.sum(u * u) + jnp.sum(v * v))       # scalar regularization term
    return inferences, regs

if __name__ == "__main__":
    import jax
    _d = setup_inputs()
    print(jax.jit(kernel)(*tuple(_d.values())))

</pallas_src>

<mosaic_0001>
#map = affine_map<(d0, d1) -> (0)>
#map1 = affine_map<(d0, d1) -> (0, 0)>
module attributes {stable_mosaic.version = 14 : i64} {
  func.func @sc_kernel(%arg0: i32, %arg1: i32, %arg2: memref<16384xi32, #tpu.memory_space<hbm>>, %arg3: memref<16384xi32, #tpu.memory_space<hbm>>, %arg4: memref<16x1000000xf32, #tpu.memory_space<hbm>>, %arg5: memref<16x1000000xf32, #tpu.memory_space<hbm>>, %arg6: memref<16384xf32, #tpu.memory_space<hbm>>, %arg7: memref<32x16xf32, #tpu.memory_space<hbm>>, %arg8: memref<512xi32, #tpu.memory_space<vmem>>, %arg9: memref<512xi32, #tpu.memory_space<vmem>>, %arg10: memref<8x16x128xf32, #tpu.memory_space<vmem>>, %arg11: memref<8x16x128xf32, #tpu.memory_space<vmem>>, %arg12: memref<8x16x128xf32, #tpu.memory_space<vmem>>, %arg13: memref<8x16x128xf32, #tpu.memory_space<vmem>>, %arg14: memref<8192xf32, #tpu.memory_space<vmem>>, %arg15: memref<8192xf32, #tpu.memory_space<vmem>>, %arg16: memref<512xf32, #tpu.memory_space<vmem>>, %arg17: memref<16xf32, #tpu.memory_space<vmem>>, %arg18: memref<!tpu.dma_semaphore, #tpu.memory_space<semaphore_mem>>, %arg19: memref<!tpu.dma_semaphore, #tpu.memory_space<semaphore_mem>>, %arg20: memref<!tpu.dma_semaphore, #tpu.memory_space<semaphore_mem>>, %arg21: memref<!tpu.dma_semaphore, #tpu.memory_space<semaphore_mem>>) attributes {dimension_semantics = [#tpu.dimension_semantics<core_parallel>, #tpu.dimension_semantics<subcore_parallel>], iteration_bounds = array<i64: 2, 16>, scalar_prefetch = 0 : i64, scratch_operands = 14 : i64, tpu.core_type = #tpu.core_type<sc_vector_subcore>, window_params = [{transform_indices = #map}, {transform_indices = #map}, {transform_indices = #map1}, {transform_indices = #map1}, {transform_indices = #map}, {transform_indices = #map1}]} {
    %mul3A = arith.constant 2 : i32
    %mul3A_0 = arith.muli %arg1, %mul3A : i32
    %add3A = arith.addi %mul3A_0, %arg0 : i32
    %mul3A_1 = arith.constant 512 : i32
    %mul3A_2 = arith.muli %add3A, %mul3A_1 : i32
    %iota3A = tpu.iota {dimensions = array<i32: 0>} : vector<16xi32>
    "tpu.region"() ({
      %run_scoped3A = tpu.sem_alloc : memref<!tpu.dma_semaphore, #tpu.memory_space<semaphore_mem>>
      %dma_start3A_539 = tpu.memref_slice %arg2[%mul3A_2] : memref<16384xi32, #tpu.memory_space<hbm>> -> memref<512xi32, #tpu.memory_space<hbm>>
      %dma_start3A_540 = tpu.memref_slice %arg2[%mul3A_2] : memref<16384xi32, #tpu.memory_space<hbm>> -> memref<512xi32, #tpu.memory_space<hbm>>
      tpu.enqueue_dma source(%dma_start3A_540 : memref<512xi32, #tpu.memory_space<hbm>>) target(%arg8 : memref<512xi32, #tpu.memory_space<vmem>>) target_semaphore(%run_scoped3A : memref<!tpu.dma_semaphore, #tpu.memory_space<semaphore_mem>>)
      %dma_wait3A = tpu.memref_slice %arg2[%mul3A_2] : memref<16384xi32, #tpu.memory_space<hbm>> -> memref<512xi32, #tpu.memory_space<hbm>>
      %dma_wait3A_541 = tpu.memref_slice %arg2[%mul3A_2] : memref<16384xi32, #tpu.memory_space<hbm>> -> memref<512xi32, #tpu.memory_space<hbm>>
      tpu.wait_dma2 semaphore(%run_scoped3A : memref<!tpu.dma_semaphore, #tpu.memory_space<semaphore_mem>>) src(%dma_wait3A_541 : memref<512xi32, #tpu.memory_space<hbm>>) dst(%arg8 : memref<512xi32, #tpu.memory_space<vmem>>)
      tpu.yield
    }) : () -> ()
    "tpu.region"() ({
      %run_scoped3A = tpu.sem_alloc : memref<!tpu.dma_semaphore, #tpu.memory_space<semaphore_mem>>
      %dma_start3A_539 = tpu.memref_slice %arg3[%mul3A_2] : memref<16384xi32, #tpu.memory_space<hbm>> -> memref<512xi32, #tpu.memory_space<hbm>>
      %dma_start3A_540 = tpu.memref_slice %arg3[%mul3A_2] : memref<16384xi32, #tpu.memory_space<hbm>> -> memref<512xi32, #tpu.memory_space<hbm>>
      tpu.enqueue_dma source(%dma_start3A_540 : memref<512xi32, #tpu.memory_space<hbm>>) target(%arg9 : memref<512xi32, #tpu.memory_space<vmem>>) target_semaphore(%run_scoped3A : memref<!tpu.dma_semaphore, #tpu.memory_space<semaphore_mem>>)
      %dma_wait3A = tpu.memref_slice %arg3[%mul3A_2] : memref<16384xi32, #tpu.memory_space<hbm>> -> memref<512xi32, #tpu.memory_space<hbm>>
      %dma_wait3A_541 = tpu.memref_slice %arg3[%mul3A_2] : memref<16384xi32, #tpu.memory_space<hbm>> -> memref<512xi32, #tpu.memory_space<hbm>>
      tpu.wait_dma2 semaphore(%run_scoped3A : memref<!tpu.dma_semaphore, #tpu.memory_space<semaphore_mem>>) src(%dma_wait3A_541 : memref<512xi32, #tpu.memory_space<hbm>>) dst(%arg9 : memref<512xi32, #tpu.memory_space<vmem>>)
      tpu.yield
    }) : () -> ()
    %broadcast_in_dim3A = arith.constant 0.000000e+00 : f32
    %broadcast_in_dim3A_3 = vector.broadcast %broadcast_in_dim3A : f32 to vector<16xf32>
    %swap3A = arith.constant 0 : index
    %swap3A_4 = tpu.vector_load %arg17[%swap3A] {strides = array<i32>} : memref<16xf32, #tpu.memory_space<vmem>>, vector<16xf32>,
    tpu.vector_store %arg17[%swap3A], %broadcast_in_dim3A_3 {strides = array<i32>} : memref<16xf32, #tpu.memory_space<vmem>>, vector<16xf32>,
    %get3A = arith.constant 0 : index
    %get3A_5 = tpu.vector_load %arg8[%get3A] {strides = array<i32>} : memref<512xi32, #tpu.memory_space<vmem>>, vector<16xi32>,
    %get3A_6 = arith.constant 0 : index
    %get3A_7 = tpu.vector_load %arg9[%get3A_6] {strides = array<i32>} : memref<512xi32, #tpu.memory_space<vmem>>, vector<16xi32>,
    %slice3A = vector.extract_strided_slice %get3A_5 {offsets = [0], sizes = [1], strides = [1]} : vector<16xi32> to vector<1xi32>
    %squeeze3A = vector.extract %slice3A[0] : i32 from vector<1xi32>
    %slice3A_8 = vector.extract_strided_slice %get3A_7 {offsets = [0], sizes = [1], strides = [1]} : vector<16xi32> to vector<1xi32>
    %squeeze3A_9 = vector.extract %slice3A_8[0] : i32 from vector<1xi32>
    %shift_right_arithmetic3A = arith.constant 7 : i32
    %shift_right_arithmetic3A_10 = arith.shrsi %squeeze3A, %shift_right_arithmetic3A : i32
    %shift_left3A = arith.constant 7 : i32
    %shift_left3A_11 = arith.shli %shift_right_arithmetic3A_10, %shift_left3A : i32
    %multiple_of3A = tpu.assume_multiple %shift_left3A_11, 128 : i32
    %shift_right_arithmetic3A_12 = arith.constant 7 : i32
    %shift_right_arithmetic3A_13 = arith.shrsi %squeeze3A_9, %shift_right_arithmetic3A_12 : i32
    %shift_left3A_14 = arith.constant 7 : i32
    %shift_left3A_15 = arith.shli %shift_right_arithmetic3A_13, %shift_left3A_14 : i32
    %multiple_of3A_16 = tpu.assume_multiple %shift_left3A_15, 128 : i32
    %dma_start3A = arith.constant 0 : i32
    %dma_start3A_17 = arith.constant 0 : i32
    %dma_start3A_18 = arith.constant 0 : i32
    %dma_start3A_19 = tpu.memref_slice %arg10[%dma_start3A, %dma_start3A_17, %dma_start3A_18] : memref<8x16x128xf32, #tpu.memory_space<vmem>> -> memref<1x8x128xf32, #tpu.memory_space<vmem>>
    %dma_start3A_20 = tpu.memref_squeeze %dma_start3A_19 : memref<1x8x128xf32, #tpu.memory_space<vmem>> -> memref<8x128xf32, #tpu.memory_space<vmem>>
    %dma_start3A_21 = arith.constant 0 : i32
    %dma_start3A_22 = tpu.memref_slice %arg4[%dma_start3A_21, %multiple_of3A] : memref<16x1000000xf32, #tpu.memory_space<hbm>> -> memref<8x128xf32, #tpu.memory_space<hbm>>
    %dma_start3A_23 = arith.constant 0 : i32
    %dma_start3A_24 = arith.constant 0 : i32
    %dma_start3A_25 = tpu.memref_slice %arg10[%dma_start3A, %dma_start3A_23, %dma_start3A_24] : memref<8x16x128xf32, #tpu.memory_space<vmem>> -> memref<1x8x128xf32, #tpu.memory_space<vmem>>
    %dma_start3A_26 = tpu.memref_squeeze %dma_start3A_25 : memref<1x8x128xf32, #tpu.memory_space<vmem>> -> memref<8x128xf32, #tpu.memory_space<vmem>>
    %dma_start3A_27 = arith.constant 0 : i32
    %dma_start3A_28 = tpu.memref_slice %arg4[%dma_start3A_27, %multiple_of3A] : memref<16x1000000xf32, #tpu.memory_space<hbm>> -> memref<8x128xf32, #tpu.memory_space<hbm>>
    tpu.enqueue_dma source(%dma_start3A_28 : memref<8x128xf32, #tpu.memory_space<hbm>>) target(%dma_start3A_26 : memref<8x128xf32, #tpu.memory_space<vmem>>) target_semaphore(%arg18 : memref<!tpu.dma_semaphore, #tpu.memory_space<semaphore_mem>>)
    %dma_start3A_29 = arith.constant 0 : i32
    %dma_start3A_30 = arith.constant 8 : i32
    %dma_start3A_31 = arith.constant 0 : i32
    %dma_start3A_32 = tpu.memref_slice %arg10[%dma_start3A_29, %dma_start3A_30, %dma_start3A_31] : memref<8x16x128xf32, #tpu.memory_space<vmem>> -> memref<1x8x128xf32, #tpu.memory_space<vmem>>
    %dma_start3A_33 = tpu.memref_squeeze %dma_start3A_32 : memref<1x8x128xf32, #tpu.memory_space<vmem>> -> memref<8x128xf32, #tpu.memory_space<vmem>>
    %dma_start3A_34 = arith.constant 8 : i32
    %dma_start3A_35 = tpu.memref_slice %arg4[%dma_start3A_34, %multiple_of3A] : memref<16x1000000xf32, #tpu.memory_space<hbm>> -> memref<8x128xf32, #tpu.memory_space<hbm>>
    %dma_start3A_36 = arith.constant 8 : i32
    %dma_start3A_37 = arith.constant 0 : i32
    %dma_start3A_38 = tpu.memref_slice %arg10[%dma_start3A_29, %dma_start3A_36, %dma_start3A_37] : memref<8x16x128xf32, #tpu.memory_space<vmem>> -> memref<1x8x128xf32, #tpu.memory_space<vmem>>
    %dma_start3A_39 = tpu.memref_squeeze %dma_start3A_38 : memref<1x8x128xf32, #tpu.memory_space<vmem>> -> memref<8x128xf32, #tpu.memory_space<vmem>>
    %dma_start3A_40 = arith.constant 8 : i32
    %dma_start3A_41 = tpu.memref_slice %arg4[%dma_start3A_40, %multiple_of3A] : memref<16x1000000xf32, #tpu.memory_space<hbm>> -> memref<8x128xf32, #tpu.memory_space<hbm>>
    tpu.enqueue_dma source(%dma_start3A_41 : memref<8x128xf32, #tpu.memory_space<hbm>>) target(%dma_start3A_39 : memref<8x128xf32, #tpu.memory_space<vmem>>) target_semaphore(%arg18 : memref<!tpu.dma_semaphore, #tpu.memory_space<semaphore_mem>>)
    %dma_start3A_42 = arith.constant 0 : i32
    %dma_start3A_43 = arith.constant 0 : i32
    %dma_start3A_44 = arith.constant 0 : i32
    %dma_start3A_45 = tpu.memref_slice %arg12[%dma_start3A_42, %dma_start3A_43, %dma_start3A_44] : memref<8x16x128xf32, #tpu.memory_space<vmem>> -> memref<1x8x128xf32, #tpu.memory_space<vmem>>
    %dma_start3A_46 = tpu.memref_squeeze %dma_start3A_45 : memref<1x8x128xf32, #tpu.memory_space<vmem>> -> memref<8x128xf32, #tpu.memory_space<vmem>>
    %dma_start3A_47 = arith.constant 0 : i32
    %dma_start3A_48 = tpu.memref_slice %arg5[%dma_start3A_47, %multiple_of3A_16] : memref<16x1000000xf32, #tpu.memory_space<hbm>> -> memref<8x128xf32, #tpu.memory_space<hbm>>
    %dma_start3A_49 = arith.constant 0 : i32
    %dma_start3A_50 = arith.constant 0 : i32
    %dma_start3A_51 = tpu.memref_slice %arg12[%dma_start3A_42, %dma_start3A_49, %dma_start3A_50] : memref<8x16x128xf32, #tpu.memory_space<vmem>> -> memref<1x8x128xf32, #tpu.memory_space<vmem>>
    %dma_start3A_52 = tpu.memref_squeeze %dma_start3A_51 : memref<1x8x128xf32, #tpu.memory_space<vmem>> -> memref<8x128xf32, #tpu.memory_space<vmem>>
    %dma_start3A_53 = arith.constant 0 : i32
    %dma_start3A_54 = tpu.memref_slice %arg5[%dma_start3A_53, %multiple_of3A_16] : memref<16x1000000xf32, #tpu.memory_space<hbm>> -> memref<8x128xf32, #tpu.memory_space<hbm>>
    tpu.enqueue_dma source(%dma_start3A_54 : memref<8x128xf32, #tpu.memory_space<hbm>>) target(%dma_start3A_52 : memref<8x128xf32, #tpu.memory_space<vmem>>) target_semaphore(%arg20 : memref<!tpu.dma_semaphore, #tpu.memory_space<semaphore_mem>>)
    %dma_start3A_55 = arith.constant 0 : i32
    %dma_start3A_56 = arith.constant 8 : i32
    %dma_start3A_57 = arith.constant 0 : i32
    %dma_start3A_58 = tpu.memref_slice %arg12[%dma_start3A_55, %dma_start3A_56, %dma_start3A_57] : memref<8x16x128xf32, #tpu.memory_space<vmem>> -> memref<1x8x128xf32, #tpu.memory_space<vmem>>
    %dma_start3A_59 = tpu.memref_squeeze %dma_start3A_58 : memref<1x8x128xf32, #tpu.memory_space<vmem>> -> memref<8x128xf32, #tpu.memory_space<vmem>>
    %dma_start3A_60 = arith.constant 8 : i32
    %dma_start3A_61 = tpu.memref_slice %arg5[%dma_start3A_60, %multiple_of3A_16] : memref<16x1000000xf32, #tpu.memory_space<hbm>> -> memref<8x128xf32, #tpu.memory_space<hbm>>
    %dma_start3A_62 = arith.constant 8 : i32
    %dma_start3A_63 = arith.constant 0 : i32
    %dma_start3A_64 = tpu.memref_slice %arg12[%dma_start3A_55, %dma_start3A_62, %dma_start3A_63] : memref<8x16x128xf32, #tpu.memory_space<vmem>> -> memref<1x8x128xf32, #tpu.memory_space<vmem>>
    %dma_start3A_65 = tpu.memref_squeeze %dma_start3A_64 : memref<1x8x128xf32, #tpu.memory_space<vmem>> -> memref<8x128xf32, #tpu.memory_space<vmem>>
    %dma_start3A_66 = arith.constant 8 : i32
    %dma_start3A_67 = tpu.memref_slice %arg5[%dma_start3A_66, %multiple_of3A_16] : memref<16x1000000xf32, #tpu.memory_space<hbm>> -> memref<8x128xf32, #tpu.memory_space<hbm>>
    tpu.enqueue_dma source(%dma_start3A_67 : memref<8x128xf32, #tpu.memory_space<hbm>>) target(%dma_start3A_65 : memref<8x128xf32, #tpu.memory_space<vmem>>) target_semaphore(%arg20 : memref<!tpu.dma_semaphore, #tpu.memory_space<semaphore_mem>>)
    %slice3A_68 = vector.extract_strided_slice %get3A_5 {offsets = [1], sizes = [1], strides = [1]} : vector<16xi32> to vector<1xi32>
    %squeeze3A_69 = vector.extract %slice3A_68[0] : i32 from vector<1xi32>
    %slice3A_70 = vector.extract_strided_slice %get3A_7 {offsets = [1], sizes = [1], strides = [1]} : vector<16xi32> to vector<1xi32>
    %squeeze3A_71 = vector.extract %slice3A_70[0] : i32 from vector<1xi32>
    %shift_right_arithmetic3A_72 = arith.constant 7 : i32
    %shift_right_arithmetic3A_73 = arith.shrsi %squeeze3A_69, %shift_right_arithmetic3A_72 : i32
    %shift_left3A_74 = arith.constant 7 : i32
    %shift_left3A_75 = arith.shli %shift_right_arithmetic3A_73, %shift_left3A_74 : i32
    %multiple_of3A_76 = tpu.assume_multiple %shift_left3A_75, 128 : i32
    %shift_right_arithmetic3A_77 = arith.constant 7 : i32
    %shift_right_arithmetic3A_78 = arith.shrsi %squeeze3A_71, %shift_right_arithmetic3A_77 : i32
    %shift_left3A_79 = arith.constant 7 : i32
    %shift_left3A_80 = arith.shli %shift_right_arithmetic3A_78, %shift_left3A_79 : i32
    %multiple_of3A_81 = tpu.assume_multiple %shift_left3A_80, 128 : i32
    %dma_start3A_82 = arith.constant 1 : i32
    %dma_start3A_83 = arith.constant 0 : i32
    %dma_start3A_84 = arith.constant 0 : i32
    %dma_start3A_85 = tpu.memref_slice %arg10[%dma_start3A_82, %dma_start3A_83, %dma_start3A_84] : memref<8x16x128xf32, #tpu.memory_space<vmem>> -> memref<1x8x128xf32, #tpu.memory_space<vmem>>
    %dma_start3A_86 = tpu.memref_squeeze %dma_start3A_85 : memref<1x8x128xf32, #tpu.memory_space<vmem>> -> memref<8x128xf32, #tpu.memory_space<vmem>>
    %dma_start3A_87 = arith.constant 0 : i32
    %dma_start3A_88 = tpu.memref_slice %arg4[%dma_start3A_87, %multiple_of3A_76] : memref<16x1000000xf32, #tpu.memory_space<hbm>> -> memref<8x128xf32, #tpu.memory_space<hbm>>
    %dma_start3A_89 = arith.constant 0 : i32
    %dma_start3A_90 = arith.constant 0 : i32
    %dma_start3A_91 = tpu.memref_slice %arg10[%dma_start3A_82, %dma_start3A_89, %dma_start3A_90] : memref<8x16x128xf32, #tpu.memory_space<vmem>> -> memref<1x8x128xf32, #tpu.memory_space<vmem>>
    %dma_start3A_92 = tpu.memref_squeeze %dma_start3A_91 : memref<1x8x128xf32, #tpu.memory_space<vmem>> -> memref<8x128xf32, #tpu.memory_space<vmem>>
    %dma_start3A_93 = arith.constant 0 : i32
    %dma_start3A_94 = tpu.memref_slice %arg4[%dma_start3A_93, %multiple_of3A_76] : memref<16x1000000xf32, #tpu.memory_space<hbm>> -> memref<8x128xf32, #tpu.memory_space<hbm>>
    tpu.enqueue_dma source(%dma_start3A_94 : memref<8x128xf32, #tpu.memory_space<hbm>>) target(%dma_start3A_92 : memref<8x128xf32, #tpu.memory_space<vmem>>) target_semaphore(%arg18 : memref<!tpu.dma_semaphore, #tpu.memory_space<semaphore_mem>>)
    %dma_start3A_95 = arith.constant 1 : i32
    %dma_start3A_96 = arith.constant 8 : i32
    %dma_start3A_97 = arith.constant 0 : i32
    %dma_start3A_98 = tpu.memref_slice %arg10[%dma_start3A_95, %dma_start3A_96, %dma_start3A_97] : memref<8x16x128xf32, #tpu.memory_space<vmem>> -> memref<1x8x128xf32, #tpu.memory_space<vmem>>
    %dma_start3A_99 = tpu.memref_squeeze %dma_start3A_98 : memref<1x8x128xf32, #tpu.memory_space<vmem>> -> memref<8x128xf32, #tpu.memory_space<vmem>>
    %dma_start3A_100 = arith.constant 8 : i32
    %dma_start3A_101 = tpu.memref_slice %arg4[%dma_start3A_100, %multiple_of3A_76] : memref<16x1000000xf32, #tpu.memory_space<hbm>> -> memref<8x128xf32, #tpu.memory_space<hbm>>
    %dma_start3A_102 = arith.constant 8 : i32
    %dma_start3A_103 = arith.constant 0 : i32
    %dma_start3A_104 = tpu.memref_slice %arg10[%dma_start3A_95, %dma_start3A_102, %dma_start3A_103] : memref<8x16x128xf32, #tpu.memory_space<vmem>> -> memref<1x8x128xf32, #tpu.memory_space<vmem>>
    %dma_start3A_105 = tpu.memref_squeeze %dma_start3A_104 : memref<1x8x128xf32, #tpu.memory_space<vmem>> -> memref<8x128xf32, #tpu.memory_space<vmem>>
    %dma_start3A_106 = arith.constant 8 : i32
    %dma_start3A_107 = tpu.memref_slice %arg4[%dma_start3A_106, %multiple_of3A_76] : memref<16x1000000xf32, #tpu.memory_space<hbm>> -> memref<8x128xf32, #tpu.memory_space<hbm>>
    tpu.enqueue_dma source(%dma_start3A_107 : memref<8x128xf32, #tpu.memory_space<hbm>>) target(%dma_start3A_105 : memref<8x128xf32, #tpu.memory_space<vmem>>) target_semaphore(%arg18 : memref<!tpu.dma_semaphore, #tpu.memory_space<semaphore_mem>>)
    %dma_start3A_108 = arith.constant 1 : i32
    %dma_start3A_109 = arith.constant 0 : i32
    %dma_start3A_110 = arith.constant 0 : i32
    %dma_start3A_111 = tpu.memref_slice %arg12[%dma_start3A_108, %dma_start3A_109, %dma_start3A_110] : memref<8x16x128xf32, #tpu.memory_space<vmem>> -> memref<1x8x128xf32, #tpu.memory_space<vmem>>
    %dma_start3A_112 = tpu.memref_squeeze %dma_start3A_111 : memref<1x8x128xf32, #tpu.memory_space<vmem>> -> memref<8x128xf32, #tpu.memory_space<vmem>>
    %dma_start3A_113 = arith.constant 0 : i32
    %dma_start3A_114 = tpu.memref_slice %arg5[%dma_start3A_113, %multiple_of3A_81] : memref<16x1000000xf32, #tpu.memory_space<hbm>> -> memref<8x128xf32, #tpu.memory_space<hbm>>
    %dma_start3A_115 = arith.constant 0 : i32
    %dma_start3A_116 = arith.constant 0 : i32
    %dma_start3A_117 = tpu.memref_slice %arg12[%dma_start3A_108, %dma_start3A_115, %dma_start3A_116] : memref<8x16x128xf32, #tpu.memory_space<vmem>> -> memref<1x8x128xf32, #tpu.memory_space<vmem>>
    %dma_start3A_118 = tpu.memref_squeeze %dma_start3A_117 : memref<1x8x128xf32, #tpu.memory_space<vmem>> -> memref<8x128xf32, #tpu.memory_space<vmem>>
    %dma_start3A_119 = arith.constant 0 : i32
    %dma_start3A_120 = tpu.memref_slice %arg5[%dma_start3A_119, %multiple_of3A_81] : memref<16x1000000xf32, #tpu.memory_space<hbm>> -> memref<8x128xf32, #tpu.memory_space<hbm>>
    tpu.enqueue_dma source(%dma_start3A_120 : memref<8x128xf32, #tpu.memory_space<hbm>>) target(%dma_start3A_118 : memref<8x128xf32, #tpu.memory_space<vmem>>) target_semaphore(%arg20 : memref<!tpu.dma_semaphore, #tpu.memory_space<semaphore_mem>>)
    %dma_start3A_121 = arith.constant 1 : i32
    %dma_start3A_122 = arith.constant 8 : i32
    %dma_start3A_123 = arith.constant 0 : i32
    %dma_start3A_124 = tpu.memref_slice %arg12[%dma_start3A_121, %dma_start3A_122, %dma_start3A_123] : memref<8x16x128xf32, #tpu.memory_space<vmem>> -> memref<1x8x128xf32, #tpu.memory_space<vmem>>
    %dma_start3A_125 = tpu.memref_squeeze %dma_start3A_124 : memref<1x8x128xf32, #tpu.memory_space<vmem>> -> memref<8x128xf32, #tpu.memory_space<vmem>>
    %dma_start3A_126 = arith.constant 8 : i32
    %dma_start3A_127 = tpu.memref_slice %arg5[%dma_start3A_126, %multiple_of3A_81] : memref<16x1000000xf32, #tpu.memory_space<hbm>> -> memref<8x128xf32, #tpu.memory_space<hbm>>
    %dma_start3A_128 = arith.constant 8 : i32
    %dma_start3A_129 = arith.constant 0 : i32
    %dma_start3A_130 = tpu.memref_slice %arg12[%dma_start3A_121, %dma_start3A_128, %dma_start3A_129] : memref<8x16x128xf32, #tpu.memory_space<vmem>> -> memref<1x8x128xf32, #tpu.memory_space<vmem>>
    %dma_start3A_131 = tpu.memref_squeeze %dma_start3A_130 : memref<1x8x128xf32, #tpu.memory_space<vmem>> -> memref<8x128xf32, #tpu.memory_space<vmem>>
    %dma_start3A_132 = arith.constant 8 : i32
    %dma_start3A_133 = tpu.memref_slice %arg5[%dma_start3A_132, %multiple_of3A_81] : memref<16x1000000xf32, #tpu.memory_space<hbm>> -> memref<8x128xf32, #tpu.memory_space<hbm>>
    tpu.enqueue_dma source(%dma_start3A_133 : memref<8x128xf32, #tpu.memory_space<hbm>>) target(%dma_start3A_131 : memref<8x128xf32, #tpu.memory_space<vmem>>) target_semaphore(%arg20 : memref<!tpu.dma_semaphore, #tpu.memory_space<semaphore_mem>>)
    %slice3A_134 = vector.extract_strided_slice %get3A_5 {offsets = [2], sizes = [1], strides = [1]} : vector<16xi32> to vector<1xi32>
    %squeeze3A_135 = vector.extract %slice3A_134[0] : i32 from vector<1xi32>
    %slice3A_136 = vector.extract_strided_slice %get3A_7 {offsets = [2], sizes = [1], strides = [1]} : vector<16xi32> to vector<1xi32>
    %squeeze3A_137 = vector.extract %slice3A_136[0] : i32 from vector<1xi32>
    %shift_right_arithmetic3A_138 = arith.constant 7 : i32
    %shift_right_arithmetic3A_139 = arith.shrsi %squeeze3A_135, %shift_right_arithmetic3A_138 : i32
    %shift_left3A_140 = arith.constant 7 : i32
    %shift_left3A_141 = arith.shli %shift_right_arithmetic3A_139, %shift_left3A_140 : i32
    %multiple_of3A_142 = tpu.assume_multiple %shift_left3A_141, 128 : i32
    %shift_right_arithmetic3A_143 = arith.constant 7 : i32
    %shift_right_arithmetic3A_144 = arith.shrsi %squeeze3A_137, %shift_right_arithmetic3A_143 : i32
    %shift_left3A_145 = arith.constant 7 : i32
    %shift_left3A_146 = arith.shli %shift_right_arithmetic3A_144, %shift_left3A_145 : i32
    %multiple_of3A_147 = tpu.assume_multiple %shift_left3A_146, 128 : i32
    %dma_start3A_148 = arith.constant 2 : i32
    %dma_start3A_149 = arith.constant 0 : i32
    %dma_start3A_150 = arith.constant 0 : i32
    %dma_start3A_151 = tpu.memref_slice %arg10[%dma_start3A_148, %dma_start3A_149, %dma_start3A_150] : memref<8x16x128xf32, #tpu.memory_space<vmem>> -> memref<1x8x128xf32, #tpu.memory_space<vmem>>
    %dma_start3A_152 = tpu.memref_squeeze %dma_start3A_151 : memref<1x8x128xf32, #tpu.memory_space<vmem>> -> memref<8x128xf32, #tpu.memory_space<vmem>>
    %dma_start3A_153 = arith.constant 0 : i32
    %dma_start3A_154 = tpu.memref_slice %arg4[%dma_start3A_153, %multiple_of3A_142] : memref<16x1000000xf32, #tpu.memory_space<hbm>> -> memref<8x128xf32, #tpu.memory_space<hbm>>
    %dma_start3A_155 = arith.constant 0 : i32
    %dma_start3A_156 = arith.constant 0 : i32
    %dma_start3A_157 = tpu.memref_slice %arg10[%dma_start3A_148, %dma_start3A_155, %dma_start3A_156] : memref<8x16x128xf32, #tpu.memory_space<vmem>> -> memref<1x8x128xf32, #tpu.memory_space<vmem>>
    %dma_start3A_158 = tpu.memref_squeeze %dma_start3A_157 : memref<1x8x128xf32, #tpu.memory_space<vmem>> -> memref<8x128xf32, #tpu.memory_space<vmem>>
    %dma_start3A_159 = arith.constant 0 : i32
    %dma_start3A_160 = tpu.memref_slice %arg4[%dma_start3A_159, %multiple_of3A_142] : memref<16x1000000xf32, #tpu.memory_space<hbm>> -> memref<8x128xf32, #tpu.memory_space<hbm>>
    tpu.enqueue_dma source(%dma_start3A_160 : memref<8x128xf32, #tpu.memory_space<hbm>>) target(%dma_start3A_158 : memref<8x128xf32, #tpu.memory_space<vmem>>) target_semaphore(%arg18 : memref<!tpu.dma_semaphore, #tpu.memory_space<semaphore_mem>>)
    %dma_start3A_161 = arith.constant 2 : i32
    %dma_start3A_162 = arith.constant 8 : i32
    %dma_start3A_163 = arith.constant 0 : i32
    %dma_start3A_164 = tpu.memref_slice %arg10[%dma_start3A_161, %dma_start3A_162, %dma_start3A_163] : memref<8x16x128xf32, #tpu.memory_space<vmem>> -> memref<1x8x128xf32, #tpu.memory_space<vmem>>
    %dma_start3A_165 = tpu.memref_squeeze %dma_start3A_164 : memref<1x8x128xf32, #tpu.memory_space<vmem>> -> memref<8x128xf32, #tpu.memory_space<vmem>>
    %dma_start3A_166 = arith.constant 8 : i32
    %dma_start3A_167 = tpu.memref_slice %arg4[%dma_start3A_166, %multiple_of3A_142] : memref<16x1000000xf32, #tpu.memory_space<hbm>> -> memref<8x128xf32, #tpu.memory_space<hbm>>
    %dma_start3A_168 = arith.constant 8 : i32
    %dma_start3A_169 = arith.constant 0 : i32
    %dma_start3A_170 = tpu.memref_slice %arg10[%dma_start3A_161, %dma_start3A_168, %dma_start3A_169] : memref<8x16x128xf32, #tpu.memory_space<vmem>> -> memref<1x8x128xf32, #tpu.memory_space<vmem>>
    %dma_start3A_171 = tpu.memref_squeeze %dma_start3A_170 : memref<1x8x128xf32, #tpu.memory_space<vmem>> -> memref<8x128xf32, #tpu.memory_space<vmem>>
    %dma_start3A_172 = arith.constant 8 : i32
    %dma_start3A_173 = tpu.memref_slice %arg4[%dma_start3A_172, %multiple_of3A_142] : memref<16x1000000xf32, #tpu.memory_space<hbm>> -> memref<8x128xf32, #tpu.memory_space<hbm>>
    tpu.enqueue_dma source(%dma_start3A_173 : memref<8x128xf32, #tpu.memory_space<hbm>>) target(%dma_start3A_171 : memref<8x128xf32, #tpu.memory_space<vmem>>) target_semaphore(%arg18 : memref<!tpu.dma_semaphore, #tpu.memory_space<semaphore_mem>>)
    %dma_start3A_174 = arith.constant 2 : i32
    %dma_start3A_175 = arith.constant 0 : i32
    %dma_start3A_176 = arith.constant 0 : i32
    %dma_start3A_177 = tpu.memref_slice %arg12[%dma_start3A_174, %dma_start3A_175, %dma_start3A_176] : memref<8x16x128xf32, #tpu.memory_space<vmem>> -> memref<1x8x128xf32, #tpu.memory_space<vmem>>
    %dma_start3A_178 = tpu.memref_squeeze %dma_start3A_177 : memref<1x8x128xf32, #tpu.memory_space<vmem>> -> memref<8x128xf32, #tpu.memory_space<vmem>>
    %dma_start3A_179 = arith.constant 0 : i32
    %dma_start3A_180 = tpu.memref_slice %arg5[%dma_start3A_179, %multiple_of3A_147] : memref<16x1000000xf32, #tpu.memory_space<hbm>> -> memref<8x128xf32, #tpu.memory_space<hbm>>
    %dma_start3A_181 = arith.constant 0 : i32
    %dma_start3A_182 = arith.constant 0 : i32
    %dma_start3A_183 = tpu.memref_slice %arg12[%dma_start3A_174, %dma_start3A_181, %dma_start3A_182] : memref<8x16x128xf32, #tpu.memory_space<vmem>> -> memref<1x8x128xf32, #tpu.memory_space<vmem>>
    %dma_start3A_184 = tpu.memref_squeeze %dma_start3A_183 : memref<1x8x128xf32, #tpu.memory_space<vmem>> -> memref<8x128xf32, #tpu.memory_space<vmem>>
    %dma_start3A_185 = arith.constant 0 : i32
    %dma_start3A_186 = tpu.memref_slice %arg5[%dma_start3A_185, %multiple_of3A_147] : memref<16x1000000xf32, #tpu.memory_space<hbm>> -> memref<8x128xf32, #tpu.memory_space<hbm>>
    tpu.enqueue_dma source(%dma_start3A_186 : memref<8x128xf32, #tpu.memory_space<hbm>>) target(%dma_start3A_184 : memref<8x128xf32, #tpu.memory_space<vmem>>) target_semaphore(%arg20 : memref<!tpu.dma_semaphore, #tpu.memory_space<semaphore_mem>>)
    %dma_start3A_187 = arith.constant 2 : i32
    %dma_start3A_188 = arith.constant 8 : i32
    %dma_start3A_189 = arith.constant 0 : i32
    %dma_start3A_190 = tpu.memref_slice %arg12[%dma_start3A_187, %dma_start3A_188, %dma_start3A_189] : memref<8x16x128xf32, #tpu.memory_space<vmem>> -> memref<1x8x128xf32, #tpu.memory_space<vmem>>
    %dma_start3A_191 = tpu.memref_squeeze %dma_start3A_190 : memref<1x8x128xf32, #tpu.memory_space<vmem>> -> memref<8x128xf32, #tpu.memory_space<vmem>>
    %dma_start3A_192 = arith.constant 8 : i32
    %dma_start3A_193 = tpu.memref_slice %arg5[%dma_start3A_192, %multiple_of3A_147] : memref<16x1000000xf32, #tpu.memory_space<hbm>> -> memref<8x128xf32, #tpu.memory_space<hbm>>
    %dma_start3A_194 = arith.constant 8 : i32
    %dma_start3A_195 = arith.constant 0 : i32
    %dma_start3A_196 = tpu.memref_slice %arg12[%dma_start3A_187, %dma_start3A_194, %dma_start3A_195] : memref<8x16x128xf32, #tpu.memory_space<vmem>> -> memref<1x8x128xf32, #tpu.memory_space<vmem>>
    %dma_start3A_197 = tpu.memref_squeeze %dma_start3A_196 : memref<1x8x128xf32, #tpu.memory_space<vmem>> -> memref<8x128xf32, #tpu.memory_space<vmem>>
    %dma_start3A_198 = arith.constant 8 : i32
    %dma_start3A_199 = tpu.memref_slice %arg5[%dma_start3A_198, %multiple_of3A_147] : memref<16x1000000xf32, #tpu.memory_space<hbm>> -> memref<8x128xf32, #tpu.memory_space<hbm>>
    tpu.enqueue_dma source(%dma_start3A_199 : memref<8x128xf32, #tpu.memory_space<hbm>>) target(%dma_start3A_197 : memref<8x128xf32, #tpu.memory_space<vmem>>) target_semaphore(%arg20 : memref<!tpu.dma_semaphore, #tpu.memory_space<semaphore_mem>>)
    %slice3A_200 = vector.extract_strided_slice %get3A_5 {offsets = [3], sizes = [1], strides = [1]} : vector<16xi32> to vector<1xi32>
    %squeeze3A_201 = vector.extract %slice3A_200[0] : i32 from vector<1xi32>
    %slice3A_202 = vector.extract_strided_slice %get3A_7 {offsets = [3], sizes = [1], strides = [1]} : vector<16xi32> to vector<1xi32>
    %squeeze3A_203 = vector.extract %slice3A_202[0] : i32 from vector<1xi32>
    %shift_right_arithmetic3A_204 = arith.constant 7 : i32
    %shift_right_arithmetic3A_205 = arith.shrsi %squeeze3A_201, %shift_right_arithmetic3A_204 : i32
    %shift_left3A_206 = arith.constant 7 : i32
    %shift_left3A_207 = arith.shli %shift_right_arithmetic3A_205, %shift_left3A_206 : i32
    %multiple_of3A_208 = tpu.assume_multiple %shift_left3A_207, 128 : i32
    %shift_right_arithmetic3A_209 = arith.constant 7 : i32
    %shift_right_arithmetic3A_210 = arith.shrsi %squeeze3A_203, %shift_right_arithmetic3A_209 : i32
    %shift_left3A_211 = arith.constant 7 : i32
    %shift_left3A_212 = arith.shli %shift_right_arithmetic3A_210, %shift_left3A_211 : i32
    %multiple_of3A_213 = tpu.assume_multiple %shift_left3A_212, 128 : i32
    %dma_start3A_214 = arith.constant 3 : i32
    %dma_start3A_215 = arith.constant 0 : i32
    %dma_start3A_216 = arith.constant 0 : i32
    %dma_start3A_217 = tpu.memref_slice %arg10[%dma_start3A_214, %dma_start3A_215, %dma_start3A_216] : memref<8x16x128xf32, #tpu.memory_space<vmem>> -> memref<1x8x128xf32, #tpu.memory_space<vmem>>
    %dma_start3A_218 = tpu.memref_squeeze %dma_start3A_217 : memref<1x8x128xf32, #tpu.memory_space<vmem>> -> memref<8x128xf32, #tpu.memory_space<vmem>>
    %dma_start3A_219 = arith.constant 0 : i32
    %dma_start3A_220 = tpu.memref_slice %arg4[%dma_start3A_219, %multiple_of3A_208] : memref<16x1000000xf32, #tpu.memory_space<hbm>> -> memref<8x128xf32, #tpu.memory_space<hbm>>
    %dma_start3A_221 = arith.constant 0 : i32
    %dma_start3A_222 = arith.constant 0 : i32
    %dma_start3A_223 = tpu.memref_slice %arg10[%dma_start3A_214, %dma_start3A_221, %dma_start3A_222] : memref<8x16x128xf32, #tpu.memory_space<vmem>> -> memref<1x8x128xf32, #tpu.memory_space<vmem>>
    %dma_start3A_224 = tpu.memref_squeeze %dma_start3A_223 : memref<1x8x128xf32, #tpu.memory_space<vmem>> -> memref<8x128xf32, #tpu.memory_space<vmem>>
    %dma_start3A_225 = arith.constant 0 : i32
    %dma_start3A_226 = tpu.memref_slice %arg4[%dma_start3A_225, %multiple_of3A_208] : memref<16x1000000xf32, #tpu.memory_space<hbm>> -> memref<8x128xf32, #tpu.memory_space<hbm>>
    tpu.enqueue_dma source(%dma_start3A_226 : memref<8x128xf32, #tpu.memory_space<hbm>>) target(%dma_start3A_224 : memref<8x128xf32, #tpu.memory_space<vmem>>) target_semaphore(%arg18 : memref<!tpu.dma_semaphore, #tpu.memory_space<semaphore_mem>>)
    %dma_start3A_227 = arith.constant 3 : i32
    %dma_start3A_228 = arith.constant 8 : i32
    %dma_start3A_229 = arith.constant 0 : i32
    %dma_start3A_230 = tpu.memref_slice %arg10[%dma_start3A_227, %dma_start3A_228, %dma_start3A_229] : memref<8x16x128xf32, #tpu.memory_space<vmem>> -> memref<1x8x128xf32, #tpu.memory_space<vmem>>
    %dma_start3A_231 = tpu.memref_squeeze %dma_start3A_230 : memref<1x8x128xf32, #tpu.memory_space<vmem>> -> memref<8x128xf32, #tpu.memory_space<vmem>>
    %dma_start3A_232 = arith.constant 8 : i32
    %dma_start3A_233 = tpu.memref_slice %arg4[%dma_start3A_232, %multiple_of3A_208] : memref<16x1000000xf32, #tpu.memory_space<hbm>> -> memref<8x128xf32, #tpu.memory_space<hbm>>
    %dma_start3A_234 = arith.constant 8 : i32
    %dma_start3A_235 = arith.constant 0 : i32
    %dma_start3A_236 = tpu.memref_slice %arg10[%dma_start3A_227, %dma_start3A_234, %dma_start3A_235] : memref<8x16x128xf32, #tpu.memory_space<vmem>> -> memref<1x8x128xf32, #tpu.memory_space<vmem>>
    %dma_start3A_237 = tpu.memref_squeeze %dma_start3A_236 : memref<1x8x128xf32, #tpu.memory_space<vmem>> -> memref<8x128xf32, #tpu.memory_space<vmem>>
    %dma_start3A_238 = arith.constant 8 : i32
    %dma_start3A_239 = tpu.memref_slice %arg4[%dma_start3A_238, %multiple_of3A_208] : memref<16x1000000xf32, #tpu.memory_space<hbm>> -> memref<8x128xf32, #tpu.memory_space<hbm>>
    tpu.enqueue_dma source(%dma_start3A_239 : memref<8x128xf32, #tpu.memory_space<hbm>>) target(%dma_start3A_237 : memref<8x128xf32, #tpu.memory_space<vmem>>) target_semaphore(%arg18 : memref<!tpu.dma_semaphore, #tpu.memory_space<semaphore_mem>>)
    %dma_start3A_240 = arith.constant 3 : i32
    %dma_start3A_241 = arith.constant 0 : i32
    %dma_start3A_242 = arith.constant 0 : i32
    %dma_start3A_243 = tpu.memref_slice %arg12[%dma_start3A_240, %dma_start3A_241, %dma_start3A_242] : memref<8x16x128xf32, #tpu.memory_space<vmem>> -> memref<1x8x128xf32, #tpu.memory_space<vmem>>
    %dma_start3A_244 = tpu.memref_squeeze %dma_start3A_243 : memref<1x8x128xf32, #tpu.memory_space<vmem>> -> memref<8x128xf32, #tpu.memory_space<vmem>>
    %dma_start3A_245 = arith.constant 0 : i32
    %dma_start3A_246 = tpu.memref_slice %arg5[%dma_start3A_245, %multiple_of3A_213] : memref<16x1000000xf32, #tpu.memory_space<hbm>> -> memref<8x128xf32, #tpu.memory_space<hbm>>
    %dma_start3A_247 = arith.constant 0 : i32
    %dma_start3A_248 = arith.constant 0 : i32
    %dma_start3A_249 = tpu.memref_slice %arg12[%dma_start3A_240, %dma_start3A_247, %dma_start3A_248] : memref<8x16x128xf32, #tpu.memory_space<vmem>> -> memref<1x8x128xf32, #tpu.memory_space<vmem>>
    %dma_start3A_250 = tpu.memref_squeeze %dma_start3A_249 : memref<1x8x128xf32, #tpu.memory_space<vmem>> -> memref<8x128xf32, #tpu.memory_space<vmem>>
    %dma_start3A_251 = arith.constant 0 : i32
    %dma_start3A_252 = tpu.memref_slice %arg5[%dma_start3A_251, %multiple_of3A_213] : memref<16x1000000xf32, #tpu.memory_space<hbm>> -> memref<8x128xf32, #tpu.memory_space<hbm>>
    tpu.enqueue_dma source(%dma_start3A_252 : memref<8x128xf32, #tpu.memory_space<hbm>>) target(%dma_start3A_250 : memref<8x128xf32, #tpu.memory_space<vmem>>) target_semaphore(%arg20 : memref<!tpu.dma_semaphore, #tpu.memory_space<semaphore_mem>>)
    %dma_start3A_253 = arith.constant 3 : i32
    %dma_start3A_254 = arith.constant 8 : i32
    %dma_start3A_255 = arith.constant 0 : i32
    %dma_start3A_256 = tpu.memref_slice %arg12[%dma_start3A_253, %dma_start3A_254, %dma_start3A_255] : memref<8x16x128xf32, #tpu.memory_space<vmem>> -> memref<1x8x128xf32, #tpu.memory_space<vmem>>
    %dma_start3A_257 = tpu.memref_squeeze %dma_start3A_256 : memref<1x8x128xf32, #tpu.memory_space<vmem>> -> memref<8x128xf32, #tpu.memory_space<vmem>>
    %dma_start3A_258 = arith.constant 8 : i32
    %dma_start3A_259 = tpu.memref_slice %arg5[%dma_start3A_258, %multiple_of3A_213] : memref<16x1000000xf32, #tpu.memory_space<hbm>> -> memref<8x128xf32, #tpu.memory_space<hbm>>
    %dma_start3A_260 = arith.constant 8 : i32
    %dma_start3A_261 = arith.constant 0 : i32
    %dma_start3A_262 = tpu.memref_slice %arg12[%dma_start3A_253, %dma_start3A_260, %dma_start3A_261] : memref<8x16x128xf32, #tpu.memory_space<vmem>> -> memref<1x8x128xf32, #tpu.memory_space<vmem>>
    %dma_start3A_263 = tpu.memref_squeeze %dma_start3A_262 : memref<1x8x128xf32, #tpu.memory_space<vmem>> -> memref<8x128xf32, #tpu.memory_space<vmem>>
    %dma_start3A_264 = arith.constant 8 : i32
    %dma_start3A_265 = tpu.memref_slice %arg5[%dma_start3A_264, %multiple_of3A_213] : memref<16x1000000xf32, #tpu.memory_space<hbm>> -> memref<8x128xf32, #tpu.memory_space<hbm>>
    tpu.enqueue_dma source(%dma_start3A_265 : memref<8x128xf32, #tpu.memory_space<hbm>>) target(%dma_start3A_263 : memref<8x128xf32, #tpu.memory_space<vmem>>) target_semaphore(%arg20 : memref<!tpu.dma_semaphore, #tpu.memory_space<semaphore_mem>>)
    %slice3A_266 = vector.extract_strided_slice %get3A_5 {offsets = [4], sizes = [1], strides = [1]} : vector<16xi32> to vector<1xi32>
    %squeeze3A_267 = vector.extract %slice3A_266[0] : i32 from vector<1xi32>
    %slice3A_268 = vector.extract_strided_slice %get3A_7 {offsets = [4], sizes = [1], strides = [1]} : vector<16xi32> to vector<1xi32>
    %squeeze3A_269 = vector.extract %slice3A_268[0] : i32 from vector<1xi32>
    %shift_right_arithmetic3A_270 = arith.constant 7 : i32
    %shift_right_arithmetic3A_271 = arith.shrsi %squeeze3A_267, %shift_right_arithmetic3A_270 : i32
    %shift_left3A_272 = arith.constant 7 : i32
    %shift_left3A_273 = arith.shli %shift_right_arithmetic3A_271, %shift_left3A_272 : i32
    %multiple_of3A_274 = tpu.assume_multiple %shift_left3A_273, 128 : i32
    %shift_right_arithmetic3A_275 = arith.constant 7 : i32
    %shift_right_arithmetic3A_276 = arith.shrsi %squeeze3A_269, %shift_right_arithmetic3A_275 : i32
    %shift_left3A_277 = arith.constant 7 : i32
    %shift_left3A_278 = arith.shli %shift_right_arithmetic3A_276, %shift_left3A_277 : i32
    %multiple_of3A_279 = tpu.assume_multiple %shift_left3A_278, 128 : i32
    %dma_start3A_280 = arith.constant 4 : i32
    %dma_start3A_281 = arith.constant 0 : i32
    %dma_start3A_282 = arith.constant 0 : i32
    %dma_start3A_283 = tpu.memref_slice %arg10[%dma_start3A_280, %dma_start3A_281, %dma_start3A_282] : memref<8x16x128xf32, #tpu.memory_space<vmem>> -> memref<1x8x128xf32, #tpu.memory_space<vmem>>
    %dma_start3A_284 = tpu.memref_squeeze %dma_start3A_283 : memref<1x8x128xf32, #tpu.memory_space<vmem>> -> memref<8x128xf32, #tpu.memory_space<vmem>>
    %dma_start3A_285 = arith.constant 0 : i32
    %dma_start3A_286 = tpu.memref_slice %arg4[%dma_start3A_285, %multiple_of3A_274] : memref<16x1000000xf32, #tpu.memory_space<hbm>> -> memref<8x128xf32, #tpu.memory_space<hbm>>
    %dma_start3A_287 = arith.constant 0 : i32
    %dma_start3A_288 = arith.constant 0 : i32
    %dma_start3A_289 = tpu.memref_slice %arg10[%dma_start3A_280, %dma_start3A_287, %dma_start3A_288] : memref<8x16x128xf32, #tpu.memory_space<vmem>> -> memref<1x8x128xf32, #tpu.memory_space<vmem>>
    %dma_start3A_290 = tpu.memref_squeeze %dma_start3A_289 : memref<1x8x128xf32, #tpu.memory_space<vmem>> -> memref<8x128xf32, #tpu.memory_space<vmem>>
    %dma_start3A_291 = arith.constant 0 : i32
    %dma_start3A_292 = tpu.memref_slice %arg4[%dma_start3A_291, %multiple_of3A_274] : memref<16x1000000xf32, #tpu.memory_space<hbm>> -> memref<8x128xf32, #tpu.memory_space<hbm>>
    tpu.enqueue_dma source(%dma_start3A_292 : memref<8x128xf32, #tpu.memory_space<hbm>>) target(%dma_start3A_290 : memref<8x128xf32, #tpu.memory_space<vmem>>) target_semaphore(%arg18 : memref<!tpu.dma_semaphore, #tpu.memory_space<semaphore_mem>>)
    %dma_start3A_293 = arith.constant 4 : i32
    %dma_start3A_294 = arith.constant 8 : i32
    %dma_start3A_295 = arith.constant 0 : i32
    %dma_start3A_296 = tpu.memref_slice %arg10[%dma_start3A_293, %dma_start3A_294, %dma_start3A_295] : memref<8x16x128xf32, #tpu.memory_space<vmem>> -> memref<1x8x128xf32, #tpu.memory_space<vmem>>
    %dma_start3A_297 = tpu.memref_squeeze %dma_start3A_296 : memref<1x8x128xf32, #tpu.memory_space<vmem>> -> memref<8x128xf32, #tpu.memory_space<vmem>>
    %dma_start3A_298 = arith.constant 8 : i32
    %dma_start3A_299 = tpu.memref_slice %arg4[%dma_start3A_298, %multiple_of3A_274] : memref<16x1000000xf32, #tpu.memory_space<hbm>> -> memref<8x128xf32, #tpu.memory_space<hbm>>
    %dma_start3A_300 = arith.constant 8 : i32
    %dma_start3A_301 = arith.constant 0 : i32
    %dma_start3A_302 = tpu.memref_slice %arg10[%dma_start3A_293, %dma_start3A_300, %dma_start3A_301] : memref<8x16x128xf32, #tpu.memory_space<vmem>> -> memref<1x8x128xf32, #tpu.memory_space<vmem>>
    %dma_start3A_303 = tpu.memref_squeeze %dma_start3A_302 : memref<1x8x128xf32, #tpu.memory_space<vmem>> -> memref<8x128xf32, #tpu.memory_space<vmem>>
    %dma_start3A_304 = arith.constant 8 : i32
    %dma_start3A_305 = tpu.memref_slice %arg4[%dma_start3A_304, %multiple_of3A_274] : memref<16x1000000xf32, #tpu.memory_space<hbm>> -> memref<8x128xf32, #tpu.memory_space<hbm>>
    tpu.enqueue_dma source(%dma_start3A_305 : memref<8x128xf32, #tpu.memory_space<hbm>>) target(%dma_start3A_303 : memref<8x128xf32, #tpu.memory_space<vmem>>) target_semaphore(%arg18 : memref<!tpu.dma_semaphore, #tpu.memory_space<semaphore_mem>>)
    %dma_start3A_306 = arith.constant 4 : i32
    %dma_start3A_307 = arith.constant 0 : i32
    %dma_start3A_308 = arith.constant 0 : i32
    %dma_start3A_309 = tpu.memref_slice %arg12[%dma_start3A_306, %dma_start3A_307, %dma_start3A_308] : memref<8x16x128xf32, #tpu.memory_space<vmem>> -> memref<1x8x128xf32, #tpu.memory_space<vmem>>
    %dma_start3A_310 = tpu.memref_squeeze %dma_start3A_309 : memref<1x8x128xf32, #tpu.memory_space<vmem>> -> memref<8x128xf32, #tpu.memory_space<vmem>>
    %dma_start3A_311 = arith.constant 0 : i32
    %dma_start3A_312 = tpu.memref_slice %arg5[%dma_start3A_311, %multiple_of3A_279] : memref<16x1000000xf32, #tpu.memory_space<hbm>> -> memref<8x128xf32, #tpu.memory_space<hbm>>
    %dma_start3A_313 = arith.constant 0 : i32
    %dma_start3A_314 = arith.constant 0 : i32
    %dma_start3A_315 = tpu.memref_slice %arg12[%dma_start3A_306, %dma_start3A_313, %dma_start3A_314] : memref<8x16x128xf32, #tpu.memory_space<vmem>> -> memref<1x8x128xf32, #tpu.memory_space<vmem>>
    %dma_start3A_316 = tpu.memref_squeeze %dma_start3A_315 : memref<1x8x128xf32, #tpu.memory_space<vmem>> -> memref<8x128xf32, #tpu.memory_space<vmem>>
    %dma_start3A_317 = arith.constant 0 : i32
    %dma_start3A_318 = tpu.memref_slice %arg5[%dma_start3A_317, %multiple_of3A_279] : memref<16x1000000xf32, #tpu.memory_space<hbm>> -> memref<8x128xf32, #tpu.memory_space<hbm>>
    tpu.enqueue_dma source(%dma_start3A_318 : memref<8x128xf32, #tpu.memory_space<hbm>>) target(%dma_start3A_316 : memref<8x128xf32, #tpu.memory_space<vmem>>) target_semaphore(%arg20 : memref<!tpu.dma_semaphore, #tpu.memory_space<semaphore_mem>>)
    %dma_start3A_319 = arith.constant 4 : i32
    %dma_start3A_320 = arith.constant 8 : i32
    %dma_start3A_321 = arith.constant 0 : i32
    %dma_start3A_322 = tpu.memref_slice %arg12[%dma_start3A_319, %dma_start3A_320, %dma_start3A_321] : memref<8x16x128xf32, #tpu.memory_space<vmem>> -> memref<1x8x128xf32, #tpu.memory_space<vmem>>
    %dma_start3A_323 = tpu.memref_squeeze %dma_start3A_322 : memref<1x8x128xf32, #tpu.memory_space<vmem>> -> memref<8x128xf32, #tpu.memory_space<vmem>>
    %dma_start3A_324 = arith.constant 8 : i32
    %dma_start3A_325 = tpu.memref_slice %arg5[%dma_start3A_324, %multiple_of3A_279] : memref<16x1000000xf32, #tpu.memory_space<hbm>> -> memref<8x128xf32, #tpu.memory_space<hbm>>
    %dma_start3A_326 = arith.constant 8 : i32
    %dma_start3A_327 = arith.constant 0 : i32
    %dma_start3A_328 = tpu.memref_slice %arg12[%dma_start3A_319, %dma_start3A_326, %dma_start3A_327] : memref<8x16x128xf32, #tpu.memory_space<vmem>> -> memref<1x8x128xf32, #tpu.memory_space<vmem>>
    %dma_start3A_329 = tpu.memref_squeeze %dma_start3A_328 : memref<1x8x128xf32, #tpu.memory_space<vmem>> -> memref<8x128xf32, #tpu.memory_space<vmem>>
    %dma_start3A_330 = arith.constant 8 : i32
    %dma_start3A_331 = tpu.memref_slice %arg5[%dma_start3A_330, %multiple_of3A_279] : memref<16x1000000xf32, #tpu.memory_space<hbm>> -> memref<8x128xf32, #tpu.memory_space<hbm>>
    tpu.enqueue_dma source(%dma_start3A_331 : memref<8x128xf32, #tpu.memory_space<hbm>>) target(%dma_start3A_329 : memref<8x128xf32, #tpu.memory_space<vmem>>) target_semaphore(%arg20 : memref<!tpu.dma_semaphore, #tpu.memory_space<semaphore_mem>>)
    %slice3A_332 = vector.extract_strided_slice %get3A_5 {offsets = [5], sizes = [1], strides = [1]} : vector<16xi32> to vector<1xi32>
    %squeeze3A_333 = vector.extract %slice3A_332[0] : i32 from vector<1xi32>
    %slice3A_334 = vector.extract_strided_slice %get3A_7 {offsets = [5], sizes = [1], strides = [1]} : vector<16xi32> to vector<1xi32>
    %squeeze3A_335 = vector.extract %slice3A_334[0] : i32 from vector<1xi32>
    %shift_right_arithmetic3A_336 = arith.constant 7 : i32
    %shift_right_arithmetic3A_337 = arith.shrsi %squeeze3A_333, %shift_right_arithmetic3A_336 : i32
    %shift_left3A_338 = arith.constant 7 : i32
    %shift_left3A_339 = arith.shli %shift_right_arithmetic3A_337, %shift_left3A_338 : i32
    %multiple_of3A_340 = tpu.assume_multiple %shift_left3A_339, 128 : i32
    %shift_right_arithmetic3A_341 = arith.constant 7 : i32
    %shift_right_arithmetic3A_342 = arith.shrsi %squeeze3A_335, %shift_right_arithmetic3A_341 : i32
    %shift_left3A_343 = arith.constant 7 : i32
    %shift_left3A_344 = arith.shli %shift_right_arithmetic3A_342, %shift_left3A_343 : i32
    %multiple_of3A_345 = tpu.assume_multiple %shift_left3A_344, 128 : i32
    %dma_start3A_346 = arith.constant 5 : i32
    %dma_start3A_347 = arith.constant 0 : i32
    %dma_start3A_348 = arith.constant 0 : i32
    %dma_start3A_349 = tpu.memref_slice %arg10[%dma_start3A_346, %dma_start3A_347, %dma_start3A_348] : memref<8x16x128xf32, #tpu.memory_space<vmem>> -> memref<1x8x128xf32, #tpu.memory_space<vmem>>
    %dma_start3A_350 = tpu.memref_squeeze %dma_start3A_349 : memref<1x8x128xf32, #tpu.memory_space<vmem>> -> memref<8x128xf32, #tpu.memory_space<vmem>>
    %dma_start3A_351 = arith.constant 0 : i32
    %dma_start3A_352 = tpu.memref_slice %arg4[%dma_start3A_351, %multiple_of3A_340] : memref<16x1000000xf32, #tpu.memory_space<hbm>> -> memref<8x128xf32, #tpu.memory_space<hbm>>
    %dma_start3A_353 = arith.constant 0 : i32
    %dma_start3A_354 = arith.constant 0 : i32
    %dma_start3A_355 = tpu.memref_slice %arg10[%dma_start3A_346, %dma_start3A_353, %dma_start3A_354] : memref<8x16x128xf32, #tpu.memory_space<vmem>> -> memref<1x8x128xf32, #tpu.memory_space<vmem>>
    %dma_start3A_356 = tpu.memref_squeeze %dma_start3A_355 : memref<1x8x128xf32, #tpu.memory_space<vmem>> -> memref<8x128xf32, #tpu.memory_space<vmem>>
    %dma_start3A_357 = arith.constant 0 : i32
    %dma_start3A_358 = tpu.memref_slice %arg4[%dma_start3A_357, %multiple_of3A_340] : memref<16x1000000xf32, #tpu.memory_space<hbm>> -> memref<8x128xf32, #tpu.memory_space<hbm>>
    tpu.enqueue_dma source(%dma_start3A_358 : memref<8x128xf32, #tpu.memory_space<hbm>>) target(%dma_start3A_356 : memref<8x128xf32, #tpu.memory_space<vmem>>) target_semaphore(%arg18 : memref<!tpu.dma_semaphore, #tpu.memory_space<semaphore_mem>>)
    %dma_start3A_359 = arith.constant 5 : i32
    %dma_start3A_360 = arith.constant 8 : i32
    %dma_start3A_361 = arith.constant 0 : i32
    %dma_start3A_362 = tpu.memref_slice %arg10[%dma_start3A_359, %dma_start3A_360, %dma_start3A_361] : memref<8x16x128xf32, #tpu.memory_space<vmem>> -> memref<1x8x128xf32, #tpu.memory_space<vmem>>
    %dma_start3A_363 = tpu.memref_squeeze %dma_start3A_362 : memref<1x8x128xf32, #tpu.memory_space<vmem>> -> memref<8x128xf32, #tpu.memory_space<vmem>>
    %dma_start3A_364 = arith.constant 8 : i32
    %dma_start3A_365 = tpu.memref_slice %arg4[%dma_start3A_364, %multiple_of3A_340] : memref<16x1000000xf32, #tpu.memory_space<hbm>> -> memref<8x128xf32, #tpu.memory_space<hbm>>
    %dma_start3A_366 = arith.constant 8 : i32
    %dma_start3A_367 = arith.constant 0 : i32
    %dma_start3A_368 = tpu.memref_slice %arg10[%dma_start3A_359, %dma_start3A_366, %dma_start3A_367] : memref<8x16x128xf32, #tpu.memory_space<vmem>> -> memref<1x8x128xf32, #tpu.memory_space<vmem>>
    %dma_start3A_369 = tpu.memref_squeeze %dma_start3A_368 : memref<1x8x128xf32, #tpu.memory_space<vmem>> -> memref<8x128xf32, #tpu.memory_space<vmem>>
    %dma_start3A_370 = arith.constant 8 : i32
    %dma_start3A_371 = tpu.memref_slice %arg4[%dma_start3A_370, %multiple_of3A_340] : memref<16x1000000xf32, #tpu.memory_space<hbm>> -> memref<8x128xf32, #tpu.memory_space<hbm>>
    tpu.enqueue_dma source(%dma_start3A_371 : memref<8x128xf32, #tpu.memory_space<hbm>>) target(%dma_start3A_369 : memref<8x128xf32, #tpu.memory_space<vmem>>) target_semaphore(%arg18 : memref<!tpu.dma_semaphore, #tpu.memory_space<semaphore_mem>>)
    %dma_start3A_372 = arith.constant 5 : i32
    %dma_start3A_373 = arith.constant 0 : i32
    %dma_start3A_374 = arith.constant 0 : i32
    %dma_start3A_375 = tpu.memref_slice %arg12[%dma_start3A_372, %dma_start3A_373, %dma_start3A_374] : memref<8x16x128xf32, #tpu.memory_space<vmem>> -> memref<1x8x128xf32, #tpu.memory_space<vmem>>
    %dma_start3A_376 = tpu.memref_squeeze %dma_start3A_375 : memref<1x8x128xf32, #tpu.memory_space<vmem>> -> memref<8x128xf32, #tpu.memory_space<vmem>>
    %dma_start3A_377 = arith.constant 0 : i32
    %dma_start3A_378 = tpu.memref_slice %arg5[%dma_start3A_377, %multiple_of3A_345] : memref<16x1000000xf32, #tpu.memory_space<hbm>> -> memref<8x128xf32, #tpu.memory_space<hbm>>
    %dma_start3A_379 = arith.constant 0 : i32
    %dma_start3A_380 = arith.constant 0 : i32
    %dma_start3A_381 = tpu.memref_slice %arg12[%dma_start3A_372, %dma_start3A_379, %dma_start3A_380] : memref<8x16x128xf32, #tpu.memory_space<vmem>> -> memref<1x8x128xf32, #tpu.memory_space<vmem>>
    %dma_start3A_382 = tpu.memref_squeeze %dma_start3A_381 : memref<1x8x128xf32, #tpu.memory_space<vmem>> -> memref<8x128xf32, #tpu.memory_space<vmem>>
    %dma_start3A_383 = arith.constant 0 : i32
    %dma_start3A_384 = tpu.memref_slice %arg5[%dma_start3A_383, %multiple_of3A_345] : memref<16x1000000xf32, #tpu.memory_space<hbm>> -> memref<8x128xf32, #tpu.memory_space<hbm>>
    tpu.enqueue_dma source(%dma_start3A_384 : memref<8x128xf32, #tpu.memory_space<hbm>>) target(%dma_start3A_382 : memref<8x128xf32, #tpu.memory_space<vmem>>) target_semaphore(%arg20 : memref<!tpu.dma_semaphore, #tpu.memory_space<semaphore_mem>>)
    %dma_start3A_385 = arith.constant 5 : i32
    %dma_start3A_386 = arith.constant 8 : i32
    %dma_start3A_387 = arith.constant 0 : i32
    %dma_start3A_388 = tpu.memref_slice %arg12[%dma_start3A_385, %dma_start3A_386, %dma_start3A_387] : memref<8x16x128xf32, #tpu.memory_space<vmem>> -> memref<1x8x128xf32, #tpu.memory_space<vmem>>
    %dma_start3A_389 = tpu.memref_squeeze %dma_start3A_388 : memref<1x8x128xf32, #tpu.memory_space<vmem>> -> memref<8x128xf32, #tpu.memory_space<vmem>>
    %dma_start3A_390 = arith.constant 8 : i32
    %dma_start3A_391 = tpu.memref_slice %arg5[%dma_start3A_390, %multiple_of3A_345] : memref<16x1000000xf32, #tpu.memory_space<hbm>> -> memref<8x128xf32, #tpu.memory_space<hbm>>
    %dma_start3A_392 = arith.constant 8 : i32
    %dma_start3A_393 = arith.constant 0 : i32
    %dma_start3A_394 = tpu.memref_slice %arg12[%dma_start3A_385, %dma_start3A_392, %dma_start3A_393] : memref<8x16x128xf32, #tpu.memory_space<vmem>> -> memref<1x8x128xf32, #tpu.memory_space<vmem>>
    %dma_start3A_395 = tpu.memref_squeeze %dma_start3A_394 : memref<1x8x128xf32, #tpu.memory_space<vmem>> -> memref<8x128xf32, #tpu.memory_space<vmem>>
    %dma_start3A_396 = arith.constant 8 : i32
    %dma_start3A_397 = tpu.memref_slice %arg5[%dma_start3A_396, %multiple_of3A_345] : memref<16x1000000xf32, #tpu.memory_space<hbm>> -> memref<8x128xf32, #tpu.memory_space<hbm>>
    tpu.enqueue_dma source(%dma_start3A_397 : memref<8x128xf32, #tpu.memory_space<hbm>>) target(%dma_start3A_395 : memref<8x128xf32, #tpu.memory_space<vmem>>) target_semaphore(%arg20 : memref<!tpu.dma_semaphore, #tpu.memory_space<semaphore_mem>>)
    %slice3A_398 = vector.extract_strided_slice %get3A_5 {offsets = [6], sizes = [1], strides = [1]} : vector<16xi32> to vector<1xi32>
    %squeeze3A_399 = vector.extract %slice3A_398[0] : i32 from vector<1xi32>
    %slice3A_400 = vector.extract_strided_slice %get3A_7 {offsets = [6], sizes = [1], strides = [1]} : vector<16xi32> to vector<1xi32>
    %squeeze3A_401 = vector.extract %slice3A_400[0] : i32 from vector<1xi32>
    %shift_right_arithmetic3A_402 = arith.constant 7 : i32
    %shift_right_arithmetic3A_403 = arith.shrsi %squeeze3A_399, %shift_right_arithmetic3A_402 : i32
    %shift_left3A_404 = arith.constant 7 : i32
    %shift_left3A_405 = arith.shli %shift_right_arithmetic3A_403, %shift_left3A_404 : i32
    %multiple_of3A_406 = tpu.assume_multiple %shift_left3A_405, 128 : i32
    %shift_right_arithmetic3A_407 = arith.constant 7 : i32
    %shift_right_arithmetic3A_408 = arith.shrsi %squeeze3A_401, %shift_right_arithmetic3A_407 : i32
    %shift_left3A_409 = arith.constant 7 : i32
    %shift_left3A_410 = arith.shli %shift_right_arithmetic3A_408, %shift_left3A_409 : i32
    %multiple_of3A_411 = tpu.assume_multiple %shift_left3A_410, 128 : i32
    %dma_start3A_412 = arith.constant 6 : i32
    %dma_start3A_413 = arith.constant 0 : i32
    %dma_start3A_414 = arith.constant 0 : i32
    %dma_start3A_415 = tpu.memref_slice %arg10[%dma_start3A_412, %dma_start3A_413, %dma_start3A_414] : memref<8x16x128xf32, #tpu.memory_space<vmem>> -> memref<1x8x128xf32, #tpu.memory_space<vmem>>
    %dma_start3A_416 = tpu.memref_squeeze %dma_start3A_415 : memref<1x8x128xf32, #tpu.memory_space<vmem>> -> memref<8x128xf32, #tpu.memory_space<vmem>>
    %dma_start3A_417 = arith.constant 0 : i32
    %dma_start3A_418 = tpu.memref_slice %arg4[%dma_start3A_417, %multiple_of3A_406] : memref<16x1000000xf32, #tpu.memory_space<hbm>> -> memref<8x128xf32, #tpu.memory_space<hbm>>
    %dma_start3A_419 = arith.constant 0 : i32
    %dma_start3A_420 = arith.constant 0 : i32
    %dma_start3A_421 = tpu.memref_slice %arg10[%dma_start3A_412, %dma_start3A_419, %dma_start3A_420] : memref<8x16x128xf32, #tpu.memory_space<vmem>> -> memref<1x8x128xf32, #tpu.memory_space<vmem>>
    %dma_start3A_422 = tpu.memref_squeeze %dma_start3A_421 : memref<1x8x128xf32, #tpu.memory_space<vmem>> -> memref<8x128xf32, #tpu.memory_space<vmem>>
    %dma_start3A_423 = arith.constant 0 : i32
    %dma_start3A_424 = tpu.memref_slice %arg4[%dma_start3A_423, %multiple_of3A_406] : memref<16x1000000xf32, #tpu.memory_space<hbm>> -> memref<8x128xf32, #tpu.memory_space<hbm>>
    tpu.enqueue_dma source(%dma_start3A_424 : memref<8x128xf32, #tpu.memory_space<hbm>>) target(%dma_start3A_422 : memref<8x128xf32, #tpu.memory_space<vmem>>) target_semaphore(%arg18 : memref<!tpu.dma_semaphore, #tpu.memory_space<semaphore_mem>>)
    %dma_start3A_425 = arith.constant 6 : i32
    %dma_start3A_426 = arith.constant 8 : i32
    %dma_start3A_427 = arith.constant 0 : i32
    %dma_start3A_428 = tpu.memref_slice %arg10[%dma_start3A_425, %dma_start3A_426, %dma_start3A_427] : memref<8x16x128xf32, #tpu.memory_space<vmem>> -> memref<1x8x128xf32, #tpu.memory_space<vmem>>
    %dma_start3A_429 = tpu.memref_squeeze %dma_start3A_428 : memref<1x8x128xf32, #tpu.memory_space<vmem>> -> memref<8x128xf32, #tpu.memory_space<vmem>>
    %dma_start3A_430 = arith.constant 8 : i32
    %dma_start3A_431 = tpu.memref_slice %arg4[%dma_start3A_430, %multiple_of3A_406] : memref<16x1000000xf32, #tpu.memory_space<hbm>> -> memref<8x128xf32, #tpu.memory_space<hbm>>
    %dma_start3A_432 = arith.constant 8 : i32
    %dma_start3A_433 = arith.constant 0 : i32
    %dma_start3A_434 = tpu.memref_slice %arg10[%dma_start3A_425, %dma_start3A_432, %dma_start3A_433] : memref<8x16x128xf32, #tpu.memory_space<vmem>> -> memref<1x8x128xf32, #tpu.memory_space<vmem>>
    %dma_start3A_435 = tpu.memref_squeeze %dma_start3A_434 : memref<1x8x128xf32, #tpu.memory_space<vmem>> -> memref<8x128xf32, #tpu.memory_space<vmem>>
    %dma_start3A_436 = arith.constant 8 : i32
    %dma_start3A_437 = tpu.memref_slice %arg4[%dma_start3A_436, %multiple_of3A_406] : memref<16x1000000xf32, #tpu.memory_space<hbm>> -> memref<8x128xf32, #tpu.memory_space<hbm>>
    tpu.enqueue_dma source(%dma_start3A_437 : memref<8x128xf32, #tpu.memory_space<hbm>>) target(%dma_start3A_435 : memref<8x128xf32, #tpu.memory_space<vmem>>) target_semaphore(%arg18 : memref<!tpu.dma_semaphore, #tpu.memory_space<semaphore_mem>>)
    %dma_start3A_438 = arith.constant 6 : i32
    %dma_start3A_439 = arith.constant 0 : i32
    %dma_start3A_440 = arith.constant 0 : i32
    %dma_start3A_441 = tpu.memref_slice %arg12[%dma_start3A_438, %dma_start3A_439, %dma_start3A_440] : memref<8x16x128xf32, #tpu.memory_space<vmem>> -> memref<1x8x128xf32, #tpu.memory_space<vmem>>
    %dma_start3A_442 = tpu.memref_squeeze %dma_start3A_441 : memref<1x8x128xf32, #tpu.memory_space<vmem>> -> memref<8x128xf32, #tpu.memory_space<vmem>>
    %dma_start3A_443 = arith.constant 0 : i32
    %dma_start3A_444 = tpu.memref_slice %arg5[%dma_start3A_443, %multiple_of3A_411] : memref<16x1000000xf32, #tpu.memory_space<hbm>> -> memref<8x128xf32, #tpu.memory_space<hbm>>
    %dma_start3A_445 = arith.constant 0 : i32
    %dma_start3A_446 = arith.constant 0 : i32
    %dma_start3A_447 = tpu.memref_slice %arg12[%dma_start3A_438, %dma_start3A_445, %dma_start3A_446] : memref<8x16x128xf32, #tpu.memory_space<vmem>> -> memref<1x8x128xf32, #tpu.memory_space<vmem>>
    %dma_start3A_448 = tpu.memref_squeeze %dma_start3A_447 : memref<1x8x128xf32, #tpu.memory_space<vmem>> -> memref<8x128xf32, #tpu.memory_space<vmem>>
    %dma_start3A_449 = arith.constant 0 : i32
    %dma_start3A_450 = tpu.memref_slice %arg5[%dma_start3A_449, %multiple_of3A_411] : memref<16x1000000xf32, #tpu.memory_space<hbm>> -> memref<8x128xf32, #tpu.memory_space<hbm>>
    tpu.enqueue_dma source(%dma_start3A_450 : memref<8x128xf32, #tpu.memory_space<hbm>>) target(%dma_start3A_448 : memref<8x128xf32, #tpu.memory_space<vmem>>) target_semaphore(%arg20 : memref<!tpu.dma_semaphore, #tpu.memory_space<semaphore_mem>>)
    %dma_start3A_451 = arith.constant 6 : i32
    %dma_start3A_452 = arith.constant 8 : i32
    %dma_start3A_453 = arith.constant 0 : i32
    %dma_start3A_454 = tpu.memref_slice %arg12[%dma_start3A_451, %dma_start3A_452, %dma_start3A_453] : memref<8x16x128xf32, #tpu.memory_space<vmem>> -> memref<1x8x128xf32, #tpu.memory_space<vmem>>
    %dma_start3A_455 = tpu.memref_squeeze %dma_start3A_454 : memref<1x8x128xf32, #tpu.memory_space<vmem>> -> memref<8x128xf32, #tpu.memory_space<vmem>>
    %dma_start3A_456 = arith.constant 8 : i32
    %dma_start3A_457 = tpu.memref_slice %arg5[%dma_start3A_456, %multiple_of3A_411] : memref<16x1000000xf32, #tpu.memory_space<hbm>> -> memref<8x128xf32, #tpu.memory_space<hbm>>
    %dma_start3A_458 = arith.constant 8 : i32
    %dma_start3A_459 = arith.constant 0 : i32
    %dma_start3A_460 = tpu.memref_slice %arg12[%dma_start3A_451, %dma_start3A_458, %dma_start3A_459] : memref<8x16x128xf32, #tpu.memory_space<vmem>> -> memref<1x8x128xf32, #tpu.memory_space<vmem>>
    %dma_start3A_461 = tpu.memref_squeeze %dma_start3A_460 : memref<1x8x128xf32, #tpu.memory_space<vmem>> -> memref<8x128xf32, #tpu.memory_space<vmem>>
    %dma_start3A_462 = arith.constant 8 : i32
    %dma_start3A_463 = tpu.memref_slice %arg5[%dma_start3A_462, %multiple_of3A_411] : memref<16x1000000xf32, #tpu.memory_space<hbm>> -> memref<8x128xf32, #tpu.memory_space<hbm>>
    tpu.enqueue_dma source(%dma_start3A_463 : memref<8x128xf32, #tpu.memory_space<hbm>>) target(%dma_start3A_461 : memref<8x128xf32, #tpu.memory_space<vmem>>) target_semaphore(%arg20 : memref<!tpu.dma_semaphore, #tpu.memory_space<semaphore_mem>>)
    %slice3A_464 = vector.extract_strided_slice %get3A_5 {offsets = [7], sizes = [1], strides = [1]} : vector<16xi32> to vector<1xi32>
    %squeeze3A_465 = vector.extract %slice3A_464[0] : i32 from vector<1xi32>
    %slice3A_466 = vector.extract_strided_slice %get3A_7 {offsets = [7], sizes = [1], strides = [1]} : vector<16xi32> to vector<1xi32>
    %squeeze3A_467 = vector.extract %slice3A_466[0] : i32 from vector<1xi32>
    %shift_right_arithmetic3A_468 = arith.constant 7 : i32
    %shift_right_arithmetic3A_469 = arith.shrsi %squeeze3A_465, %shift_right_arithmetic3A_468 : i32
    %shift_left3A_470 = arith.constant 7 : i32
    %shift_left3A_471 = arith.shli %shift_right_arithmetic3A_469, %shift_left3A_470 : i32
    %multiple_of3A_472 = tpu.assume_multiple %shift_left3A_471, 128 : i32
    %shift_right_arithmetic3A_473 = arith.constant 7 : i32
    %shift_right_arithmetic3A_474 = arith.shrsi %squeeze3A_467, %shift_right_arithmetic3A_473 : i32
    %shift_left3A_475 = arith.constant 7 : i32
    %shift_left3A_476 = arith.shli %shift_right_arithmetic3A_474, %shift_left3A_475 : i32
    %multiple_of3A_477 = tpu.assume_multiple %shift_left3A_476, 128 : i32
    %dma_start3A_478 = arith.constant 7 : i32
    %dma_start3A_479 = arith.constant 0 : i32
    %dma_start3A_480 = arith.constant 0 : i32
    %dma_start3A_481 = tpu.memref_slice %arg10[%dma_start3A_478, %dma_start3A_479, %dma_start3A_480] : memref<8x16x128xf32, #tpu.memory_space<vmem>> -> memref<1x8x128xf32, #tpu.memory_space<vmem>>
    %dma_start3A_482 = tpu.memref_squeeze %dma_start3A_481 : memref<1x8x128xf32, #tpu.memory_space<vmem>> -> memref<8x128xf32, #tpu.memory_space<vmem>>
    %dma_start3A_483 = arith.constant 0 : i32
    %dma_start3A_484 = tpu.memref_slice %arg4[%dma_start3A_483, %multiple_of3A_472] : memref<16x1000000xf32, #tpu.memory_space<hbm>> -> memref<8x128xf32, #tpu.memory_space<hbm>>
    %dma_start3A_485 = arith.constant 0 : i32
    %dma_start3A_486 = arith.constant 0 : i32
    %dma_start3A_487 = tpu.memref_slice %arg10[%dma_start3A_478, %dma_start3A_485, %dma_start3A_486] : memref<8x16x128xf32, #tpu.memory_space<vmem>> -> memref<1x8x128xf32, #tpu.memory_space<vmem>>
    %dma_start3A_488 = tpu.memref_squeeze %dma_start3A_487 : memref<1x8x128xf32, #tpu.memory_space<vmem>> -> memref<8x128xf32, #tpu.memory_space<vmem>>
    %dma_start3A_489 = arith.constant 0 : i32
    %dma_start3A_490 = tpu.memref_slice %arg4[%dma_start3A_489, %multiple_of3A_472] : memref<16x1000000xf32, #tpu.memory_space<hbm>> -> memref<8x128xf32, #tpu.memory_space<hbm>>
    tpu.enqueue_dma source(%dma_start3A_490 : memref<8x128xf32, #tpu.memory_space<hbm>>) target(%dma_start3A_488 : memref<8x128xf32, #tpu.memory_space<vmem>>) target_semaphore(%arg18 : memref<!tpu.dma_semaphore, #tpu.memory_space<semaphore_mem>>)
    %dma_start3A_491 = arith.constant 7 : i32
    %dma_start3A_492 = arith.constant 8 : i32
    %dma_start3A_493 = arith.constant 0 : i32
    %dma_start3A_494 = tpu.memref_slice %arg10[%dma_start3A_491, %dma_start3A_492, %dma_start3A_493] : memref<8x16x128xf32, #tpu.memory_space<vmem>> -> memref<1x8x128xf32, #tpu.memory_space<vmem>>
    %dma_start3A_495 = tpu.memref_squeeze %dma_start3A_494 : memref<1x8x128xf32, #tpu.memory_space<vmem>> -> memref<8x128xf32, #tpu.memory_space<vmem>>
    %dma_start3A_496 = arith.constant 8 : i32
    %dma_start3A_497 = tpu.memref_slice %arg4[%dma_start3A_496, %multiple_of3A_472] : memref<16x1000000xf32, #tpu.memory_space<hbm>> -> memref<8x128xf32, #tpu.memory_space<hbm>>
    %dma_start3A_498 = arith.constant 8 : i32
    %dma_start3A_499 = arith.constant 0 : i32
    %dma_start3A_500 = tpu.memref_slice %arg10[%dma_start3A_491, %dma_start3A_498, %dma_start3A_499] : memref<8x16x128xf32, #tpu.memory_space<vmem>> -> memref<1x8x128xf32, #tpu.memory_space<vmem>>
    %dma_start3A_501 = tpu.memref_squeeze %dma_start3A_500 : memref<1x8x128xf32, #tpu.memory_space<vmem>> -> memref<8x128xf32, #tpu.memory_space<vmem>>
    %dma_start3A_502 = arith.constant 8 : i32
    %dma_start3A_503 = tpu.memref_slice %arg4[%dma_start3A_502, %multiple_of3A_472] : memref<16x1000000xf32, #tpu.memory_space<hbm>> -> memref<8x128xf32, #tpu.memory_space<hbm>>
    tpu.enqueue_dma source(%dma_start3A_503 : memref<8x128xf32, #tpu.memory_space<hbm>>) target(%dma_start3A_501 : memref<8x128xf32, #tpu.memory_space<vmem>>) target_semaphore(%arg18 : memref<!tpu.dma_semaphore, #tpu.memory_space<semaphore_mem>>)
    %dma_start3A_504 = arith.constant 7 : i32
    %dma_start3A_505 = arith.constant 0 : i32
    %dma_start3A_506 = arith.constant 0 : i32
    %dma_start3A_507 = tpu.memref_slice %arg12[%dma_start3A_504, %dma_start3A_505, %dma_start3A_506] : memref<8x16x128xf32, #tpu.memory_space<vmem>> -> memref<1x8x128xf32, #tpu.memory_space<vmem>>
    %dma_start3A_508 = tpu.memref_squeeze %dma_start3A_507 : memref<1x8x128xf32, #tpu.memory_space<vmem>> -> memref<8x128xf32, #tpu.memory_space<vmem>>
    %dma_start3A_509 = arith.constant 0 : i32
    %dma_start3A_510 = tpu.memref_slice %arg5[%dma_start3A_509, %multiple_of3A_477] : memref<16x1000000xf32, #tpu.memory_space<hbm>> -> memref<8x128xf32, #tpu.memory_space<hbm>>
    %dma_start3A_511 = arith.constant 0 : i32
    %dma_start3A_512 = arith.constant 0 : i32
    %dma_start3A_513 = tpu.memref_slice %arg12[%dma_start3A_504, %dma_start3A_511, %dma_start3A_512] : memref<8x16x128xf32, #tpu.memory_space<vmem>> -> memref<1x8x128xf32, #tpu.memory_space<vmem>>
    %dma_start3A_514 = tpu.memref_squeeze %dma_start3A_513 : memref<1x8x128xf32, #tpu.memory_space<vmem>> -> memref<8x128xf32, #tpu.memory_space<vmem>>
    %dma_start3A_515 = arith.constant 0 : i32
    %dma_start3A_516 = tpu.memref_slice %arg5[%dma_start3A_515, %multiple_of3A_477] : memref<16x1000000xf32, #tpu.memory_space<hbm>> -> memref<8x128xf32, #tpu.memory_space<hbm>>
    tpu.enqueue_dma source(%dma_start3A_516 : memref<8x128xf32, #tpu.memory_space<hbm>>) target(%dma_start3A_514 : memref<8x128xf32, #tpu.memory_space<vmem>>) target_semaphore(%arg20 : memref<!tpu.dma_semaphore, #tpu.memory_space<semaphore_mem>>)
    %dma_start3A_517 = arith.constant 7 : i32
    %dma_start3A_518 = arith.constant 8 : i32
    %dma_start3A_519 = arith.constant 0 : i32
    %dma_start3A_520 = tpu.memref_slice %arg12[%dma_start3A_517, %dma_start3A_518, %dma_start3A_519] : memref<8x16x128xf32, #tpu.memory_space<vmem>> -> memref<1x8x128xf32, #tpu.memory_space<vmem>>
    %dma_start3A_521 = tpu.memref_squeeze %dma_start3A_520 : memref<1x8x128xf32, #tpu.memory_space<vmem>> -> memref<8x128xf32, #tpu.memory_space<vmem>>
    %dma_start3A_522 = arith.constant 8 : i32
    %dma_start3A_523 = tpu.memref_slice %arg5[%dma_start3A_522, %multiple_of3A_477] : memref<16x1000000xf32, #tpu.memory_space<hbm>> -> memref<8x128xf32, #tpu.memory_space<hbm>>
    %dma_start3A_524 = arith.constant 8 : i32
    %dma_start3A_525 = arith.constant 0 : i32
    %dma_start3A_526 = tpu.memref_slice %arg12[%dma_start3A_517, %dma_start3A_524, %dma_start3A_525] : memref<8x16x128xf32, #tpu.memory_space<vmem>> -> memref<1x8x128xf32, #tpu.memory_space<vmem>>
    %dma_start3A_527 = tpu.memref_squeeze %dma_start3A_526 : memref<1x8x128xf32, #tpu.memory_space<vmem>> -> memref<8x128xf32, #tpu.memory_space<vmem>>
    %dma_start3A_528 = arith.constant 8 : i32
    %dma_start3A_529 = tpu.memref_slice %arg5[%dma_start3A_528, %multiple_of3A_477] : memref<16x1000000xf32, #tpu.memory_space<hbm>> -> memref<8x128xf32, #tpu.memory_space<hbm>>
    tpu.enqueue_dma source(%dma_start3A_529 : memref<8x128xf32, #tpu.memory_space<hbm>>) target(%dma_start3A_527 : memref<8x128xf32, #tpu.memory_space<vmem>>) target_semaphore(%arg20 : memref<!tpu.dma_semaphore, #tpu.memory_space<semaphore_mem>>)
    %scan3A = arith.constant 0 : i32
    %scan3A_530 = arith.constant 32 : i32
    %scan3A_531 = arith.addi %scan3A, %scan3A_530 : i32
    %scan3A_532 = arith.constant 1 : i32
    scf.for %scan3A_539 = %scan3A to %scan3A_531 step %scan3A_532  : i32 {
      %mul3A_540 = arith.constant 2 : i32
      %mul3A_541 = arith.muli %scan3A_539, %mul3A_540 : i32
      %add3A_542 = arith.constant 0 : i32
      %add3A_543 = arith.addi %add3A_542, %mul3A_541 : i32
      %mul3A_544 = arith.constant 8 : i32
      %mul3A_545 = arith.muli %add3A_543, %mul3A_544 : i32
      %get3A_546 = arith.index_cast %mul3A_545 : i32 to index
      %get3A_547 = tpu.vector_load %arg8[%get3A_546] {strides = array<i32>} : memref<512xi32, #tpu.memory_space<vmem>>, vector<16xi32>,
      %mul3A_548 = arith.constant 8 : i32
      %mul3A_549 = arith.muli %add3A_543, %mul3A_548 : i32
      %get3A_550 = arith.index_cast %mul3A_549 : i32 to index
      %get3A_551 = tpu.vector_load %arg9[%get3A_550] {strides = array<i32>} : memref<512xi32, #tpu.memory_space<vmem>>, vector<16xi32>,
      %add3A_552 = arith.constant 1 : i32
      %add3A_553 = arith.addi %add3A_543, %add3A_552 : i32
      %slice3A_554 = vector.extract_strided_slice %get3A_547 {offsets = [8], sizes = [1], strides = [1]} : vector<16xi32> to vector<1xi32>
      %squeeze3A_555 = vector.extract %slice3A_554[0] : i32 from vector<1xi32>
      %slice3A_556 = vector.extract_strided_slice %get3A_551 {offsets = [8], sizes = [1], strides = [1]} : vector<16xi32> to vector<1xi32>
      %squeeze3A_557 = vector.extract %slice3A_556[0] : i32 from vector<1xi32>
      %shift_right_arithmetic3A_558 = arith.constant 7 : i32
      %shift_right_arithmetic3A_559 = arith.shrsi %squeeze3A_555, %shift_right_arithmetic3A_558 : i32
      %shift_left3A_560 = arith.constant 7 : i32
      %shift_left3A_561 = arith.shli %shift_right_arithmetic3A_559, %shift_left3A_560 : i32
      %multiple_of3A_562 = tpu.assume_multiple %shift_left3A_561, 128 : i32
      %shift_right_arithmetic3A_563 = arith.constant 7 : i32
      %shift_right_arithmetic3A_564 = arith.shrsi %squeeze3A_557, %shift_right_arithmetic3A_563 : i32
      %shift_left3A_565 = arith.constant 7 : i32
      %shift_left3A_566 = arith.shli %shift_right_arithmetic3A_564, %shift_left3A_565 : i32
      %multiple_of3A_567 = tpu.assume_multiple %shift_left3A_566, 128 : i32
      %dma_start3A_568 = arith.constant 0 : i32
      %dma_start3A_569 = arith.constant 0 : i32
      %dma_start3A_570 = arith.constant 0 : i32
      %dma_start3A_571 = tpu.memref_slice %arg11[%dma_start3A_568, %dma_start3A_569, %dma_start3A_570] : memref<8x16x128xf32, #tpu.memory_space<vmem>> -> memref<1x8x128xf32, #tpu.memory_space<vmem>>
      %dma_start3A_572 = tpu.memref_squeeze %dma_start3A_571 : memref<1x8x128xf32, #tpu.memory_space<vmem>> -> memref<8x128xf32, #tpu.memory_space<vmem>>
      %dma_start3A_573 = arith.constant 0 : i32
      %dma_start3A_574 = tpu.memref_slice %arg4[%dma_start3A_573, %multiple_of3A_562] : memref<16x1000000xf32, #tpu.memory_space<hbm>> -> memref<8x128xf32, #tpu.memory_space<hbm>>
      %dma_start3A_575 = arith.constant 0 : i32
      %dma_start3A_576 = arith.constant 0 : i32
      %dma_start3A_577 = tpu.memref_slice %arg11[%dma_start3A_568, %dma_start3A_575, %dma_start3A_576] : memref<8x16x128xf32, #tpu.memory_space<vmem>> -> memref<1x8x128xf32, #tpu.memory_space<vmem>>
      %dma_start3A_578 = tpu.memref_squeeze %dma_start3A_577 : memref<1x8x128xf32, #tpu.memory_space<vmem>> -> memref<8x128xf32, #tpu.memory_space<vmem>>
      %dma_start3A_579 = arith.constant 0 : i32
      %dma_start3A_580 = tpu.memref_slice %arg4[%dma_start3A_579, %multiple_of3A_562] : memref<16x1000000xf32, #tpu.memory_space<hbm>> -> memref<8x128xf32, #tpu.memory_space<hbm>>
      tpu.enqueue_dma source(%dma_start3A_580 : memref<8x128xf32, #tpu.memory_space<hbm>>) target(%dma_start3A_578 : memref<8x128xf32, #tpu.memory_space<vmem>>) target_semaphore(%arg19 : memref<!tpu.dma_semaphore, #tpu.memory_space<semaphore_mem>>)
      %dma_start3A_581 = arith.constant 0 : i32
      %dma_start3A_582 = arith.constant 8 : i32
      %dma_start3A_583 = arith.constant 0 : i32
      %dma_start3A_584 = tpu.memref_slice %arg11[%dma_start3A_581, %dma_start3A_582, %dma_start3A_583] : memref<8x16x128xf32, #tpu.memory_space<vmem>> -> memref<1x8x128xf32, #tpu.memory_space<vmem>>
      %dma_start3A_585 = tpu.memref_squeeze %dma_start3A_584 : memref<1x8x128xf32, #tpu.memory_space<vmem>> -> memref<8x128xf32, #tpu.memory_space<vmem>>
      %dma_start3A_586 = arith.constant 8 : i32
      %dma_start3A_587 = tpu.memref_slice %arg4[%dma_start3A_586, %multiple_of3A_562] : memref<16x1000000xf32, #tpu.memory_space<hbm>> -> memref<8x128xf32, #tpu.memory_space<hbm>>
      %dma_start3A_588 = arith.constant 8 : i32
      %dma_start3A_589 = arith.constant 0 : i32
      %dma_start3A_590 = tpu.memref_slice %arg11[%dma_start3A_581, %dma_start3A_588, %dma_start3A_589] : memref<8x16x128xf32, #tpu.memory_space<vmem>> -> memref<1x8x128xf32, #tpu.memory_space<vmem>>
      %dma_start3A_591 = tpu.memref_squeeze %dma_start3A_590 : memref<1x8x128xf32, #tpu.memory_space<vmem>> -> memref<8x128xf32, #tpu.memory_space<vmem>>
      %dma_start3A_592 = arith.constant 8 : i32
      %dma_start3A_593 = tpu.memref_slice %arg4[%dma_start3A_592, %multiple_of3A_562] : memref<16x1000000xf32, #tpu.memory_space<hbm>> -> memref<8x128xf32, #tpu.memory_space<hbm>>
      tpu.enqueue_dma source(%dma_start3A_593 : memref<8x128xf32, #tpu.memory_space<hbm>>) target(%dma_start3A_591 : memref<8x128xf32, #tpu.memory_space<vmem>>) target_semaphore(%arg19 : memref<!tpu.dma_semaphore, #tpu.memory_space<semaphore_mem>>)
      %dma_start3A_594 = arith.constant 0 : i32
      %dma_start3A_595 = arith.constant 0 : i32
      %dma_start3A_596 = arith.constant 0 : i32
      %dma_start3A_597 = tpu.memref_slice %arg13[%dma_start3A_594, %dma_start3A_595, %dma_start3A_596] : memref<8x16x128xf32, #tpu.memory_space<vmem>> -> memref<1x8x128xf32, #tpu.memory_space<vmem>>
      %dma_start3A_598 = tpu.memref_squeeze %dma_start3A_597 : memref<1x8x128xf32, #tpu.memory_space<vmem>> -> memref<8x128xf32, #tpu.memory_space<vmem>>
      %dma_start3A_599 = arith.constant 0 : i32
      %dma_start3A_600 = tpu.memref_slice %arg5[%dma_start3A_599, %multiple_of3A_567] : memref<16x1000000xf32, #tpu.memory_space<hbm>> -> memref<8x128xf32, #tpu.memory_space<hbm>>
      %dma_start3A_601 = arith.constant 0 : i32
      %dma_start3A_602 = arith.constant 0 : i32
      %dma_start3A_603 = tpu.memref_slice %arg13[%dma_start3A_594, %dma_start3A_601, %dma_start3A_602] : memref<8x16x128xf32, #tpu.memory_space<vmem>> -> memref<1x8x128xf32, #tpu.memory_space<vmem>>
      %dma_start3A_604 = tpu.memref_squeeze %dma_start3A_603 : memref<1x8x128xf32, #tpu.memory_space<vmem>> -> memref<8x128xf32, #tpu.memory_space<vmem>>
      %dma_start3A_605 = arith.constant 0 : i32
      %dma_start3A_606 = tpu.memref_slice %arg5[%dma_start3A_605, %multiple_of3A_567] : memref<16x1000000xf32, #tpu.memory_space<hbm>> -> memref<8x128xf32, #tpu.memory_space<hbm>>
      tpu.enqueue_dma source(%dma_start3A_606 : memref<8x128xf32, #tpu.memory_space<hbm>>) target(%dma_start3A_604 : memref<8x128xf32, #tpu.memory_space<vmem>>) target_semaphore(%arg21 : memref<!tpu.dma_semaphore, #tpu.memory_space<semaphore_mem>>)
      %dma_start3A_607 = arith.constant 0 : i32
      %dma_start3A_608 = arith.constant 8 : i32
      %dma_start3A_609 = arith.constant 0 : i32
      %dma_start3A_610 = tpu.memref_slice %arg13[%dma_start3A_607, %dma_start3A_608, %dma_start3A_609] : memref<8x16x128xf32, #tpu.memory_space<vmem>> -> memref<1x8x128xf32, #tpu.memory_space<vmem>>
      %dma_start3A_611 = tpu.memref_squeeze %dma_start3A_610 : memref<1x8x128xf32, #tpu.memory_space<vmem>> -> memref<8x128xf32, #tpu.memory_space<vmem>>
      %dma_start3A_612 = arith.constant 8 : i32
      %dma_start3A_613 = tpu.memref_slice %arg5[%dma_start3A_612, %multiple_of3A_567] : memref<16x1000000xf32, #tpu.memory_space<hbm>> -> memref<8x128xf32, #tpu.memory_space<hbm>>
      %dma_start3A_614 = arith.constant 8 : i32
      %dma_start3A_615 = arith.constant 0 : i32
      %dma_start3A_616 = tpu.memref_slice %arg13[%dma_start3A_607, %dma_start3A_614, %dma_start3A_615] : memref<8x16x128xf32, #tpu.memory_space<vmem>> -> memref<1x8x128xf32, #tpu.memory_space<vmem>>
      %dma_start3A_617 = tpu.memref_squeeze %dma_start3A_616 : memref<1x8x128xf32, #tpu.memory_space<vmem>> -> memref<8x128xf32, #tpu.memory_space<vmem>>
      %dma_start3A_618 = arith.constant 8 : i32
      %dma_start3A_619 = tpu.memref_slice %arg5[%dma_start3A_618, %multiple_of3A_567] : memref<16x1000000xf32, #tpu.memory_space<hbm>> -> memref<8x128xf32, #tpu.memory_space<hbm>>
      tpu.enqueue_dma source(%dma_start3A_619 : memref<8x128xf32, #tpu.memory_space<hbm>>) target(%dma_start3A_617 : memref<8x128xf32, #tpu.memory_space<vmem>>) target_semaphore(%arg21 : memref<!tpu.dma_semaphore, #tpu.memory_space<semaphore_mem>>)
      %slice3A_620 = vector.extract_strided_slice %get3A_547 {offsets = [9], sizes = [1], strides = [1]} : vector<16xi32> to vector<1xi32>
      %squeeze3A_621 = vector.extract %slice3A_620[0] : i32 from vector<1xi32>
      %slice3A_622 = vector.extract_strided_slice %get3A_551 {offsets = [9], sizes = [1], strides = [1]} : vector<16xi32> to vector<1xi32>
      %squeeze3A_623 = vector.extract %slice3A_622[0] : i32 from vector<1xi32>
      %shift_right_arithmetic3A_624 = arith.constant 7 : i32
      %shift_right_arithmetic3A_625 = arith.shrsi %squeeze3A_621, %shift_right_arithmetic3A_624 : i32
      %shift_left3A_626 = arith.constant 7 : i32
      %shift_left3A_627 = arith.shli %shift_right_arithmetic3A_625, %shift_left3A_626 : i32
      %multiple_of3A_628 = tpu.assume_multiple %shift_left3A_627, 128 : i32
      %shift_right_arithmetic3A_629 = arith.constant 7 : i32
      %shift_right_arithmetic3A_630 = arith.shrsi %squeeze3A_623, %shift_right_arithmetic3A_629 : i32
      %shift_left3A_631 = arith.constant 7 : i32
      %shift_left3A_632 = arith.shli %shift_right_arithmetic3A_630, %shift_left3A_631 : i32
      %multiple_of3A_633 = tpu.assume_multiple %shift_left3A_632, 128 : i32
      %dma_start3A_634 = arith.constant 1 : i32
      %dma_start3A_635 = arith.constant 0 : i32
      %dma_start3A_636 = arith.constant 0 : i32
      %dma_start3A_637 = tpu.memref_slice %arg11[%dma_start3A_634, %dma_start3A_635, %dma_start3A_636] : memref<8x16x128xf32, #tpu.memory_space<vmem>> -> memref<1x8x128xf32, #tpu.memory_space<vmem>>
      %dma_start3A_638 = tpu.memref_squeeze %dma_start3A_637 : memref<1x8x128xf32, #tpu.memory_space<vmem>> -> memref<8x128xf32, #tpu.memory_space<vmem>>
      %dma_start3A_639 = arith.constant 0 : i32
      %dma_start3A_640 = tpu.memref_slice %arg4[%dma_start3A_639, %multiple_of3A_628] : memref<16x1000000xf32, #tpu.memory_space<hbm>> -> memref<8x128xf32, #tpu.memory_space<hbm>>
      %dma_start3A_641 = arith.constant 0 : i32
      %dma_start3A_642 = arith.constant 0 : i32
      %dma_start3A_643 = tpu.memref_slice %arg11[%dma_start3A_634, %dma_start3A_641, %dma_start3A_642] : memref<8x16x128xf32, #tpu.memory_space<vmem>> -> memref<1x8x128xf32, #tpu.memory_space<vmem>>
      %dma_start3A_644 = tpu.memref_squeeze %dma_start3A_643 : memref<1x8x128xf32, #tpu.memory_space<vmem>> -> memref<8x128xf32, #tpu.memory_space<vmem>>
      %dma_start3A_645 = arith.constant 0 : i32
      %dma_start3A_646 = tpu.memref_slice %arg4[%dma_start3A_645, %multiple_of3A_628] : memref<16x1000000xf32, #tpu.memory_space<hbm>> -> memref<8x128xf32, #tpu.memory_space<hbm>>
      tpu.enqueue_dma source(%dma_start3A_646 : memref<8x128xf32, #tpu.memory_space<hbm>>) target(%dma_start3A_644 : memref<8x128xf32, #tpu.memory_space<vmem>>) target_semaphore(%arg19 : memref<!tpu.dma_semaphore, #tpu.memory_space<semaphore_mem>>)
      %dma_start3A_647 = arith.constant 1 : i32
      %dma_start3A_648 = arith.constant 8 : i32
      %dma_start3A_649 = arith.constant 0 : i32
      %dma_start3A_650 = tpu.memref_slice %arg11[%dma_start3A_647, %dma_start3A_648, %dma_start3A_649] : memref<8x16x128xf32, #tpu.memory_space<vmem>> -> memref<1x8x128xf32, #tpu.memory_space<vmem>>
      %dma_start3A_651 = tpu.memref_squeeze %dma_start3A_650 : memref<1x8x128xf32, #tpu.memory_space<vmem>> -> memref<8x128xf32, #tpu.memory_space<vmem>>
      %dma_start3A_652 = arith.constant 8 : i32
      %dma_start3A_653 = tpu.memref_slice %arg4[%dma_start3A_652, %multiple_of3A_628] : memref<16x1000000xf32, #tpu.memory_space<hbm>> -> memref<8x128xf32, #tpu.memory_space<hbm>>
      %dma_start3A_654 = arith.constant 8 : i32
      %dma_start3A_655 = arith.constant 0 : i32
      %dma_start3A_656 = tpu.memref_slice %arg11[%dma_start3A_647, %dma_start3A_654, %dma_start3A_655] : memref<8x16x128xf32, #tpu.memory_space<vmem>> -> memref<1x8x128xf32, #tpu.memory_space<vmem>>
      %dma_start3A_657 = tpu.memref_squeeze %dma_start3A_656 : memref<1x8x128xf32, #tpu.memory_space<vmem>> -> memref<8x128xf32, #tpu.memory_space<vmem>>
      %dma_start3A_658 = arith.constant 8 : i32
      %dma_start3A_659 = tpu.memref_slice %arg4[%dma_start3A_658, %multiple_of3A_628] : memref<16x1000000xf32, #tpu.memory_space<hbm>> -> memref<8x128xf32, #tpu.memory_space<hbm>>
      tpu.enqueue_dma source(%dma_start3A_659 : memref<8x128xf32, #tpu.memory_space<hbm>>) target(%dma_start3A_657 : memref<8x128xf32, #tpu.memory_space<vmem>>) target_semaphore(%arg19 : memref<!tpu.dma_semaphore, #tpu.memory_space<semaphore_mem>>)
      %dma_start3A_660 = arith.constant 1 : i32
      %dma_start3A_661 = arith.constant 0 : i32
      %dma_start3A_662 = arith.constant 0 : i32
      %dma_start3A_663 = tpu.memref_slice %arg13[%dma_start3A_660, %dma_start3A_661, %dma_start3A_662] : memref<8x16x128xf32, #tpu.memory_space<vmem>> -> memref<1x8x128xf32, #tpu.memory_space<vmem>>
      %dma_start3A_664 = tpu.memref_squeeze %dma_start3A_663 : memref<1x8x128xf32, #tpu.memory_space<vmem>> -> memref<8x128xf32, #tpu.memory_space<vmem>>
      %dma_start3A_665 = arith.constant 0 : i32
      %dma_start3A_666 = tpu.memref_slice %arg5[%dma_start3A_665, %multiple_of3A_633] : memref<16x1000000xf32, #tpu.memory_space<hbm>> -> memref<8x128xf32, #tpu.memory_space<hbm>>
      %dma_start3A_667 = arith.constant 0 : i32
      %dma_start3A_668 = arith.constant 0 : i32
      %dma_start3A_669 = tpu.memref_slice %arg13[%dma_start3A_660, %dma_start3A_667, %dma_start3A_668] : memref<8x16x128xf32, #tpu.memory_space<vmem>> -> memref<1x8x128xf32, #tpu.memory_space<vmem>>
      %dma_start3A_670 = tpu.memref_squeeze %dma_start3A_669 : memref<1x8x128xf32, #tpu.memory_space<vmem>> -> memref<8x128xf32, #tpu.memory_space<vmem>>
      %dma_start3A_671 = arith.constant 0 : i32
      %dma_start3A_672 = tpu.memref_slice %arg5[%dma_start3A_671, %multiple_of3A_633] : memref<16x1000000xf32, #tpu.memory_space<hbm>> -> memref<8x128xf32, #tpu.memory_space<hbm>>
      tpu.enqueue_dma source(%dma_start3A_672 : memref<8x128xf32, #tpu.memory_space<hbm>>) target(%dma_start3A_670 : memref<8x128xf32, #tpu.memory_space<vmem>>) target_semaphore(%arg21 : memref<!tpu.dma_semaphore, #tpu.memory_space<semaphore_mem>>)
      %dma_start3A_673 = arith.constant 1 : i32
      %dma_start3A_674 = arith.constant 8 : i32
      %dma_start3A_675 = arith.constant 0 : i32
      %dma_start3A_676 = tpu.memref_slice %arg13[%dma_start3A_673, %dma_start3A_674, %dma_start3A_675] : memref<8x16x128xf32, #tpu.memory_space<vmem>> -> memref<1x8x128xf32, #tpu.memory_space<vmem>>
      %dma_start3A_677 = tpu.memref_squeeze %dma_start3A_676 : memref<1x8x128xf32, #tpu.memory_space<vmem>> -> memref<8x128xf32, #tpu.memory_space<vmem>>
      %dma_start3A_678 = arith.constant 8 : i32
      %dma_start3A_679 = tpu.memref_slice %arg5[%dma_start3A_678, %multiple_of3A_633] : memref<16x1000000xf32, #tpu.memory_space<hbm>> -> memref<8x128xf32, #tpu.memory_space<hbm>>
      %dma_start3A_680 = arith.constant 8 : i32
      %dma_start3A_681 = arith.constant 0 : i32
      %dma_start3A_682 = tpu.memref_slice %arg13[%dma_start3A_673, %dma_start3A_680, %dma_start3A_681] : memref<8x16x128xf32, #tpu.memory_space<vmem>> -> memref<1x8x128xf32, #tpu.memory_space<vmem>>
      %dma_start3A_683 = tpu.memref_squeeze %dma_start3A_682 : memref<1x8x128xf32, #tpu.memory_space<vmem>> -> memref<8x128xf32, #tpu.memory_space<vmem>>
      %dma_start3A_684 = arith.constant 8 : i32
      %dma_start3A_685 = tpu.memref_slice %arg5[%dma_start3A_684, %multiple_of3A_633] : memref<16x1000000xf32, #tpu.memory_space<hbm>> -> memref<8x128xf32, #tpu.memory_space<hbm>>
      tpu.enqueue_dma source(%dma_start3A_685 : memref<8x128xf32, #tpu.memory_space<hbm>>) target(%dma_start3A_683 : memref<8x128xf32, #tpu.memory_space<vmem>>) target_semaphore(%arg21 : memref<!tpu.dma_semaphore, #tpu.memory_space<semaphore_mem>>)
      %slice3A_686 = vector.extract_strided_slice %get3A_547 {offsets = [10], sizes = [1], strides = [1]} : vector<16xi32> to vector<1xi32>
      %squeeze3A_687 = vector.extract %slice3A_686[0] : i32 from vector<1xi32>
      %slice3A_688 = vector.extract_strided_slice %get3A_551 {offsets = [10], sizes = [1], strides = [1]} : vector<16xi32> to vector<1xi32>
      %squeeze3A_689 = vector.extract %slice3A_688[0] : i32 from vector<1xi32>
      %shift_right_arithmetic3A_690 = arith.constant 7 : i32
      %shift_right_arithmetic3A_691 = arith.shrsi %squeeze3A_687, %shift_right_arithmetic3A_690 : i32
      %shift_left3A_692 = arith.constant 7 : i32
      %shift_left3A_693 = arith.shli %shift_right_arithmetic3A_691, %shift_left3A_692 : i32
      %multiple_of3A_694 = tpu.assume_multiple %shift_left3A_693, 128 : i32
      %shift_right_arithmetic3A_695 = arith.constant 7 : i32
      %shift_right_arithmetic3A_696 = arith.shrsi %squeeze3A_689, %shift_right_arithmetic3A_695 : i32
      %shift_left3A_697 = arith.constant 7 : i32
      %shift_left3A_698 = arith.shli %shift_right_arithmetic3A_696, %shift_left3A_697 : i32
      %multiple_of3A_699 = tpu.assume_multiple %shift_left3A_698, 128 : i32
      %dma_start3A_700 = arith.constant 2 : i32
      %dma_start3A_701 = arith.constant 0 : i32
      %dma_start3A_702 = arith.constant 0 : i32
      %dma_start3A_703 = tpu.memref_slice %arg11[%dma_start3A_700, %dma_start3A_701, %dma_start3A_702] : memref<8x16x128xf32, #tpu.memory_space<vmem>> -> memref<1x8x128xf32, #tpu.memory_space<vmem>>
      %dma_start3A_704 = tpu.memref_squeeze %dma_start3A_703 : memref<1x8x128xf32, #tpu.memory_space<vmem>> -> memref<8x128xf32, #tpu.memory_space<vmem>>
      %dma_start3A_705 = arith.constant 0 : i32
      %dma_start3A_706 = tpu.memref_slice %arg4[%dma_start3A_705, %multiple_of3A_694] : memref<16x1000000xf32, #tpu.memory_space<hbm>> -> memref<8x128xf32, #tpu.memory_space<hbm>>
      %dma_start3A_707 = arith.constant 0 : i32
      %dma_start3A_708 = arith.constant 0 : i32
      %dma_start3A_709 = tpu.memref_slice %arg11[%dma_start3A_700, %dma_start3A_707, %dma_start3A_708] : memref<8x16x128xf32, #tpu.memory_space<vmem>> -> memref<1x8x128xf32, #tpu.memory_space<vmem>>
      %dma_start3A_710 = tpu.memref_squeeze %dma_start3A_709 : memref<1x8x128xf32, #tpu.memory_space<vmem>> -> memref<8x128xf32, #tpu.memory_space<vmem>>
      %dma_start3A_711 = arith.constant 0 : i32
      %dma_start3A_712 = tpu.memref_slice %arg4[%dma_start3A_711, %multiple_of3A_694] : memref<16x1000000xf32, #tpu.memory_space<hbm>> -> memref<8x128xf32, #tpu.memory_space<hbm>>
      tpu.enqueue_dma source(%dma_start3A_712 : memref<8x128xf32, #tpu.memory_space<hbm>>) target(%dma_start3A_710 : memref<8x128xf32, #tpu.memory_space<vmem>>) target_semaphore(%arg19 : memref<!tpu.dma_semaphore, #tpu.memory_space<semaphore_mem>>)
      %dma_start3A_713 = arith.constant 2 : i32
      %dma_start3A_714 = arith.constant 8 : i32
      %dma_start3A_715 = arith.constant 0 : i32
      %dma_start3A_716 = tpu.memref_slice %arg11[%dma_start3A_713, %dma_start3A_714, %dma_start3A_715] : memref<8x16x128xf32, #tpu.memory_space<vmem>> -> memref<1x8x128xf32, #tpu.memory_space<vmem>>
      %dma_start3A_717 = tpu.memref_squeeze %dma_start3A_716 : memref<1x8x128xf32, #tpu.memory_space<vmem>> -> memref<8x128xf32, #tpu.memory_space<vmem>>
      %dma_start3A_718 = arith.constant 8 : i32
      %dma_start3A_719 = tpu.memref_slice %arg4[%dma_start3A_718, %multiple_of3A_694] : memref<16x1000000xf32, #tpu.memory_space<hbm>> -> memref<8x128xf32, #tpu.memory_space<hbm>>
      %dma_start3A_720 = arith.constant 8 : i32
      %dma_start3A_721 = arith.constant 0 : i32
      %dma_start3A_722 = tpu.memref_slice %arg11[%dma_start3A_713, %dma_start3A_720, %dma_start3A_721] : memref<8x16x128xf32, #tpu.memory_space<vmem>> -> memref<1x8x128xf32, #tpu.memory_space<vmem>>
      %dma_start3A_723 = tpu.memref_squeeze %dma_start3A_722 : memref<1x8x128xf32, #tpu.memory_space<vmem>> -> memref<8x128xf32, #tpu.memory_space<vmem>>
      %dma_start3A_724 = arith.constant 8 : i32
      %dma_start3A_725 = tpu.memref_slice %arg4[%dma_start3A_724, %multiple_of3A_694] : memref<16x1000000xf32, #tpu.memory_space<hbm>> -> memref<8x128xf32, #tpu.memory_space<hbm>>
      tpu.enqueue_dma source(%dma_start3A_725 : memref<8x128xf32, #tpu.memory_space<hbm>>) target(%dma_start3A_723 : memref<8x128xf32, #tpu.memory_space<vmem>>) target_semaphore(%arg19 : memref<!tpu.dma_semaphore, #tpu.memory_space<semaphore_mem>>)
      %dma_start3A_726 = arith.constant 2 : i32
      %dma_start3A_727 = arith.constant 0 : i32
      %dma_start3A_728 = arith.constant 0 : i32
      %dma_start3A_729 = tpu.memref_slice %arg13[%dma_start3A_726, %dma_start3A_727, %dma_start3A_728] : memref<8x16x128xf32, #tpu.memory_space<vmem>> -> memref<1x8x128xf32, #tpu.memory_space<vmem>>
      %dma_start3A_730 = tpu.memref_squeeze %dma_start3A_729 : memref<1x8x128xf32, #tpu.memory_space<vmem>> -> memref<8x128xf32, #tpu.memory_space<vmem>>
      %dma_start3A_731 = arith.constant 0 : i32
      %dma_start3A_732 = tpu.memref_slice %arg5[%dma_start3A_731, %multiple_of3A_699] : memref<16x1000000xf32, #tpu.memory_space<hbm>> -> memref<8x128xf32, #tpu.memory_space<hbm>>
      %dma_start3A_733 = arith.constant 0 : i32
      %dma_start3A_734 = arith.constant 0 : i32
      %dma_start3A_735 = tpu.memref_slice %arg13[%dma_start3A_726, %dma_start3A_733, %dma_start3A_734] : memref<8x16x128xf32, #tpu.memory_space<vmem>> -> memref<1x8x128xf32, #tpu.memory_space<vmem>>
      %dma_start3A_736 = tpu.memref_squeeze %dma_start3A_735 : memref<1x8x128xf32, #tpu.memory_space<vmem>> -> memref<8x128xf32, #tpu.memory_space<vmem>>
      %dma_start3A_737 = arith.constant 0 : i32
      %dma_start3A_738 = tpu.memref_slice %arg5[%dma_start3A_737, %multiple_of3A_699] : memref<16x1000000xf32, #tpu.memory_space<hbm>> -> memref<8x128xf32, #tpu.memory_space<hbm>>
      tpu.enqueue_dma source(%dma_start3A_738 : memref<8x128xf32, #tpu.memory_space<hbm>>) target(%dma_start3A_736 : memref<8x128xf32, #tpu.memory_space<vmem>>) target_semaphore(%arg21 : memref<!tpu.dma_semaphore, #tpu.memory_space<semaphore_mem>>)
      %dma_start3A_739 = arith.constant 2 : i32
      %dma_start3A_740 = arith.constant 8 : i32
      %dma_start3A_741 = arith.constant 0 : i32
      %dma_start3A_742 = tpu.memref_slice %arg13[%dma_start3A_739, %dma_start3A_740, %dma_start3A_741] : memref<8x16x128xf32, #tpu.memory_space<vmem>> -> memref<1x8x128xf32, #tpu.memory_space<vmem>>
      %dma_start3A_743 = tpu.memref_squeeze %dma_start3A_742 : memref<1x8x128xf32, #tpu.memory_space<vmem>> -> memref<8x128xf32, #tpu.memory_space<vmem>>
      %dma_start3A_744 = arith.constant 8 : i32
      %dma_start3A_745 = tpu.memref_slice %arg5[%dma_start3A_744, %multiple_of3A_699] : memref<16x1000000xf32, #tpu.memory_space<hbm>> -> memref<8x128xf32, #tpu.memory_space<hbm>>
      %dma_start3A_746 = arith.constant 8 : i32
      %dma_start3A_747 = arith.constant 0 : i32
      %dma_start3A_748 = tpu.memref_slice %arg13[%dma_start3A_739, %dma_start3A_746, %dma_start3A_747] : memref<8x16x128xf32, #tpu.memory_space<vmem>> -> memref<1x8x128xf32, #tpu.memory_space<vmem>>
      %dma_start3A_749 = tpu.memref_squeeze %dma_start3A_748 : memref<1x8x128xf32, #tpu.memory_space<vmem>> -> memref<8x128xf32, #tpu.memory_space<vmem>>
      %dma_start3A_750 = arith.constant 8 : i32
      %dma_start3A_751 = tpu.memref_slice %arg5[%dma_start3A_750, %multiple_of3A_699] : memref<16x1000000xf32, #tpu.memory_space<hbm>> -> memref<8x128xf32, #tpu.memory_space<hbm>>
      tpu.enqueue_dma source(%dma_start3A_751 : memref<8x128xf32, #tpu.memory_space<hbm>>) target(%dma_start3A_749 : memref<8x128xf32, #tpu.memory_space<vmem>>) target_semaphore(%arg21 : memref<!tpu.dma_semaphore, #tpu.memory_space<semaphore_mem>>)
      %slice3A_752 = vector.extract_strided_slice %get3A_547 {offsets = [11], sizes = [1], strides = [1]} : vector<16xi32> to vector<1xi32>
      %squeeze3A_753 = vector.extract %slice3A_752[0] : i32 from vector<1xi32>
      %slice3A_754 = vector.extract_strided_slice %get3A_551 {offsets = [11], sizes = [1], strides = [1]} : vector<16xi32> to vector<1xi32>
      %squeeze3A_755 = vector.extract %slice3A_754[0] : i32 from vector<1xi32>
      %shift_right_arithmetic3A_756 = arith.constant 7 : i32
      %shift_right_arithmetic3A_757 = arith.shrsi %squeeze3A_753, %shift_right_arithmetic3A_756 : i32
      %shift_left3A_758 = arith.constant 7 : i32
      %shift_left3A_759 = arith.shli %shift_right_arithmetic3A_757, %shift_left3A_758 : i32
      %multiple_of3A_760 = tpu.assume_multiple %shift_left3A_759, 128 : i32
      %shift_right_arithmetic3A_761 = arith.constant 7 : i32
      %shift_right_arithmetic3A_762 = arith.shrsi %squeeze3A_755, %shift_right_arithmetic3A_761 : i32
      %shift_left3A_763 = arith.constant 7 : i32
      %shift_left3A_764 = arith.shli %shift_right_arithmetic3A_762, %shift_left3A_763 : i32
      %multiple_of3A_765 = tpu.assume_multiple %shift_left3A_764, 128 : i32
      %dma_start3A_766 = arith.constant 3 : i32
      %dma_start3A_767 = arith.constant 0 : i32
      %dma_start3A_768 = arith.constant 0 : i32
      %dma_start3A_769 = tpu.memref_slice %arg11[%dma_start3A_766, %dma_start3A_767, %dma_start3A_768] : memref<8x16x128xf32, #tpu.memory_space<vmem>> -> memref<1x8x128xf32, #tpu.memory_space<vmem>>
      %dma_start3A_770 = tpu.memref_squeeze %dma_start3A_769 : memref<1x8x128xf32, #tpu.memory_space<vmem>> -> memref<8x128xf32, #tpu.memory_space<vmem>>
      %dma_start3A_771 = arith.constant 0 : i32
      %dma_start3A_772 = tpu.memref_slice %arg4[%dma_start3A_771, %multiple_of3A_760] : memref<16x1000000xf32, #tpu.memory_space<hbm>> -> memref<8x128xf32, #tpu.memory_space<hbm>>
      %dma_start3A_773 = arith.constant 0 : i32
      %dma_start3A_774 = arith.constant 0 : i32
      %dma_start3A_775 = tpu.memref_slice %arg11[%dma_start3A_766, %dma_start3A_773, %dma_start3A_774] : memref<8x16x128xf32, #tpu.memory_space<vmem>> -> memref<1x8x128xf32, #tpu.memory_space<vmem>>
      %dma_start3A_776 = tpu.memref_squeeze %dma_start3A_775 : memref<1x8x128xf32, #tpu.memory_space<vmem>> -> memref<8x128xf32, #tpu.memory_space<vmem>>
      %dma_start3A_777 = arith.constant 0 : i32
      %dma_start3A_778 = tpu.memref_slice %arg4[%dma_start3A_777, %multiple_of3A_760] : memref<16x1000000xf32, #tpu.memory_space<hbm>> -> memref<8x128xf32, #tpu.memory_space<hbm>>
      tpu.enqueue_dma source(%dma_start3A_778 : memref<8x128xf32, #tpu.memory_space<hbm>>) target(%dma_start3A_776 : memref<8x128xf32, #tpu.memory_space<vmem>>) target_semaphore(%arg19 : memref<!tpu.dma_semaphore, #tpu.memory_space<semaphore_mem>>)
      %dma_start3A_779 = arith.constant 3 : i32
      %dma_start3A_780 = arith.constant 8 : i32
      %dma_start3A_781 = arith.constant 0 : i32
      %dma_start3A_782 = tpu.memref_slice %arg11[%dma_start3A_779, %dma_start3A_780, %dma_start3A_781] : memref<8x16x128xf32, #tpu.memory_space<vmem>> -> memref<1x8x128xf32, #tpu.memory_space<vmem>>
      %dma_start3A_783 = tpu.memref_squeeze %dma_start3A_782 : memref<1x8x128xf32, #tpu.memory_space<vmem>> -> memref<8x128xf32, #tpu.memory_space<vmem>>
      %dma_start3A_784 = arith.constant 8 : i32
      %dma_start3A_785 = tpu.memref_slice %arg4[%dma_start3A_784, %multiple_of3A_760] : memref<16x1000000xf32, #tpu.memory_space<hbm>> -> memref<8x128xf32, #tpu.memory_space<hbm>>
      %dma_start3A_786 = arith.constant 8 : i32
      %dma_start3A_787 = arith.constant 0 : i32
      %dma_start3A_788 = tpu.memref_slice %arg11[%dma_start3A_779, %dma_start3A_786, %dma_start3A_787] : memref<8x16x128xf32, #tpu.memory_space<vmem>> -> memref<1x8x128xf32, #tpu.memory_space<vmem>>
      %dma_start3A_789 = tpu.memref_squeeze %dma_start3A_788 : memref<1x8x128xf32, #tpu.memory_space<vmem>> -> memref<8x128xf32, #tpu.memory_space<vmem>>
      %dma_start3A_790 = arith.constant 8 : i32
      %dma_start3A_791 = tpu.memref_slice %arg4[%dma_start3A_790, %multiple_of3A_760] : memref<16x1000000xf32, #tpu.memory_space<hbm>> -> memref<8x128xf32, #tpu.memory_space<hbm>>
      tpu.enqueue_dma source(%dma_start3A_791 : memref<8x128xf32, #tpu.memory_space<hbm>>) target(%dma_start3A_789 : memref<8x128xf32, #tpu.memory_space<vmem>>) target_semaphore(%arg19 : memref<!tpu.dma_semaphore, #tpu.memory_space<semaphore_mem>>)
      %dma_start3A_792 = arith.constant 3 : i32
      %dma_start3A_793 = arith.constant 0 : i32
      %dma_start3A_794 = arith.constant 0 : i32
      %dma_start3A_795 = tpu.memref_slice %arg13[%dma_start3A_792, %dma_start3A_793, %dma_start3A_794] : memref<8x16x128xf32, #tpu.memory_space<vmem>> -> memref<1x8x128xf32, #tpu.memory_space<vmem>>
      %dma_start3A_796 = tpu.memref_squeeze %dma_start3A_795 : memref<1x8x128xf32, #tpu.memory_space<vmem>> -> memref<8x128xf32, #tpu.memory_space<vmem>>
      %dma_start3A_797 = arith.constant 0 : i32
      %dma_start3A_798 = tpu.memref_slice %arg5[%dma_start3A_797, %multiple_of3A_765] : memref<16x1000000xf32, #tpu.memory_space<hbm>> -> memref<8x128xf32, #tpu.memory_space<hbm>>
      %dma_start3A_799 = arith.constant 0 : i32
      %dma_start3A_800 = arith.constant 0 : i32
      %dma_start3A_801 = tpu.memref_slice %arg13[%dma_start3A_792, %dma_start3A_799, %dma_start3A_800] : memref<8x16x128xf32, #tpu.memory_space<vmem>> -> memref<1x8x128xf32, #tpu.memory_space<vmem>>
      %dma_start3A_802 = tpu.memref_squeeze %dma_start3A_801 : memref<1x8x128xf32, #tpu.memory_space<vmem>> -> memref<8x128xf32, #tpu.memory_space<vmem>>
      %dma_start3A_803 = arith.constant 0 : i32
      %dma_start3A_804 = tpu.memref_slice %arg5[%dma_start3A_803, %multiple_of3A_765] : memref<16x1000000xf32, #tpu.memory_space<hbm>> -> memref<8x128xf32, #tpu.memory_space<hbm>>
      tpu.enqueue_dma source(%dma_start3A_804 : memref<8x128xf32, #tpu.memory_space<hbm>>) target(%dma_start3A_802 : memref<8x128xf32, #tpu.memory_space<vmem>>) target_semaphore(%arg21 : memref<!tpu.dma_semaphore, #tpu.memory_space<semaphore_mem>>)
      %dma_start3A_805 = arith.constant 3 : i32
      %dma_start3A_806 = arith.constant 8 : i32
      %dma_start3A_807 = arith.constant 0 : i32
      %dma_start3A_808 = tpu.memref_slice %arg13[%dma_start3A_805, %dma_start3A_806, %dma_start3A_807] : memref<8x16x128xf32, #tpu.memory_space<vmem>> -> memref<1x8x128xf32, #tpu.memory_space<vmem>>
      %dma_start3A_809 = tpu.memref_squeeze %dma_start3A_808 : memref<1x8x128xf32, #tpu.memory_space<vmem>> -> memref<8x128xf32, #tpu.memory_space<vmem>>
      %dma_start3A_810 = arith.constant 8 : i32
      %dma_start3A_811 = tpu.memref_slice %arg5[%dma_start3A_810, %multiple_of3A_765] : memref<16x1000000xf32, #tpu.memory_space<hbm>> -> memref<8x128xf32, #tpu.memory_space<hbm>>
      %dma_start3A_812 = arith.constant 8 : i32
      %dma_start3A_813 = arith.constant 0 : i32
      %dma_start3A_814 = tpu.memref_slice %arg13[%dma_start3A_805, %dma_start3A_812, %dma_start3A_813] : memref<8x16x128xf32, #tpu.memory_space<vmem>> -> memref<1x8x128xf32, #tpu.memory_space<vmem>>
      %dma_start3A_815 = tpu.memref_squeeze %dma_start3A_814 : memref<1x8x128xf32, #tpu.memory_space<vmem>> -> memref<8x128xf32, #tpu.memory_space<vmem>>
      %dma_start3A_816 = arith.constant 8 : i32
      %dma_start3A_817 = tpu.memref_slice %arg5[%dma_start3A_816, %multiple_of3A_765] : memref<16x1000000xf32, #tpu.memory_space<hbm>> -> memref<8x128xf32, #tpu.memory_space<hbm>>
      tpu.enqueue_dma source(%dma_start3A_817 : memref<8x128xf32, #tpu.memory_space<hbm>>) target(%dma_start3A_815 : memref<8x128xf32, #tpu.memory_space<vmem>>) target_semaphore(%arg21 : memref<!tpu.dma_semaphore, #tpu.memory_space<semaphore_mem>>)
      %slice3A_818 = vector.extract_strided_slice %get3A_547 {offsets = [12], sizes = [1], strides = [1]} : vector<16xi32> to vector<1xi32>
      %squeeze3A_819 = vector.extract %slice3A_818[0] : i32 from vector<1xi32>
      %slice3A_820 = vector.extract_strided_slice %get3A_551 {offsets = [12], sizes = [1], strides = [1]} : vector<16xi32> to vector<1xi32>
      %squeeze3A_821 = vector.extract %slice3A_820[0] : i32 from vector<1xi32>
      %shift_right_arithmetic3A_822 = arith.constant 7 : i32
      %shift_right_arithmetic3A_823 = arith.shrsi %squeeze3A_819, %shift_right_arithmetic3A_822 : i32
      %shift_left3A_824 = arith.constant 7 : i32
      %shift_left3A_825 = arith.shli %shift_right_arithmetic3A_823, %shift_left3A_824 : i32
      %multiple_of3A_826 = tpu.assume_multiple %shift_left3A_825, 128 : i32
      %shift_right_arithmetic3A_827 = arith.constant 7 : i32
      %shift_right_arithmetic3A_828 = arith.shrsi %squeeze3A_821, %shift_right_arithmetic3A_827 : i32
      %shift_left3A_829 = arith.constant 7 : i32
      %shift_left3A_830 = arith.shli %shift_right_arithmetic3A_828, %shift_left3A_829 : i32
      %multiple_of3A_831 = tpu.assume_multiple %shift_left3A_830, 128 : i32
      %dma_start3A_832 = arith.constant 4 : i32
      %dma_start3A_833 = arith.constant 0 : i32
      %dma_start3A_834 = arith.constant 0 : i32
      %dma_start3A_835 = tpu.memref_slice %arg11[%dma_start3A_832, %dma_start3A_833, %dma_start3A_834] : memref<8x16x128xf32, #tpu.memory_space<vmem>> -> memref<1x8x128xf32, #tpu.memory_space<vmem>>
      %dma_start3A_836 = tpu.memref_squeeze %dma_start3A_835 : memref<1x8x128xf32, #tpu.memory_space<vmem>> -> memref<8x128xf32, #tpu.memory_space<vmem>>
      %dma_start3A_837 = arith.constant 0 : i32
      %dma_start3A_838 = tpu.memref_slice %arg4[%dma_start3A_837, %multiple_of3A_826] : memref<16x1000000xf32, #tpu.memory_space<hbm>> -> memref<8x128xf32, #tpu.memory_space<hbm>>
      %dma_start3A_839 = arith.constant 0 : i32
      %dma_start3A_840 = arith.constant 0 : i32
      %dma_start3A_841 = tpu.memref_slice %arg11[%dma_start3A_832, %dma_start3A_839, %dma_start3A_840] : memref<8x16x128xf32, #tpu.memory_space<vmem>> -> memref<1x8x128xf32, #tpu.memory_space<vmem>>
      %dma_start3A_842 = tpu.memref_squeeze %dma_start3A_841 : memref<1x8x128xf32, #tpu.memory_space<vmem>> -> memref<8x128xf32, #tpu.memory_space<vmem>>
      %dma_start3A_843 = arith.constant 0 : i32
      %dma_start3A_844 = tpu.memref_slice %arg4[%dma_start3A_843, %multiple_of3A_826] : memref<16x1000000xf32, #tpu.memory_space<hbm>> -> memref<8x128xf32, #tpu.memory_space<hbm>>
      tpu.enqueue_dma source(%dma_start3A_844 : memref<8x128xf32, #tpu.memory_space<hbm>>) target(%dma_start3A_842 : memref<8x128xf32, #tpu.memory_space<vmem>>) target_semaphore(%arg19 : memref<!tpu.dma_semaphore, #tpu.memory_space<semaphore_mem>>)
      %dma_start3A_845 = arith.constant 4 : i32
      %dma_start3A_846 = arith.constant 8 : i32
      %dma_start3A_847 = arith.constant 0 : i32
      %dma_start3A_848 = tpu.memref_slice %arg11[%dma_start3A_845, %dma_start3A_846, %dma_start3A_847] : memref<8x16x128xf32, #tpu.memory_space<vmem>> -> memref<1x8x128xf32, #tpu.memory_space<vmem>>
      %dma_start3A_849 = tpu.memref_squeeze %dma_start3A_848 : memref<1x8x128xf32, #tpu.memory_space<vmem>> -> memref<8x128xf32, #tpu.memory_space<vmem>>
      %dma_start3A_850 = arith.constant 8 : i32
      %dma_start3A_851 = tpu.memref_slice %arg4[%dma_start3A_850, %multiple_of3A_826] : memref<16x1000000xf32, #tpu.memory_space<hbm>> -> memref<8x128xf32, #tpu.memory_space<hbm>>
      %dma_start3A_852 = arith.constant 8 : i32
      %dma_start3A_853 = arith.constant 0 : i32
      %dma_start3A_854 = tpu.memref_slice %arg11[%dma_start3A_845, %dma_start3A_852, %dma_start3A_853] : memref<8x16x128xf32, #tpu.memory_space<vmem>> -> memref<1x8x128xf32, #tpu.memory_space<vmem>>
      %dma_start3A_855 = tpu.memref_squeeze %dma_start3A_854 : memref<1x8x128xf32, #tpu.memory_space<vmem>> -> memref<8x128xf32, #tpu.memory_space<vmem>>
      %dma_start3A_856 = arith.constant 8 : i32
      %dma_start3A_857 = tpu.memref_slice %arg4[%dma_start3A_856, %multiple_of3A_826] : memref<16x1000000xf32, #tpu.memory_space<hbm>> -> memref<8x128xf32, #tpu.memory_space<hbm>>
      tpu.enqueue_dma source(%dma_start3A_857 : memref<8x128xf32, #tpu.memory_space<hbm>>) target(%dma_start3A_855 : memref<8x128xf32, #tpu.memory_space<vmem>>) target_semaphore(%arg19 : memref<!tpu.dma_semaphore, #tpu.memory_space<semaphore_mem>>)
      %dma_start3A_858 = arith.constant 4 : i32
      %dma_start3A_859 = arith.constant 0 : i32
      %dma_start3A_860 = arith.constant 0 : i32
      %dma_start3A_861 = tpu.memref_slice %arg13[%dma_start3A_858, %dma_start3A_859, %dma_start3A_860] : memref<8x16x128xf32, #tpu.memory_space<vmem>> -> memref<1x8x128xf32, #tpu.memory_space<vmem>>
      %dma_start3A_862 = tpu.memref_squeeze %dma_start3A_861 : memref<1x8x128xf32, #tpu.memory_space<vmem>> -> memref<8x128xf32, #tpu.memory_space<vmem>>
      %dma_start3A_863 = arith.constant 0 : i32
      %dma_start3A_864 = tpu.memref_slice %arg5[%dma_start3A_863, %multiple_of3A_831] : memref<16x1000000xf32, #tpu.memory_space<hbm>> -> memref<8x128xf32, #tpu.memory_space<hbm>>
      %dma_start3A_865 = arith.constant 0 : i32
      %dma_start3A_866 = arith.constant 0 : i32
      %dma_start3A_867 = tpu.memref_slice %arg13[%dma_start3A_858, %dma_start3A_865, %dma_start3A_866] : memref<8x16x128xf32, #tpu.memory_space<vmem>> -> memref<1x8x128xf32, #tpu.memory_space<vmem>>
      %dma_start3A_868 = tpu.memref_squeeze %dma_start3A_867 : memref<1x8x128xf32, #tpu.memory_space<vmem>> -> memref<8x128xf32, #tpu.memory_space<vmem>>
      %dma_start3A_869 = arith.constant 0 : i32
      %dma_start3A_870 = tpu.memref_slice %arg5[%dma_start3A_869, %multiple_of3A_831] : memref<16x1000000xf32, #tpu.memory_space<hbm>> -> memref<8x128xf32, #tpu.memory_space<hbm>>
      tpu.enqueue_dma source(%dma_start3A_870 : memref<8x128xf32, #tpu.memory_space<hbm>>) target(%dma_start3A_868 : memref<8x128xf32, #tpu.memory_space<vmem>>) target_semaphore(%arg21 : memref<!tpu.dma_semaphore, #tpu.memory_space<semaphore_mem>>)
      %dma_start3A_871 = arith.constant 4 : i32
      %dma_start3A_872 = arith.constant 8 : i32
      %dma_start3A_873 = arith.constant 0 : i32
      %dma_start3A_874 = tpu.memref_slice %arg13[%dma_start3A_871, %dma_start3A_872, %dma_start3A_873] : memref<8x16x128xf32, #tpu.memory_space<vmem>> -> memref<1x8x128xf32, #tpu.memory_space<vmem>>
      %dma_start3A_875 = tpu.memref_squeeze %dma_start3A_874 : memref<1x8x128xf32, #tpu.memory_space<vmem>> -> memref<8x128xf32, #tpu.memory_space<vmem>>
      %dma_start3A_876 = arith.constant 8 : i32
      %dma_start3A_877 = tpu.memref_slice %arg5[%dma_start3A_876, %multiple_of3A_831] : memref<16x1000000xf32, #tpu.memory_space<hbm>> -> memref<8x128xf32, #tpu.memory_space<hbm>>
      %dma_start3A_878 = arith.constant 8 : i32
      %dma_start3A_879 = arith.constant 0 : i32
      %dma_start3A_880 = tpu.memref_slice %arg13[%dma_start3A_871, %dma_start3A_878, %dma_start3A_879] : memref<8x16x128xf32, #tpu.memory_space<vmem>> -> memref<1x8x128xf32, #tpu.memory_space<vmem>>
      %dma_start3A_881 = tpu.memref_squeeze %dma_start3A_880 : memref<1x8x128xf32, #tpu.memory_space<vmem>> -> memref<8x128xf32, #tpu.memory_space<vmem>>
      %dma_start3A_882 = arith.constant 8 : i32
      %dma_start3A_883 = tpu.memref_slice %arg5[%dma_start3A_882, %multiple_of3A_831] : memref<16x1000000xf32, #tpu.memory_space<hbm>> -> memref<8x128xf32, #tpu.memory_space<hbm>>
      tpu.enqueue_dma source(%dma_start3A_883 : memref<8x128xf32, #tpu.memory_space<hbm>>) target(%dma_start3A_881 : memref<8x128xf32, #tpu.memory_space<vmem>>) target_semaphore(%arg21 : memref<!tpu.dma_semaphore, #tpu.memory_space<semaphore_mem>>)
      %slice3A_884 = vector.extract_strided_slice %get3A_547 {offsets = [13], sizes = [1], strides = [1]} : vector<16xi32> to vector<1xi32>
      %squeeze3A_885 = vector.extract %slice3A_884[0] : i32 from vector<1xi32>
      %slice3A_886 = vector.extract_strided_slice %get3A_551 {offsets = [13], sizes = [1], strides = [1]} : vector<16xi32> to vector<1xi32>
      %squeeze3A_887 = vector.extract %slice3A_886[0] : i32 from vector<1xi32>
      %shift_right_arithmetic3A_888 = arith.constant 7 : i32
      %shift_right_arithmetic3A_889 = arith.shrsi %squeeze3A_885, %shift_right_arithmetic3A_888 : i32
      %shift_left3A_890 = arith.constant 7 : i32
      %shift_left3A_891 = arith.shli %shift_right_arithmetic3A_889, %shift_left3A_890 : i32
      %multiple_of3A_892 = tpu.assume_multiple %shift_left3A_891, 128 : i32
      %shift_right_arithmetic3A_893 = arith.constant 7 : i32
      %shift_right_arithmetic3A_894 = arith.shrsi %squeeze3A_887, %shift_right_arithmetic3A_893 : i32
      %shift_left3A_895 = arith.constant 7 : i32
      %shift_left3A_896 = arith.shli %shift_right_arithmetic3A_894, %shift_left3A_895 : i32
      %multiple_of3A_897 = tpu.assume_multiple %shift_left3A_896, 128 : i32
      %dma_start3A_898 = arith.constant 5 : i32
      %dma_start3A_899 = arith.constant 0 : i32
      %dma_start3A_900 = arith.constant 0 : i32
      %dma_start3A_901 = tpu.memref_slice %arg11[%dma_start3A_898, %dma_start3A_899, %dma_start3A_900] : memref<8x16x128xf32, #tpu.memory_space<vmem>> -> memref<1x8x128xf32, #tpu.memory_space<vmem>>
      %dma_start3A_902 = tpu.memref_squeeze %dma_start3A_901 : memref<1x8x128xf32, #tpu.memory_space<vmem>> -> memref<8x128xf32, #tpu.memory_space<vmem>>
      %dma_start3A_903 = arith.constant 0 : i32
      %dma_start3A_904 = tpu.memref_slice %arg4[%dma_start3A_903, %multiple_of3A_892] : memref<16x1000000xf32, #tpu.memory_space<hbm>> -> memref<8x128xf32, #tpu.memory_space<hbm>>
      %dma_start3A_905 = arith.constant 0 : i32
      %dma_start3A_906 = arith.constant 0 : i32
      %dma_start3A_907 = tpu.memref_slice %arg11[%dma_start3A_898, %dma_start3A_905, %dma_start3A_906] : memref<8x16x128xf32, #tpu.memory_space<vmem>> -> memref<1x8x128xf32, #tpu.memory_space<vmem>>
      %dma_start3A_908 = tpu.memref_squeeze %dma_start3A_907 : memref<1x8x128xf32, #tpu.memory_space<vmem>> -> memref<8x128xf32, #tpu.memory_space<vmem>>
      %dma_start3A_909 = arith.constant 0 : i32
      %dma_start3A_910 = tpu.memref_slice %arg4[%dma_start3A_909, %multiple_of3A_892] : memref<16x1000000xf32, #tpu.memory_space<hbm>> -> memref<8x128xf32, #tpu.memory_space<hbm>>
      tpu.enqueue_dma source(%dma_start3A_910 : memref<8x128xf32, #tpu.memory_space<hbm>>) target(%dma_start3A_908 : memref<8x128xf32, #tpu.memory_space<vmem>>) target_semaphore(%arg19 : memref<!tpu.dma_semaphore, #tpu.memory_space<semaphore_mem>>)
      %dma_start3A_911 = arith.constant 5 : i32
      %dma_start3A_912 = arith.constant 8 : i32
      %dma_start3A_913 = arith.constant 0 : i32
      %dma_start3A_914 = tpu.memref_slice %arg11[%dma_start3A_911, %dma_start3A_912, %dma_start3A_913] : memref<8x16x128xf32, #tpu.memory_space<vmem>> -> memref<1x8x128xf32, #tpu.memory_space<vmem>>
      %dma_start3A_915 = tpu.memref_squeeze %dma_start3A_914 : memref<1x8x128xf32, #tpu.memory_space<vmem>> -> memref<8x128xf32, #tpu.memory_space<vmem>>
      %dma_start3A_916 = arith.constant 8 : i32
      %dma_start3A_917 = tpu.memref_slice %arg4[%dma_start3A_916, %multiple_of3A_892] : memref<16x1000000xf32, #tpu.memory_space<hbm>> -> memref<8x128xf32, #tpu.memory_space<hbm>>
      %dma_start3A_918 = arith.constant 8 : i32
      %dma_start3A_919 = arith.constant 0 : i32
      %dma_start3A_920 = tpu.memref_slice %arg11[%dma_start3A_911, %dma_start3A_918, %dma_start3A_919] : memref<8x16x128xf32, #tpu.memory_space<vmem>> -> memref<1x8x128xf32, #tpu.memory_space<vmem>>
      %dma_start3A_921 = tpu.memref_squeeze %dma_start3A_920 : memref<1x8x128xf32, #tpu.memory_space<vmem>> -> memref<8x128xf32, #tpu.memory_space<vmem>>
      %dma_start3A_922 = arith.constant 8 : i32
      %dma_start3A_923 = tpu.memref_slice %arg4[%dma_start3A_922, %multiple_of3A_892] : memref<16x1000000xf32, #tpu.memory_space<hbm>> -> memref<8x128xf32, #tpu.memory_space<hbm>>
      tpu.enqueue_dma source(%dma_start3A_923 : memref<8x128xf32, #tpu.memory_space<hbm>>) target(%dma_start3A_921 : memref<8x128xf32, #tpu.memory_space<vmem>>) target_semaphore(%arg19 : memref<!tpu.dma_semaphore, #tpu.memory_space<semaphore_mem>>)
      %dma_start3A_924 = arith.constant 5 : i32
      %dma_start3A_925 = arith.constant 0 : i32
      %dma_start3A_926 = arith.constant 0 : i32
      %dma_start3A_927 = tpu.memref_slice %arg13[%dma_start3A_924, %dma_start3A_925, %dma_start3A_926] : memref<8x16x128xf32, #tpu.memory_space<vmem>> -> memref<1x8x128xf32, #tpu.memory_space<vmem>>
      %dma_start3A_928 = tpu.memref_squeeze %dma_start3A_927 : memref<1x8x128xf32, #tpu.memory_space<vmem>> -> memref<8x128xf32, #tpu.memory_space<vmem>>
      %dma_start3A_929 = arith.constant 0 : i32
      %dma_start3A_930 = tpu.memref_slice %arg5[%dma_start3A_929, %multiple_of3A_897] : memref<16x1000000xf32, #tpu.memory_space<hbm>> -> memref<8x128xf32, #tpu.memory_space<hbm>>
      %dma_start3A_931 = arith.constant 0 : i32
      %dma_start3A_932 = arith.constant 0 : i32
      %dma_start3A_933 = tpu.memref_slice %arg13[%dma_start3A_924, %dma_start3A_931, %dma_start3A_932] : memref<8x16x128xf32, #tpu.memory_space<vmem>> -> memref<1x8x128xf32, #tpu.memory_space<vmem>>
      %dma_start3A_934 = tpu.memref_squeeze %dma_start3A_933 : memref<1x8x128xf32, #tpu.memory_space<vmem>> -> memref<8x128xf32, #tpu.memory_space<vmem>>
      %dma_start3A_935 = arith.constant 0 : i32
      %dma_start3A_936 = tpu.memref_slice %arg5[%dma_start3A_935, %multiple_of3A_897] : memref<16x1000000xf32, #tpu.memory_space<hbm>> -> memref<8x128xf32, #tpu.memory_space<hbm>>
      tpu.enqueue_dma source(%dma_start3A_936 : memref<8x128xf32, #tpu.memory_space<hbm>>) target(%dma_start3A_934 : memref<8x128xf32, #tpu.memory_space<vmem>>) target_semaphore(%arg21 : memref<!tpu.dma_semaphore, #tpu.memory_space<semaphore_mem>>)
      %dma_start3A_937 = arith.constant 5 : i32
      %dma_start3A_938 = arith.constant 8 : i32
      %dma_start3A_939 = arith.constant 0 : i32
      %dma_start3A_940 = tpu.memref_slice %arg13[%dma_start3A_937, %dma_start3A_938, %dma_start3A_939] : memref<8x16x128xf32, #tpu.memory_space<vmem>> -> memref<1x8x128xf32, #tpu.memory_space<vmem>>
      %dma_start3A_941 = tpu.memref_squeeze %dma_start3A_940 : memref<1x8x128xf32, #tpu.memory_space<vmem>> -> memref<8x128xf32, #tpu.memory_space<vmem>>
      %dma_start3A_942 = arith.constant 8 : i32
      %dma_start3A_943 = tpu.memref_slice %arg5[%dma_start3A_942, %multiple_of3A_897] : memref<16x1000000xf32, #tpu.memory_space<hbm>> -> memref<8x128xf32, #tpu.memory_space<hbm>>
      %dma_start3A_944 = arith.constant 8 : i32
      %dma_start3A_945 = arith.constant 0 : i32
      %dma_start3A_946 = tpu.memref_slice %arg13[%dma_start3A_937, %dma_start3A_944, %dma_start3A_945] : memref<8x16x128xf32, #tpu.memory_space<vmem>> -> memref<1x8x128xf32, #tpu.memory_space<vmem>>
      %dma_start3A_947 = tpu.memref_squeeze %dma_start3A_946 : memref<1x8x128xf32, #tpu.memory_space<vmem>> -> memref<8x128xf32, #tpu.memory_space<vmem>>
      %dma_start3A_948 = arith.constant 8 : i32
      %dma_start3A_949 = tpu.memref_slice %arg5[%dma_start3A_948, %multiple_of3A_897] : memref<16x1000000xf32, #tpu.memory_space<hbm>> -> memref<8x128xf32, #tpu.memory_space<hbm>>
      tpu.enqueue_dma source(%dma_start3A_949 : memref<8x128xf32, #tpu.memory_space<hbm>>) target(%dma_start3A_947 : memref<8x128xf32, #tpu.memory_space<vmem>>) target_semaphore(%arg21 : memref<!tpu.dma_semaphore, #tpu.memory_space<semaphore_mem>>)
      %slice3A_950 = vector.extract_strided_slice %get3A_547 {offsets = [14], sizes = [1], strides = [1]} : vector<16xi32> to vector<1xi32>
      %squeeze3A_951 = vector.extract %slice3A_950[0] : i32 from vector<1xi32>
      %slice3A_952 = vector.extract_strided_slice %get3A_551 {offsets = [14], sizes = [1], strides = [1]} : vector<16xi32> to vector<1xi32>
      %squeeze3A_953 = vector.extract %slice3A_952[0] : i32 from vector<1xi32>
      %shift_right_arithmetic3A_954 = arith.constant 7 : i32
      %shift_right_arithmetic3A_955 = arith.shrsi %squeeze3A_951, %shift_right_arithmetic3A_954 : i32
      %shift_left3A_956 = arith.constant 7 : i32
      %shift_left3A_957 = arith.shli %shift_right_arithmetic3A_955, %shift_left3A_956 : i32
      %multiple_of3A_958 = tpu.assume_multiple %shift_left3A_957, 128 : i32
      %shift_right_arithmetic3A_959 = arith.constant 7 : i32
      %shift_right_arithmetic3A_960 = arith.shrsi %squeeze3A_953, %shift_right_arithmetic3A_959 : i32
      %shift_left3A_961 = arith.constant 7 : i32
      %shift_left3A_962 = arith.shli %shift_right_arithmetic3A_960, %shift_left3A_961 : i32
      %multiple_of3A_963 = tpu.assume_multiple %shift_left3A_962, 128 : i32
      %dma_start3A_964 = arith.constant 6 : i32
      %dma_start3A_965 = arith.constant 0 : i32
      %dma_start3A_966 = arith.constant 0 : i32
      %dma_start3A_967 = tpu.memref_slice %arg11[%dma_start3A_964, %dma_start3A_965, %dma_start3A_966] : memref<8x16x128xf32, #tpu.memory_space<vmem>> -> memref<1x8x128xf32, #tpu.memory_space<vmem>>
      %dma_start3A_968 = tpu.memref_squeeze %dma_start3A_967 : memref<1x8x128xf32, #tpu.memory_space<vmem>> -> memref<8x128xf32, #tpu.memory_space<vmem>>
      %dma_start3A_969 = arith.constant 0 : i32
      %dma_start3A_970 = tpu.memref_slice %arg4[%dma_start3A_969, %multiple_of3A_958] : memref<16x1000000xf32, #tpu.memory_space<hbm>> -> memref<8x128xf32, #tpu.memory_space<hbm>>
      %dma_start3A_971 = arith.constant 0 : i32
      %dma_start3A_972 = arith.constant 0 : i32
      %dma_start3A_973 = tpu.memref_slice %arg11[%dma_start3A_964, %dma_start3A_971, %dma_start3A_972] : memref<8x16x128xf32, #tpu.memory_space<vmem>> -> memref<1x8x128xf32, #tpu.memory_space<vmem>>
      %dma_start3A_974 = tpu.memref_squeeze %dma_start3A_973 : memref<1x8x128xf32, #tpu.memory_space<vmem>> -> memref<8x128xf32, #tpu.memory_space<vmem>>
      %dma_start3A_975 = arith.constant 0 : i32
      %dma_start3A_976 = tpu.memref_slice %arg4[%dma_start3A_975, %multiple_of3A_958] : memref<16x1000000xf32, #tpu.memory_space<hbm>> -> memref<8x128xf32, #tpu.memory_space<hbm>>
      tpu.enqueue_dma source(%dma_start3A_976 : memref<8x128xf32, #tpu.memory_space<hbm>>) target(%dma_start3A_974 : memref<8x128xf32, #tpu.memory_space<vmem>>) target_semaphore(%arg19 : memref<!tpu.dma_semaphore, #tpu.memory_space<semaphore_mem>>)
      %dma_start3A_977 = arith.constant 6 : i32
      %dma_start3A_978 = arith.constant 8 : i32
      %dma_start3A_979 = arith.constant 0 : i32
      %dma_start3A_980 = tpu.memref_slice %arg11[%dma_start3A_977, %dma_start3A_978, %dma_start3A_979] : memref<8x16x128xf32, #tpu.memory_space<vmem>> -> memref<1x8x128xf32, #tpu.memory_space<vmem>>
      %dma_start3A_981 = tpu.memref_squeeze %dma_start3A_980 : memref<1x8x128xf32, #tpu.memory_space<vmem>> -> memref<8x128xf32, #tpu.memory_space<vmem>>
      %dma_start3A_982 = arith.constant 8 : i32
      %dma_start3A_983 = tpu.memref_slice %arg4[%dma_start3A_982, %multiple_of3A_958] : memref<16x1000000xf32, #tpu.memory_space<hbm>> -> memref<8x128xf32, #tpu.memory_space<hbm>>
      %dma_start3A_984 = arith.constant 8 : i32
      %dma_start3A_985 = arith.constant 0 : i32
      %dma_start3A_986 = tpu.memref_slice %arg11[%dma_start3A_977, %dma_start3A_984, %dma_start3A_985] : memref<8x16x128xf32, #tpu.memory_space<vmem>> -> memref<1x8x128xf32, #tpu.memory_space<vmem>>
      %dma_start3A_987 = tpu.memref_squeeze %dma_start3A_986 : memref<1x8x128xf32, #tpu.memory_space<vmem>> -> memref<8x128xf32, #tpu.memory_space<vmem>>
      %dma_start3A_988 = arith.constant 8 : i32
      %dma_start3A_989 = tpu.memref_slice %arg4[%dma_start3A_988, %multiple_of3A_958] : memref<16x1000000xf32, #tpu.memory_space<hbm>> -> memref<8x128xf32, #tpu.memory_space<hbm>>
      tpu.enqueue_dma source(%dma_start3A_989 : memref<8x128xf32, #tpu.memory_space<hbm>>) target(%dma_start3A_987 : memref<8x128xf32, #tpu.memory_space<vmem>>) target_semaphore(%arg19 : memref<!tpu.dma_semaphore, #tpu.memory_space<semaphore_mem>>)
      %dma_start3A_990 = arith.constant 6 : i32
      %dma_start3A_991 = arith.constant 0 : i32
      %dma_start3A_992 = arith.constant 0 : i32
      %dma_start3A_993 = tpu.memref_slice %arg13[%dma_start3A_990, %dma_start3A_991, %dma_start3A_992] : memref<8x16x128xf32, #tpu.memory_space<vmem>> -> memref<1x8x128xf32, #tpu.memory_space<vmem>>
      %dma_start3A_994 = tpu.memref_squeeze %dma_start3A_993 : memref<1x8x128xf32, #tpu.memory_space<vmem>> -> memref<8x128xf32, #tpu.memory_space<vmem>>
      %dma_start3A_995 = arith.constant 0 : i32
      %dma_start3A_996 = tpu.memref_slice %arg5[%dma_start3A_995, %multiple_of3A_963] : memref<16x1000000xf32, #tpu.memory_space<hbm>> -> memref<8x128xf32, #tpu.memory_space<hbm>>
      %dma_start3A_997 = arith.constant 0 : i32
      %dma_start3A_998 = arith.constant 0 : i32
      %dma_start3A_999 = tpu.memref_slice %arg13[%dma_start3A_990, %dma_start3A_997, %dma_start3A_998] : memref<8x16x128xf32, #tpu.memory_space<vmem>> -> memref<1x8x128xf32, #tpu.memory_space<vmem>>
      %dma_start3A_1000 = tpu.memref_squeeze %dma_start3A_999 : memref<1x8x128xf32, #tpu.memory_space<vmem>> -> memref<8x128xf32, #tpu.memory_space<vmem>>
      %dma_start3A_1001 = arith.constant 0 : i32
      %dma_start3A_1002 = tpu.memref_slice %arg5[%dma_start3A_1001, %multiple_of3A_963] : memref<16x1000000xf32, #tpu.memory_space<hbm>> -> memref<8x128xf32, #tpu.memory_space<hbm>>
      tpu.enqueue_dma source(%dma_start3A_1002 : memref<8x128xf32, #tpu.memory_space<hbm>>) target(%dma_start3A_1000 : memref<8x128xf32, #tpu.memory_space<vmem>>) target_semaphore(%arg21 : memref<!tpu.dma_semaphore, #tpu.memory_space<semaphore_mem>>)
      %dma_start3A_1003 = arith.constant 6 : i32
      %dma_start3A_1004 = arith.constant 8 : i32
      %dma_start3A_1005 = arith.constant 0 : i32
      %dma_start3A_1006 = tpu.memref_slice %arg13[%dma_start3A_1003, %dma_start3A_1004, %dma_start3A_1005] : memref<8x16x128xf32, #tpu.memory_space<vmem>> -> memref<1x8x128xf32, #tpu.memory_space<vmem>>
      %dma_start3A_1007 = tpu.memref_squeeze %dma_start3A_1006 : memref<1x8x128xf32, #tpu.memory_space<vmem>> -> memref<8x128xf32, #tpu.memory_space<vmem>>
      %dma_start3A_1008 = arith.constant 8 : i32
      %dma_start3A_1009 = tpu.memref_slice %arg5[%dma_start3A_1008, %multiple_of3A_963] : memref<16x1000000xf32, #tpu.memory_space<hbm>> -> memref<8x128xf32, #tpu.memory_space<hbm>>
      %dma_start3A_1010 = arith.constant 8 : i32
      %dma_start3A_1011 = arith.constant 0 : i32
      %dma_start3A_1012 = tpu.memref_slice %arg13[%dma_start3A_1003, %dma_start3A_1010, %dma_start3A_1011] : memref<8x16x128xf32, #tpu.memory_space<vmem>> -> memref<1x8x128xf32, #tpu.memory_space<vmem>>
      %dma_start3A_1013 = tpu.memref_squeeze %dma_start3A_1012 : memref<1x8x128xf32, #tpu.memory_space<vmem>> -> memref<8x128xf32, #tpu.memory_space<vmem>>
      %dma_start3A_1014 = arith.constant 8 : i32
      %dma_start3A_1015 = tpu.memref_slice %arg5[%dma_start3A_1014, %multiple_of3A_963] : memref<16x1000000xf32, #tpu.memory_space<hbm>> -> memref<8x128xf32, #tpu.memory_space<hbm>>
      tpu.enqueue_dma source(%dma_start3A_1015 : memref<8x128xf32, #tpu.memory_space<hbm>>) target(%dma_start3A_1013 : memref<8x128xf32, #tpu.memory_space<vmem>>) target_semaphore(%arg21 : memref<!tpu.dma_semaphore, #tpu.memory_space<semaphore_mem>>)
      %slice3A_1016 = vector.extract_strided_slice %get3A_547 {offsets = [15], sizes = [1], strides = [1]} : vector<16xi32> to vector<1xi32>
      %squeeze3A_1017 = vector.extract %slice3A_1016[0] : i32 from vector<1xi32>
      %slice3A_1018 = vector.extract_strided_slice %get3A_551 {offsets = [15], sizes = [1], strides = [1]} : vector<16xi32> to vector<1xi32>
      %squeeze3A_1019 = vector.extract %slice3A_1018[0] : i32 from vector<1xi32>
      %shift_right_arithmetic3A_1020 = arith.constant 7 : i32
      %shift_right_arithmetic3A_1021 = arith.shrsi %squeeze3A_1017, %shift_right_arithmetic3A_1020 : i32
      %shift_left3A_1022 = arith.constant 7 : i32
      %shift_left3A_1023 = arith.shli %shift_right_arithmetic3A_1021, %shift_left3A_1022 : i32
      %multiple_of3A_1024 = tpu.assume_multiple %shift_left3A_1023, 128 : i32
      %shift_right_arithmetic3A_1025 = arith.constant 7 : i32
      %shift_right_arithmetic3A_1026 = arith.shrsi %squeeze3A_1019, %shift_right_arithmetic3A_1025 : i32
      %shift_left3A_1027 = arith.constant 7 : i32
      %shift_left3A_1028 = arith.shli %shift_right_arithmetic3A_1026, %shift_left3A_1027 : i32
      %multiple_of3A_1029 = tpu.assume_multiple %shift_left3A_1028, 128 : i32
      %dma_start3A_1030 = arith.constant 7 : i32
      %dma_start3A_1031 = arith.constant 0 : i32
      %dma_start3A_1032 = arith.constant 0 : i32
      %dma_start3A_1033 = tpu.memref_slice %arg11[%dma_start3A_1030, %dma_start3A_1031, %dma_start3A_1032] : memref<8x16x128xf32, #tpu.memory_space<vmem>> -> memref<1x8x128xf32, #tpu.memory_space<vmem>>
      %dma_start3A_1034 = tpu.memref_squeeze %dma_start3A_1033 : memref<1x8x128xf32, #tpu.memory_space<vmem>> -> memref<8x128xf32, #tpu.memory_space<vmem>>
      %dma_start3A_1035 = arith.constant 0 : i32
      %dma_start3A_1036 = tpu.memref_slice %arg4[%dma_start3A_1035, %multiple_of3A_1024] : memref<16x1000000xf32, #tpu.memory_space<hbm>> -> memref<8x128xf32, #tpu.memory_space<hbm>>
      %dma_start3A_1037 = arith.constant 0 : i32
      %dma_start3A_1038 = arith.constant 0 : i32
      %dma_start3A_1039 = tpu.memref_slice %arg11[%dma_start3A_1030, %dma_start3A_1037, %dma_start3A_1038] : memref<8x16x128xf32, #tpu.memory_space<vmem>> -> memref<1x8x128xf32, #tpu.memory_space<vmem>>
      %dma_start3A_1040 = tpu.memref_squeeze %dma_start3A_1039 : memref<1x8x128xf32, #tpu.memory_space<vmem>> -> memref<8x128xf32, #tpu.memory_space<vmem>>
      %dma_start3A_1041 = arith.constant 0 : i32
      %dma_start3A_1042 = tpu.memref_slice %arg4[%dma_start3A_1041, %multiple_of3A_1024] : memref<16x1000000xf32, #tpu.memory_space<hbm>> -> memref<8x128xf32, #tpu.memory_space<hbm>>
      tpu.enqueue_dma source(%dma_start3A_1042 : memref<8x128xf32, #tpu.memory_space<hbm>>) target(%dma_start3A_1040 : memref<8x128xf32, #tpu.memory_space<vmem>>) target_semaphore(%arg19 : memref<!tpu.dma_semaphore, #tpu.memory_space<semaphore_mem>>)
      %dma_start3A_1043 = arith.constant 7 : i32
      %dma_start3A_1044 = arith.constant 8 : i32
      %dma_start3A_1045 = arith.constant 0 : i32
      %dma_start3A_1046 = tpu.memref_slice %arg11[%dma_start3A_1043, %dma_start3A_1044, %dma_start3A_1045] : memref<8x16x128xf32, #tpu.memory_space<vmem>> -> memref<1x8x128xf32, #tpu.memory_space<vmem>>
      %dma_start3A_1047 = tpu.memref_squeeze %dma_start3A_1046 : memref<1x8x128xf32, #tpu.memory_space<vmem>> -> memref<8x128xf32, #tpu.memory_space<vmem>>
      %dma_start3A_1048 = arith.constant 8 : i32
      %dma_start3A_1049 = tpu.memref_slice %arg4[%dma_start3A_1048, %multiple_of3A_1024] : memref<16x1000000xf32, #tpu.memory_space<hbm>> -> memref<8x128xf32, #tpu.memory_space<hbm>>
      %dma_start3A_1050 = arith.constant 8 : i32
      %dma_start3A_1051 = arith.constant 0 : i32
      %dma_start3A_1052 = tpu.memref_slice %arg11[%dma_start3A_1043, %dma_start3A_1050, %dma_start3A_1051] : memref<8x16x128xf32, #tpu.memory_space<vmem>> -> memref<1x8x128xf32, #tpu.memory_space<vmem>>
      %dma_start3A_1053 = tpu.memref_squeeze %dma_start3A_1052 : memref<1x8x128xf32, #tpu.memory_space<vmem>> -> memref<8x128xf32, #tpu.memory_space<vmem>>
      %dma_start3A_1054 = arith.constant 8 : i32
      %dma_start3A_1055 = tpu.memref_slice %arg4[%dma_start3A_1054, %multiple_of3A_1024] : memref<16x1000000xf32, #tpu.memory_space<hbm>> -> memref<8x128xf32, #tpu.memory_space<hbm>>
      tpu.enqueue_dma source(%dma_start3A_1055 : memref<8x128xf32, #tpu.memory_space<hbm>>) target(%dma_start3A_1053 : memref<8x128xf32, #tpu.memory_space<vmem>>) target_semaphore(%arg19 : memref<!tpu.dma_semaphore, #tpu.memory_space<semaphore_mem>>)
      %dma_start3A_1056 = arith.constant 7 : i32
      %dma_start3A_1057 = arith.constant 0 : i32
      %dma_start3A_1058 = arith.constant 0 : i32
      %dma_start3A_1059 = tpu.memref_slice %arg13[%dma_start3A_1056, %dma_start3A_1057, %dma_start3A_1058] : memref<8x16x128xf32, #tpu.memory_space<vmem>> -> memref<1x8x128xf32, #tpu.memory_space<vmem>>
      %dma_start3A_1060 = tpu.memref_squeeze %dma_start3A_1059 : memref<1x8x128xf32, #tpu.memory_space<vmem>> -> memref<8x128xf32, #tpu.memory_space<vmem>>
      %dma_start3A_1061 = arith.constant 0 : i32
      %dma_start3A_1062 = tpu.memref_slice %arg5[%dma_start3A_1061, %multiple_of3A_1029] : memref<16x1000000xf32, #tpu.memory_space<hbm>> -> memref<8x128xf32, #tpu.memory_space<hbm>>
      %dma_start3A_1063 = arith.constant 0 : i32
      %dma_start3A_1064 = arith.constant 0 : i32
      %dma_start3A_1065 = tpu.memref_slice %arg13[%dma_start3A_1056, %dma_start3A_1063, %dma_start3A_1064] : memref<8x16x128xf32, #tpu.memory_space<vmem>> -> memref<1x8x128xf32, #tpu.memory_space<vmem>>
      %dma_start3A_1066 = tpu.memref_squeeze %dma_start3A_1065 : memref<1x8x128xf32, #tpu.memory_space<vmem>> -> memref<8x128xf32, #tpu.memory_space<vmem>>
      %dma_start3A_1067 = arith.constant 0 : i32
      %dma_start3A_1068 = tpu.memref_slice %arg5[%dma_start3A_1067, %multiple_of3A_1029] : memref<16x1000000xf32, #tpu.memory_space<hbm>> -> memref<8x128xf32, #tpu.memory_space<hbm>>
      tpu.enqueue_dma source(%dma_start3A_1068 : memref<8x128xf32, #tpu.memory_space<hbm>>) target(%dma_start3A_1066 : memref<8x128xf32, #tpu.memory_space<vmem>>) target_semaphore(%arg21 : memref<!tpu.dma_semaphore, #tpu.memory_space<semaphore_mem>>)
      %dma_start3A_1069 = arith.constant 7 : i32
      %dma_start3A_1070 = arith.constant 8 : i32
      %dma_start3A_1071 = arith.constant 0 : i32
      %dma_start3A_1072 = tpu.memref_slice %arg13[%dma_start3A_1069, %dma_start3A_1070, %dma_start3A_1071] : memref<8x16x128xf32, #tpu.memory_space<vmem>> -> memref<1x8x128xf32, #tpu.memory_space<vmem>>
      %dma_start3A_1073 = tpu.memref_squeeze %dma_start3A_1072 : memref<1x8x128xf32, #tpu.memory_space<vmem>> -> memref<8x128xf32, #tpu.memory_space<vmem>>
      %dma_start3A_1074 = arith.constant 8 : i32
      %dma_start3A_1075 = tpu.memref_slice %arg5[%dma_start3A_1074, %multiple_of3A_1029] : memref<16x1000000xf32, #tpu.memory_space<hbm>> -> memref<8x128xf32, #tpu.memory_space<hbm>>
      %dma_start3A_1076 = arith.constant 8 : i32
      %dma_start3A_1077 = arith.constant 0 : i32
      %dma_start3A_1078 = tpu.memref_slice %arg13[%dma_start3A_1069, %dma_start3A_1076, %dma_start3A_1077] : memref<8x16x128xf32, #tpu.memory_space<vmem>> -> memref<1x8x128xf32, #tpu.memory_space<vmem>>
      %dma_start3A_1079 = tpu.memref_squeeze %dma_start3A_1078 : memref<1x8x128xf32, #tpu.memory_space<vmem>> -> memref<8x128xf32, #tpu.memory_space<vmem>>
      %dma_start3A_1080 = arith.constant 8 : i32
      %dma_start3A_1081 = tpu.memref_slice %arg5[%dma_start3A_1080, %multiple_of3A_1029] : memref<16x1000000xf32, #tpu.memory_space<hbm>> -> memref<8x128xf32, #tpu.memory_space<hbm>>
      tpu.enqueue_dma source(%dma_start3A_1081 : memref<8x128xf32, #tpu.memory_space<hbm>>) target(%dma_start3A_1079 : memref<8x128xf32, #tpu.memory_space<vmem>>) target_semaphore(%arg21 : memref<!tpu.dma_semaphore, #tpu.memory_space<semaphore_mem>>)
      %dma_wait3A = arith.constant 0 : i32
      %dma_wait3A_1082 = arith.constant 0 : i32
      %dma_wait3A_1083 = arith.constant 0 : i32
      %dma_wait3A_1084 = tpu.memref_slice %arg10[%dma_wait3A, %dma_wait3A_1082, %dma_wait3A_1083] : memref<8x16x128xf32, #tpu.memory_space<vmem>> -> memref<1x8x128xf32, #tpu.memory_space<vmem>>
      %dma_wait3A_1085 = tpu.memref_squeeze %dma_wait3A_1084 : memref<1x8x128xf32, #tpu.memory_space<vmem>> -> memref<8x128xf32, #tpu.memory_space<vmem>>
      %dma_wait3A_1086 = arith.constant 0 : i32
      %dma_wait3A_1087 = arith.constant 0 : i32
      %dma_wait3A_1088 = tpu.memref_slice %arg4[%dma_wait3A_1086, %dma_wait3A_1087] : memref<16x1000000xf32, #tpu.memory_space<hbm>> -> memref<8x128xf32, #tpu.memory_space<hbm>>
      %dma_wait3A_1089 = arith.constant 0 : i32
      %dma_wait3A_1090 = arith.constant 0 : i32
      %dma_wait3A_1091 = tpu.memref_slice %arg10[%dma_wait3A, %dma_wait3A_1089, %dma_wait3A_1090] : memref<8x16x128xf32, #tpu.memory_space<vmem>> -> memref<1x8x128xf32, #tpu.memory_space<vmem>>
      %dma_wait3A_1092 = tpu.memref_squeeze %dma_wait3A_1091 : memref<1x8x128xf32, #tpu.memory_space<vmem>> -> memref<8x128xf32, #tpu.memory_space<vmem>>
      %dma_wait3A_1093 = arith.constant 0 : i32
      %dma_wait3A_1094 = arith.constant 0 : i32
      %dma_wait3A_1095 = tpu.memref_slice %arg4[%dma_wait3A_1093, %dma_wait3A_1094] : memref<16x1000000xf32, #tpu.memory_space<hbm>> -> memref<8x128xf32, #tpu.memory_space<hbm>>
      tpu.wait_dma2 semaphore(%arg18 : memref<!tpu.dma_semaphore, #tpu.memory_space<semaphore_mem>>) src(%dma_wait3A_1095 : memref<8x128xf32, #tpu.memory_space<hbm>>) dst(%dma_wait3A_1092 : memref<8x128xf32, #tpu.memory_space<vmem>>)
      %dma_wait3A_1096 = arith.constant 0 : i32
      %dma_wait3A_1097 = arith.constant 0 : i32
      %dma_wait3A_1098 = arith.constant 0 : i32
      %dma_wait3A_1099 = tpu.memref_slice %arg12[%dma_wait3A_1096, %dma_wait3A_1097, %dma_wait3A_1098] : memref<8x16x128xf32, #tpu.memory_space<vmem>> -> memref<1x8x128xf32, #tpu.memory_space<vmem>>
      %dma_wait3A_1100 = tpu.memref_squeeze %dma_wait3A_1099 : memref<1x8x128xf32, #tpu.memory_space<vmem>> -> memref<8x128xf32, #tpu.memory_space<vmem>>
      %dma_wait3A_1101 = arith.constant 0 : i32
      %dma_wait3A_1102 = arith.constant 0 : i32
      %dma_wait3A_1103 = tpu.memref_slice %arg5[%dma_wait3A_1101, %dma_wait3A_1102] : memref<16x1000000xf32, #tpu.memory_space<hbm>> -> memref<8x128xf32, #tpu.memory_space<hbm>>
      %dma_wait3A_1104 = arith.constant 0 : i32
      %dma_wait3A_1105 = arith.constant 0 : i32
      %dma_wait3A_1106 = tpu.memref_slice %arg12[%dma_wait3A_1096, %dma_wait3A_1104, %dma_wait3A_1105] : memref<8x16x128xf32, #tpu.memory_space<vmem>> -> memref<1x8x128xf32, #tpu.memory_space<vmem>>
      %dma_wait3A_1107 = tpu.memref_squeeze %dma_wait3A_1106 : memref<1x8x128xf32, #tpu.memory_space<vmem>> -> memref<8x128xf32, #tpu.memory_space<vmem>>
      %dma_wait3A_1108 = arith.constant 0 : i32
      %dma_wait3A_1109 = arith.constant 0 : i32
      %dma_wait3A_1110 = tpu.memref_slice %arg5[%dma_wait3A_1108, %dma_wait3A_1109] : memref<16x1000000xf32, #tpu.memory_space<hbm>> -> memref<8x128xf32, #tpu.memory_space<hbm>>
      tpu.wait_dma2 semaphore(%arg20 : memref<!tpu.dma_semaphore, #tpu.memory_space<semaphore_mem>>) src(%dma_wait3A_1110 : memref<8x128xf32, #tpu.memory_space<hbm>>) dst(%dma_wait3A_1107 : memref<8x128xf32, #tpu.memory_space<vmem>>)
      %dma_wait3A_1111 = arith.constant 0 : i32
      %dma_wait3A_1112 = arith.constant 0 : i32
      %dma_wait3A_1113 = arith.constant 0 : i32
      %dma_wait3A_1114 = tpu.memref_slice %arg10[%dma_wait3A_1111, %dma_wait3A_1112, %dma_wait3A_1113] : memref<8x16x128xf32, #tpu.memory_space<vmem>> -> memref<1x8x128xf32, #tpu.memory_space<vmem>>
      %dma_wait3A_1115 = tpu.memref_squeeze %dma_wait3A_1114 : memref<1x8x128xf32, #tpu.memory_space<vmem>> -> memref<8x128xf32, #tpu.memory_space<vmem>>
      %dma_wait3A_1116 = arith.constant 0 : i32
      %dma_wait3A_1117 = arith.constant 0 : i32
      %dma_wait3A_1118 = tpu.memref_slice %arg4[%dma_wait3A_1116, %dma_wait3A_1117] : memref<16x1000000xf32, #tpu.memory_space<hbm>> -> memref<8x128xf32, #tpu.memory_space<hbm>>
      %dma_wait3A_1119 = arith.constant 0 : i32
      %dma_wait3A_1120 = arith.constant 0 : i32
      %dma_wait3A_1121 = tpu.memref_slice %arg10[%dma_wait3A_1111, %dma_wait3A_1119, %dma_wait3A_1120] : memref<8x16x128xf32, #tpu.memory_space<vmem>> -> memref<1x8x128xf32, #tpu.memory_space<vmem>>
      %dma_wait3A_1122 = tpu.memref_squeeze %dma_wait3A_1121 : memref<1x8x128xf32, #tpu.memory_space<vmem>> -> memref<8x128xf32, #tpu.memory_space<vmem>>
      %dma_wait3A_1123 = arith.constant 0 : i32
      %dma_wait3A_1124 = arith.constant 0 : i32
      %dma_wait3A_1125 = tpu.memref_slice %arg4[%dma_wait3A_1123, %dma_wait3A_1124] : memref<16x1000000xf32, #tpu.memory_space<hbm>> -> memref<8x128xf32, #tpu.memory_space<hbm>>
      tpu.wait_dma2 semaphore(%arg18 : memref<!tpu.dma_semaphore, #tpu.memory_space<semaphore_mem>>) src(%dma_wait3A_1125 : memref<8x128xf32, #tpu.memory_space<hbm>>) dst(%dma_wait3A_1122 : memref<8x128xf32, #tpu.memory_space<vmem>>)
      %dma_wait3A_1126 = arith.constant 0 : i32
      %dma_wait3A_1127 = arith.constant 0 : i32
      %dma_wait3A_1128 = arith.constant 0 : i32
      %dma_wait3A_1129 = tpu.memref_slice %arg12[%dma_wait3A_1126, %dma_wait3A_1127, %dma_wait3A_1128] : memref<8x16x128xf32, #tpu.memory_space<vmem>> -> memref<1x8x128xf32, #tpu.memory_space<vmem>>
      %dma_wait3A_1130 = tpu.memref_squeeze %dma_wait3A_1129 : memref<1x8x128xf32, #tpu.memory_space<vmem>> -> memref<8x128xf32, #tpu.memory_space<vmem>>
      %dma_wait3A_1131 = arith.constant 0 : i32
      %dma_wait3A_1132 = arith.constant 0 : i32
      %dma_wait3A_1133 = tpu.memref_slice %arg5[%dma_wait3A_1131, %dma_wait3A_1132] : memref<16x1000000xf32, #tpu.memory_space<hbm>> -> memref<8x128xf32, #tpu.memory_space<hbm>>
      %dma_wait3A_1134 = arith.constant 0 : i32
      %dma_wait3A_1135 = arith.constant 0 : i32
      %dma_wait3A_1136 = tpu.memref_slice %arg12[%dma_wait3A_1126, %dma_wait3A_1134, %dma_wait3A_1135] : memref<8x16x128xf32, #tpu.memory_space<vmem>> -> memref<1x8x128xf32, #tpu.memory_space<vmem>>
      %dma_wait3A_1137 = tpu.memref_squeeze %dma_wait3A_1136 : memref<1x8x128xf32, #tpu.memory_space<vmem>> -> memref<8x128xf32, #tpu.memory_space<vmem>>
      %dma_wait3A_1138 = arith.constant 0 : i32
      %dma_wait3A_1139 = arith.constant 0 : i32
      %dma_wait3A_1140 = tpu.memref_slice %arg5[%dma_wait3A_1138, %dma_wait3A_1139] : memref<16x1000000xf32, #tpu.memory_space<hbm>> -> memref<8x128xf32, #tpu.memory_space<hbm>>
      tpu.wait_dma2 semaphore(%arg20 : memref<!tpu.dma_semaphore, #tpu.memory_space<semaphore_mem>>) src(%dma_wait3A_1140 : memref<8x128xf32, #tpu.memory_space<hbm>>) dst(%dma_wait3A_1137 : memref<8x128xf32, #tpu.memory_space<vmem>>)
      %dma_wait3A_1141 = arith.constant 0 : i32
      %dma_wait3A_1142 = arith.constant 0 : i32
      %dma_wait3A_1143 = arith.constant 0 : i32
      %dma_wait3A_1144 = tpu.memref_slice %arg10[%dma_wait3A_1141, %dma_wait3A_1142, %dma_wait3A_1143] : memref<8x16x128xf32, #tpu.memory_space<vmem>> -> memref<1x8x128xf32, #tpu.memory_space<vmem>>
      %dma_wait3A_1145 = tpu.memref_squeeze %dma_wait3A_1144 : memref<1x8x128xf32, #tpu.memory_space<vmem>> -> memref<8x128xf32, #tpu.memory_space<vmem>>
      %dma_wait3A_1146 = arith.constant 0 : i32
      %dma_wait3A_1147 = arith.constant 0 : i32
      %dma_wait3A_1148 = tpu.memref_slice %arg4[%dma_wait3A_1146, %dma_wait3A_1147] : memref<16x1000000xf32, #tpu.memory_space<hbm>> -> memref<8x128xf32, #tpu.memory_space<hbm>>
      %dma_wait3A_1149 = arith.constant 0 : i32
      %dma_wait3A_1150 = arith.constant 0 : i32
      %dma_wait3A_1151 = tpu.memref_slice %arg10[%dma_wait3A_1141, %dma_wait3A_1149, %dma_wait3A_1150] : memref<8x16x128xf32, #tpu.memory_space<vmem>> -> memref<1x8x128xf32, #tpu.memory_space<vmem>>
      %dma_wait3A_1152 = tpu.memref_squeeze %dma_wait3A_1151 : memref<1x8x128xf32, #tpu.memory_space<vmem>> -> memref<8x128xf32, #tpu.memory_space<vmem>>
      %dma_wait3A_1153 = arith.constant 0 : i32
      %dma_wait3A_1154 = arith.constant 0 : i32
      %dma_wait3A_1155 = tpu.memref_slice %arg4[%dma_wait3A_1153, %dma_wait3A_1154] : memref<16x1000000xf32, #tpu.memory_space<hbm>> -> memref<8x128xf32, #tpu.memory_space<hbm>>
      tpu.wait_dma2 semaphore(%arg18 : memref<!tpu.dma_semaphore, #tpu.memory_space<semaphore_mem>>) src(%dma_wait3A_1155 : memref<8x128xf32, #tpu.memory_space<hbm>>) dst(%dma_wait3A_1152 : memref<8x128xf32, #tpu.memory_space<vmem>>)
      %dma_wait3A_1156 = arith.constant 0 : i32
      %dma_wait3A_1157 = arith.constant 0 : i32
      %dma_wait3A_1158 = arith.constant 0 : i32
      %dma_wait3A_1159 = tpu.memref_slice %arg12[%dma_wait3A_1156, %dma_wait3A_1157, %dma_wait3A_1158] : memref<8x16x128xf32, #tpu.memory_space<vmem>> -> memref<1x8x128xf32, #tpu.memory_space<vmem>>
      %dma_wait3A_1160 = tpu.memref_squeeze %dma_wait3A_1159 : memref<1x8x128xf32, #tpu.memory_space<vmem>> -> memref<8x128xf32, #tpu.memory_space<vmem>>
      %dma_wait3A_1161 = arith.constant 0 : i32
      %dma_wait3A_1162 = arith.constant 0 : i32
      %dma_wait3A_1163 = tpu.memref_slice %arg5[%dma_wait3A_1161, %dma_wait3A_1162] : memref<16x1000000xf32, #tpu.memory_space<hbm>> -> memref<8x128xf32, #tpu.memory_space<hbm>>
      %dma_wait3A_1164 = arith.constant 0 : i32
      %dma_wait3A_1165 = arith.constant 0 : i32
      %dma_wait3A_1166 = tpu.memref_slice %arg12[%dma_wait3A_1156, %dma_wait3A_1164, %dma_wait3A_1165] : memref<8x16x128xf32, #tpu.memory_space<vmem>> -> memref<1x8x128xf32, #tpu.memory_space<vmem>>
      %dma_wait3A_1167 = tpu.memref_squeeze %dma_wait3A_1166 : memref<1x8x128xf32, #tpu.memory_space<vmem>> -> memref<8x128xf32, #tpu.memory_space<vmem>>
      %dma_wait3A_1168 = arith.constant 0 : i32
      %dma_wait3A_1169 = arith.constant 0 : i32
      %dma_wait3A_1170 = tpu.memref_slice %arg5[%dma_wait3A_1168, %dma_wait3A_1169] : memref<16x1000000xf32, #tpu.memory_space<hbm>> -> memref<8x128xf32, #tpu.memory_space<hbm>>
      tpu.wait_dma2 semaphore(%arg20 : memref<!tpu.dma_semaphore, #tpu.memory_space<semaphore_mem>>) src(%dma_wait3A_1170 : memref<8x128xf32, #tpu.memory_space<hbm>>) dst(%dma_wait3A_1167 : memref<8x128xf32, #tpu.memory_space<vmem>>)
      %dma_wait3A_1171 = arith.constant 0 : i32
      %dma_wait3A_1172 = arith.constant 0 : i32
      %dma_wait3A_1173 = arith.constant 0 : i32
      %dma_wait3A_1174 = tpu.memref_slice %arg10[%dma_wait3A_1171, %dma_wait3A_1172, %dma_wait3A_1173] : memref<8x16x128xf32, #tpu.memory_space<vmem>> -> memref<1x8x128xf32, #tpu.memory_space<vmem>>
      %dma_wait3A_1175 = tpu.memref_squeeze %dma_wait3A_1174 : memref<1x8x128xf32, #tpu.memory_space<vmem>> -> memref<8x128xf32, #tpu.memory_space<vmem>>
      %dma_wait3A_1176 = arith.constant 0 : i32
      %dma_wait3A_1177 = arith.constant 0 : i32
      %dma_wait3A_1178 = tpu.memref_slice %arg4[%dma_wait3A_1176, %dma_wait3A_1177] : memref<16x1000000xf32, #tpu.memory_space<hbm>> -> memref<8x128xf32, #tpu.memory_space<hbm>>
      %dma_wait3A_1179 = arith.constant 0 : i32
      %dma_wait3A_1180 = arith.constant 0 : i32
      %dma_wait3A_1181 = tpu.memref_slice %arg10[%dma_wait3A_1171, %dma_wait3A_1179, %dma_wait3A_1180] : memref<8x16x128xf32, #tpu.memory_space<vmem>> -> memref<1x8x128xf32, #tpu.memory_space<vmem>>
      %dma_wait3A_1182 = tpu.memref_squeeze %dma_wait3A_1181 : memref<1x8x128xf32, #tpu.memory_space<vmem>> -> memref<8x128xf32, #tpu.memory_space<vmem>>
      %dma_wait3A_1183 = arith.constant 0 : i32
      %dma_wait3A_1184 = arith.constant 0 : i32
      %dma_wait3A_1185 = tpu.memref_slice %arg4[%dma_wait3A_1183, %dma_wait3A_1184] : memref<16x1000000xf32, #tpu.memory_space<hbm>> -> memref<8x128xf32, #tpu.memory_space<hbm>>
      tpu.wait_dma2 semaphore(%arg18 : memref<!tpu.dma_semaphore, #tpu.memory_space<semaphore_mem>>) src(%dma_wait3A_1185 : memref<8x128xf32, #tpu.memory_space<hbm>>) dst(%dma_wait3A_1182 : memref<8x128xf32, #tpu.memory_space<vmem>>)
      %dma_wait3A_1186 = arith.constant 0 : i32
      %dma_wait3A_1187 = arith.constant 0 : i32
      %dma_wait3A_1188 = arith.constant 0 : i32
      %dma_wait3A_1189 = tpu.memref_slice %arg12[%dma_wait3A_1186, %dma_wait3A_1187, %dma_wait3A_1188] : memref<8x16x128xf32, #tpu.memory_space<vmem>> -> memref<1x8x128xf32, #tpu.memory_space<vmem>>
      %dma_wait3A_1190 = tpu.memref_squeeze %dma_wait3A_1189 : memref<1x8x128xf32, #tpu.memory_space<vmem>> -> memref<8x128xf32, #tpu.memory_space<vmem>>
      %dma_wait3A_1191 = arith.constant 0 : i32
      %dma_wait3A_1192 = arith.constant 0 : i32
      %dma_wait3A_1193 = tpu.memref_slice %arg5[%dma_wait3A_1191, %dma_wait3A_1192] : memref<16x1000000xf32, #tpu.memory_space<hbm>> -> memref<8x128xf32, #tpu.memory_space<hbm>>
      %dma_wait3A_1194 = arith.constant 0 : i32
      %dma_wait3A_1195 = arith.constant 0 : i32
      %dma_wait3A_1196 = tpu.memref_slice %arg12[%dma_wait3A_1186, %dma_wait3A_1194, %dma_wait3A_1195] : memref<8x16x128xf32, #tpu.memory_space<vmem>> -> memref<1x8x128xf32, #tpu.memory_space<vmem>>
      %dma_wait3A_1197 = tpu.memref_squeeze %dma_wait3A_1196 : memref<1x8x128xf32, #tpu.memory_space<vmem>> -> memref<8x128xf32, #tpu.memory_space<vmem>>
      %dma_wait3A_1198 = arith.constant 0 : i32
      %dma_wait3A_1199 = arith.constant 0 : i32
      %dma_wait3A_1200 = tpu.memref_slice %arg5[%dma_wait3A_1198, %dma_wait3A_1199] : memref<16x1000000xf32, #tpu.memory_space<hbm>> -> memref<8x128xf32, #tpu.memory_space<hbm>>
      tpu.wait_dma2 semaphore(%arg20 : memref<!tpu.dma_semaphore, #tpu.memory_space<semaphore_mem>>) src(%dma_wait3A_1200 : memref<8x128xf32, #tpu.memory_space<hbm>>) dst(%dma_wait3A_1197 : memref<8x128xf32, #tpu.memory_space<vmem>>)
      %dma_wait3A_1201 = arith.constant 0 : i32
      %dma_wait3A_1202 = arith.constant 0 : i32
      %dma_wait3A_1203 = arith.constant 0 : i32
      %dma_wait3A_1204 = tpu.memref_slice %arg10[%dma_wait3A_1201, %dma_wait3A_1202, %dma_wait3A_1203] : memref<8x16x128xf32, #tpu.memory_space<vmem>> -> memref<1x8x128xf32, #tpu.memory_space<vmem>>
      %dma_wait3A_1205 = tpu.memref_squeeze %dma_wait3A_1204 : memref<1x8x128xf32, #tpu.memory_space<vmem>> -> memref<8x128xf32, #tpu.memory_space<vmem>>
      %dma_wait3A_1206 = arith.constant 0 : i32
      %dma_wait3A_1207 = arith.constant 0 : i32
      %dma_wait3A_1208 = tpu.memref_slice %arg4[%dma_wait3A_1206, %dma_wait3A_1207] : memref<16x1000000xf32, #tpu.memory_space<hbm>> -> memref<8x128xf32, #tpu.memory_space<hbm>>
      %dma_wait3A_1209 = arith.constant 0 : i32
      %dma_wait3A_1210 = arith.constant 0 : i32
      %dma_wait3A_1211 = tpu.memref_slice %arg10[%dma_wait3A_1201, %dma_wait3A_1209, %dma_wait3A_1210] : memref<8x16x128xf32, #tpu.memory_space<vmem>> -> memref<1x8x128xf32, #tpu.memory_space<vmem>>
      %dma_wait3A_1212 = tpu.memref_squeeze %dma_wait3A_1211 : memref<1x8x128xf32, #tpu.memory_space<vmem>> -> memref<8x128xf32, #tpu.memory_space<vmem>>
      %dma_wait3A_1213 = arith.constant 0 : i32
      %dma_wait3A_1214 = arith.constant 0 : i32
      %dma_wait3A_1215 = tpu.memref_slice %arg4[%dma_wait3A_1213, %dma_wait3A_1214] : memref<16x1000000xf32, #tpu.memory_space<hbm>> -> memref<8x128xf32, #tpu.memory_space<hbm>>
      tpu.wait_dma2 semaphore(%arg18 : memref<!tpu.dma_semaphore, #tpu.memory_space<semaphore_mem>>) src(%dma_wait3A_1215 : memref<8x128xf32, #tpu.memory_space<hbm>>) dst(%dma_wait3A_1212 : memref<8x128xf32, #tpu.memory_space<vmem>>)
      %dma_wait3A_1216 = arith.constant 0 : i32
      %dma_wait3A_1217 = arith.constant 0 : i32
      %dma_wait3A_1218 = arith.constant 0 : i32
      %dma_wait3A_1219 = tpu.memref_slice %arg12[%dma_wait3A_1216, %dma_wait3A_1217, %dma_wait3A_1218] : memref<8x16x128xf32, #tpu.memory_space<vmem>> -> memref<1x8x128xf32, #tpu.memory_space<vmem>>
      %dma_wait3A_1220 = tpu.memref_squeeze %dma_wait3A_1219 : memref<1x8x128xf32, #tpu.memory_space<vmem>> -> memref<8x128xf32, #tpu.memory_space<vmem>>
      %dma_wait3A_1221 = arith.constant 0 : i32
      %dma_wait3A_1222 = arith.constant 0 : i32
      %dma_wait3A_1223 = tpu.memref_slice %arg5[%dma_wait3A_1221, %dma_wait3A_1222] : memref<16x1000000xf32, #tpu.memory_space<hbm>> -> memref<8x128xf32, #tpu.memory_space<hbm>>
      %dma_wait3A_1224 = arith.constant 0 : i32
      %dma_wait3A_1225 = arith.constant 0 : i32
      %dma_wait3A_1226 = tpu.memref_slice %arg12[%dma_wait3A_1216, %dma_wait3A_1224, %dma_wait3A_1225] : memref<8x16x128xf32, #tpu.memory_space<vmem>> -> memref<1x8x128xf32, #tpu.memory_space<vmem>>
      %dma_wait3A_1227 = tpu.memref_squeeze %dma_wait3A_1226 : memref<1x8x128xf32, #tpu.memory_space<vmem>> -> memref<8x128xf32, #tpu.memory_space<vmem>>
      %dma_wait3A_1228 = arith.constant 0 : i32
      %dma_wait3A_1229 = arith.constant 0 : i32
      %dma_wait3A_1230 = tpu.memref_slice %arg5[%dma_wait3A_1228, %dma_wait3A_1229] : memref<16x1000000xf32, #tpu.memory_space<hbm>> -> memref<8x128xf32, #tpu.memory_space<hbm>>
      tpu.wait_dma2 semaphore(%arg20 : memref<!tpu.dma_semaphore, #tpu.memory_space<semaphore_mem>>) src(%dma_wait3A_1230 : memref<8x128xf32, #tpu.memory_space<hbm>>) dst(%dma_wait3A_1227 : memref<8x128xf32, #tpu.memory_space<vmem>>)
      %dma_wait3A_1231 = arith.constant 0 : i32
      %dma_wait3A_1232 = arith.constant 0 : i32
      %dma_wait3A_1233 = arith.constant 0 : i32
      %dma_wait3A_1234 = tpu.memref_slice %arg10[%dma_wait3A_1231, %dma_wait3A_1232, %dma_wait3A_1233] : memref<8x16x128xf32, #tpu.memory_space<vmem>> -> memref<1x8x128xf32, #tpu.memory_space<vmem>>
      %dma_wait3A_1235 = tpu.memref_squeeze %dma_wait3A_1234 : memref<1x8x128xf32, #tpu.memory_space<vmem>> -> memref<8x128xf32, #tpu.memory_space<vmem>>
      %dma_wait3A_1236 = arith.constant 0 : i32
      %dma_wait3A_1237 = arith.constant 0 : i32
      %dma_wait3A_1238 = tpu.memref_slice %arg4[%dma_wait3A_1236, %dma_wait3A_1237] : memref<16x1000000xf32, #tpu.memory_space<hbm>> -> memref<8x128xf32, #tpu.memory_space<hbm>>
      %dma_wait3A_1239 = arith.constant 0 : i32
      %dma_wait3A_1240 = arith.constant 0 : i32
      %dma_wait3A_1241 = tpu.memref_slice %arg10[%dma_wait3A_1231, %dma_wait3A_1239, %dma_wait3A_1240] : memref<8x16x128xf32, #tpu.memory_space<vmem>> -> memref<1x8x128xf32, #tpu.memory_space<vmem>>
      %dma_wait3A_1242 = tpu.memref_squeeze %dma_wait3A_1241 : memref<1x8x128xf32, #tpu.memory_space<vmem>> -> memref<8x128xf32, #tpu.memory_space<vmem>>
      %dma_wait3A_1243 = arith.constant 0 : i32
      %dma_wait3A_1244 = arith.constant 0 : i32
      %dma_wait3A_1245 = tpu.memref_slice %arg4[%dma_wait3A_1243, %dma_wait3A_1244] : memref<16x1000000xf32, #tpu.memory_space<hbm>> -> memref<8x128xf32, #tpu.memory_space<hbm>>
      tpu.wait_dma2 semaphore(%arg18 : memref<!tpu.dma_semaphore, #tpu.memory_space<semaphore_mem>>) src(%dma_wait3A_1245 : memref<8x128xf32, #tpu.memory_space<hbm>>) dst(%dma_wait3A_1242 : memref<8x128xf32, #tpu.memory_space<vmem>>)
      %dma_wait3A_1246 = arith.constant 0 : i32
      %dma_wait3A_1247 = arith.constant 0 : i32
      %dma_wait3A_1248 = arith.constant 0 : i32
      %dma_wait3A_1249 = tpu.memref_slice %arg12[%dma_wait3A_1246, %dma_wait3A_1247, %dma_wait3A_1248] : memref<8x16x128xf32, #tpu.memory_space<vmem>> -> memref<1x8x128xf32, #tpu.memory_space<vmem>>
      %dma_wait3A_1250 = tpu.memref_squeeze %dma_wait3A_1249 : memref<1x8x128xf32, #tpu.memory_space<vmem>> -> memref<8x128xf32, #tpu.memory_space<vmem>>
      %dma_wait3A_1251 = arith.constant 0 : i32
      %dma_wait3A_1252 = arith.constant 0 : i32
      %dma_wait3A_1253 = tpu.memref_slice %arg5[%dma_wait3A_1251, %dma_wait3A_1252] : memref<16x1000000xf32, #tpu.memory_space<hbm>> -> memref<8x128xf32, #tpu.memory_space<hbm>>
      %dma_wait3A_1254 = arith.constant 0 : i32
      %dma_wait3A_1255 = arith.constant 0 : i32
      %dma_wait3A_1256 = tpu.memref_slice %arg12[%dma_wait3A_1246, %dma_wait3A_1254, %dma_wait3A_1255] : memref<8x16x128xf32, #tpu.memory_space<vmem>> -> memref<1x8x128xf32, #tpu.memory_space<vmem>>
      %dma_wait3A_1257 = tpu.memref_squeeze %dma_wait3A_1256 : memref<1x8x128xf32, #tpu.memory_space<vmem>> -> memref<8x128xf32, #tpu.memory_space<vmem>>
      %dma_wait3A_1258 = arith.constant 0 : i32
      %dma_wait3A_1259 = arith.constant 0 : i32
      %dma_wait3A_1260 = tpu.memref_slice %arg5[%dma_wait3A_1258, %dma_wait3A_1259] : memref<16x1000000xf32, #tpu.memory_space<hbm>> -> memref<8x128xf32, #tpu.memory_space<hbm>>
      tpu.wait_dma2 semaphore(%arg20 : memref<!tpu.dma_semaphore, #tpu.memory_space<semaphore_mem>>) src(%dma_wait3A_1260 : memref<8x128xf32, #tpu.memory_space<hbm>>) dst(%dma_wait3A_1257 : memref<8x128xf32, #tpu.memory_space<vmem>>)
      %dma_wait3A_1261 = arith.constant 0 : i32
      %dma_wait3A_1262 = arith.constant 0 : i32
      %dma_wait3A_1263 = arith.constant 0 : i32
      %dma_wait3A_1264 = tpu.memref_slice %arg10[%dma_wait3A_1261, %dma_wait3A_1262, %dma_wait3A_1263] : memref<8x16x128xf32, #tpu.memory_space<vmem>> -> memref<1x8x128xf32, #tpu.memory_space<vmem>>
      %dma_wait3A_1265 = tpu.memref_squeeze %dma_wait3A_1264 : memref<1x8x128xf32, #tpu.memory_space<vmem>> -> memref<8x128xf32, #tpu.memory_space<vmem>>
      %dma_wait3A_1266 = arith.constant 0 : i32
      %dma_wait3A_1267 = arith.constant 0 : i32
      %dma_wait3A_1268 = tpu.memref_slice %arg4[%dma_wait3A_1266, %dma_wait3A_1267] : memref<16x1000000xf32, #tpu.memory_space<hbm>> -> memref<8x128xf32, #tpu.memory_space<hbm>>
      %dma_wait3A_1269 = arith.constant 0 : i32
      %dma_wait3A_1270 = arith.constant 0 : i32
      %dma_wait3A_1271 = tpu.memref_slice %arg10[%dma_wait3A_1261, %dma_wait3A_1269, %dma_wait3A_1270] : memref<8x16x128xf32, #tpu.memory_space<vmem>> -> memref<1x8x128xf32, #tpu.memory_space<vmem>>
      %dma_wait3A_1272 = tpu.memref_squeeze %dma_wait3A_1271 : memref<1x8x128xf32, #tpu.memory_space<vmem>> -> memref<8x128xf32, #tpu.memory_space<vmem>>
      %dma_wait3A_1273 = arith.constant 0 : i32
      %dma_wait3A_1274 = arith.constant 0 : i32
      %dma_wait3A_1275 = tpu.memref_slice %arg4[%dma_wait3A_1273, %dma_wait3A_1274] : memref<16x1000000xf32, #tpu.memory_space<hbm>> -> memref<8x128xf32, #tpu.memory_space<hbm>>
      tpu.wait_dma2 semaphore(%arg18 : memref<!tpu.dma_semaphore, #tpu.memory_space<semaphore_mem>>) src(%dma_wait3A_1275 : memref<8x128xf32, #tpu.memory_space<hbm>>) dst(%dma_wait3A_1272 : memref<8x128xf32, #tpu.memory_space<vmem>>)
      %dma_wait3A_1276 = arith.constant 0 : i32
      %dma_wait3A_1277 = arith.constant 0 : i32
      %dma_wait3A_1278 = arith.constant 0 : i32
      %dma_wait3A_1279 = tpu.memref_slice %arg12[%dma_wait3A_1276, %dma_wait3A_1277, %dma_wait3A_1278] : memref<8x16x128xf32, #tpu.memory_space<vmem>> -> memref<1x8x128xf32, #tpu.memory_space<vmem>>
      %dma_wait3A_1280 = tpu.memref_squeeze %dma_wait3A_1279 : memref<1x8x128xf32, #tpu.memory_space<vmem>> -> memref<8x128xf32, #tpu.memory_space<vmem>>
      %dma_wait3A_1281 = arith.constant 0 : i32
      %dma_wait3A_1282 = arith.constant 0 : i32
      %dma_wait3A_1283 = tpu.memref_slice %arg5[%dma_wait3A_1281, %dma_wait3A_1282] : memref<16x1000000xf32, #tpu.memory_space<hbm>> -> memref<8x128xf32, #tpu.memory_space<hbm>>
      %dma_wait3A_1284 = arith.constant 0 : i32
      %dma_wait3A_1285 = arith.constant 0 : i32
      %dma_wait3A_1286 = tpu.memref_slice %arg12[%dma_wait3A_1276, %dma_wait3A_1284, %dma_wait3A_1285] : memref<8x16x128xf32, #tpu.memory_space<vmem>> -> memref<1x8x128xf32, #tpu.memory_space<vmem>>
      %dma_wait3A_1287 = tpu.memref_squeeze %dma_wait3A_1286 : memref<1x8x128xf32, #tpu.memory_space<vmem>> -> memref<8x128xf32, #tpu.memory_space<vmem>>
      %dma_wait3A_1288 = arith.constant 0 : i32
      %dma_wait3A_1289 = arith.constant 0 : i32
      %dma_wait3A_1290 = tpu.memref_slice %arg5[%dma_wait3A_1288, %dma_wait3A_1289] : memref<16x1000000xf32, #tpu.memory_space<hbm>> -> memref<8x128xf32, #tpu.memory_space<hbm>>
      tpu.wait_dma2 semaphore(%arg20 : memref<!tpu.dma_semaphore, #tpu.memory_space<semaphore_mem>>) src(%dma_wait3A_1290 : memref<8x128xf32, #tpu.memory_space<hbm>>) dst(%dma_wait3A_1287 : memref<8x128xf32, #tpu.memory_space<vmem>>)
      %dma_wait3A_1291 = arith.constant 0 : i32
      %dma_wait3A_1292 = arith.constant 0 : i32
      %dma_wait3A_1293 = arith.constant 0 : i32
      %dma_wait3A_1294 = tpu.memref_slice %arg10[%dma_wait3A_1291, %dma_wait3A_1292, %dma_wait3A_1293] : memref<8x16x128xf32, #tpu.memory_space<vmem>> -> memref<1x8x128xf32, #tpu.memory_space<vmem>>
      %dma_wait3A_1295 = tpu.memref_squeeze %dma_wait3A_1294 : memref<1x8x128xf32, #tpu.memory_space<vmem>> -> memref<8x128xf32, #tpu.memory_space<vmem>>
      %dma_wait3A_1296 = arith.constant 0 : i32
      %dma_wait3A_1297 = arith.constant 0 : i32
      %dma_wait3A_1298 = tpu.memref_slice %arg4[%dma_wait3A_1296, %dma_wait3A_1297] : memref<16x1000000xf32, #tpu.memory_space<hbm>> -> memref<8x128xf32, #tpu.memory_space<hbm>>
      %dma_wait3A_1299 = arith.constant 0 : i32
      %dma_wait3A_1300 = arith.constant 0 : i32
      %dma_wait3A_1301 = tpu.memref_slice %arg10[%dma_wait3A_1291, %dma_wait3A_1299, %dma_wait3A_1300] : memref<8x16x128xf32, #tpu.memory_space<vmem>> -> memref<1x8x128xf32, #tpu.memory_space<vmem>>
      %dma_wait3A_1302 = tpu.memref_squeeze %dma_wait3A_1301 : memref<1x8x128xf32, #tpu.memory_space<vmem>> -> memref<8x128xf32, #tpu.memory_space<vmem>>
      %dma_wait3A_1303 = arith.constant 0 : i32
      %dma_wait3A_1304 = arith.constant 0 : i32
      %dma_wait3A_1305 = tpu.memref_slice %arg4[%dma_wait3A_1303, %dma_wait3A_1304] : memref<16x1000000xf32, #tpu.memory_space<hbm>> -> memref<8x128xf32, #tpu.memory_space<hbm>>
      tpu.wait_dma2 semaphore(%arg18 : memref<!tpu.dma_semaphore, #tpu.memory_space<semaphore_mem>>) src(%dma_wait3A_1305 : memref<8x128xf32, #tpu.memory_space<hbm>>) dst(%dma_wait3A_1302 : memref<8x128xf32, #tpu.memory_space<vmem>>)
      %dma_wait3A_1306 = arith.constant 0 : i32
      %dma_wait3A_1307 = arith.constant 0 : i32
      %dma_wait3A_1308 = arith.constant 0 : i32
      %dma_wait3A_1309 = tpu.memref_slice %arg12[%dma_wait3A_1306, %dma_wait3A_1307, %dma_wait3A_1308] : memref<8x16x128xf32, #tpu.memory_space<vmem>> -> memref<1x8x128xf32, #tpu.memory_space<vmem>>
      %dma_wait3A_1310 = tpu.memref_squeeze %dma_wait3A_1309 : memref<1x8x128xf32, #tpu.memory_space<vmem>> -> memref<8x128xf32, #tpu.memory_space<vmem>>
      %dma_wait3A_1311 = arith.constant 0 : i32
      %dma_wait3A_1312 = arith.constant 0 : i32
      %dma_wait3A_1313 = tpu.memref_slice %arg5[%dma_wait3A_1311, %dma_wait3A_1312] : memref<16x1000000xf32, #tpu.memory_space<hbm>> -> memref<8x128xf32, #tpu.memory_space<hbm>>
      %dma_wait3A_1314 = arith.constant 0 : i32
      %dma_wait3A_1315 = arith.constant 0 : i32
      %dma_wait3A_1316 = tpu.memref_slice %arg12[%dma_wait3A_1306, %dma_wait3A_1314, %dma_wait3A_1315] : memref<8x16x128xf32, #tpu.memory_space<vmem>> -> memref<1x8x128xf32, #tpu.memory_space<vmem>>
      %dma_wait3A_1317 = tpu.memref_squeeze %dma_wait3A_1316 : memref<1x8x128xf32, #tpu.memory_space<vmem>> -> memref<8x128xf32, #tpu.memory_space<vmem>>
      %dma_wait3A_1318 = arith.constant 0 : i32
      %dma_wait3A_1319 = arith.constant 0 : i32
      %dma_wait3A_1320 = tpu.memref_slice %arg5[%dma_wait3A_1318, %dma_wait3A_1319] : memref<16x1000000xf32, #tpu.memory_space<hbm>> -> memref<8x128xf32, #tpu.memory_space<hbm>>
      tpu.wait_dma2 semaphore(%arg20 : memref<!tpu.dma_semaphore, #tpu.memory_space<semaphore_mem>>) src(%dma_wait3A_1320 : memref<8x128xf32, #tpu.memory_space<hbm>>) dst(%dma_wait3A_1317 : memref<8x128xf32, #tpu.memory_space<vmem>>)
      %dma_wait3A_1321 = arith.constant 0 : i32
      %dma_wait3A_1322 = arith.constant 0 : i32
      %dma_wait3A_1323 = arith.constant 0 : i32
      %dma_wait3A_1324 = tpu.memref_slice %arg10[%dma_wait3A_1321, %dma_wait3A_1322, %dma_wait3A_1323] : memref<8x16x128xf32, #tpu.memory_space<vmem>> -> memref<1x8x128xf32, #tpu.memory_space<vmem>>
      %dma_wait3A_1325 = tpu.memref_squeeze %dma_wait3A_1324 : memref<1x8x128xf32, #tpu.memory_space<vmem>> -> memref<8x128xf32, #tpu.memory_space<vmem>>
      %dma_wait3A_1326 = arith.constant 0 : i32
      %dma_wait3A_1327 = arith.constant 0 : i32
      %dma_wait3A_1328 = tpu.memref_slice %arg4[%dma_wait3A_1326, %dma_wait3A_1327] : memref<16x1000000xf32, #tpu.memory_space<hbm>> -> memref<8x128xf32, #tpu.memory_space<hbm>>
      %dma_wait3A_1329 = arith.constant 0 : i32
      %dma_wait3A_1330 = arith.constant 0 : i32
      %dma_wait3A_1331 = tpu.memref_slice %arg10[%dma_wait3A_1321, %dma_wait3A_1329, %dma_wait3A_1330] : memref<8x16x128xf32, #tpu.memory_space<vmem>> -> memref<1x8x128xf32, #tpu.memory_space<vmem>>
      %dma_wait3A_1332 = tpu.memref_squeeze %dma_wait3A_1331 : memref<1x8x128xf32, #tpu.memory_space<vmem>> -> memref<8x128xf32, #tpu.memory_space<vmem>>
      %dma_wait3A_1333 = arith.constant 0 : i32
      %dma_wait3A_1334 = arith.constant 0 : i32
      %dma_wait3A_1335 = tpu.memref_slice %arg4[%dma_wait3A_1333, %dma_wait3A_1334] : memref<16x1000000xf32, #tpu.memory_space<hbm>> -> memref<8x128xf32, #tpu.memory_space<hbm>>
      tpu.wait_dma2 semaphore(%arg18 : memref<!tpu.dma_semaphore, #tpu.memory_space<semaphore_mem>>) src(%dma_wait3A_1335 : memref<8x128xf32, #tpu.memory_space<hbm>>) dst(%dma_wait3A_1332 : memref<8x128xf32, #tpu.memory_space<vmem>>)
      %dma_wait3A_1336 = arith.constant 0 : i32
      %dma_wait3A_1337 = arith.constant 0 : i32
      %dma_wait3A_1338 = arith.constant 0 : i32
      %dma_wait3A_1339 = tpu.memref_slice %arg12[%dma_wait3A_1336, %dma_wait3A_1337, %dma_wait3A_1338] : memref<8x16x128xf32, #tpu.memory_space<vmem>> -> memref<1x8x128xf32, #tpu.memory_space<vmem>>
      %dma_wait3A_1340 = tpu.memref_squeeze %dma_wait3A_1339 : memref<1x8x128xf32, #tpu.memory_space<vmem>> -> memref<8x128xf32, #tpu.memory_space<vmem>>
      %dma_wait3A_1341 = arith.constant 0 : i32
      %dma_wait3A_1342 = arith.constant 0 : i32
      %dma_wait3A_1343 = tpu.memref_slice %arg5[%dma_wait3A_1341, %dma_wait3A_1342] : memref<16x1000000xf32, #tpu.memory_space<hbm>> -> memref<8x128xf32, #tpu.memory_space<hbm>>
      %dma_wait3A_1344 = arith.constant 0 : i32
      %dma_wait3A_1345 = arith.constant 0 : i32
      %dma_wait3A_1346 = tpu.memref_slice %arg12[%dma_wait3A_1336, %dma_wait3A_1344, %dma_wait3A_1345] : memref<8x16x128xf32, #tpu.memory_space<vmem>> -> memref<1x8x128xf32, #tpu.memory_space<vmem>>
      %dma_wait3A_1347 = tpu.memref_squeeze %dma_wait3A_1346 : memref<1x8x128xf32, #tpu.memory_space<vmem>> -> memref<8x128xf32, #tpu.memory_space<vmem>>
      %dma_wait3A_1348 = arith.constant 0 : i32
      %dma_wait3A_1349 = arith.constant 0 : i32
      %dma_wait3A_1350 = tpu.memref_slice %arg5[%dma_wait3A_1348, %dma_wait3A_1349] : memref<16x1000000xf32, #tpu.memory_space<hbm>> -> memref<8x128xf32, #tpu.memory_space<hbm>>
      tpu.wait_dma2 semaphore(%arg20 : memref<!tpu.dma_semaphore, #tpu.memory_space<semaphore_mem>>) src(%dma_wait3A_1350 : memref<8x128xf32, #tpu.memory_space<hbm>>) dst(%dma_wait3A_1347 : memref<8x128xf32, #tpu.memory_space<vmem>>)
      %dma_wait3A_1351 = arith.constant 0 : i32
      %dma_wait3A_1352 = arith.constant 0 : i32
      %dma_wait3A_1353 = arith.constant 0 : i32
      %dma_wait3A_1354 = tpu.memref_slice %arg10[%dma_wait3A_1351, %dma_wait3A_1352, %dma_wait3A_1353] : memref<8x16x128xf32, #tpu.memory_space<vmem>> -> memref<1x8x128xf32, #tpu.memory_space<vmem>>
      %dma_wait3A_1355 = tpu.memref_squeeze %dma_wait3A_1354 : memref<1x8x128xf32, #tpu.memory_space<vmem>> -> memref<8x128xf32, #tpu.memory_space<vmem>>
      %dma_wait3A_1356 = arith.constant 0 : i32
      %dma_wait3A_1357 = arith.constant 0 : i32
      %dma_wait3A_1358 = tpu.memref_slice %arg4[%dma_wait3A_1356, %dma_wait3A_1357] : memref<16x1000000xf32, #tpu.memory_space<hbm>> -> memref<8x128xf32, #tpu.memory_space<hbm>>
      %dma_wait3A_1359 = arith.constant 0 : i32
      %dma_wait3A_1360 = arith.constant 0 : i32
      %dma_wait3A_1361 = tpu.memref_slice %arg10[%dma_wait3A_1351, %dma_wait3A_1359, %dma_wait3A_1360] : memref<8x16x128xf32, #tpu.memory_space<vmem>> -> memref<1x8x128xf32, #tpu.memory_space<vmem>>
      %dma_wait3A_1362 = tpu.memref_squeeze %dma_wait3A_1361 : memref<1x8x128xf32, #tpu.memory_space<vmem>> -> memref<8x128xf32, #tpu.memory_space<vmem>>
      %dma_wait3A_1363 = arith.constant 0 : i32
      %dma_wait3A_1364 = arith.constant 0 : i32
      %dma_wait3A_1365 = tpu.memref_slice %arg4[%dma_wait3A_1363, %dma_wait3A_1364] : memref<16x1000000xf32, #tpu.memory_space<hbm>> -> memref<8x128xf32, #tpu.memory_space<hbm>>
      tpu.wait_dma2 semaphore(%arg18 : memref<!tpu.dma_semaphore, #tpu.memory_space<semaphore_mem>>) src(%dma_wait3A_1365 : memref<8x128xf32, #tpu.memory_space<hbm>>) dst(%dma_wait3A_1362 : memref<8x128xf32, #tpu.memory_space<vmem>>)
      %dma_wait3A_1366 = arith.constant 0 : i32
      %dma_wait3A_1367 = arith.constant 0 : i32
      %dma_wait3A_1368 = arith.constant 0 : i32
      %dma_wait3A_1369 = tpu.memref_slice %arg12[%dma_wait3A_1366, %dma_wait3A_1367, %dma_wait3A_1368] : memref<8x16x128xf32, #tpu.memory_space<vmem>> -> memref<1x8x128xf32, #tpu.memory_space<vmem>>
      %dma_wait3A_1370 = tpu.memref_squeeze %dma_wait3A_1369 : memref<1x8x128xf32, #tpu.memory_space<vmem>> -> memref<8x128xf32, #tpu.memory_space<vmem>>
      %dma_wait3A_1371 = arith.constant 0 : i32
      %dma_wait3A_1372 = arith.constant 0 : i32
      %dma_wait3A_1373 = tpu.memref_slice %arg5[%dma_wait3A_1371, %dma_wait3A_1372] : memref<16x1000000xf32, #tpu.memory_space<hbm>> -> memref<8x128xf32, #tpu.memory_space<hbm>>
      %dma_wait3A_1374 = arith.constant 0 : i32
      %dma_wait3A_1375 = arith.constant 0 : i32
      %dma_wait3A_1376 = tpu.memref_slice %arg12[%dma_wait3A_1366, %dma_wait3A_1374, %dma_wait3A_1375] : memref<8x16x128xf32, #tpu.memory_space<vmem>> -> memref<1x8x128xf32, #tpu.memory_space<vmem>>
      %dma_wait3A_1377 = tpu.memref_squeeze %dma_wait3A_1376 : memref<1x8x128xf32, #tpu.memory_space<vmem>> -> memref<8x128xf32, #tpu.memory_space<vmem>>
      %dma_wait3A_1378 = arith.constant 0 : i32
      %dma_wait3A_1379 = arith.constant 0 : i32
      %dma_wait3A_1380 = tpu.memref_slice %arg5[%dma_wait3A_1378, %dma_wait3A_1379] : memref<16x1000000xf32, #tpu.memory_space<hbm>> -> memref<8x128xf32, #tpu.memory_space<hbm>>
      tpu.wait_dma2 semaphore(%arg20 : memref<!tpu.dma_semaphore, #tpu.memory_space<semaphore_mem>>) src(%dma_wait3A_1380 : memref<8x128xf32, #tpu.memory_space<hbm>>) dst(%dma_wait3A_1377 : memref<8x128xf32, #tpu.memory_space<vmem>>)
      %dma_wait3A_1381 = arith.constant 0 : i32
      %dma_wait3A_1382 = arith.constant 0 : i32
      %dma_wait3A_1383 = arith.constant 0 : i32
      %dma_wait3A_1384 = tpu.memref_slice %arg10[%dma_wait3A_1381, %dma_wait3A_1382, %dma_wait3A_1383] : memref<8x16x128xf32, #tpu.memory_space<vmem>> -> memref<1x8x128xf32, #tpu.memory_space<vmem>>
      %dma_wait3A_1385 = tpu.memref_squeeze %dma_wait3A_1384 : memref<1x8x128xf32, #tpu.memory_space<vmem>> -> memref<8x128xf32, #tpu.memory_space<vmem>>
      %dma_wait3A_1386 = arith.constant 0 : i32
      %dma_wait3A_1387 = arith.constant 0 : i32
      %dma_wait3A_1388 = tpu.memref_slice %arg4[%dma_wait3A_1386, %dma_wait3A_1387] : memref<16x1000000xf32, #tpu.memory_space<hbm>> -> memref<8x128xf32, #tpu.memory_space<hbm>>
      %dma_wait3A_1389 = arith.constant 0 : i32
      %dma_wait3A_1390 = arith.constant 0 : i32
      %dma_wait3A_1391 = tpu.memref_slice %arg10[%dma_wait3A_1381, %dma_wait3A_1389, %dma_wait3A_1390] : memref<8x16x128xf32, #tpu.memory_space<vmem>> -> memref<1x8x128xf32, #tpu.memory_space<vmem>>
      %dma_wait3A_1392 = tpu.memref_squeeze %dma_wait3A_1391 : memref<1x8x128xf32, #tpu.memory_space<vmem>> -> memref<8x128xf32, #tpu.memory_space<vmem>>
      %dma_wait3A_1393 = arith.constant 0 : i32
      %dma_wait3A_1394 = arith.constant 0 : i32
      %dma_wait3A_1395 = tpu.memref_slice %arg4[%dma_wait3A_1393, %dma_wait3A_1394] : memref<16x1000000xf32, #tpu.memory_space<hbm>> -> memref<8x128xf32, #tpu.memory_space<hbm>>
      tpu.wait_dma2 semaphore(%arg18 : memref<!tpu.dma_semaphore, #tpu.memory_space<semaphore_mem>>) src(%dma_wait3A_1395 : memref<8x128xf32, #tpu.memory_space<hbm>>) dst(%dma_wait3A_1392 : memref<8x128xf32, #tpu.memory_space<vmem>>)
      %dma_wait3A_1396 = arith.constant 0 : i32
      %dma_wait3A_1397 = arith.constant 0 : i32
      %dma_wait3A_1398 = arith.constant 0 : i32
      %dma_wait3A_1399 = tpu.memref_slice %arg12[%dma_wait3A_1396, %dma_wait3A_1397, %dma_wait3A_1398] : memref<8x16x128xf32, #tpu.memory_space<vmem>> -> memref<1x8x128xf32, #tpu.memory_space<vmem>>
      %dma_wait3A_1400 = tpu.memref_squeeze %dma_wait3A_1399 : memref<1x8x128xf32, #tpu.memory_space<vmem>> -> memref<8x128xf32, #tpu.memory_space<vmem>>
      %dma_wait3A_1401 = arith.constant 0 : i32
      %dma_wait3A_1402 = arith.constant 0 : i32
      %dma_wait3A_1403 = tpu.memref_slice %arg5[%dma_wait3A_1401, %dma_wait3A_1402] : memref<16x1000000xf32, #tpu.memory_space<hbm>> -> memref<8x128xf32, #tpu.memory_space<hbm>>
      %dma_wait3A_1404 = arith.constant 0 : i32
      %dma_wait3A_1405 = arith.constant 0 : i32
      %dma_wait3A_1406 = tpu.memref_slice %arg12[%dma_wait3A_1396, %dma_wait3A_1404, %dma_wait3A_1405] : memref<8x16x128xf32, #tpu.memory_space<vmem>> -> memref<1x8x128xf32, #tpu.memory_space<vmem>>
      %dma_wait3A_1407 = tpu.memref_squeeze %dma_wait3A_1406 : memref<1x8x128xf32, #tpu.memory_space<vmem>> -> memref<8x128xf32, #tpu.memory_space<vmem>>
      %dma_wait3A_1408 = arith.constant 0 : i32
      %dma_wait3A_1409 = arith.constant 0 : i32
      %dma_wait3A_1410 = tpu.memref_slice %arg5[%dma_wait3A_1408, %dma_wait3A_1409] : memref<16x1000000xf32, #tpu.memory_space<hbm>> -> memref<8x128xf32, #tpu.memory_space<hbm>>
      tpu.wait_dma2 semaphore(%arg20 : memref<!tpu.dma_semaphore, #tpu.memory_space<semaphore_mem>>) src(%dma_wait3A_1410 : memref<8x128xf32, #tpu.memory_space<hbm>>) dst(%dma_wait3A_1407 : memref<8x128xf32, #tpu.memory_space<vmem>>)
      %dma_wait3A_1411 = arith.constant 0 : i32
      %dma_wait3A_1412 = arith.constant 0 : i32
      %dma_wait3A_1413 = arith.constant 0 : i32
      %dma_wait3A_1414 = tpu.memref_slice %arg10[%dma_wait3A_1411, %dma_wait3A_1412, %dma_wait3A_1413] : memref<8x16x128xf32, #tpu.memory_space<vmem>> -> memref<1x8x128xf32, #tpu.memory_space<vmem>>
      %dma_wait3A_1415 = tpu.memref_squeeze %dma_wait3A_1414 : memref<1x8x128xf32, #tpu.memory_space<vmem>> -> memref<8x128xf32, #tpu.memory_space<vmem>>
      %dma_wait3A_1416 = arith.constant 0 : i32
      %dma_wait3A_1417 = arith.constant 0 : i32
      %dma_wait3A_1418 = tpu.memref_slice %arg4[%dma_wait3A_1416, %dma_wait3A_1417] : memref<16x1000000xf32, #tpu.memory_space<hbm>> -> memref<8x128xf32, #tpu.memory_space<hbm>>
      %dma_wait3A_1419 = arith.constant 0 : i32
      %dma_wait3A_1420 = arith.constant 0 : i32
      %dma_wait3A_1421 = tpu.memref_slice %arg10[%dma_wait3A_1411, %dma_wait3A_1419, %dma_wait3A_1420] : memref<8x16x128xf32, #tpu.memory_space<vmem>> -> memref<1x8x128xf32, #tpu.memory_space<vmem>>
      %dma_wait3A_1422 = tpu.memref_squeeze %dma_wait3A_1421 : memref<1x8x128xf32, #tpu.memory_space<vmem>> -> memref<8x128xf32, #tpu.memory_space<vmem>>
      %dma_wait3A_1423 = arith.constant 0 : i32
      %dma_wait3A_1424 = arith.constant 0 : i32
      %dma_wait3A_1425 = tpu.memref_slice %arg4[%dma_wait3A_1423, %dma_wait3A_1424] : memref<16x1000000xf32, #tpu.memory_space<hbm>> -> memref<8x128xf32, #tpu.memory_space<hbm>>
      tpu.wait_dma2 semaphore(%arg18 : memref<!tpu.dma_semaphore, #tpu.memory_space<semaphore_mem>>) src(%dma_wait3A_1425 : memref<8x128xf32, #tpu.memory_space<hbm>>) dst(%dma_wait3A_1422 : memref<8x128xf32, #tpu.memory_space<vmem>>)
      %dma_wait3A_1426 = arith.constant 0 : i32
      %dma_wait3A_1427 = arith.constant 0 : i32
      %dma_wait3A_1428 = arith.constant 0 : i32
      %dma_wait3A_1429 = tpu.memref_slice %arg12[%dma_wait3A_1426, %dma_wait3A_1427, %dma_wait3A_1428] : memref<8x16x128xf32, #tpu.memory_space<vmem>> -> memref<1x8x128xf32, #tpu.memory_space<vmem>>
      %dma_wait3A_1430 = tpu.memref_squeeze %dma_wait3A_1429 : memref<1x8x128xf32, #tpu.memory_space<vmem>> -> memref<8x128xf32, #tpu.memory_space<vmem>>
      %dma_wait3A_1431 = arith.constant 0 : i32
      %dma_wait3A_1432 = arith.constant 0 : i32
      %dma_wait3A_1433 = tpu.memref_slice %arg5[%dma_wait3A_1431, %dma_wait3A_1432] : memref<16x1000000xf32, #tpu.memory_space<hbm>> -> memref<8x128xf32, #tpu.memory_space<hbm>>
      %dma_wait3A_1434 = arith.constant 0 : i32
      %dma_wait3A_1435 = arith.constant 0 : i32
      %dma_wait3A_1436 = tpu.memref_slice %arg12[%dma_wait3A_1426, %dma_wait3A_1434, %dma_wait3A_1435] : memref<8x16x128xf32, #tpu.memory_space<vmem>> -> memref<1x8x128xf32, #tpu.memory_space<vmem>>
      %dma_wait3A_1437 = tpu.memref_squeeze %dma_wait3A_1436 : memref<1x8x128xf32, #tpu.memory_space<vmem>> -> memref<8x128xf32, #tpu.memory_space<vmem>>
      %dma_wait3A_1438 = arith.constant 0 : i32
      %dma_wait3A_1439 = arith.constant 0 : i32
      %dma_wait3A_1440 = tpu.memref_slice %arg5[%dma_wait3A_1438, %dma_wait3A_1439] : memref<16x1000000xf32, #tpu.memory_space<hbm>> -> memref<8x128xf32, #tpu.memory_space<hbm>>
      tpu.wait_dma2 semaphore(%arg20 : memref<!tpu.dma_semaphore, #tpu.memory_space<semaphore_mem>>) src(%dma_wait3A_1440 : memref<8x128xf32, #tpu.memory_space<hbm>>) dst(%dma_wait3A_1437 : memref<8x128xf32, #tpu.memory_space<vmem>>)
      %dma_wait3A_1441 = arith.constant 0 : i32
      %dma_wait3A_1442 = arith.constant 0 : i32
      %dma_wait3A_1443 = arith.constant 0 : i32
      %dma_wait3A_1444 = tpu.memref_slice %arg10[%dma_wait3A_1441, %dma_wait3A_1442, %dma_wait3A_1443] : memref<8x16x128xf32, #tpu.memory_space<vmem>> -> memref<1x8x128xf32, #tpu.memory_space<vmem>>
      %dma_wait3A_1445 = tpu.memref_squeeze %dma_wait3A_1444 : memref<1x8x128xf32, #tpu.memory_space<vmem>> -> memref<8x128xf32, #tpu.memory_space<vmem>>
      %dma_wait3A_1446 = arith.constant 0 : i32
      %dma_wait3A_1447 = arith.constant 0 : i32
      %dma_wait3A_1448 = tpu.memref_slice %arg4[%dma_wait3A_1446, %dma_wait3A_1447] : memref<16x1000000xf32, #tpu.memory_space<hbm>> -> memref<8x128xf32, #tpu.memory_space<hbm>>
      %dma_wait3A_1449 = arith.constant 0 : i32
      %dma_wait3A_1450 = arith.constant 0 : i32
      %dma_wait3A_1451 = tpu.memref_slice %arg10[%dma_wait3A_1441, %dma_wait3A_1449, %dma_wait3A_1450] : memref<8x16x128xf32, #tpu.memory_space<vmem>> -> memref<1x8x128xf32, #tpu.memory_space<vmem>>
      %dma_wait3A_1452 = tpu.memref_squeeze %dma_wait3A_1451 : memref<1x8x128xf32, #tpu.memory_space<vmem>> -> memref<8x128xf32, #tpu.memory_space<vmem>>
      %dma_wait3A_1453 = arith.constant 0 : i32
      %dma_wait3A_1454 = arith.constant 0 : i32
      %dma_wait3A_1455 = tpu.memref_slice %arg4[%dma_wait3A_1453, %dma_wait3A_1454] : memref<16x1000000xf32, #tpu.memory_space<hbm>> -> memref<8x128xf32, #tpu.memory_space<hbm>>
      tpu.wait_dma2 semaphore(%arg18 : memref<!tpu.dma_semaphore, #tpu.memory_space<semaphore_mem>>) src(%dma_wait3A_1455 : memref<8x128xf32, #tpu.memory_space<hbm>>) dst(%dma_wait3A_1452 : memref<8x128xf32, #tpu.memory_space<vmem>>)
      %dma_wait3A_1456 = arith.constant 0 : i32
      %dma_wait3A_1457 = arith.constant 0 : i32
      %dma_wait3A_1458 = arith.constant 0 : i32
      %dma_wait3A_1459 = tpu.memref_slice %arg12[%dma_wait3A_1456, %dma_wait3A_1457, %dma_wait3A_1458] : memref<8x16x128xf32, #tpu.memory_space<vmem>> -> memref<1x8x128xf32, #tpu.memory_space<vmem>>
      %dma_wait3A_1460 = tpu.memref_squeeze %dma_wait3A_1459 : memref<1x8x128xf32, #tpu.memory_space<vmem>> -> memref<8x128xf32, #tpu.memory_space<vmem>>
      %dma_wait3A_1461 = arith.constant 0 : i32
      %dma_wait3A_1462 = arith.constant 0 : i32
      %dma_wait3A_1463 = tpu.memref_slice %arg5[%dma_wait3A_1461, %dma_wait3A_1462] : memref<16x1000000xf32, #tpu.memory_space<hbm>> -> memref<8x128xf32, #tpu.memory_space<hbm>>
      %dma_wait3A_1464 = arith.constant 0 : i32
      %dma_wait3A_1465 = arith.constant 0 : i32
      %dma_wait3A_1466 = tpu.memref_slice %arg12[%dma_wait3A_1456, %dma_wait3A_1464, %dma_wait3A_1465] : memref<8x16x128xf32, #tpu.memory_space<vmem>> -> memref<1x8x128xf32, #tpu.memory_space<vmem>>
      %dma_wait3A_1467 = tpu.memref_squeeze %dma_wait3A_1466 : memref<1x8x128xf32, #tpu.memory_space<vmem>> -> memref<8x128xf32, #tpu.memory_space<vmem>>
      %dma_wait3A_1468 = arith.constant 0 : i32
      %dma_wait3A_1469 = arith.constant 0 : i32
      %dma_wait3A_1470 = tpu.memref_slice %arg5[%dma_wait3A_1468, %dma_wait3A_1469] : memref<16x1000000xf32, #tpu.memory_space<hbm>> -> memref<8x128xf32, #tpu.memory_space<hbm>>
      tpu.wait_dma2 semaphore(%arg20 : memref<!tpu.dma_semaphore, #tpu.memory_space<semaphore_mem>>) src(%dma_wait3A_1470 : memref<8x128xf32, #tpu.memory_space<hbm>>) dst(%dma_wait3A_1467 : memref<8x128xf32, #tpu.memory_space<vmem>>)
      %dma_wait3A_1471 = arith.constant 0 : i32
      %dma_wait3A_1472 = arith.constant 0 : i32
      %dma_wait3A_1473 = arith.constant 0 : i32
      %dma_wait3A_1474 = tpu.memref_slice %arg10[%dma_wait3A_1471, %dma_wait3A_1472, %dma_wait3A_1473] : memref<8x16x128xf32, #tpu.memory_space<vmem>> -> memref<1x8x128xf32, #tpu.memory_space<vmem>>
      %dma_wait3A_1475 = tpu.memref_squeeze %dma_wait3A_1474 : memref<1x8x128xf32, #tpu.memory_space<vmem>> -> memref<8x128xf32, #tpu.memory_space<vmem>>
      %dma_wait3A_1476 = arith.constant 0 : i32
      %dma_wait3A_1477 = arith.constant 0 : i32
      %dma_wait3A_1478 = tpu.memref_slice %arg4[%dma_wait3A_1476, %dma_wait3A_1477] : memref<16x1000000xf32, #tpu.memory_space<hbm>> -> memref<8x128xf32, #tpu.memory_space<hbm>>
      %dma_wait3A_1479 = arith.constant 0 : i32
      %dma_wait3A_1480 = arith.constant 0 : i32
      %dma_wait3A_1481 = tpu.memref_slice %arg10[%dma_wait3A_1471, %dma_wait3A_1479, %dma_wait3A_1480] : memref<8x16x128xf32, #tpu.memory_space<vmem>> -> memref<1x8x128xf32, #tpu.memory_space<vmem>>
      %dma_wait3A_1482 = tpu.memref_squeeze %dma_wait3A_1481 : memref<1x8x128xf32, #tpu.memory_space<vmem>> -> memref<8x128xf32, #tpu.memory_space<vmem>>
      %dma_wait3A_1483 = arith.constant 0 : i32
      %dma_wait3A_1484 = arith.constant 0 : i32
      %dma_wait3A_1485 = tpu.memref_slice %arg4[%dma_wait3A_1483, %dma_wait3A_1484] : memref<16x1000000xf32, #tpu.memory_space<hbm>> -> memref<8x128xf32, #tpu.memory_space<hbm>>
      tpu.wait_dma2 semaphore(%arg18 : memref<!tpu.dma_semaphore, #tpu.memory_space<semaphore_mem>>) src(%dma_wait3A_1485 : memref<8x128xf32, #tpu.memory_space<hbm>>) dst(%dma_wait3A_1482 : memref<8x128xf32, #tpu.memory_space<vmem>>)
      %dma_wait3A_1486 = arith.constant 0 : i32
      %dma_wait3A_1487 = arith.constant 0 : i32
      %dma_wait3A_1488 = arith.constant 0 : i32
      %dma_wait3A_1489 = tpu.memref_slice %arg12[%dma_wait3A_1486, %dma_wait3A_1487, %dma_wait3A_1488] : memref<8x16x128xf32, #tpu.memory_space<vmem>> -> memref<1x8x128xf32, #tpu.memory_space<vmem>>
      %dma_wait3A_1490 = tpu.memref_squeeze %dma_wait3A_1489 : memref<1x8x128xf32, #tpu.memory_space<vmem>> -> memref<8x128xf32, #tpu.memory_space<vmem>>
      %dma_wait3A_1491 = arith.constant 0 : i32
      %dma_wait3A_1492 = arith.constant 0 : i32
      %dma_wait3A_1493 = tpu.memref_slice %arg5[%dma_wait3A_1491, %dma_wait3A_1492] : memref<16x1000000xf32, #tpu.memory_space<hbm>> -> memref<8x128xf32, #tpu.memory_space<hbm>>
      %dma_wait3A_1494 = arith.constant 0 : i32
      %dma_wait3A_1495 = arith.constant 0 : i32
      %dma_wait3A_1496 = tpu.memref_slice %arg12[%dma_wait3A_1486, %dma_wait3A_1494, %dma_wait3A_1495] : memref<8x16x128xf32, #tpu.memory_space<vmem>> -> memref<1x8x128xf32, #tpu.memory_space<vmem>>
      %dma_wait3A_1497 = tpu.memref_squeeze %dma_wait3A_1496 : memref<1x8x128xf32, #tpu.memory_space<vmem>> -> memref<8x128xf32, #tpu.memory_space<vmem>>
      %dma_wait3A_1498 = arith.constant 0 : i32
      %dma_wait3A_1499 = arith.constant 0 : i32
      %dma_wait3A_1500 = tpu.memref_slice %arg5[%dma_wait3A_1498, %dma_wait3A_1499] : memref<16x1000000xf32, #tpu.memory_space<hbm>> -> memref<8x128xf32, #tpu.memory_space<hbm>>
      tpu.wait_dma2 semaphore(%arg20 : memref<!tpu.dma_semaphore, #tpu.memory_space<semaphore_mem>>) src(%dma_wait3A_1500 : memref<8x128xf32, #tpu.memory_space<hbm>>) dst(%dma_wait3A_1497 : memref<8x128xf32, #tpu.memory_space<vmem>>)
      %dma_wait3A_1501 = arith.constant 0 : i32
      %dma_wait3A_1502 = arith.constant 0 : i32
      %dma_wait3A_1503 = arith.constant 0 : i32
      %dma_wait3A_1504 = tpu.memref_slice %arg10[%dma_wait3A_1501, %dma_wait3A_1502, %dma_wait3A_1503] : memref<8x16x128xf32, #tpu.memory_space<vmem>> -> memref<1x8x128xf32, #tpu.memory_space<vmem>>
      %dma_wait3A_1505 = tpu.memref_squeeze %dma_wait3A_1504 : memref<1x8x128xf32, #tpu.memory_space<vmem>> -> memref<8x128xf32, #tpu.memory_space<vmem>>
      %dma_wait3A_1506 = arith.constant 0 : i32
      %dma_wait3A_1507 = arith.constant 0 : i32
      %dma_wait3A_1508 = tpu.memref_slice %arg4[%dma_wait3A_1506, %dma_wait3A_1507] : memref<16x1000000xf32, #tpu.memory_space<hbm>> -> memref<8x128xf32, #tpu.memory_space<hbm>>
      %dma_wait3A_1509 = arith.constant 0 : i32
      %dma_wait3A_1510 = arith.constant 0 : i32
      %dma_wait3A_1511 = tpu.memref_slice %arg10[%dma_wait3A_1501, %dma_wait3A_1509, %dma_wait3A_1510] : memref<8x16x128xf32, #tpu.memory_space<vmem>> -> memref<1x8x128xf32, #tpu.memory_space<vmem>>
      %dma_wait3A_1512 = tpu.memref_squeeze %dma_wait3A_1511 : memref<1x8x128xf32, #tpu.memory_space<vmem>> -> memref<8x128xf32, #tpu.memory_space<vmem>>
      %dma_wait3A_1513 = arith.constant 0 : i32
      %dma_wait3A_1514 = arith.constant 0 : i32
      %dma_wait3A_1515 = tpu.memref_slice %arg4[%dma_wait3A_1513, %dma_wait3A_1514] : memref<16x1000000xf32, #tpu.memory_space<hbm>> -> memref<8x128xf32, #tpu.memory_space<hbm>>
      tpu.wait_dma2 semaphore(%arg18 : memref<!tpu.dma_semaphore, #tpu.memory_space<semaphore_mem>>) src(%dma_wait3A_1515 : memref<8x128xf32, #tpu.memory_space<hbm>>) dst(%dma_wait3A_1512 : memref<8x128xf32, #tpu.memory_space<vmem>>)
      %dma_wait3A_1516 = arith.constant 0 : i32
      %dma_wait3A_1517 = arith.constant 0 : i32
      %dma_wait3A_1518 = arith.constant 0 : i32
      %dma_wait3A_1519 = tpu.memref_slice %arg12[%dma_wait3A_1516, %dma_wait3A_1517, %dma_wait3A_1518] : memref<8x16x128xf32, #tpu.memory_space<vmem>> -> memref<1x8x128xf32, #tpu.memory_space<vmem>>
      %dma_wait3A_1520 = tpu.memref_squeeze %dma_wait3A_1519 : memref<1x8x128xf32, #tpu.memory_space<vmem>> -> memref<8x128xf32, #tpu.memory_space<vmem>>
      %dma_wait3A_1521 = arith.constant 0 : i32
      %dma_wait3A_1522 = arith.constant 0 : i32
      %dma_wait3A_1523 = tpu.memref_slice %arg5[%dma_wait3A_1521, %dma_wait3A_1522] : memref<16x1000000xf32, #tpu.memory_space<hbm>> -> memref<8x128xf32, #tpu.memory_space<hbm>>
      %dma_wait3A_1524 = arith.constant 0 : i32
      %dma_wait3A_1525 = arith.constant 0 : i32
      %dma_wait3A_1526 = tpu.memref_slice %arg12[%dma_wait3A_1516, %dma_wait3A_1524, %dma_wait3A_1525] : memref<8x16x128xf32, #tpu.memory_space<vmem>> -> memref<1x8x128xf32, #tpu.memory_space<vmem>>
      %dma_wait3A_1527 = tpu.memref_squeeze %dma_wait3A_1526 : memref<1x8x128xf32, #tpu.memory_space<vmem>> -> memref<8x128xf32, #tpu.memory_space<vmem>>
      %dma_wait3A_1528 = arith.constant 0 : i32
      %dma_wait3A_1529 = arith.constant 0 : i32
      %dma_wait3A_1530 = tpu.memref_slice %arg5[%dma_wait3A_1528, %dma_wait3A_1529] : memref<16x1000000xf32, #tpu.memory_space<hbm>> -> memref<8x128xf32, #tpu.memory_space<hbm>>
      tpu.wait_dma2 semaphore(%arg20 : memref<!tpu.dma_semaphore, #tpu.memory_space<semaphore_mem>>) src(%dma_wait3A_1530 : memref<8x128xf32, #tpu.memory_space<hbm>>) dst(%dma_wait3A_1527 : memref<8x128xf32, #tpu.memory_space<vmem>>)
      %dma_wait3A_1531 = arith.constant 0 : i32
      %dma_wait3A_1532 = arith.constant 0 : i32
      %dma_wait3A_1533 = arith.constant 0 : i32
      %dma_wait3A_1534 = tpu.memref_slice %arg10[%dma_wait3A_1531, %dma_wait3A_1532, %dma_wait3A_1533] : memref<8x16x128xf32, #tpu.memory_space<vmem>> -> memref<1x8x128xf32, #tpu.memory_space<vmem>>
      %dma_wait3A_1535 = tpu.memref_squeeze %dma_wait3A_1534 : memref<1x8x128xf32, #tpu.memory_space<vmem>> -> memref<8x128xf32, #tpu.memory_space<vmem>>
      %dma_wait3A_1536 = arith.constant 0 : i32
      %dma_wait3A_1537 = arith.constant 0 : i32
      %dma_wait3A_1538 = tpu.memref_slice %arg4[%dma_wait3A_1536, %dma_wait3A_1537] : memref<16x1000000xf32, #tpu.memory_space<hbm>> -> memref<8x128xf32, #tpu.memory_space<hbm>>
      %dma_wait3A_1539 = arith.constant 0 : i32
      %dma_wait3A_1540 = arith.constant 0 : i32
      %dma_wait3A_1541 = tpu.memref_slice %arg10[%dma_wait3A_1531, %dma_wait3A_1539, %dma_wait3A_1540] : memref<8x16x128xf32, #tpu.memory_space<vmem>> -> memref<1x8x128xf32, #tpu.memory_space<vmem>>
      %dma_wait3A_1542 = tpu.memref_squeeze %dma_wait3A_1541 : memref<1x8x128xf32, #tpu.memory_space<vmem>> -> memref<8x128xf32, #tpu.memory_space<vmem>>
      %dma_wait3A_1543 = arith.constant 0 : i32
      %dma_wait3A_1544 = arith.constant 0 : i32
      %dma_wait3A_1545 = tpu.memref_slice %arg4[%dma_wait3A_1543, %dma_wait3A_1544] : memref<16x1000000xf32, #tpu.memory_space<hbm>> -> memref<8x128xf32, #tpu.memory_space<hbm>>
      tpu.wait_dma2 semaphore(%arg18 : memref<!tpu.dma_semaphore, #tpu.memory_space<semaphore_mem>>) src(%dma_wait3A_1545 : memref<8x128xf32, #tpu.memory_space<hbm>>) dst(%dma_wait3A_1542 : memref<8x128xf32, #tpu.memory_space<vmem>>)
      %dma_wait3A_1546 = arith.constant 0 : i32
      %dma_wait3A_1547 = arith.constant 0 : i32
      %dma_wait3A_1548 = arith.constant 0 : i32
      %dma_wait3A_1549 = tpu.memref_slice %arg12[%dma_wait3A_1546, %dma_wait3A_1547, %dma_wait3A_1548] : memref<8x16x128xf32, #tpu.memory_space<vmem>> -> memref<1x8x128xf32, #tpu.memory_space<vmem>>
      %dma_wait3A_1550 = tpu.memref_squeeze %dma_wait3A_1549 : memref<1x8x128xf32, #tpu.memory_space<vmem>> -> memref<8x128xf32, #tpu.memory_space<vmem>>
      %dma_wait3A_1551 = arith.constant 0 : i32
      %dma_wait3A_1552 = arith.constant 0 : i32
      %dma_wait3A_1553 = tpu.memref_slice %arg5[%dma_wait3A_1551, %dma_wait3A_1552] : memref<16x1000000xf32, #tpu.memory_space<hbm>> -> memref<8x128xf32, #tpu.memory_space<hbm>>
      %dma_wait3A_1554 = arith.constant 0 : i32
      %dma_wait3A_1555 = arith.constant 0 : i32
      %dma_wait3A_1556 = tpu.memref_slice %arg12[%dma_wait3A_1546, %dma_wait3A_1554, %dma_wait3A_1555] : memref<8x16x128xf32, #tpu.memory_space<vmem>> -> memref<1x8x128xf32, #tpu.memory_space<vmem>>
      %dma_wait3A_1557 = tpu.memref_squeeze %dma_wait3A_1556 : memref<1x8x128xf32, #tpu.memory_space<vmem>> -> memref<8x128xf32, #tpu.memory_space<vmem>>
      %dma_wait3A_1558 = arith.constant 0 : i32
      %dma_wait3A_1559 = arith.constant 0 : i32
      %dma_wait3A_1560 = tpu.memref_slice %arg5[%dma_wait3A_1558, %dma_wait3A_1559] : memref<16x1000000xf32, #tpu.memory_space<hbm>> -> memref<8x128xf32, #tpu.memory_space<hbm>>
      tpu.wait_dma2 semaphore(%arg20 : memref<!tpu.dma_semaphore, #tpu.memory_space<semaphore_mem>>) src(%dma_wait3A_1560 : memref<8x128xf32, #tpu.memory_space<hbm>>) dst(%dma_wait3A_1557 : memref<8x128xf32, #tpu.memory_space<vmem>>)
      %mul3A_1561 = arith.constant 8 : i32
      %mul3A_1562 = arith.muli %add3A_543, %mul3A_1561 : i32
      %add3A_1563 = arith.constant 0 : i32
      %add3A_1564 = arith.addi %mul3A_1562, %add3A_1563 : i32
      %slice3A_1565 = vector.extract_strided_slice %get3A_547 {offsets = [0], sizes = [1], strides = [1]} : vector<16xi32> to vector<1xi32>
      %squeeze3A_1566 = vector.extract %slice3A_1565[0] : i32 from vector<1xi32>
      %and3A = arith.constant 127 : i32
      %and3A_1567 = arith.andi %squeeze3A_1566, %and3A : i32
      %slice3A_1568 = vector.extract_strided_slice %get3A_551 {offsets = [0], sizes = [1], strides = [1]} : vector<16xi32> to vector<1xi32>
      %squeeze3A_1569 = vector.extract %slice3A_1568[0] : i32 from vector<1xi32>
      %and3A_1570 = arith.constant 127 : i32
      %and3A_1571 = arith.andi %squeeze3A_1569, %and3A_1570 : i32
      %broadcast_in_dim3A_1572 = arith.constant 0 : i32
      %broadcast_in_dim3A_1573 = vector.broadcast %broadcast_in_dim3A_1572 : i32 to vector<16xi32>
      %broadcast_in_dim3A_1574 = arith.constant 0 : i32
      %broadcast_in_dim3A_1575 = vector.broadcast %broadcast_in_dim3A_1574 : i32 to vector<16xi32>
      %add3A_1576 = vector.broadcast %and3A_1567 : i32 to vector<16xi32>
      %add3A_1577 = arith.addi %broadcast_in_dim3A_1575, %add3A_1576 : vector<16xi32>
      %gather3A = tpu.vector_load_idx %arg10[%broadcast_in_dim3A_1573, %iota3A, %add3A_1577] : memref<8x16x128xf32, #tpu.memory_space<vmem>>[vector<16xi32>, vector<16xi32>, vector<16xi32>], vector<16xf32>,
      %broadcast_in_dim3A_1578 = arith.constant 0 : i32
      %broadcast_in_dim3A_1579 = vector.broadcast %broadcast_in_dim3A_1578 : i32 to vector<16xi32>
      %add3A_1580 = vector.broadcast %and3A_1571 : i32 to vector<16xi32>
      %add3A_1581 = arith.addi %broadcast_in_dim3A_1579, %add3A_1580 : vector<16xi32>
      %gather3A_1582 = tpu.vector_load_idx %arg12[%broadcast_in_dim3A_1573, %iota3A, %add3A_1581] : memref<8x16x128xf32, #tpu.memory_space<vmem>>[vector<16xi32>, vector<16xi32>, vector<16xi32>], vector<16xf32>,
      %mul3A_1583 = arith.constant 512 : i32
      %mul3A_1584 = vector.broadcast %mul3A_1583 : i32 to vector<16xi32>
      %mul3A_1585 = arith.muli %iota3A, %mul3A_1584 : vector<16xi32>
      %add3A_1586 = vector.broadcast %add3A_1564 : i32 to vector<16xi32>
      %add3A_1587 = arith.addi %mul3A_1585, %add3A_1586 : vector<16xi32>
      tpu.vector_store_idx %arg14[%add3A_1587], %gather3A : memref<8192xf32, #tpu.memory_space<vmem>>[vector<16xi32>], vector<16xf32>,
      tpu.vector_store_idx %arg15[%add3A_1587], %gather3A_1582 : memref<8192xf32, #tpu.memory_space<vmem>>[vector<16xi32>], vector<16xf32>,
      %mul3A_1588 = arith.constant 8 : i32
      %mul3A_1589 = arith.muli %add3A_543, %mul3A_1588 : i32
      %add3A_1590 = arith.constant 1 : i32
      %add3A_1591 = arith.addi %mul3A_1589, %add3A_1590 : i32
      %slice3A_1592 = vector.extract_strided_slice %get3A_547 {offsets = [1], sizes = [1], strides = [1]} : vector<16xi32> to vector<1xi32>
      %squeeze3A_1593 = vector.extract %slice3A_1592[0] : i32 from vector<1xi32>
      %and3A_1594 = arith.constant 127 : i32
      %and3A_1595 = arith.andi %squeeze3A_1593, %and3A_1594 : i32
      %slice3A_1596 = vector.extract_strided_slice %get3A_551 {offsets = [1], sizes = [1], strides = [1]} : vector<16xi32> to vector<1xi32>
      %squeeze3A_1597 = vector.extract %slice3A_1596[0] : i32 from vector<1xi32>
      %and3A_1598 = arith.constant 127 : i32
      %and3A_1599 = arith.andi %squeeze3A_1597, %and3A_1598 : i32
      %broadcast_in_dim3A_1600 = arith.constant 1 : i32
      %broadcast_in_dim3A_1601 = vector.broadcast %broadcast_in_dim3A_1600 : i32 to vector<16xi32>
      %broadcast_in_dim3A_1602 = arith.constant 0 : i32
      %broadcast_in_dim3A_1603 = vector.broadcast %broadcast_in_dim3A_1602 : i32 to vector<16xi32>
      %add3A_1604 = vector.broadcast %and3A_1595 : i32 to vector<16xi32>
      %add3A_1605 = arith.addi %broadcast_in_dim3A_1603, %add3A_1604 : vector<16xi32>
      %gather3A_1606 = tpu.vector_load_idx %arg10[%broadcast_in_dim3A_1601, %iota3A, %add3A_1605] : memref<8x16x128xf32, #tpu.memory_space<vmem>>[vector<16xi32>, vector<16xi32>, vector<16xi32>], vector<16xf32>,
      %broadcast_in_dim3A_1607 = arith.constant 0 : i32
      %broadcast_in_dim3A_1608 = vector.broadcast %broadcast_in_dim3A_1607 : i32 to vector<16xi32>
      %add3A_1609 = vector.broadcast %and3A_1599 : i32 to vector<16xi32>
      %add3A_1610 = arith.addi %broadcast_in_dim3A_1608, %add3A_1609 : vector<16xi32>
      %gather3A_1611 = tpu.vector_load_idx %arg12[%broadcast_in_dim3A_1601, %iota3A, %add3A_1610] : memref<8x16x128xf32, #tpu.memory_space<vmem>>[vector<16xi32>, vector<16xi32>, vector<16xi32>], vector<16xf32>,
      %mul3A_1612 = arith.constant 512 : i32
      %mul3A_1613 = vector.broadcast %mul3A_1612 : i32 to vector<16xi32>
      %mul3A_1614 = arith.muli %iota3A, %mul3A_1613 : vector<16xi32>
      %add3A_1615 = vector.broadcast %add3A_1591 : i32 to vector<16xi32>
      %add3A_1616 = arith.addi %mul3A_1614, %add3A_1615 : vector<16xi32>
      tpu.vector_store_idx %arg14[%add3A_1616], %gather3A_1606 : memref<8192xf32, #tpu.memory_space<vmem>>[vector<16xi32>], vector<16xf32>,
      tpu.vector_store_idx %arg15[%add3A_1616], %gather3A_1611 : memref<8192xf32, #tpu.memory_space<vmem>>[vector<16xi32>], vector<16xf32>,
      %mul3A_1617 = arith.constant 8 : i32
      %mul3A_1618 = arith.muli %add3A_543, %mul3A_1617 : i32
      %add3A_1619 = arith.constant 2 : i32
      %add3A_1620 = arith.addi %mul3A_1618, %add3A_1619 : i32
      %slice3A_1621 = vector.extract_strided_slice %get3A_547 {offsets = [2], sizes = [1], strides = [1]} : vector<16xi32> to vector<1xi32>
      %squeeze3A_1622 = vector.extract %slice3A_1621[0] : i32 from vector<1xi32>
      %and3A_1623 = arith.constant 127 : i32
      %and3A_1624 = arith.andi %squeeze3A_1622, %and3A_1623 : i32
      %slice3A_1625 = vector.extract_strided_slice %get3A_551 {offsets = [2], sizes = [1], strides = [1]} : vector<16xi32> to vector<1xi32>
      %squeeze3A_1626 = vector.extract %slice3A_1625[0] : i32 from vector<1xi32>
      %and3A_1627 = arith.constant 127 : i32
      %and3A_1628 = arith.andi %squeeze3A_1626, %and3A_1627 : i32
      %broadcast_in_dim3A_1629 = arith.constant 2 : i32
      %broadcast_in_dim3A_1630 = vector.broadcast %broadcast_in_dim3A_1629 : i32 to vector<16xi32>
      %broadcast_in_dim3A_1631 = arith.constant 0 : i32
      %broadcast_in_dim3A_1632 = vector.broadcast %broadcast_in_dim3A_1631 : i32 to vector<16xi32>
      %add3A_1633 = vector.broadcast %and3A_1624 : i32 to vector<16xi32>
      %add3A_1634 = arith.addi %broadcast_in_dim3A_1632, %add3A_1633 : vector<16xi32>
      %gather3A_1635 = tpu.vector_load_idx %arg10[%broadcast_in_dim3A_1630, %iota3A, %add3A_1634] : memref<8x16x128xf32, #tpu.memory_space<vmem>>[vector<16xi32>, vector<16xi32>, vector<16xi32>], vector<16xf32>,
      %broadcast_in_dim3A_1636 = arith.constant 0 : i32
      %broadcast_in_dim3A_1637 = vector.broadcast %broadcast_in_dim3A_1636 : i32 to vector<16xi32>
      %add3A_1638 = vector.broadcast %and3A_1628 : i32 to vector<16xi32>
      %add3A_1639 = arith.addi %broadcast_in_dim3A_1637, %add3A_1638 : vector<16xi32>
      %gather3A_1640 = tpu.vector_load_idx %arg12[%broadcast_in_dim3A_1630, %iota3A, %add3A_1639] : memref<8x16x128xf32, #tpu.memory_space<vmem>>[vector<16xi32>, vector<16xi32>, vector<16xi32>], vector<16xf32>,
      %mul3A_1641 = arith.constant 512 : i32
      %mul3A_1642 = vector.broadcast %mul3A_1641 : i32 to vector<16xi32>
      %mul3A_1643 = arith.muli %iota3A, %mul3A_1642 : vector<16xi32>
      %add3A_1644 = vector.broadcast %add3A_1620 : i32 to vector<16xi32>
      %add3A_1645 = arith.addi %mul3A_1643, %add3A_1644 : vector<16xi32>
      tpu.vector_store_idx %arg14[%add3A_1645], %gather3A_1635 : memref<8192xf32, #tpu.memory_space<vmem>>[vector<16xi32>], vector<16xf32>,
      tpu.vector_store_idx %arg15[%add3A_1645], %gather3A_1640 : memref<8192xf32, #tpu.memory_space<vmem>>[vector<16xi32>], vector<16xf32>,
      %mul3A_1646 = arith.constant 8 : i32
      %mul3A_1647 = arith.muli %add3A_543, %mul3A_1646 : i32
      %add3A_1648 = arith.constant 3 : i32
      %add3A_1649 = arith.addi %mul3A_1647, %add3A_1648 : i32
      %slice3A_1650 = vector.extract_strided_slice %get3A_547 {offsets = [3], sizes = [1], strides = [1]} : vector<16xi32> to vector<1xi32>
      %squeeze3A_1651 = vector.extract %slice3A_1650[0] : i32 from vector<1xi32>
      %and3A_1652 = arith.constant 127 : i32
      %and3A_1653 = arith.andi %squeeze3A_1651, %and3A_1652 : i32
      %slice3A_1654 = vector.extract_strided_slice %get3A_551 {offsets = [3], sizes = [1], strides = [1]} : vector<16xi32> to vector<1xi32>
      %squeeze3A_1655 = vector.extract %slice3A_1654[0] : i32 from vector<1xi32>
      %and3A_1656 = arith.constant 127 : i32
      %and3A_1657 = arith.andi %squeeze3A_1655, %and3A_1656 : i32
      %broadcast_in_dim3A_1658 = arith.constant 3 : i32
      %broadcast_in_dim3A_1659 = vector.broadcast %broadcast_in_dim3A_1658 : i32 to vector<16xi32>
      %broadcast_in_dim3A_1660 = arith.constant 0 : i32
      %broadcast_in_dim3A_1661 = vector.broadcast %broadcast_in_dim3A_1660 : i32 to vector<16xi32>
      %add3A_1662 = vector.broadcast %and3A_1653 : i32 to vector<16xi32>
      %add3A_1663 = arith.addi %broadcast_in_dim3A_1661, %add3A_1662 : vector<16xi32>
      %gather3A_1664 = tpu.vector_load_idx %arg10[%broadcast_in_dim3A_1659, %iota3A, %add3A_1663] : memref<8x16x128xf32, #tpu.memory_space<vmem>>[vector<16xi32>, vector<16xi32>, vector<16xi32>], vector<16xf32>,
      %broadcast_in_dim3A_1665 = arith.constant 0 : i32
      %broadcast_in_dim3A_1666 = vector.broadcast %broadcast_in_dim3A_1665 : i32 to vector<16xi32>
      %add3A_1667 = vector.broadcast %and3A_1657 : i32 to vector<16xi32>
      %add3A_1668 = arith.addi %broadcast_in_dim3A_1666, %add3A_1667 : vector<16xi32>
      %gather3A_1669 = tpu.vector_load_idx %arg12[%broadcast_in_dim3A_1659, %iota3A, %add3A_1668] : memref<8x16x128xf32, #tpu.memory_space<vmem>>[vector<16xi32>, vector<16xi32>, vector<16xi32>], vector<16xf32>,
      %mul3A_1670 = arith.constant 512 : i32
      %mul3A_1671 = vector.broadcast %mul3A_1670 : i32 to vector<16xi32>
      %mul3A_1672 = arith.muli %iota3A, %mul3A_1671 : vector<16xi32>
      %add3A_1673 = vector.broadcast %add3A_1649 : i32 to vector<16xi32>
      %add3A_1674 = arith.addi %mul3A_1672, %add3A_1673 : vector<16xi32>
      tpu.vector_store_idx %arg14[%add3A_1674], %gather3A_1664 : memref<8192xf32, #tpu.memory_space<vmem>>[vector<16xi32>], vector<16xf32>,
      tpu.vector_store_idx %arg15[%add3A_1674], %gather3A_1669 : memref<8192xf32, #tpu.memory_space<vmem>>[vector<16xi32>], vector<16xf32>,
      %mul3A_1675 = arith.constant 8 : i32
      %mul3A_1676 = arith.muli %add3A_543, %mul3A_1675 : i32
      %add3A_1677 = arith.constant 4 : i32
      %add3A_1678 = arith.addi %mul3A_1676, %add3A_1677 : i32
      %slice3A_1679 = vector.extract_strided_slice %get3A_547 {offsets = [4], sizes = [1], strides = [1]} : vector<16xi32> to vector<1xi32>
      %squeeze3A_1680 = vector.extract %slice3A_1679[0] : i32 from vector<1xi32>
      %and3A_1681 = arith.constant 127 : i32
      %and3A_1682 = arith.andi %squeeze3A_1680, %and3A_1681 : i32
      %slice3A_1683 = vector.extract_strided_slice %get3A_551 {offsets = [4], sizes = [1], strides = [1]} : vector<16xi32> to vector<1xi32>
      %squeeze3A_1684 = vector.extract %slice3A_1683[0] : i32 from vector<1xi32>
      %and3A_1685 = arith.constant 127 : i32
      %and3A_1686 = arith.andi %squeeze3A_1684, %and3A_1685 : i32
      %broadcast_in_dim3A_1687 = arith.constant 4 : i32
      %broadcast_in_dim3A_1688 = vector.broadcast %broadcast_in_dim3A_1687 : i32 to vector<16xi32>
      %broadcast_in_dim3A_1689 = arith.constant 0 : i32
      %broadcast_in_dim3A_1690 = vector.broadcast %broadcast_in_dim3A_1689 : i32 to vector<16xi32>
      %add3A_1691 = vector.broadcast %and3A_1682 : i32 to vector<16xi32>
      %add3A_1692 = arith.addi %broadcast_in_dim3A_1690, %add3A_1691 : vector<16xi32>
      %gather3A_1693 = tpu.vector_load_idx %arg10[%broadcast_in_dim3A_1688, %iota3A, %add3A_1692] : memref<8x16x128xf32, #tpu.memory_space<vmem>>[vector<16xi32>, vector<16xi32>, vector<16xi32>], vector<16xf32>,
      %broadcast_in_dim3A_1694 = arith.constant 0 : i32
      %broadcast_in_dim3A_1695 = vector.broadcast %broadcast_in_dim3A_1694 : i32 to vector<16xi32>
      %add3A_1696 = vector.broadcast %and3A_1686 : i32 to vector<16xi32>
      %add3A_1697 = arith.addi %broadcast_in_dim3A_1695, %add3A_1696 : vector<16xi32>
      %gather3A_1698 = tpu.vector_load_idx %arg12[%broadcast_in_dim3A_1688, %iota3A, %add3A_1697] : memref<8x16x128xf32, #tpu.memory_space<vmem>>[vector<16xi32>, vector<16xi32>, vector<16xi32>], vector<16xf32>,
      %mul3A_1699 = arith.constant 512 : i32
      %mul3A_1700 = vector.broadcast %mul3A_1699 : i32 to vector<16xi32>
      %mul3A_1701 = arith.muli %iota3A, %mul3A_1700 : vector<16xi32>
      %add3A_1702 = vector.broadcast %add3A_1678 : i32 to vector<16xi32>
      %add3A_1703 = arith.addi %mul3A_1701, %add3A_1702 : vector<16xi32>
      tpu.vector_store_idx %arg14[%add3A_1703], %gather3A_1693 : memref<8192xf32, #tpu.memory_space<vmem>>[vector<16xi32>], vector<16xf32>,
      tpu.vector_store_idx %arg15[%add3A_1703], %gather3A_1698 : memref<8192xf32, #tpu.memory_space<vmem>>[vector<16xi32>], vector<16xf32>,
      %mul3A_1704 = arith.constant 8 : i32
      %mul3A_1705 = arith.muli %add3A_543, %mul3A_1704 : i32
      %add3A_1706 = arith.constant 5 : i32
      %add3A_1707 = arith.addi %mul3A_1705, %add3A_1706 : i32
      %slice3A_1708 = vector.extract_strided_slice %get3A_547 {offsets = [5], sizes = [1], strides = [1]} : vector<16xi32> to vector<1xi32>
      %squeeze3A_1709 = vector.extract %slice3A_1708[0] : i32 from vector<1xi32>
      %and3A_1710 = arith.constant 127 : i32
      %and3A_1711 = arith.andi %squeeze3A_1709, %and3A_1710 : i32
      %slice3A_1712 = vector.extract_strided_slice %get3A_551 {offsets = [5], sizes = [1], strides = [1]} : vector<16xi32> to vector<1xi32>
      %squeeze3A_1713 = vector.extract %slice3A_1712[0] : i32 from vector<1xi32>
      %and3A_1714 = arith.constant 127 : i32
      %and3A_1715 = arith.andi %squeeze3A_1713, %and3A_1714 : i32
      %broadcast_in_dim3A_1716 = arith.constant 5 : i32
      %broadcast_in_dim3A_1717 = vector.broadcast %broadcast_in_dim3A_1716 : i32 to vector<16xi32>
      %broadcast_in_dim3A_1718 = arith.constant 0 : i32
      %broadcast_in_dim3A_1719 = vector.broadcast %broadcast_in_dim3A_1718 : i32 to vector<16xi32>
      %add3A_1720 = vector.broadcast %and3A_1711 : i32 to vector<16xi32>
      %add3A_1721 = arith.addi %broadcast_in_dim3A_1719, %add3A_1720 : vector<16xi32>
      %gather3A_1722 = tpu.vector_load_idx %arg10[%broadcast_in_dim3A_1717, %iota3A, %add3A_1721] : memref<8x16x128xf32, #tpu.memory_space<vmem>>[vector<16xi32>, vector<16xi32>, vector<16xi32>], vector<16xf32>,
      %broadcast_in_dim3A_1723 = arith.constant 0 : i32
      %broadcast_in_dim3A_1724 = vector.broadcast %broadcast_in_dim3A_1723 : i32 to vector<16xi32>
      %add3A_1725 = vector.broadcast %and3A_1715 : i32 to vector<16xi32>
      %add3A_1726 = arith.addi %broadcast_in_dim3A_1724, %add3A_1725 : vector<16xi32>
      %gather3A_1727 = tpu.vector_load_idx %arg12[%broadcast_in_dim3A_1717, %iota3A, %add3A_1726] : memref<8x16x128xf32, #tpu.memory_space<vmem>>[vector<16xi32>, vector<16xi32>, vector<16xi32>], vector<16xf32>,
      %mul3A_1728 = arith.constant 512 : i32
      %mul3A_1729 = vector.broadcast %mul3A_1728 : i32 to vector<16xi32>
      %mul3A_1730 = arith.muli %iota3A, %mul3A_1729 : vector<16xi32>
      %add3A_1731 = vector.broadcast %add3A_1707 : i32 to vector<16xi32>
      %add3A_1732 = arith.addi %mul3A_1730, %add3A_1731 : vector<16xi32>
      tpu.vector_store_idx %arg14[%add3A_1732], %gather3A_1722 : memref<8192xf32, #tpu.memory_space<vmem>>[vector<16xi32>], vector<16xf32>,
      tpu.vector_store_idx %arg15[%add3A_1732], %gather3A_1727 : memref<8192xf32, #tpu.memory_space<vmem>>[vector<16xi32>], vector<16xf32>,
      %mul3A_1733 = arith.constant 8 : i32
      %mul3A_1734 = arith.muli %add3A_543, %mul3A_1733 : i32
      %add3A_1735 = arith.constant 6 : i32
      %add3A_1736 = arith.addi %mul3A_1734, %add3A_1735 : i32
      %slice3A_1737 = vector.extract_strided_slice %get3A_547 {offsets = [6], sizes = [1], strides = [1]} : vector<16xi32> to vector<1xi32>
      %squeeze3A_1738 = vector.extract %slice3A_1737[0] : i32 from vector<1xi32>
      %and3A_1739 = arith.constant 127 : i32
      %and3A_1740 = arith.andi %squeeze3A_1738, %and3A_1739 : i32
      %slice3A_1741 = vector.extract_strided_slice %get3A_551 {offsets = [6], sizes = [1], strides = [1]} : vector<16xi32> to vector<1xi32>
      %squeeze3A_1742 = vector.extract %slice3A_1741[0] : i32 from vector<1xi32>
      %and3A_1743 = arith.constant 127 : i32
      %and3A_1744 = arith.andi %squeeze3A_1742, %and3A_1743 : i32
      %broadcast_in_dim3A_1745 = arith.constant 6 : i32
      %broadcast_in_dim3A_1746 = vector.broadcast %broadcast_in_dim3A_1745 : i32 to vector<16xi32>
      %broadcast_in_dim3A_1747 = arith.constant 0 : i32
      %broadcast_in_dim3A_1748 = vector.broadcast %broadcast_in_dim3A_1747 : i32 to vector<16xi32>
      %add3A_1749 = vector.broadcast %and3A_1740 : i32 to vector<16xi32>
      %add3A_1750 = arith.addi %broadcast_in_dim3A_1748, %add3A_1749 : vector<16xi32>
      %gather3A_1751 = tpu.vector_load_idx %arg10[%broadcast_in_dim3A_1746, %iota3A, %add3A_1750] : memref<8x16x128xf32, #tpu.memory_space<vmem>>[vector<16xi32>, vector<16xi32>, vector<16xi32>], vector<16xf32>,
      %broadcast_in_dim3A_1752 = arith.constant 0 : i32
      %broadcast_in_dim3A_1753 = vector.broadcast %broadcast_in_dim3A_1752 : i32 to vector<16xi32>
      %add3A_1754 = vector.broadcast %and3A_1744 : i32 to vector<16xi32>
      %add3A_1755 = arith.addi %broadcast_in_dim3A_1753, %add3A_1754 : vector<16xi32>
      %gather3A_1756 = tpu.vector_load_idx %arg12[%broadcast_in_dim3A_1746, %iota3A, %add3A_1755] : memref<8x16x128xf32, #tpu.memory_space<vmem>>[vector<16xi32>, vector<16xi32>, vector<16xi32>], vector<16xf32>,
      %mul3A_1757 = arith.constant 512 : i32
      %mul3A_1758 = vector.broadcast %mul3A_1757 : i32 to vector<16xi32>
      %mul3A_1759 = arith.muli %iota3A, %mul3A_1758 : vector<16xi32>
      %add3A_1760 = vector.broadcast %add3A_1736 : i32 to vector<16xi32>
      %add3A_1761 = arith.addi %mul3A_1759, %add3A_1760 : vector<16xi32>
      tpu.vector_store_idx %arg14[%add3A_1761], %gather3A_1751 : memref<8192xf32, #tpu.memory_space<vmem>>[vector<16xi32>], vector<16xf32>,
      tpu.vector_store_idx %arg15[%add3A_1761], %gather3A_1756 : memref<8192xf32, #tpu.memory_space<vmem>>[vector<16xi32>], vector<16xf32>,
      %mul3A_1762 = arith.constant 8 : i32
      %mul3A_1763 = arith.muli %add3A_543, %mul3A_1762 : i32
      %add3A_1764 = arith.constant 7 : i32
      %add3A_1765 = arith.addi %mul3A_1763, %add3A_1764 : i32
      %slice3A_1766 = vector.extract_strided_slice %get3A_547 {offsets = [7], sizes = [1], strides = [1]} : vector<16xi32> to vector<1xi32>
      %squeeze3A_1767 = vector.extract %slice3A_1766[0] : i32 from vector<1xi32>
      %and3A_1768 = arith.constant 127 : i32
      %and3A_1769 = arith.andi %squeeze3A_1767, %and3A_1768 : i32
      %slice3A_1770 = vector.extract_strided_slice %get3A_551 {offsets = [7], sizes = [1], strides = [1]} : vector<16xi32> to vector<1xi32>
      %squeeze3A_1771 = vector.extract %slice3A_1770[0] : i32 from vector<1xi32>
      %and3A_1772 = arith.constant 127 : i32
      %and3A_1773 = arith.andi %squeeze3A_1771, %and3A_1772 : i32
      %broadcast_in_dim3A_1774 = arith.constant 7 : i32
      %broadcast_in_dim3A_1775 = vector.broadcast %broadcast_in_dim3A_1774 : i32 to vector<16xi32>
      %broadcast_in_dim3A_1776 = arith.constant 0 : i32
      %broadcast_in_dim3A_1777 = vector.broadcast %broadcast_in_dim3A_1776 : i32 to vector<16xi32>
      %add3A_1778 = vector.broadcast %and3A_1769 : i32 to vector<16xi32>
      %add3A_1779 = arith.addi %broadcast_in_dim3A_1777, %add3A_1778 : vector<16xi32>
      %gather3A_1780 = tpu.vector_load_idx %arg10[%broadcast_in_dim3A_1775, %iota3A, %add3A_1779] : memref<8x16x128xf32, #tpu.memory_space<vmem>>[vector<16xi32>, vector<16xi32>, vector<16xi32>], vector<16xf32>,
      %broadcast_in_dim3A_1781 = arith.constant 0 : i32
      %broadcast_in_dim3A_1782 = vector.broadcast %broadcast_in_dim3A_1781 : i32 to vector<16xi32>
      %add3A_1783 = vector.broadcast %and3A_1773 : i32 to vector<16xi32>
      %add3A_1784 = arith.addi %broadcast_in_dim3A_1782, %add3A_1783 : vector<16xi32>
      %gather3A_1785 = tpu.vector_load_idx %arg12[%broadcast_in_dim3A_1775, %iota3A, %add3A_1784] : memref<8x16x128xf32, #tpu.memory_space<vmem>>[vector<16xi32>, vector<16xi32>, vector<16xi32>], vector<16xf32>,
      %mul3A_1786 = arith.constant 512 : i32
      %mul3A_1787 = vector.broadcast %mul3A_1786 : i32 to vector<16xi32>
      %mul3A_1788 = arith.muli %iota3A, %mul3A_1787 : vector<16xi32>
      %add3A_1789 = vector.broadcast %add3A_1765 : i32 to vector<16xi32>
      %add3A_1790 = arith.addi %mul3A_1788, %add3A_1789 : vector<16xi32>
      tpu.vector_store_idx %arg14[%add3A_1790], %gather3A_1780 : memref<8192xf32, #tpu.memory_space<vmem>>[vector<16xi32>], vector<16xf32>,
      tpu.vector_store_idx %arg15[%add3A_1790], %gather3A_1785 : memref<8192xf32, #tpu.memory_space<vmem>>[vector<16xi32>], vector<16xf32>,
      %add3A_1791 = arith.constant 2 : i32
      %add3A_1792 = arith.addi %add3A_543, %add3A_1791 : i32
      %lt3A = arith.constant 64 : i32
      %lt3A_1793 = arith.cmpi slt, %add3A_1792, %lt3A : i32
      %convert_element_type3A = arith.extui %lt3A_1793 : i1 to i32
      %cond3A = arith.constant 0 : i32
      %cond3A_1794 = arith.cmpi ne, %convert_element_type3A, %cond3A : i32
      scf.if %cond3A_1794 {
        %add3A_2509 = arith.constant 2 : i32
        %add3A_2510 = arith.addi %add3A_543, %add3A_2509 : i32
        %mul3A_2511 = arith.constant 8 : i32
        %mul3A_2512 = arith.muli %add3A_2510, %mul3A_2511 : i32
        %get3A_2513 = arith.index_cast %mul3A_2512 : i32 to index
        %get3A_2514 = tpu.vector_load %arg8[%get3A_2513] {strides = array<i32>} : memref<512xi32, #tpu.memory_space<vmem>>, vector<16xi32>,
        %mul3A_2515 = arith.constant 8 : i32
        %mul3A_2516 = arith.muli %add3A_2510, %mul3A_2515 : i32
        %get3A_2517 = arith.index_cast %mul3A_2516 : i32 to index
        %get3A_2518 = tpu.vector_load %arg9[%get3A_2517] {strides = array<i32>} : memref<512xi32, #tpu.memory_space<vmem>>, vector<16xi32>,
        %add3A_2519 = arith.constant 2 : i32
        %add3A_2520 = arith.addi %add3A_543, %add3A_2519 : i32
        %slice3A_2521 = vector.extract_strided_slice %get3A_2514 {offsets = [0], sizes = [1], strides = [1]} : vector<16xi32> to vector<1xi32>
        %squeeze3A_2522 = vector.extract %slice3A_2521[0] : i32 from vector<1xi32>
        %slice3A_2523 = vector.extract_strided_slice %get3A_2518 {offsets = [0], sizes = [1], strides = [1]} : vector<16xi32> to vector<1xi32>
        %squeeze3A_2524 = vector.extract %slice3A_2523[0] : i32 from vector<1xi32>
        %shift_right_arithmetic3A_2525 = arith.constant 7 : i32
        %shift_right_arithmetic3A_2526 = arith.shrsi %squeeze3A_2522, %shift_right_arithmetic3A_2525 : i32
        %shift_left3A_2527 = arith.constant 7 : i32
        %shift_left3A_2528 = arith.shli %shift_right_arithmetic3A_2526, %shift_left3A_2527 : i32
        %multiple_of3A_2529 = tpu.assume_multiple %shift_left3A_2528, 128 : i32
        %shift_right_arithmetic3A_2530 = arith.constant 7 : i32
        %shift_right_arithmetic3A_2531 = arith.shrsi %squeeze3A_2524, %shift_right_arithmetic3A_2530 : i32
        %shift_left3A_2532 = arith.constant 7 : i32
        %shift_left3A_2533 = arith.shli %shift_right_arithmetic3A_2531, %shift_left3A_2532 : i32
        %multiple_of3A_2534 = tpu.assume_multiple %shift_left3A_2533, 128 : i32
        %dma_start3A_2535 = arith.constant 0 : i32
        %dma_start3A_2536 = arith.constant 0 : i32
        %dma_start3A_2537 = arith.constant 0 : i32
        %dma_start3A_2538 = tpu.memref_slice %arg10[%dma_start3A_2535, %dma_start3A_2536, %dma_start3A_2537] : memref<8x16x128xf32, #tpu.memory_space<vmem>> -> memref<1x8x128xf32, #tpu.memory_space<vmem>>
        %dma_start3A_2539 = tpu.memref_squeeze %dma_start3A_2538 : memref<1x8x128xf32, #tpu.memory_space<vmem>> -> memref<8x128xf32, #tpu.memory_space<vmem>>
        %dma_start3A_2540 = arith.constant 0 : i32
        %dma_start3A_2541 = tpu.memref_slice %arg4[%dma_start3A_2540, %multiple_of3A_2529] : memref<16x1000000xf32, #tpu.memory_space<hbm>> -> memref<8x128xf32, #tpu.memory_space<hbm>>
        %dma_start3A_2542 = arith.constant 0 : i32
        %dma_start3A_2543 = arith.constant 0 : i32
        %dma_start3A_2544 = tpu.memref_slice %arg10[%dma_start3A_2535, %dma_start3A_2542, %dma_start3A_2543] : memref<8x16x128xf32, #tpu.memory_space<vmem>> -> memref<1x8x128xf32, #tpu.memory_space<vmem>>
        %dma_start3A_2545 = tpu.memref_squeeze %dma_start3A_2544 : memref<1x8x128xf32, #tpu.memory_space<vmem>> -> memref<8x128xf32, #tpu.memory_space<vmem>>
        %dma_start3A_2546 = arith.constant 0 : i32
        %dma_start3A_2547 = tpu.memref_slice %arg4[%dma_start3A_2546, %multiple_of3A_2529] : memref<16x1000000xf32, #tpu.memory_space<hbm>> -> memref<8x128xf32, #tpu.memory_space<hbm>>
        tpu.enqueue_dma source(%dma_start3A_2547 : memref<8x128xf32, #tpu.memory_space<hbm>>) target(%dma_start3A_2545 : memref<8x128xf32, #tpu.memory_space<vmem>>) target_semaphore(%arg18 : memref<!tpu.dma_semaphore, #tpu.memory_space<semaphore_mem>>)
        %dma_start3A_2548 = arith.constant 0 : i32
        %dma_start3A_2549 = arith.constant 8 : i32
        %dma_start3A_2550 = arith.constant 0 : i32
        %dma_start3A_2551 = tpu.memref_slice %arg10[%dma_start3A_2548, %dma_start3A_2549, %dma_start3A_2550] : memref<8x16x128xf32, #tpu.memory_space<vmem>> -> memref<1x8x128xf32, #tpu.memory_space<vmem>>
        %dma_start3A_2552 = tpu.memref_squeeze %dma_start3A_2551 : memref<1x8x128xf32, #tpu.memory_space<vmem>> -> memref<8x128xf32, #tpu.memory_space<vmem>>
        %dma_start3A_2553 = arith.constant 8 : i32
        %dma_start3A_2554 = tpu.memref_slice %arg4[%dma_start3A_2553, %multiple_of3A_2529] : memref<16x1000000xf32, #tpu.memory_space<hbm>> -> memref<8x128xf32, #tpu.memory_space<hbm>>
        %dma_start3A_2555 = arith.constant 8 : i32
        %dma_start3A_2556 = arith.constant 0 : i32
        %dma_start3A_2557 = tpu.memref_slice %arg10[%dma_start3A_2548, %dma_start3A_2555, %dma_start3A_2556] : memref<8x16x128xf32, #tpu.memory_space<vmem>> -> memref<1x8x128xf32, #tpu.memory_space<vmem>>
        %dma_start3A_2558 = tpu.memref_squeeze %dma_start3A_2557 : memref<1x8x128xf32, #tpu.memory_space<vmem>> -> memref<8x128xf32, #tpu.memory_space<vmem>>
        %dma_start3A_2559 = arith.constant 8 : i32
        %dma_start3A_2560 = tpu.memref_slice %arg4[%dma_start3A_2559, %multiple_of3A_2529] : memref<16x1000000xf32, #tpu.memory_space<hbm>> -> memref<8x128xf32, #tpu.memory_space<hbm>>
        tpu.enqueue_dma source(%dma_start3A_2560 : memref<8x128xf32, #tpu.memory_space<hbm>>) target(%dma_start3A_2558 : memref<8x128xf32, #tpu.memory_space<vmem>>) target_semaphore(%arg18 : memref<!tpu.dma_semaphore, #tpu.memory_space<semaphore_mem>>)
        %dma_start3A_2561 = arith.constant 0 : i32
        %dma_start3A_2562 = arith.constant 0 : i32
        %dma_start3A_2563 = arith.constant 0 : i32
        %dma_start3A_2564 = tpu.memref_slice %arg12[%dma_start3A_2561, %dma_start3A_2562, %dma_start3A_2563] : memref<8x16x128xf32, #tpu.memory_space<vmem>> -> memref<1x8x128xf32, #tpu.memory_space<vmem>>
        %dma_start3A_2565 = tpu.memref_squeeze %dma_start3A_2564 : memref<1x8x128xf32, #tpu.memory_space<vmem>> -> memref<8x128xf32, #tpu.memory_space<vmem>>
        %dma_start3A_2566 = arith.constant 0 : i32
        %dma_start3A_2567 = tpu.memref_slice %arg5[%dma_start3A_2566, %multiple_of3A_2534] : memref<16x1000000xf32, #tpu.memory_space<hbm>> -> memref<8x128xf32, #tpu.memory_space<hbm>>
        %dma_start3A_2568 = arith.constant 0 : i32
        %dma_start3A_2569 = arith.constant 0 : i32
        %dma_start3A_2570 = tpu.memref_slice %arg12[%dma_start3A_2561, %dma_start3A_2568, %dma_start3A_2569] : memref<8x16x128xf32, #tpu.memory_space<vmem>> -> memref<1x8x128xf32, #tpu.memory_space<vmem>>
        %dma_start3A_2571 = tpu.memref_squeeze %dma_start3A_2570 : memref<1x8x128xf32, #tpu.memory_space<vmem>> -> memref<8x128xf32, #tpu.memory_space<vmem>>
        %dma_start3A_2572 = arith.constant 0 : i32
        %dma_start3A_2573 = tpu.memref_slice %arg5[%dma_start3A_2572, %multiple_of3A_2534] : memref<16x1000000xf32, #tpu.memory_space<hbm>> -> memref<8x128xf32, #tpu.memory_space<hbm>>
        tpu.enqueue_dma source(%dma_start3A_2573 : memref<8x128xf32, #tpu.memory_space<hbm>>) target(%dma_start3A_2571 : memref<8x128xf32, #tpu.memory_space<vmem>>) target_semaphore(%arg20 : memref<!tpu.dma_semaphore, #tpu.memory_space<semaphore_mem>>)
        %dma_start3A_2574 = arith.constant 0 : i32
        %dma_start3A_2575 = arith.constant 8 : i32
        %dma_start3A_2576 = arith.constant 0 : i32
        %dma_start3A_2577 = tpu.memref_slice %arg12[%dma_start3A_2574, %dma_start3A_2575, %dma_start3A_2576] : memref<8x16x128xf32, #tpu.memory_space<vmem>> -> memref<1x8x128xf32, #tpu.memory_space<vmem>>
        %dma_start3A_2578 = tpu.memref_squeeze %dma_start3A_2577 : memref<1x8x128xf32, #tpu.memory_space<vmem>> -> memref<8x128xf32, #tpu.memory_space<vmem>>
        %dma_start3A_2579 = arith.constant 8 : i32
        %dma_start3A_2580 = tpu.memref_slice %arg5[%dma_start3A_2579, %multiple_of3A_2534] : memref<16x1000000xf32, #tpu.memory_space<hbm>> -> memref<8x128xf32, #tpu.memory_space<hbm>>
        %dma_start3A_2581 = arith.constant 8 : i32
        %dma_start3A_2582 = arith.constant 0 : i32
        %dma_start3A_2583 = tpu.memref_slice %arg12[%dma_start3A_2574, %dma_start3A_2581, %dma_start3A_2582] : memref<8x16x128xf32, #tpu.memory_space<vmem>> -> memref<1x8x128xf32, #tpu.memory_space<vmem>>
        %dma_start3A_2584 = tpu.memref_squeeze %dma_start3A_2583 : memref<1x8x128xf32, #tpu.memory_space<vmem>> -> memref<8x128xf32, #tpu.memory_space<vmem>>
        %dma_start3A_2585 = arith.constant 8 : i32
        %dma_start3A_2586 = tpu.memref_slice %arg5[%dma_start3A_2585, %multiple_of3A_2534] : memref<16x1000000xf32, #tpu.memory_space<hbm>> -> memref<8x128xf32, #tpu.memory_space<hbm>>
        tpu.enqueue_dma source(%dma_start3A_2586 : memref<8x128xf32, #tpu.memory_space<hbm>>) target(%dma_start3A_2584 : memref<8x128xf32, #tpu.memory_space<vmem>>) target_semaphore(%arg20 : memref<!tpu.dma_semaphore, #tpu.memory_space<semaphore_mem>>)
        %slice3A_2587 = vector.extract_strided_slice %get3A_2514 {offsets = [1], sizes = [1], strides = [1]} : vector<16xi32> to vector<1xi32>
        %squeeze3A_2588 = vector.extract %slice3A_2587[0] : i32 from vector<1xi32>
        %slice3A_2589 = vector.extract_strided_slice %get3A_2518 {offsets = [1], sizes = [1], strides = [1]} : vector<16xi32> to vector<1xi32>
        %squeeze3A_2590 = vector.extract %slice3A_2589[0] : i32 from vector<1xi32>
        %shift_right_arithmetic3A_2591 = arith.constant 7 : i32
        %shift_right_arithmetic3A_2592 = arith.shrsi %squeeze3A_2588, %shift_right_arithmetic3A_2591 : i32
        %shift_left3A_2593 = arith.constant 7 : i32
        %shift_left3A_2594 = arith.shli %shift_right_arithmetic3A_2592, %shift_left3A_2593 : i32
        %multiple_of3A_2595 = tpu.assume_multiple %shift_left3A_2594, 128 : i32
        %shift_right_arithmetic3A_2596 = arith.constant 7 : i32
        %shift_right_arithmetic3A_2597 = arith.shrsi %squeeze3A_2590, %shift_right_arithmetic3A_2596 : i32
        %shift_left3A_2598 = arith.constant 7 : i32
        %shift_left3A_2599 = arith.shli %shift_right_arithmetic3A_2597, %shift_left3A_2598 : i32
        %multiple_of3A_2600 = tpu.assume_multiple %shift_left3A_2599, 128 : i32
        %dma_start3A_2601 = arith.constant 1 : i32
        %dma_start3A_2602 = arith.constant 0 : i32
        %dma_start3A_2603 = arith.constant 0 : i32
        %dma_start3A_2604 = tpu.memref_slice %arg10[%dma_start3A_2601, %dma_start3A_2602, %dma_start3A_2603] : memref<8x16x128xf32, #tpu.memory_space<vmem>> -> memref<1x8x128xf32, #tpu.memory_space<vmem>>
        %dma_start3A_2605 = tpu.memref_squeeze %dma_start3A_2604 : memref<1x8x128xf32, #tpu.memory_space<vmem>> -> memref<8x128xf32, #tpu.memory_space<vmem>>
        %dma_start3A_2606 = arith.constant 0 : i32
        %dma_start3A_2607 = tpu.memref_slice %arg4[%dma_start3A_2606, %multiple_of3A_2595] : memref<16x1000000xf32, #tpu.memory_space<hbm>> -> memref<8x128xf32, #tpu.memory_space<hbm>>
        %dma_start3A_2608 = arith.constant 0 : i32
        %dma_start3A_2609 = arith.constant 0 : i32
        %dma_start3A_2610 = tpu.memref_slice %arg10[%dma_start3A_2601, %dma_start3A_2608, %dma_start3A_2609] : memref<8x16x128xf32, #tpu.memory_space<vmem>> -> memref<1x8x128xf32, #tpu.memory_space<vmem>>
        %dma_start3A_2611 = tpu.memref_squeeze %dma_start3A_2610 : memref<1x8x128xf32, #tpu.memory_space<vmem>> -> memref<8x128xf32, #tpu.memory_space<vmem>>
        %dma_start3A_2612 = arith.constant 0 : i32
        %dma_start3A_2613 = tpu.memref_slice %arg4[%dma_start3A_2612, %multiple_of3A_2595] : memref<16x1000000xf32, #tpu.memory_space<hbm>> -> memref<8x128xf32, #tpu.memory_space<hbm>>
        tpu.enqueue_dma source(%dma_start3A_2613 : memref<8x128xf32, #tpu.memory_space<hbm>>) target(%dma_start3A_2611 : memref<8x128xf32, #tpu.memory_space<vmem>>) target_semaphore(%arg18 : memref<!tpu.dma_semaphore, #tpu.memory_space<semaphore_mem>>)
        %dma_start3A_2614 = arith.constant 1 : i32
        %dma_start3A_2615 = arith.constant 8 : i32
        %dma_start3A_2616 = arith.constant 0 : i32
        %dma_start3A_2617 = tpu.memref_slice %arg10[%dma_start3A_2614, %dma_start3A_2615, %dma_start3A_2616] : memref<8x16x128xf32, #tpu.memory_space<vmem>> -> memref<1x8x128xf32, #tpu.memory_space<vmem>>
        %dma_start3A_2618 = tpu.memref_squeeze %dma_start3A_2617 : memref<1x8x128xf32, #tpu.memory_space<vmem>> -> memref<8x128xf32, #tpu.memory_space<vmem>>
        %dma_start3A_2619 = arith.constant 8 : i32
        %dma_start3A_2620 = tpu.memref_slice %arg4[%dma_start3A_2619, %multiple_of3A_2595] : memref<16x1000000xf32, #tpu.memory_space<hbm>> -> memref<8x128xf32, #tpu.memory_space<hbm>>
        %dma_start3A_2621 = arith.constant 8 : i32
        %dma_start3A_2622 = arith.constant 0 : i32
        %dma_start3A_2623 = tpu.memref_slice %arg10[%dma_start3A_2614, %dma_start3A_2621, %dma_start3A_2622] : memref<8x16x128xf32, #tpu.memory_space<vmem>> -> memref<1x8x128xf32, #tpu.memory_space<vmem>>
        %dma_start3A_2624 = tpu.memref_squeeze %dma_start3A_2623 : memref<1x8x128xf32, #tpu.memory_space<vmem>> -> memref<8x128xf32, #tpu.memory_space<vmem>>
        %dma_start3A_2625 = arith.constant 8 : i32
        %dma_start3A_2626 = tpu.memref_slice %arg4[%dma_start3A_2625, %multiple_of3A_2595] : memref<16x1000000xf32, #tpu.memory_space<hbm>> -> memref<8x128xf32, #tpu.memory_space<hbm>>
        tpu.enqueue_dma source(%dma_start3A_2626 : memref<8x128xf32, #tpu.memory_space<hbm>>) target(%dma_start3A_2624 : memref<8x128xf32, #tpu.memory_space<vmem>>) target_semaphore(%arg18 : memref<!tpu.dma_semaphore, #tpu.memory_space<semaphore_mem>>)
        %dma_start3A_2627 = arith.constant 1 : i32
        %dma_start3A_2628 = arith.constant 0 : i32
        %dma_start3A_2629 = arith.constant 0 : i32
        %dma_start3A_2630 = tpu.memref_slice %arg12[%dma_start3A_2627, %dma_start3A_2628, %dma_start3A_2629] : memref<8x16x128xf32, #tpu.memory_space<vmem>> -> memref<1x8x128xf32, #tpu.memory_space<vmem>>
        %dma_start3A_2631 = tpu.memref_squeeze %dma_start3A_2630 : memref<1x8x128xf32, #tpu.memory_space<vmem>> -> memref<8x128xf32, #tpu.memory_space<vmem>>
        %dma_start3A_2632 = arith.constant 0 : i32
        %dma_start3A_2633 = tpu.memref_slice %arg5[%dma_start3A_2632, %multiple_of3A_2600] : memref<16x1000000xf32, #tpu.memory_space<hbm>> -> memref<8x128xf32, #tpu.memory_space<hbm>>
        %dma_start3A_2634 = arith.constant 0 : i32
        %dma_start3A_2635 = arith.constant 0 : i32
        %dma_start3A_2636 = tpu.memref_slice %arg12[%dma_start3A_2627, %dma_start3A_2634, %dma_start3A_2635] : memref<8x16x128xf32, #tpu.memory_space<vmem>> -> memref<1x8x128xf32, #tpu.memory_space<vmem>>
        %dma_start3A_2637 = tpu.memref_squeeze %dma_start3A_2636 : memref<1x8x128xf32, #tpu.memory_space<vmem>> -> memref<8x128xf32, #tpu.memory_space<vmem>>
        %dma_start3A_2638 = arith.constant 0 : i32
        %dma_start3A_2639 = tpu.memref_slice %arg5[%dma_start3A_2638, %multiple_of3A_2600] : memref<16x1000000xf32, #tpu.memory_space<hbm>> -> memref<8x128xf32, #tpu.memory_space<hbm>>
        tpu.enqueue_dma source(%dma_start3A_2639 : memref<8x128xf32, #tpu.memory_space<hbm>>) target(%dma_start3A_2637 : memref<8x128xf32, #tpu.memory_space<vmem>>) target_semaphore(%arg20 : memref<!tpu.dma_semaphore, #tpu.memory_space<semaphore_mem>>)
        %dma_start3A_2640 = arith.constant 1 : i32
        %dma_start3A_2641 = arith.constant 8 : i32
        %dma_start3A_2642 = arith.constant 0 : i32
        %dma_start3A_2643 = tpu.memref_slice %arg12[%dma_start3A_2640, %dma_start3A_2641, %dma_start3A_2642] : memref<8x16x128xf32, #tpu.memory_space<vmem>> -> memref<1x8x128xf32, #tpu.memory_space<vmem>>
        %dma_start3A_2644 = tpu.memref_squeeze %dma_start3A_2643 : memref<1x8x128xf32, #tpu.memory_space<vmem>> -> memref<8x128xf32, #tpu.memory_space<vmem>>
        %dma_start3A_2645 = arith.constant 8 : i32
        %dma_start3A_2646 = tpu.memref_slice %arg5[%dma_start3A_2645, %multiple_of3A_2600] : memref<16x1000000xf32, #tpu.memory_space<hbm>> -> memref<8x128xf32, #tpu.memory_space<hbm>>
        %dma_start3A_2647 = arith.constant 8 : i32
        %dma_start3A_2648 = arith.constant 0 : i32
        %dma_start3A_2649 = tpu.memref_slice %arg12[%dma_start3A_2640, %dma_start3A_2647, %dma_start3A_2648] : memref<8x16x128xf32, #tpu.memory_space<vmem>> -> memref<1x8x128xf32, #tpu.memory_space<vmem>>
        %dma_start3A_2650 = tpu.memref_squeeze %dma_start3A_2649 : memref<1x8x128xf32, #tpu.memory_space<vmem>> -> memref<8x128xf32, #tpu.memory_space<vmem>>
        %dma_start3A_2651 = arith.constant 8 : i32
        %dma_start3A_2652 = tpu.memref_slice %arg5[%dma_start3A_2651, %multiple_of3A_2600] : memref<16x1000000xf32, #tpu.memory_space<hbm>> -> memref<8x128xf32, #tpu.memory_space<hbm>>
        tpu.enqueue_dma source(%dma_start3A_2652 : memref<8x128xf32, #tpu.memory_space<hbm>>) target(%dma_start3A_2650 : memref<8x128xf32, #tpu.memory_space<vmem>>) target_semaphore(%arg20 : memref<!tpu.dma_semaphore, #tpu.memory_space<semaphore_mem>>)
        %slice3A_2653 = vector.extract_strided_slice %get3A_2514 {offsets = [2], sizes = [1], strides = [1]} : vector<16xi32> to vector<1xi32>
        %squeeze3A_2654 = vector.extract %slice3A_2653[0] : i32 from vector<1xi32>
        %slice3A_2655 = vector.extract_strided_slice %get3A_2518 {offsets = [2], sizes = [1], strides = [1]} : vector<16xi32> to vector<1xi32>
        %squeeze3A_2656 = vector.extract %slice3A_2655[0] : i32 from vector<1xi32>
        %shift_right_arithmetic3A_2657 = arith.constant 7 : i32
        %shift_right_arithmetic3A_2658 = arith.shrsi %squeeze3A_2654, %shift_right_arithmetic3A_2657 : i32
        %shift_left3A_2659 = arith.constant 7 : i32
        %shift_left3A_2660 = arith.shli %shift_right_arithmetic3A_2658, %shift_left3A_2659 : i32
        %multiple_of3A_2661 = tpu.assume_multiple %shift_left3A_2660, 128 : i32
        %shift_right_arithmetic3A_2662 = arith.constant 7 : i32
        %shift_right_arithmetic3A_2663 = arith.shrsi %squeeze3A_2656, %shift_right_arithmetic3A_2662 : i32
        %shift_left3A_2664 = arith.constant 7 : i32
        %shift_left3A_2665 = arith.shli %shift_right_arithmetic3A_2663, %shift_left3A_2664 : i32
        %multiple_of3A_2666 = tpu.assume_multiple %shift_left3A_2665, 128 : i32
        %dma_start3A_2667 = arith.constant 2 : i32
        %dma_start3A_2668 = arith.constant 0 : i32
        %dma_start3A_2669 = arith.constant 0 : i32
        %dma_start3A_2670 = tpu.memref_slice %arg10[%dma_start3A_2667, %dma_start3A_2668, %dma_start3A_2669] : memref<8x16x128xf32, #tpu.memory_space<vmem>> -> memref<1x8x128xf32, #tpu.memory_space<vmem>>
        %dma_start3A_2671 = tpu.memref_squeeze %dma_start3A_2670 : memref<1x8x128xf32, #tpu.memory_space<vmem>> -> memref<8x128xf32, #tpu.memory_space<vmem>>
        %dma_start3A_2672 = arith.constant 0 : i32
        %dma_start3A_2673 = tpu.memref_slice %arg4[%dma_start3A_2672, %multiple_of3A_2661] : memref<16x1000000xf32, #tpu.memory_space<hbm>> -> memref<8x128xf32, #tpu.memory_space<hbm>>
        %dma_start3A_2674 = arith.constant 0 : i32
        %dma_start3A_2675 = arith.constant 0 : i32
        %dma_start3A_2676 = tpu.memref_slice %arg10[%dma_start3A_2667, %dma_start3A_2674, %dma_start3A_2675] : memref<8x16x128xf32, #tpu.memory_space<vmem>> -> memref<1x8x128xf32, #tpu.memory_space<vmem>>
        %dma_start3A_2677 = tpu.memref_squeeze %dma_start3A_2676 : memref<1x8x128xf32, #tpu.memory_space<vmem>> -> memref<8x128xf32, #tpu.memory_space<vmem>>
        %dma_start3A_2678 = arith.constant 0 : i32
        %dma_start3A_2679 = tpu.memref_slice %arg4[%dma_start3A_2678, %multiple_of3A_2661] : memref<16x1000000xf32, #tpu.memory_space<hbm>> -> memref<8x128xf32, #tpu.memory_space<hbm>>
        tpu.enqueue_dma source(%dma_start3A_2679 : memref<8x128xf32, #tpu.memory_space<hbm>>) target(%dma_start3A_2677 : memref<8x128xf32, #tpu.memory_space<vmem>>) target_semaphore(%arg18 : memref<!tpu.dma_semaphore, #tpu.memory_space<semaphore_mem>>)
        %dma_start3A_2680 = arith.constant 2 : i32
        %dma_start3A_2681 = arith.constant 8 : i32
        %dma_start3A_2682 = arith.constant 0 : i32
        %dma_start3A_2683 = tpu.memref_slice %arg10[%dma_start3A_2680, %dma_start3A_2681, %dma_start3A_2682] : memref<8x16x128xf32, #tpu.memory_space<vmem>> -> memref<1x8x128xf32, #tpu.memory_space<vmem>>
        %dma_start3A_2684 = tpu.memref_squeeze %dma_start3A_2683 : memref<1x8x128xf32, #tpu.memory_space<vmem>> -> memref<8x128xf32, #tpu.memory_space<vmem>>
        %dma_start3A_2685 = arith.constant 8 : i32
        %dma_start3A_2686 = tpu.memref_slice %arg4[%dma_start3A_2685, %multiple_of3A_2661] : memref<16x1000000xf32, #tpu.memory_space<hbm>> -> memref<8x128xf32, #tpu.memory_space<hbm>>
        %dma_start3A_2687 = arith.constant 8 : i32
        %dma_start3A_2688 = arith.constant 0 : i32
        %dma_start3A_2689 = tpu.memref_slice %arg10[%dma_start3A_2680, %dma_start3A_2687, %dma_start3A_2688] : memref<8x16x128xf32, #tpu.memory_space<vmem>> -> memref<1x8x128xf32, #tpu.memory_space<vmem>>
        %dma_start3A_2690 = tpu.memref_squeeze %dma_start3A_2689 : memref<1x8x128xf32, #tpu.memory_space<vmem>> -> memref<8x128xf32, #tpu.memory_space<vmem>>
        %dma_start3A_2691 = arith.constant 8 : i32
        %dma_start3A_2692 = tpu.memref_slice %arg4[%dma_start3A_2691, %multiple_of3A_2661] : memref<16x1000000xf32, #tpu.memory_space<hbm>> -> memref<8x128xf32, #tpu.memory_space<hbm>>
        tpu.enqueue_dma source(%dma_start3A_2692 : memref<8x128xf32, #tpu.memory_space<hbm>>) target(%dma_start3A_2690 : memref<8x128xf32, #tpu.memory_space<vmem>>) target_semaphore(%arg18 : memref<!tpu.dma_semaphore, #tpu.memory_space<semaphore_mem>>)
        %dma_start3A_2693 = arith.constant 2 : i32
        %dma_start3A_2694 = arith.constant 0 : i32
        %dma_start3A_2695 = arith.constant 0 : i32
        %dma_start3A_2696 = tpu.memref_slice %arg12[%dma_start3A_2693, %dma_start3A_2694, %dma_start3A_2695] : memref<8x16x128xf32, #tpu.memory_space<vmem>> -> memref<1x8x128xf32, #tpu.memory_space<vmem>>
        %dma_start3A_2697 = tpu.memref_squeeze %dma_start3A_2696 : memref<1x8x128xf32, #tpu.memory_space<vmem>> -> memref<8x128xf32, #tpu.memory_space<vmem>>
        %dma_start3A_2698 = arith.constant 0 : i32
        %dma_start3A_2699 = tpu.memref_slice %arg5[%dma_start3A_2698, %multiple_of3A_2666] : memref<16x1000000xf32, #tpu.memory_space<hbm>> -> memref<8x128xf32, #tpu.memory_space<hbm>>
        %dma_start3A_2700 = arith.constant 0 : i32
        %dma_start3A_2701 = arith.constant 0 : i32
        %dma_start3A_2702 = tpu.memref_slice %arg12[%dma_start3A_2693, %dma_start3A_2700, %dma_start3A_2701] : memref<8x16x128xf32, #tpu.memory_space<vmem>> -> memref<1x8x128xf32, #tpu.memory_space<vmem>>
        %dma_start3A_2703 = tpu.memref_squeeze %dma_start3A_2702 : memref<1x8x128xf32, #tpu.memory_space<vmem>> -> memref<8x128xf32, #tpu.memory_space<vmem>>
        %dma_start3A_2704 = arith.constant 0 : i32
        %dma_start3A_2705 = tpu.memref_slice %arg5[%dma_start3A_2704, %multiple_of3A_2666] : memref<16x1000000xf32, #tpu.memory_space<hbm>> -> memref<8x128xf32, #tpu.memory_space<hbm>>
        tpu.enqueue_dma source(%dma_start3A_2705 : memref<8x128xf32, #tpu.memory_space<hbm>>) target(%dma_start3A_2703 : memref<8x128xf32, #tpu.memory_space<vmem>>) target_semaphore(%arg20 : memref<!tpu.dma_semaphore, #tpu.memory_space<semaphore_mem>>)
        %dma_start3A_2706 = arith.constant 2 : i32
        %dma_start3A_2707 = arith.constant 8 : i32
        %dma_start3A_2708 = arith.constant 0 : i32
        %dma_start3A_2709 = tpu.memref_slice %arg12[%dma_start3A_2706, %dma_start3A_2707, %dma_start3A_2708] : memref<8x16x128xf32, #tpu.memory_space<vmem>> -> memref<1x8x128xf32, #tpu.memory_space<vmem>>
        %dma_start3A_2710 = tpu.memref_squeeze %dma_start3A_2709 : memref<1x8x128xf32, #tpu.memory_space<vmem>> -> memref<8x128xf32, #tpu.memory_space<vmem>>
        %dma_start3A_2711 = arith.constant 8 : i32
        %dma_start3A_2712 = tpu.memref_slice %arg5[%dma_start3A_2711, %multiple_of3A_2666] : memref<16x1000000xf32, #tpu.memory_space<hbm>> -> memref<8x128xf32, #tpu.memory_space<hbm>>
        %dma_start3A_2713 = arith.constant 8 : i32
        %dma_start3A_2714 = arith.constant 0 : i32
        %dma_start3A_2715 = tpu.memref_slice %arg12[%dma_start3A_2706, %dma_start3A_2713, %dma_start3A_2714] : memref<8x16x128xf32, #tpu.memory_space<vmem>> -> memref<1x8x128xf32, #tpu.memory_space<vmem>>
        %dma_start3A_2716 = tpu.memref_squeeze %dma_start3A_2715 : memref<1x8x128xf32, #tpu.memory_space<vmem>> -> memref<8x128xf32, #tpu.memory_space<vmem>>
        %dma_start3A_2717 = arith.constant 8 : i32
        %dma_start3A_2718 = tpu.memref_slice %arg5[%dma_start3A_2717, %multiple_of3A_2666] : memref<16x1000000xf32, #tpu.memory_space<hbm>> -> memref<8x128xf32, #tpu.memory_space<hbm>>
        tpu.enqueue_dma source(%dma_start3A_2718 : memref<8x128xf32, #tpu.memory_space<hbm>>) target(%dma_start3A_2716 : memref<8x128xf32, #tpu.memory_space<vmem>>) target_semaphore(%arg20 : memref<!tpu.dma_semaphore, #tpu.memory_space<semaphore_mem>>)
        %slice3A_2719 = vector.extract_strided_slice %get3A_2514 {offsets = [3], sizes = [1], strides = [1]} : vector<16xi32> to vector<1xi32>
        %squeeze3A_2720 = vector.extract %slice3A_2719[0] : i32 from vector<1xi32>
        %slice3A_2721 = vector.extract_strided_slice %get3A_2518 {offsets = [3], sizes = [1], strides = [1]} : vector<16xi32> to vector<1xi32>
        %squeeze3A_2722 = vector.extract %slice3A_2721[0] : i32 from vector<1xi32>
        %shift_right_arithmetic3A_2723 = arith.constant 7 : i32
        %shift_right_arithmetic3A_2724 = arith.shrsi %squeeze3A_2720, %shift_right_arithmetic3A_2723 : i32
        %shift_left3A_2725 = arith.constant 7 : i32
        %shift_left3A_2726 = arith.shli %shift_right_arithmetic3A_2724, %shift_left3A_2725 : i32
        %multiple_of3A_2727 = tpu.assume_multiple %shift_left3A_2726, 128 : i32
        %shift_right_arithmetic3A_2728 = arith.constant 7 : i32
        %shift_right_arithmetic3A_2729 = arith.shrsi %squeeze3A_2722, %shift_right_arithmetic3A_2728 : i32
        %shift_left3A_2730 = arith.constant 7 : i32
        %shift_left3A_2731 = arith.shli %shift_right_arithmetic3A_2729, %shift_left3A_2730 : i32
        %multiple_of3A_2732 = tpu.assume_multiple %shift_left3A_2731, 128 : i32
        %dma_start3A_2733 = arith.constant 3 : i32
        %dma_start3A_2734 = arith.constant 0 : i32
        %dma_start3A_2735 = arith.constant 0 : i32
        %dma_start3A_2736 = tpu.memref_slice %arg10[%dma_start3A_2733, %dma_start3A_2734, %dma_start3A_2735] : memref<8x16x128xf32, #tpu.memory_space<vmem>> -> memref<1x8x128xf32, #tpu.memory_space<vmem>>
        %dma_start3A_2737 = tpu.memref_squeeze %dma_start3A_2736 : memref<1x8x128xf32, #tpu.memory_space<vmem>> -> memref<8x128xf32, #tpu.memory_space<vmem>>
        %dma_start3A_2738 = arith.constant 0 : i32
        %dma_start3A_2739 = tpu.memref_slice %arg4[%dma_start3A_2738, %multiple_of3A_2727] : memref<16x1000000xf32, #tpu.memory_space<hbm>> -> memref<8x128xf32, #tpu.memory_space<hbm>>
        %dma_start3A_2740 = arith.constant 0 : i32
        %dma_start3A_2741 = arith.constant 0 : i32
        %dma_start3A_2742 = tpu.memref_slice %arg10[%dma_start3A_2733, %dma_start3A_2740, %dma_start3A_2741] : memref<8x16x128xf32, #tpu.memory_space<vmem>> -> memref<1x8x128xf32, #tpu.memory_space<vmem>>
        %dma_start3A_2743 = tpu.memref_squeeze %dma_start3A_2742 : memref<1x8x128xf32, #tpu.memory_space<vmem>> -> memref<8x128xf32, #tpu.memory_space<vmem>>
        %dma_start3A_2744 = arith.constant 0 : i32
        %dma_start3A_2745 = tpu.memref_slice %arg4[%dma_start3A_2744, %multiple_of3A_2727] : memref<16x1000000xf32, #tpu.memory_space<hbm>> -> memref<8x128xf32, #tpu.memory_space<hbm>>
        tpu.enqueue_dma source(%dma_start3A_2745 : memref<8x128xf32, #tpu.memory_space<hbm>>) target(%dma_start3A_2743 : memref<8x128xf32, #tpu.memory_space<vmem>>) target_semaphore(%arg18 : memref<!tpu.dma_semaphore, #tpu.memory_space<semaphore_mem>>)
        %dma_start3A_2746 = arith.constant 3 : i32
        %dma_start3A_2747 = arith.constant 8 : i32
        %dma_start3A_2748 = arith.constant 0 : i32
        %dma_start3A_2749 = tpu.memref_slice %arg10[%dma_start3A_2746, %dma_start3A_2747, %dma_start3A_2748] : memref<8x16x128xf32, #tpu.memory_space<vmem>> -> memref<1x8x128xf32, #tpu.memory_space<vmem>>
        %dma_start3A_2750 = tpu.memref_squeeze %dma_start3A_2749 : memref<1x8x128xf32, #tpu.memory_space<vmem>> -> memref<8x128xf32, #tpu.memory_space<vmem>>
        %dma_start3A_2751 = arith.constant 8 : i32
        %dma_start3A_2752 = tpu.memref_slice %arg4[%dma_start3A_2751, %multiple_of3A_2727] : memref<16x1000000xf32, #tpu.memory_space<hbm>> -> memref<8x128xf32, #tpu.memory_space<hbm>>
        %dma_start3A_2753 = arith.constant 8 : i32
        %dma_start3A_2754 = arith.constant 0 : i32
        %dma_start3A_2755 = tpu.memref_slice %arg10[%dma_start3A_2746, %dma_start3A_2753, %dma_start3A_2754] : memref<8x16x128xf32, #tpu.memory_space<vmem>> -> memref<1x8x128xf32, #tpu.memory_space<vmem>>
        %dma_start3A_2756 = tpu.memref_squeeze %dma_start3A_2755 : memref<1x8x128xf32, #tpu.memory_space<vmem>> -> memref<8x128xf32, #tpu.memory_space<vmem>>
        %dma_start3A_2757 = arith.constant 8 : i32
        %dma_start3A_2758 = tpu.memref_slice %arg4[%dma_start3A_2757, %multiple_of3A_2727] : memref<16x1000000xf32, #tpu.memory_space<hbm>> -> memref<8x128xf32, #tpu.memory_space<hbm>>
        tpu.enqueue_dma source(%dma_start3A_2758 : memref<8x128xf32, #tpu.memory_space<hbm>>) target(%dma_start3A_2756 : memref<8x128xf32, #tpu.memory_space<vmem>>) target_semaphore(%arg18 : memref<!tpu.dma_semaphore, #tpu.memory_space<semaphore_mem>>)
        %dma_start3A_2759 = arith.constant 3 : i32
        %dma_start3A_2760 = arith.constant 0 : i32
        %dma_start3A_2761 = arith.constant 0 : i32
        %dma_start3A_2762 = tpu.memref_slice %arg12[%dma_start3A_2759, %dma_start3A_2760, %dma_start3A_2761] : memref<8x16x128xf32, #tpu.memory_space<vmem>> -> memref<1x8x128xf32, #tpu.memory_space<vmem>>
        %dma_start3A_2763 = tpu.memref_squeeze %dma_start3A_2762 : memref<1x8x128xf32, #tpu.memory_space<vmem>> -> memref<8x128xf32, #tpu.memory_space<vmem>>
        %dma_start3A_2764 = arith.constant 0 : i32
        %dma_start3A_2765 = tpu.memref_slice %arg5[%dma_start3A_2764, %multiple_of3A_2732] : memref<16x1000000xf32, #tpu.memory_space<hbm>> -> memref<8x128xf32, #tpu.memory_space<hbm>>
        %dma_start3A_2766 = arith.constant 0 : i32
        %dma_start3A_2767 = arith.constant 0 : i32
        %dma_start3A_2768 = tpu.memref_slice %arg12[%dma_start3A_2759, %dma_start3A_2766, %dma_start3A_2767] : memref<8x16x128xf32, #tpu.memory_space<vmem>> -> memref<1x8x128xf32, #tpu.memory_space<vmem>>
        %dma_start3A_2769 = tpu.memref_squeeze %dma_start3A_2768 : memref<1x8x128xf32, #tpu.memory_space<vmem>> -> memref<8x128xf32, #tpu.memory_space<vmem>>
        %dma_start3A_2770 = arith.constant 0 : i32
        %dma_start3A_2771 = tpu.memref_slice %arg5[%dma_start3A_2770, %multiple_of3A_2732] : memref<16x1000000xf32, #tpu.memory_space<hbm>> -> memref<8x128xf32, #tpu.memory_space<hbm>>
        tpu.enqueue_dma source(%dma_start3A_2771 : memref<8x128xf32, #tpu.memory_space<hbm>>) target(%dma_start3A_2769 : memref<8x128xf32, #tpu.memory_space<vmem>>) target_semaphore(%arg20 : memref<!tpu.dma_semaphore, #tpu.memory_space<semaphore_mem>>)
        %dma_start3A_2772 = arith.constant 3 : i32
        %dma_start3A_2773 = arith.constant 8 : i32
        %dma_start3A_2774 = arith.constant 0 : i32
        %dma_start3A_2775 = tpu.memref_slice %arg12[%dma_start3A_2772, %dma_start3A_2773, %dma_start3A_2774] : memref<8x16x128xf32, #tpu.memory_space<vmem>> -> memref<1x8x128xf32, #tpu.memory_space<vmem>>
        %dma_start3A_2776 = tpu.memref_squeeze %dma_start3A_2775 : memref<1x8x128xf32, #tpu.memory_space<vmem>> -> memref<8x128xf32, #tpu.memory_space<vmem>>
        %dma_start3A_2777 = arith.constant 8 : i32
        %dma_start3A_2778 = tpu.memref_slice %arg5[%dma_start3A_2777, %multiple_of3A_2732] : memref<16x1000000xf32, #tpu.memory_space<hbm>> -> memref<8x128xf32, #tpu.memory_space<hbm>>
        %dma_start3A_2779 = arith.constant 8 : i32
        %dma_start3A_2780 = arith.constant 0 : i32
        %dma_start3A_2781 = tpu.memref_slice %arg12[%dma_start3A_2772, %dma_start3A_2779, %dma_start3A_2780] : memref<8x16x128xf32, #tpu.memory_space<vmem>> -> memref<1x8x128xf32, #tpu.memory_space<vmem>>
        %dma_start3A_2782 = tpu.memref_squeeze %dma_start3A_2781 : memref<1x8x128xf32, #tpu.memory_space<vmem>> -> memref<8x128xf32, #tpu.memory_space<vmem>>
        %dma_start3A_2783 = arith.constant 8 : i32
        %dma_start3A_2784 = tpu.memref_slice %arg5[%dma_start3A_2783, %multiple_of3A_2732] : memref<16x1000000xf32, #tpu.memory_space<hbm>> -> memref<8x128xf32, #tpu.memory_space<hbm>>
        tpu.enqueue_dma source(%dma_start3A_2784 : memref<8x128xf32, #tpu.memory_space<hbm>>) target(%dma_start3A_2782 : memref<8x128xf32, #tpu.memory_space<vmem>>) target_semaphore(%arg20 : memref<!tpu.dma_semaphore, #tpu.memory_space<semaphore_mem>>)
        %slice3A_2785 = vector.extract_strided_slice %get3A_2514 {offsets = [4], sizes = [1], strides = [1]} : vector<16xi32> to vector<1xi32>
        %squeeze3A_2786 = vector.extract %slice3A_2785[0] : i32 from vector<1xi32>
        %slice3A_2787 = vector.extract_strided_slice %get3A_2518 {offsets = [4], sizes = [1], strides = [1]} : vector<16xi32> to vector<1xi32>
        %squeeze3A_2788 = vector.extract %slice3A_2787[0] : i32 from vector<1xi32>
        %shift_right_arithmetic3A_2789 = arith.constant 7 : i32
        %shift_right_arithmetic3A_2790 = arith.shrsi %squeeze3A_2786, %shift_right_arithmetic3A_2789 : i32
        %shift_left3A_2791 = arith.constant 7 : i32
        %shift_left3A_2792 = arith.shli %shift_right_arithmetic3A_2790, %shift_left3A_2791 : i32
        %multiple_of3A_2793 = tpu.assume_multiple %shift_left3A_2792, 128 : i32
        %shift_right_arithmetic3A_2794 = arith.constant 7 : i32
        %shift_right_arithmetic3A_2795 = arith.shrsi %squeeze3A_2788, %shift_right_arithmetic3A_2794 : i32
        %shift_left3A_2796 = arith.constant 7 : i32
        %shift_left3A_2797 = arith.shli %shift_right_arithmetic3A_2795, %shift_left3A_2796 : i32
        %multiple_of3A_2798 = tpu.assume_multiple %shift_left3A_2797, 128 : i32
        %dma_start3A_2799 = arith.constant 4 : i32
        %dma_start3A_2800 = arith.constant 0 : i32
        %dma_start3A_2801 = arith.constant 0 : i32
        %dma_start3A_2802 = tpu.memref_slice %arg10[%dma_start3A_2799, %dma_start3A_2800, %dma_start3A_2801] : memref<8x16x128xf32, #tpu.memory_space<vmem>> -> memref<1x8x128xf32, #tpu.memory_space<vmem>>
        %dma_start3A_2803 = tpu.memref_squeeze %dma_start3A_2802 : memref<1x8x128xf32, #tpu.memory_space<vmem>> -> memref<8x128xf32, #tpu.memory_space<vmem>>
        %dma_start3A_2804 = arith.constant 0 : i32
        %dma_start3A_2805 = tpu.memref_slice %arg4[%dma_start3A_2804, %multiple_of3A_2793] : memref<16x1000000xf32, #tpu.memory_space<hbm>> -> memref<8x128xf32, #tpu.memory_space<hbm>>
        %dma_start3A_2806 = arith.constant 0 : i32
        %dma_start3A_2807 = arith.constant 0 : i32
        %dma_start3A_2808 = tpu.memref_slice %arg10[%dma_start3A_2799, %dma_start3A_2806, %dma_start3A_2807] : memref<8x16x128xf32, #tpu.memory_space<vmem>> -> memref<1x8x128xf32, #tpu.memory_space<vmem>>
        %dma_start3A_2809 = tpu.memref_squeeze %dma_start3A_2808 : memref<1x8x128xf32, #tpu.memory_space<vmem>> -> memref<8x128xf32, #tpu.memory_space<vmem>>
        %dma_start3A_2810 = arith.constant 0 : i32
        %dma_start3A_2811 = tpu.memref_slice %arg4[%dma_start3A_2810, %multiple_of3A_2793] : memref<16x1000000xf32, #tpu.memory_space<hbm>> -> memref<8x128xf32, #tpu.memory_space<hbm>>
        tpu.enqueue_dma source(%dma_start3A_2811 : memref<8x128xf32, #tpu.memory_space<hbm>>) target(%dma_start3A_2809 : memref<8x128xf32, #tpu.memory_space<vmem>>) target_semaphore(%arg18 : memref<!tpu.dma_semaphore, #tpu.memory_space<semaphore_mem>>)
        %dma_start3A_2812 = arith.constant 4 : i32
        %dma_start3A_2813 = arith.constant 8 : i32
        %dma_start3A_2814 = arith.constant 0 : i32
        %dma_start3A_2815 = tpu.memref_slice %arg10[%dma_start3A_2812, %dma_start3A_2813, %dma_start3A_2814] : memref<8x16x128xf32, #tpu.memory_space<vmem>> -> memref<1x8x128xf32, #tpu.memory_space<vmem>>
        %dma_start3A_2816 = tpu.memref_squeeze %dma_start3A_2815 : memref<1x8x128xf32, #tpu.memory_space<vmem>> -> memref<8x128xf32, #tpu.memory_space<vmem>>
        %dma_start3A_2817 = arith.constant 8 : i32
        %dma_start3A_2818 = tpu.memref_slice %arg4[%dma_start3A_2817, %multiple_of3A_2793] : memref<16x1000000xf32, #tpu.memory_space<hbm>> -> memref<8x128xf32, #tpu.memory_space<hbm>>
        %dma_start3A_2819 = arith.constant 8 : i32
        %dma_start3A_2820 = arith.constant 0 : i32
        %dma_start3A_2821 = tpu.memref_slice %arg10[%dma_start3A_2812, %dma_start3A_2819, %dma_start3A_2820] : memref<8x16x128xf32, #tpu.memory_space<vmem>> -> memref<1x8x128xf32, #tpu.memory_space<vmem>>
        %dma_start3A_2822 = tpu.memref_squeeze %dma_start3A_2821 : memref<1x8x128xf32, #tpu.memory_space<vmem>> -> memref<8x128xf32, #tpu.memory_space<vmem>>
        %dma_start3A_2823 = arith.constant 8 : i32
        %dma_start3A_2824 = tpu.memref_slice %arg4[%dma_start3A_2823, %multiple_of3A_2793] : memref<16x1000000xf32, #tpu.memory_space<hbm>> -> memref<8x128xf32, #tpu.memory_space<hbm>>
        tpu.enqueue_dma source(%dma_start3A_2824 : memref<8x128xf32, #tpu.memory_space<hbm>>) target(%dma_start3A_2822 : memref<8x128xf32, #tpu.memory_space<vmem>>) target_semaphore(%arg18 : memref<!tpu.dma_semaphore, #tpu.memory_space<semaphore_mem>>)
        %dma_start3A_2825 = arith.constant 4 : i32
        %dma_start3A_2826 = arith.constant 0 : i32
        %dma_start3A_2827 = arith.constant 0 : i32
        %dma_start3A_2828 = tpu.memref_slice %arg12[%dma_start3A_2825, %dma_start3A_2826, %dma_start3A_2827] : memref<8x16x128xf32, #tpu.memory_space<vmem>> -> memref<1x8x128xf32, #tpu.memory_space<vmem>>
        %dma_start3A_2829 = tpu.memref_squeeze %dma_start3A_2828 : memref<1x8x128xf32, #tpu.memory_space<vmem>> -> memref<8x128xf32, #tpu.memory_space<vmem>>
        %dma_start3A_2830 = arith.constant 0 : i32
        %dma_start3A_2831 = tpu.memref_slice %arg5[%dma_start3A_2830, %multiple_of3A_2798] : memref<16x1000000xf32, #tpu.memory_space<hbm>> -> memref<8x128xf32, #tpu.memory_space<hbm>>
        %dma_start3A_2832 = arith.constant 0 : i32
        %dma_start3A_2833 = arith.constant 0 : i32
        %dma_start3A_2834 = tpu.memref_slice %arg12[%dma_start3A_2825, %dma_start3A_2832, %dma_start3A_2833] : memref<8x16x128xf32, #tpu.memory_space<vmem>> -> memref<1x8x128xf32, #tpu.memory_space<vmem>>
        %dma_start3A_2835 = tpu.memref_squeeze %dma_start3A_2834 : memref<1x8x128xf32, #tpu.memory_space<vmem>> -> memref<8x128xf32, #tpu.memory_space<vmem>>
        %dma_start3A_2836 = arith.constant 0 : i32
        %dma_start3A_2837 = tpu.memref_slice %arg5[%dma_start3A_2836, %multiple_of3A_2798] : memref<16x1000000xf32, #tpu.memory_space<hbm>> -> memref<8x128xf32, #tpu.memory_space<hbm>>
        tpu.enqueue_dma source(%dma_start3A_2837 : memref<8x128xf32, #tpu.memory_space<hbm>>) target(%dma_start3A_2835 : memref<8x128xf32, #tpu.memory_space<vmem>>) target_semaphore(%arg20 : memref<!tpu.dma_semaphore, #tpu.memory_space<semaphore_mem>>)
        %dma_start3A_2838 = arith.constant 4 : i32
        %dma_start3A_2839 = arith.constant 8 : i32
        %dma_start3A_2840 = arith.constant 0 : i32
        %dma_start3A_2841 = tpu.memref_slice %arg12[%dma_start3A_2838, %dma_start3A_2839, %dma_start3A_2840] : memref<8x16x128xf32, #tpu.memory_space<vmem>> -> memref<1x8x128xf32, #tpu.memory_space<vmem>>
        %dma_start3A_2842 = tpu.memref_squeeze %dma_start3A_2841 : memref<1x8x128xf32, #tpu.memory_space<vmem>> -> memref<8x128xf32, #tpu.memory_space<vmem>>
        %dma_start3A_2843 = arith.constant 8 : i32
        %dma_start3A_2844 = tpu.memref_slice %arg5[%dma_start3A_2843, %multiple_of3A_2798] : memref<16x1000000xf32, #tpu.memory_space<hbm>> -> memref<8x128xf32, #tpu.memory_space<hbm>>
        %dma_start3A_2845 = arith.constant 8 : i32
        %dma_start3A_2846 = arith.constant 0 : i32
        %dma_start3A_2847 = tpu.memref_slice %arg12[%dma_start3A_2838, %dma_start3A_2845, %dma_start3A_2846] : memref<8x16x128xf32, #tpu.memory_space<vmem>> -> memref<1x8x128xf32, #tpu.memory_space<vmem>>
        %dma_start3A_2848 = tpu.memref_squeeze %dma_start3A_2847 : memref<1x8x128xf32, #tpu.memory_space<vmem>> -> memref<8x128xf32, #tpu.memory_space<vmem>>
        %dma_start3A_2849 = arith.constant 8 : i32
        %dma_start3A_2850 = tpu.memref_slice %arg5[%dma_start3A_2849, %multiple_of3A_2798] : memref<16x1000000xf32, #tpu.memory_space<hbm>> -> memref<8x128xf32, #tpu.memory_space<hbm>>
        tpu.enqueue_dma source(%dma_start3A_2850 : memref<8x128xf32, #tpu.memory_space<hbm>>) target(%dma_start3A_2848 : memref<8x128xf32, #tpu.memory_space<vmem>>) target_semaphore(%arg20 : memref<!tpu.dma_semaphore, #tpu.memory_space<semaphore_mem>>)
        %slice3A_2851 = vector.extract_strided_slice %get3A_2514 {offsets = [5], sizes = [1], strides = [1]} : vector<16xi32> to vector<1xi32>
        %squeeze3A_2852 = vector.extract %slice3A_2851[0] : i32 from vector<1xi32>
        %slice3A_2853 = vector.extract_strided_slice %get3A_2518 {offsets = [5], sizes = [1], strides = [1]} : vector<16xi32> to vector<1xi32>
        %squeeze3A_2854 = vector.extract %slice3A_2853[0] : i32 from vector<1xi32>
        %shift_right_arithmetic3A_2855 = arith.constant 7 : i32
        %shift_right_arithmetic3A_2856 = arith.shrsi %squeeze3A_2852, %shift_right_arithmetic3A_2855 : i32
        %shift_left3A_2857 = arith.constant 7 : i32
        %shift_left3A_2858 = arith.shli %shift_right_arithmetic3A_2856, %shift_left3A_2857 : i32
        %multiple_of3A_2859 = tpu.assume_multiple %shift_left3A_2858, 128 : i32
        %shift_right_arithmetic3A_2860 = arith.constant 7 : i32
        %shift_right_arithmetic3A_2861 = arith.shrsi %squeeze3A_2854, %shift_right_arithmetic3A_2860 : i32
        %shift_left3A_2862 = arith.constant 7 : i32
        %shift_left3A_2863 = arith.shli %shift_right_arithmetic3A_2861, %shift_left3A_2862 : i32
        %multiple_of3A_2864 = tpu.assume_multiple %shift_left3A_2863, 128 : i32
        %dma_start3A_2865 = arith.constant 5 : i32
        %dma_start3A_2866 = arith.constant 0 : i32
        %dma_start3A_2867 = arith.constant 0 : i32
        %dma_start3A_2868 = tpu.memref_slice %arg10[%dma_start3A_2865, %dma_start3A_2866, %dma_start3A_2867] : memref<8x16x128xf32, #tpu.memory_space<vmem>> -> memref<1x8x128xf32, #tpu.memory_space<vmem>>
        %dma_start3A_2869 = tpu.memref_squeeze %dma_start3A_2868 : memref<1x8x128xf32, #tpu.memory_space<vmem>> -> memref<8x128xf32, #tpu.memory_space<vmem>>
        %dma_start3A_2870 = arith.constant 0 : i32
        %dma_start3A_2871 = tpu.memref_slice %arg4[%dma_start3A_2870, %multiple_of3A_2859] : memref<16x1000000xf32, #tpu.memory_space<hbm>> -> memref<8x128xf32, #tpu.memory_space<hbm>>
        %dma_start3A_2872 = arith.constant 0 : i32
        %dma_start3A_2873 = arith.constant 0 : i32
        %dma_start3A_2874 = tpu.memref_slice %arg10[%dma_start3A_2865, %dma_start3A_2872, %dma_start3A_2873] : memref<8x16x128xf32, #tpu.memory_space<vmem>> -> memref<1x8x128xf32, #tpu.memory_space<vmem>>
        %dma_start3A_2875 = tpu.memref_squeeze %dma_start3A_2874 : memref<1x8x128xf32, #tpu.memory_space<vmem>> -> memref<8x128xf32, #tpu.memory_space<vmem>>
        %dma_start3A_2876 = arith.constant 0 : i32
        %dma_start3A_2877 = tpu.memref_slice %arg4[%dma_start3A_2876, %multiple_of3A_2859] : memref<16x1000000xf32, #tpu.memory_space<hbm>> -> memref<8x128xf32, #tpu.memory_space<hbm>>
        tpu.enqueue_dma source(%dma_start3A_2877 : memref<8x128xf32, #tpu.memory_space<hbm>>) target(%dma_start3A_2875 : memref<8x128xf32, #tpu.memory_space<vmem>>) target_semaphore(%arg18 : memref<!tpu.dma_semaphore, #tpu.memory_space<semaphore_mem>>)
        %dma_start3A_2878 = arith.constant 5 : i32
        %dma_start3A_2879 = arith.constant 8 : i32
        %dma_start3A_2880 = arith.constant 0 : i32
        %dma_start3A_2881 = tpu.memref_slice %arg10[%dma_start3A_2878, %dma_start3A_2879, %dma_start3A_2880] : memref<8x16x128xf32, #tpu.memory_space<vmem>> -> memref<1x8x128xf32, #tpu.memory_space<vmem>>
        %dma_start3A_2882 = tpu.memref_squeeze %dma_start3A_2881 : memref<1x8x128xf32, #tpu.memory_space<vmem>> -> memref<8x128xf32, #tpu.memory_space<vmem>>
        %dma_start3A_2883 = arith.constant 8 : i32
        %dma_start3A_2884 = tpu.memref_slice %arg4[%dma_start3A_2883, %multiple_of3A_2859] : memref<16x1000000xf32, #tpu.memory_space<hbm>> -> memref<8x128xf32, #tpu.memory_space<hbm>>
        %dma_start3A_2885 = arith.constant 8 : i32
        %dma_start3A_2886 = arith.constant 0 : i32
        %dma_start3A_2887 = tpu.memref_slice %arg10[%dma_start3A_2878, %dma_start3A_2885, %dma_start3A_2886] : memref<8x16x128xf32, #tpu.memory_space<vmem>> -> memref<1x8x128xf32, #tpu.memory_space<vmem>>
        %dma_start3A_2888 = tpu.memref_squeeze %dma_start3A_2887 : memref<1x8x128xf32, #tpu.memory_space<vmem>> -> memref<8x128xf32, #tpu.memory_space<vmem>>
        %dma_start3A_2889 = arith.constant 8 : i32
        %dma_start3A_2890 = tpu.memref_slice %arg4[%dma_start3A_2889, %multiple_of3A_2859] : memref<16x1000000xf32, #tpu.memory_space<hbm>> -> memref<8x128xf32, #tpu.memory_space<hbm>>
        tpu.enqueue_dma source(%dma_start3A_2890 : memref<8x128xf32, #tpu.memory_space<hbm>>) target(%dma_start3A_2888 : memref<8x128xf32, #tpu.memory_space<vmem>>) target_semaphore(%arg18 : memref<!tpu.dma_semaphore, #tpu.memory_space<semaphore_mem>>)
        %dma_start3A_2891 = arith.constant 5 : i32
        %dma_start3A_2892 = arith.constant 0 : i32
        %dma_start3A_2893 = arith.constant 0 : i32
        %dma_start3A_2894 = tpu.memref_slice %arg12[%dma_start3A_2891, %dma_start3A_2892, %dma_start3A_2893] : memref<8x16x128xf32, #tpu.memory_space<vmem>> -> memref<1x8x128xf32, #tpu.memory_space<vmem>>
        %dma_start3A_2895 = tpu.memref_squeeze %dma_start3A_2894 : memref<1x8x128xf32, #tpu.memory_space<vmem>> -> memref<8x128xf32, #tpu.memory_space<vmem>>
        %dma_start3A_2896 = arith.constant 0 : i32
        %dma_start3A_2897 = tpu.memref_slice %arg5[%dma_start3A_2896, %multiple_of3A_2864] : memref<16x1000000xf32, #tpu.memory_space<hbm>> -> memref<8x128xf32, #tpu.memory_space<hbm>>
        %dma_start3A_2898 = arith.constant 0 : i32
        %dma_start3A_2899 = arith.constant 0 : i32
        %dma_start3A_2900 = tpu.memref_slice %arg12[%dma_start3A_2891, %dma_start3A_2898, %dma_start3A_2899] : memref<8x16x128xf32, #tpu.memory_space<vmem>> -> memref<1x8x128xf32, #tpu.memory_space<vmem>>
        %dma_start3A_2901 = tpu.memref_squeeze %dma_start3A_2900 : memref<1x8x128xf32, #tpu.memory_space<vmem>> -> memref<8x128xf32, #tpu.memory_space<vmem>>
        %dma_start3A_2902 = arith.constant 0 : i32
        %dma_start3A_2903 = tpu.memref_slice %arg5[%dma_start3A_2902, %multiple_of3A_2864] : memref<16x1000000xf32, #tpu.memory_space<hbm>> -> memref<8x128xf32, #tpu.memory_space<hbm>>
        tpu.enqueue_dma source(%dma_start3A_2903 : memref<8x128xf32, #tpu.memory_space<hbm>>) target(%dma_start3A_2901 : memref<8x128xf32, #tpu.memory_space<vmem>>) target_semaphore(%arg20 : memref<!tpu.dma_semaphore, #tpu.memory_space<semaphore_mem>>)
        %dma_start3A_2904 = arith.constant 5 : i32
        %dma_start3A_2905 = arith.constant 8 : i32
        %dma_start3A_2906 = arith.constant 0 : i32
        %dma_start3A_2907 = tpu.memref_slice %arg12[%dma_start3A_2904, %dma_start3A_2905, %dma_start3A_2906] : memref<8x16x128xf32, #tpu.memory_space<vmem>> -> memref<1x8x128xf32, #tpu.memory_space<vmem>>
        %dma_start3A_2908 = tpu.memref_squeeze %dma_start3A_2907 : memref<1x8x128xf32, #tpu.memory_space<vmem>> -> memref<8x128xf32, #tpu.memory_space<vmem>>
        %dma_start3A_2909 = arith.constant 8 : i32
        %dma_start3A_2910 = tpu.memref_slice %arg5[%dma_start3A_2909, %multiple_of3A_2864] : memref<16x1000000xf32, #tpu.memory_space<hbm>> -> memref<8x128xf32, #tpu.memory_space<hbm>>
        %dma_start3A_2911 = arith.constant 8 : i32
        %dma_start3A_2912 = arith.constant 0 : i32
        %dma_start3A_2913 = tpu.memref_slice %arg12[%dma_start3A_2904, %dma_start3A_2911, %dma_start3A_2912] : memref<8x16x128xf32, #tpu.memory_space<vmem>> -> memref<1x8x128xf32, #tpu.memory_space<vmem>>
        %dma_start3A_2914 = tpu.memref_squeeze %dma_start3A_2913 : memref<1x8x128xf32, #tpu.memory_space<vmem>> -> memref<8x128xf32, #tpu.memory_space<vmem>>
        %dma_start3A_2915 = arith.constant 8 : i32
        %dma_start3A_2916 = tpu.memref_slice %arg5[%dma_start3A_2915, %multiple_of3A_2864] : memref<16x1000000xf32, #tpu.memory_space<hbm>> -> memref<8x128xf32, #tpu.memory_space<hbm>>
        tpu.enqueue_dma source(%dma_start3A_2916 : memref<8x128xf32, #tpu.memory_space<hbm>>) target(%dma_start3A_2914 : memref<8x128xf32, #tpu.memory_space<vmem>>) target_semaphore(%arg20 : memref<!tpu.dma_semaphore, #tpu.memory_space<semaphore_mem>>)
        %slice3A_2917 = vector.extract_strided_slice %get3A_2514 {offsets = [6], sizes = [1], strides = [1]} : vector<16xi32> to vector<1xi32>
        %squeeze3A_2918 = vector.extract %slice3A_2917[0] : i32 from vector<1xi32>
        %slice3A_2919 = vector.extract_strided_slice %get3A_2518 {offsets = [6], sizes = [1], strides = [1]} : vector<16xi32> to vector<1xi32>
        %squeeze3A_2920 = vector.extract %slice3A_2919[0] : i32 from vector<1xi32>
        %shift_right_arithmetic3A_2921 = arith.constant 7 : i32
        %shift_right_arithmetic3A_2922 = arith.shrsi %squeeze3A_2918, %shift_right_arithmetic3A_2921 : i32
        %shift_left3A_2923 = arith.constant 7 : i32
        %shift_left3A_2924 = arith.shli %shift_right_arithmetic3A_2922, %shift_left3A_2923 : i32
        %multiple_of3A_2925 = tpu.assume_multiple %shift_left3A_2924, 128 : i32
        %shift_right_arithmetic3A_2926 = arith.constant 7 : i32
        %shift_right_arithmetic3A_2927 = arith.shrsi %squeeze3A_2920, %shift_right_arithmetic3A_2926 : i32
        %shift_left3A_2928 = arith.constant 7 : i32
        %shift_left3A_2929 = arith.shli %shift_right_arithmetic3A_2927, %shift_left3A_2928 : i32
        %multiple_of3A_2930 = tpu.assume_multiple %shift_left3A_2929, 128 : i32
        %dma_start3A_2931 = arith.constant 6 : i32
        %dma_start3A_2932 = arith.constant 0 : i32
        %dma_start3A_2933 = arith.constant 0 : i32
        %dma_start3A_2934 = tpu.memref_slice %arg10[%dma_start3A_2931, %dma_start3A_2932, %dma_start3A_2933] : memref<8x16x128xf32, #tpu.memory_space<vmem>> -> memref<1x8x128xf32, #tpu.memory_space<vmem>>
        %dma_start3A_2935 = tpu.memref_squeeze %dma_start3A_2934 : memref<1x8x128xf32, #tpu.memory_space<vmem>> -> memref<8x128xf32, #tpu.memory_space<vmem>>
        %dma_start3A_2936 = arith.constant 0 : i32
        %dma_start3A_2937 = tpu.memref_slice %arg4[%dma_start3A_2936, %multiple_of3A_2925] : memref<16x1000000xf32, #tpu.memory_space<hbm>> -> memref<8x128xf32, #tpu.memory_space<hbm>>
        %dma_start3A_2938 = arith.constant 0 : i32
        %dma_start3A_2939 = arith.constant 0 : i32
        %dma_start3A_2940 = tpu.memref_slice %arg10[%dma_start3A_2931, %dma_start3A_2938, %dma_start3A_2939] : memref<8x16x128xf32, #tpu.memory_space<vmem>> -> memref<1x8x128xf32, #tpu.memory_space<vmem>>
        %dma_start3A_2941 = tpu.memref_squeeze %dma_start3A_2940 : memref<1x8x128xf32, #tpu.memory_space<vmem>> -> memref<8x128xf32, #tpu.memory_space<vmem>>
        %dma_start3A_2942 = arith.constant 0 : i32
        %dma_start3A_2943 = tpu.memref_slice %arg4[%dma_start3A_2942, %multiple_of3A_2925] : memref<16x1000000xf32, #tpu.memory_space<hbm>> -> memref<8x128xf32, #tpu.memory_space<hbm>>
        tpu.enqueue_dma source(%dma_start3A_2943 : memref<8x128xf32, #tpu.memory_space<hbm>>) target(%dma_start3A_2941 : memref<8x128xf32, #tpu.memory_space<vmem>>) target_semaphore(%arg18 : memref<!tpu.dma_semaphore, #tpu.memory_space<semaphore_mem>>)
        %dma_start3A_2944 = arith.constant 6 : i32
        %dma_start3A_2945 = arith.constant 8 : i32
        %dma_start3A_2946 = arith.constant 0 : i32
        %dma_start3A_2947 = tpu.memref_slice %arg10[%dma_start3A_2944, %dma_start3A_2945, %dma_start3A_2946] : memref<8x16x128xf32, #tpu.memory_space<vmem>> -> memref<1x8x128xf32, #tpu.memory_space<vmem>>
        %dma_start3A_2948 = tpu.memref_squeeze %dma_start3A_2947 : memref<1x8x128xf32, #tpu.memory_space<vmem>> -> memref<8x128xf32, #tpu.memory_space<vmem>>
        %dma_start3A_2949 = arith.constant 8 : i32
        %dma_start3A_2950 = tpu.memref_slice %arg4[%dma_start3A_2949, %multiple_of3A_2925] : memref<16x1000000xf32, #tpu.memory_space<hbm>> -> memref<8x128xf32, #tpu.memory_space<hbm>>
        %dma_start3A_2951 = arith.constant 8 : i32
        %dma_start3A_2952 = arith.constant 0 : i32
        %dma_start3A_2953 = tpu.memref_slice %arg10[%dma_start3A_2944, %dma_start3A_2951, %dma_start3A_2952] : memref<8x16x128xf32, #tpu.memory_space<vmem>> -> memref<1x8x128xf32, #tpu.memory_space<vmem>>
        %dma_start3A_2954 = tpu.memref_squeeze %dma_start3A_2953 : memref<1x8x128xf32, #tpu.memory_space<vmem>> -> memref<8x128xf32, #tpu.memory_space<vmem>>
        %dma_start3A_2955 = arith.constant 8 : i32
        %dma_start3A_2956 = tpu.memref_slice %arg4[%dma_start3A_2955, %multiple_of3A_2925] : memref<16x1000000xf32, #tpu.memory_space<hbm>> -> memref<8x128xf32, #tpu.memory_space<hbm>>
        tpu.enqueue_dma source(%dma_start3A_2956 : memref<8x128xf32, #tpu.memory_space<hbm>>) target(%dma_start3A_2954 : memref<8x128xf32, #tpu.memory_space<vmem>>) target_semaphore(%arg18 : memref<!tpu.dma_semaphore, #tpu.memory_space<semaphore_mem>>)
        %dma_start3A_2957 = arith.constant 6 : i32
        %dma_start3A_2958 = arith.constant 0 : i32
        %dma_start3A_2959 = arith.constant 0 : i32
        %dma_start3A_2960 = tpu.memref_slice %arg12[%dma_start3A_2957, %dma_start3A_2958, %dma_start3A_2959] : memref<8x16x128xf32, #tpu.memory_space<vmem>> -> memref<1x8x128xf32, #tpu.memory_space<vmem>>
        %dma_start3A_2961 = tpu.memref_squeeze %dma_start3A_2960 : memref<1x8x128xf32, #tpu.memory_space<vmem>> -> memref<8x128xf32, #tpu.memory_space<vmem>>
        %dma_start3A_2962 = arith.constant 0 : i32
        %dma_start3A_2963 = tpu.memref_slice %arg5[%dma_start3A_2962, %multiple_of3A_2930] : memref<16x1000000xf32, #tpu.memory_space<hbm>> -> memref<8x128xf32, #tpu.memory_space<hbm>>
        %dma_start3A_2964 = arith.constant 0 : i32
        %dma_start3A_2965 = arith.constant 0 : i32
        %dma_start3A_2966 = tpu.memref_slice %arg12[%dma_start3A_2957, %dma_start3A_2964, %dma_start3A_2965] : memref<8x16x128xf32, #tpu.memory_space<vmem>> -> memref<1x8x128xf32, #tpu.memory_space<vmem>>
        %dma_start3A_2967 = tpu.memref_squeeze %dma_start3A_2966 : memref<1x8x128xf32, #tpu.memory_space<vmem>> -> memref<8x128xf32, #tpu.memory_space<vmem>>
        %dma_start3A_2968 = arith.constant 0 : i32
        %dma_start3A_2969 = tpu.memref_slice %arg5[%dma_start3A_2968, %multiple_of3A_2930] : memref<16x1000000xf32, #tpu.memory_space<hbm>> -> memref<8x128xf32, #tpu.memory_space<hbm>>
        tpu.enqueue_dma source(%dma_start3A_2969 : memref<8x128xf32, #tpu.memory_space<hbm>>) target(%dma_start3A_2967 : memref<8x128xf32, #tpu.memory_space<vmem>>) target_semaphore(%arg20 : memref<!tpu.dma_semaphore, #tpu.memory_space<semaphore_mem>>)
        %dma_start3A_2970 = arith.constant 6 : i32
        %dma_start3A_2971 = arith.constant 8 : i32
        %dma_start3A_2972 = arith.constant 0 : i32
        %dma_start3A_2973 = tpu.memref_slice %arg12[%dma_start3A_2970, %dma_start3A_2971, %dma_start3A_2972] : memref<8x16x128xf32, #tpu.memory_space<vmem>> -> memref<1x8x128xf32, #tpu.memory_space<vmem>>
        %dma_start3A_2974 = tpu.memref_squeeze %dma_start3A_2973 : memref<1x8x128xf32, #tpu.memory_space<vmem>> -> memref<8x128xf32, #tpu.memory_space<vmem>>
        %dma_start3A_2975 = arith.constant 8 : i32
        %dma_start3A_2976 = tpu.memref_slice %arg5[%dma_start3A_2975, %multiple_of3A_2930] : memref<16x1000000xf32, #tpu.memory_space<hbm>> -> memref<8x128xf32, #tpu.memory_space<hbm>>
        %dma_start3A_2977 = arith.constant 8 : i32
        %dma_start3A_2978 = arith.constant 0 : i32
        %dma_start3A_2979 = tpu.memref_slice %arg12[%dma_start3A_2970, %dma_start3A_2977, %dma_start3A_2978] : memref<8x16x128xf32, #tpu.memory_space<vmem>> -> memref<1x8x128xf32, #tpu.memory_space<vmem>>
        %dma_start3A_2980 = tpu.memref_squeeze %dma_start3A_2979 : memref<1x8x128xf32, #tpu.memory_space<vmem>> -> memref<8x128xf32, #tpu.memory_space<vmem>>
        %dma_start3A_2981 = arith.constant 8 : i32
        %dma_start3A_2982 = tpu.memref_slice %arg5[%dma_start3A_2981, %multiple_of3A_2930] : memref<16x1000000xf32, #tpu.memory_space<hbm>> -> memref<8x128xf32, #tpu.memory_space<hbm>>
        tpu.enqueue_dma source(%dma_start3A_2982 : memref<8x128xf32, #tpu.memory_space<hbm>>) target(%dma_start3A_2980 : memref<8x128xf32, #tpu.memory_space<vmem>>) target_semaphore(%arg20 : memref<!tpu.dma_semaphore, #tpu.memory_space<semaphore_mem>>)
        %slice3A_2983 = vector.extract_strided_slice %get3A_2514 {offsets = [7], sizes = [1], strides = [1]} : vector<16xi32> to vector<1xi32>
        %squeeze3A_2984 = vector.extract %slice3A_2983[0] : i32 from vector<1xi32>
        %slice3A_2985 = vector.extract_strided_slice %get3A_2518 {offsets = [7], sizes = [1], strides = [1]} : vector<16xi32> to vector<1xi32>
        %squeeze3A_2986 = vector.extract %slice3A_2985[0] : i32 from vector<1xi32>
        %shift_right_arithmetic3A_2987 = arith.constant 7 : i32
        %shift_right_arithmetic3A_2988 = arith.shrsi %squeeze3A_2984, %shift_right_arithmetic3A_2987 : i32
        %shift_left3A_2989 = arith.constant 7 : i32
        %shift_left3A_2990 = arith.shli %shift_right_arithmetic3A_2988, %shift_left3A_2989 : i32
        %multiple_of3A_2991 = tpu.assume_multiple %shift_left3A_2990, 128 : i32
        %shift_right_arithmetic3A_2992 = arith.constant 7 : i32
        %shift_right_arithmetic3A_2993 = arith.shrsi %squeeze3A_2986, %shift_right_arithmetic3A_2992 : i32
        %shift_left3A_2994 = arith.constant 7 : i32
        %shift_left3A_2995 = arith.shli %shift_right_arithmetic3A_2993, %shift_left3A_2994 : i32
        %multiple_of3A_2996 = tpu.assume_multiple %shift_left3A_2995, 128 : i32
        %dma_start3A_2997 = arith.constant 7 : i32
        %dma_start3A_2998 = arith.constant 0 : i32
        %dma_start3A_2999 = arith.constant 0 : i32
        %dma_start3A_3000 = tpu.memref_slice %arg10[%dma_start3A_2997, %dma_start3A_2998, %dma_start3A_2999] : memref<8x16x128xf32, #tpu.memory_space<vmem>> -> memref<1x8x128xf32, #tpu.memory_space<vmem>>
        %dma_start3A_3001 = tpu.memref_squeeze %dma_start3A_3000 : memref<1x8x128xf32, #tpu.memory_space<vmem>> -> memref<8x128xf32, #tpu.memory_space<vmem>>
        %dma_start3A_3002 = arith.constant 0 : i32
        %dma_start3A_3003 = tpu.memref_slice %arg4[%dma_start3A_3002, %multiple_of3A_2991] : memref<16x1000000xf32, #tpu.memory_space<hbm>> -> memref<8x128xf32, #tpu.memory_space<hbm>>
        %dma_start3A_3004 = arith.constant 0 : i32
        %dma_start3A_3005 = arith.constant 0 : i32
        %dma_start3A_3006 = tpu.memref_slice %arg10[%dma_start3A_2997, %dma_start3A_3004, %dma_start3A_3005] : memref<8x16x128xf32, #tpu.memory_space<vmem>> -> memref<1x8x128xf32, #tpu.memory_space<vmem>>
        %dma_start3A_3007 = tpu.memref_squeeze %dma_start3A_3006 : memref<1x8x128xf32, #tpu.memory_space<vmem>> -> memref<8x128xf32, #tpu.memory_space<vmem>>
        %dma_start3A_3008 = arith.constant 0 : i32
        %dma_start3A_3009 = tpu.memref_slice %arg4[%dma_start3A_3008, %multiple_of3A_2991] : memref<16x1000000xf32, #tpu.memory_space<hbm>> -> memref<8x128xf32, #tpu.memory_space<hbm>>
        tpu.enqueue_dma source(%dma_start3A_3009 : memref<8x128xf32, #tpu.memory_space<hbm>>) target(%dma_start3A_3007 : memref<8x128xf32, #tpu.memory_space<vmem>>) target_semaphore(%arg18 : memref<!tpu.dma_semaphore, #tpu.memory_space<semaphore_mem>>)
        %dma_start3A_3010 = arith.constant 7 : i32
        %dma_start3A_3011 = arith.constant 8 : i32
        %dma_start3A_3012 = arith.constant 0 : i32
        %dma_start3A_3013 = tpu.memref_slice %arg10[%dma_start3A_3010, %dma_start3A_3011, %dma_start3A_3012] : memref<8x16x128xf32, #tpu.memory_space<vmem>> -> memref<1x8x128xf32, #tpu.memory_space<vmem>>
        %dma_start3A_3014 = tpu.memref_squeeze %dma_start3A_3013 : memref<1x8x128xf32, #tpu.memory_space<vmem>> -> memref<8x128xf32, #tpu.memory_space<vmem>>
        %dma_start3A_3015 = arith.constant 8 : i32
        %dma_start3A_3016 = tpu.memref_slice %arg4[%dma_start3A_3015, %multiple_of3A_2991] : memref<16x1000000xf32, #tpu.memory_space<hbm>> -> memref<8x128xf32, #tpu.memory_space<hbm>>
        %dma_start3A_3017 = arith.constant 8 : i32
        %dma_start3A_3018 = arith.constant 0 : i32
        %dma_start3A_3019 = tpu.memref_slice %arg10[%dma_start3A_3010, %dma_start3A_3017, %dma_start3A_3018] : memref<8x16x128xf32, #tpu.memory_space<vmem>> -> memref<1x8x128xf32, #tpu.memory_space<vmem>>
        %dma_start3A_3020 = tpu.memref_squeeze %dma_start3A_3019 : memref<1x8x128xf32, #tpu.memory_space<vmem>> -> memref<8x128xf32, #tpu.memory_space<vmem>>
        %dma_start3A_3021 = arith.constant 8 : i32
        %dma_start3A_3022 = tpu.memref_slice %arg4[%dma_start3A_3021, %multiple_of3A_2991] : memref<16x1000000xf32, #tpu.memory_space<hbm>> -> memref<8x128xf32, #tpu.memory_space<hbm>>
        tpu.enqueue_dma source(%dma_start3A_3022 : memref<8x128xf32, #tpu.memory_space<hbm>>) target(%dma_start3A_3020 : memref<8x128xf32, #tpu.memory_space<vmem>>) target_semaphore(%arg18 : memref<!tpu.dma_semaphore, #tpu.memory_space<semaphore_mem>>)
        %dma_start3A_3023 = arith.constant 7 : i32
        %dma_start3A_3024 = arith.constant 0 : i32
        %dma_start3A_3025 = arith.constant 0 : i32
        %dma_start3A_3026 = tpu.memref_slice %arg12[%dma_start3A_3023, %dma_start3A_3024, %dma_start3A_3025] : memref<8x16x128xf32, #tpu.memory_space<vmem>> -> memref<1x8x128xf32, #tpu.memory_space<vmem>>
        %dma_start3A_3027 = tpu.memref_squeeze %dma_start3A_3026 : memref<1x8x128xf32, #tpu.memory_space<vmem>> -> memref<8x128xf32, #tpu.memory_space<vmem>>
        %dma_start3A_3028 = arith.constant 0 : i32
        %dma_start3A_3029 = tpu.memref_slice %arg5[%dma_start3A_3028, %multiple_of3A_2996] : memref<16x1000000xf32, #tpu.memory_space<hbm>> -> memref<8x128xf32, #tpu.memory_space<hbm>>
        %dma_start3A_3030 = arith.constant 0 : i32
        %dma_start3A_3031 = arith.constant 0 : i32
        %dma_start3A_3032 = tpu.memref_slice %arg12[%dma_start3A_3023, %dma_start3A_3030, %dma_start3A_3031] : memref<8x16x128xf32, #tpu.memory_space<vmem>> -> memref<1x8x128xf32, #tpu.memory_space<vmem>>
        %dma_start3A_3033 = tpu.memref_squeeze %dma_start3A_3032 : memref<1x8x128xf32, #tpu.memory_space<vmem>> -> memref<8x128xf32, #tpu.memory_space<vmem>>
        %dma_start3A_3034 = arith.constant 0 : i32
        %dma_start3A_3035 = tpu.memref_slice %arg5[%dma_start3A_3034, %multiple_of3A_2996] : memref<16x1000000xf32, #tpu.memory_space<hbm>> -> memref<8x128xf32, #tpu.memory_space<hbm>>
        tpu.enqueue_dma source(%dma_start3A_3035 : memref<8x128xf32, #tpu.memory_space<hbm>>) target(%dma_start3A_3033 : memref<8x128xf32, #tpu.memory_space<vmem>>) target_semaphore(%arg20 : memref<!tpu.dma_semaphore, #tpu.memory_space<semaphore_mem>>)
        %dma_start3A_3036 = arith.constant 7 : i32
        %dma_start3A_3037 = arith.constant 8 : i32
        %dma_start3A_3038 = arith.constant 0 : i32
        %dma_start3A_3039 = tpu.memref_slice %arg12[%dma_start3A_3036, %dma_start3A_3037, %dma_start3A_3038] : memref<8x16x128xf32, #tpu.memory_space<vmem>> -> memref<1x8x128xf32, #tpu.memory_space<vmem>>
        %dma_start3A_3040 = tpu.memref_squeeze %dma_start3A_3039 : memref<1x8x128xf32, #tpu.memory_space<vmem>> -> memref<8x128xf32, #tpu.memory_space<vmem>>
        %dma_start3A_3041 = arith.constant 8 : i32
        %dma_start3A_3042 = tpu.memref_slice %arg5[%dma_start3A_3041, %multiple_of3A_2996] : memref<16x1000000xf32, #tpu.memory_space<hbm>> -> memref<8x128xf32, #tpu.memory_space<hbm>>
        %dma_start3A_3043 = arith.constant 8 : i32
        %dma_start3A_3044 = arith.constant 0 : i32
        %dma_start3A_3045 = tpu.memref_slice %arg12[%dma_start3A_3036, %dma_start3A_3043, %dma_start3A_3044] : memref<8x16x128xf32, #tpu.memory_space<vmem>> -> memref<1x8x128xf32, #tpu.memory_space<vmem>>
        %dma_start3A_3046 = tpu.memref_squeeze %dma_start3A_3045 : memref<1x8x128xf32, #tpu.memory_space<vmem>> -> memref<8x128xf32, #tpu.memory_space<vmem>>
        %dma_start3A_3047 = arith.constant 8 : i32
        %dma_start3A_3048 = tpu.memref_slice %arg5[%dma_start3A_3047, %multiple_of3A_2996] : memref<16x1000000xf32, #tpu.memory_space<hbm>> -> memref<8x128xf32, #tpu.memory_space<hbm>>
        tpu.enqueue_dma source(%dma_start3A_3048 : memref<8x128xf32, #tpu.memory_space<hbm>>) target(%dma_start3A_3046 : memref<8x128xf32, #tpu.memory_space<vmem>>) target_semaphore(%arg20 : memref<!tpu.dma_semaphore, #tpu.memory_space<semaphore_mem>>)
      } else {
      }
      %add3A_1795 = arith.constant 1 : i32
      %add3A_1796 = arith.addi %add3A_543, %add3A_1795 : i32
      %dma_wait3A_1797 = arith.constant 0 : i32
      %dma_wait3A_1798 = arith.constant 0 : i32
      %dma_wait3A_1799 = arith.constant 0 : i32
      %dma_wait3A_1800 = tpu.memref_slice %arg11[%dma_wait3A_1797, %dma_wait3A_1798, %dma_wait3A_1799] : memref<8x16x128xf32, #tpu.memory_space<vmem>> -> memref<1x8x128xf32, #tpu.memory_space<vmem>>
      %dma_wait3A_1801 = tpu.memref_squeeze %dma_wait3A_1800 : memref<1x8x128xf32, #tpu.memory_space<vmem>> -> memref<8x128xf32, #tpu.memory_space<vmem>>
      %dma_wait3A_1802 = arith.constant 0 : i32
      %dma_wait3A_1803 = arith.constant 0 : i32
      %dma_wait3A_1804 = tpu.memref_slice %arg4[%dma_wait3A_1802, %dma_wait3A_1803] : memref<16x1000000xf32, #tpu.memory_space<hbm>> -> memref<8x128xf32, #tpu.memory_space<hbm>>
      %dma_wait3A_1805 = arith.constant 0 : i32
      %dma_wait3A_1806 = arith.constant 0 : i32
      %dma_wait3A_1807 = tpu.memref_slice %arg11[%dma_wait3A_1797, %dma_wait3A_1805, %dma_wait3A_1806] : memref<8x16x128xf32, #tpu.memory_space<vmem>> -> memref<1x8x128xf32, #tpu.memory_space<vmem>>
      %dma_wait3A_1808 = tpu.memref_squeeze %dma_wait3A_1807 : memref<1x8x128xf32, #tpu.memory_space<vmem>> -> memref<8x128xf32, #tpu.memory_space<vmem>>
      %dma_wait3A_1809 = arith.constant 0 : i32
      %dma_wait3A_1810 = arith.constant 0 : i32
      %dma_wait3A_1811 = tpu.memref_slice %arg4[%dma_wait3A_1809, %dma_wait3A_1810] : memref<16x1000000xf32, #tpu.memory_space<hbm>> -> memref<8x128xf32, #tpu.memory_space<hbm>>
      tpu.wait_dma2 semaphore(%arg19 : memref<!tpu.dma_semaphore, #tpu.memory_space<semaphore_mem>>) src(%dma_wait3A_1811 : memref<8x128xf32, #tpu.memory_space<hbm>>) dst(%dma_wait3A_1808 : memref<8x128xf32, #tpu.memory_space<vmem>>)
      %dma_wait3A_1812 = arith.constant 0 : i32
      %dma_wait3A_1813 = arith.constant 0 : i32
      %dma_wait3A_1814 = arith.constant 0 : i32
      %dma_wait3A_1815 = tpu.memref_slice %arg13[%dma_wait3A_1812, %dma_wait3A_1813, %dma_wait3A_1814] : memref<8x16x128xf32, #tpu.memory_space<vmem>> -> memref<1x8x128xf32, #tpu.memory_space<vmem>>
      %dma_wait3A_1816 = tpu.memref_squeeze %dma_wait3A_1815 : memref<1x8x128xf32, #tpu.memory_space<vmem>> -> memref<8x128xf32, #tpu.memory_space<vmem>>
      %dma_wait3A_1817 = arith.constant 0 : i32
      %dma_wait3A_1818 = arith.constant 0 : i32
      %dma_wait3A_1819 = tpu.memref_slice %arg5[%dma_wait3A_1817, %dma_wait3A_1818] : memref<16x1000000xf32, #tpu.memory_space<hbm>> -> memref<8x128xf32, #tpu.memory_space<hbm>>
      %dma_wait3A_1820 = arith.constant 0 : i32
      %dma_wait3A_1821 = arith.constant 0 : i32
      %dma_wait3A_1822 = tpu.memref_slice %arg13[%dma_wait3A_1812, %dma_wait3A_1820, %dma_wait3A_1821] : memref<8x16x128xf32, #tpu.memory_space<vmem>> -> memref<1x8x128xf32, #tpu.memory_space<vmem>>
      %dma_wait3A_1823 = tpu.memref_squeeze %dma_wait3A_1822 : memref<1x8x128xf32, #tpu.memory_space<vmem>> -> memref<8x128xf32, #tpu.memory_space<vmem>>
      %dma_wait3A_1824 = arith.constant 0 : i32
      %dma_wait3A_1825 = arith.constant 0 : i32
      %dma_wait3A_1826 = tpu.memref_slice %arg5[%dma_wait3A_1824, %dma_wait3A_1825] : memref<16x1000000xf32, #tpu.memory_space<hbm>> -> memref<8x128xf32, #tpu.memory_space<hbm>>
      tpu.wait_dma2 semaphore(%arg21 : memref<!tpu.dma_semaphore, #tpu.memory_space<semaphore_mem>>) src(%dma_wait3A_1826 : memref<8x128xf32, #tpu.memory_space<hbm>>) dst(%dma_wait3A_1823 : memref<8x128xf32, #tpu.memory_space<vmem>>)
      %dma_wait3A_1827 = arith.constant 0 : i32
      %dma_wait3A_1828 = arith.constant 0 : i32
      %dma_wait3A_1829 = arith.constant 0 : i32
      %dma_wait3A_1830 = tpu.memref_slice %arg11[%dma_wait3A_1827, %dma_wait3A_1828, %dma_wait3A_1829] : memref<8x16x128xf32, #tpu.memory_space<vmem>> -> memref<1x8x128xf32, #tpu.memory_space<vmem>>
      %dma_wait3A_1831 = tpu.memref_squeeze %dma_wait3A_1830 : memref<1x8x128xf32, #tpu.memory_space<vmem>> -> memref<8x128xf32, #tpu.memory_space<vmem>>
      %dma_wait3A_1832 = arith.constant 0 : i32
      %dma_wait3A_1833 = arith.constant 0 : i32
      %dma_wait3A_1834 = tpu.memref_slice %arg4[%dma_wait3A_1832, %dma_wait3A_1833] : memref<16x1000000xf32, #tpu.memory_space<hbm>> -> memref<8x128xf32, #tpu.memory_space<hbm>>
      %dma_wait3A_1835 = arith.constant 0 : i32
      %dma_wait3A_1836 = arith.constant 0 : i32
      %dma_wait3A_1837 = tpu.memref_slice %arg11[%dma_wait3A_1827, %dma_wait3A_1835, %dma_wait3A_1836] : memref<8x16x128xf32, #tpu.memory_space<vmem>> -> memref<1x8x128xf32, #tpu.memory_space<vmem>>
      %dma_wait3A_1838 = tpu.memref_squeeze %dma_wait3A_1837 : memref<1x8x128xf32, #tpu.memory_space<vmem>> -> memref<8x128xf32, #tpu.memory_space<vmem>>
      %dma_wait3A_1839 = arith.constant 0 : i32
      %dma_wait3A_1840 = arith.constant 0 : i32
      %dma_wait3A_1841 = tpu.memref_slice %arg4[%dma_wait3A_1839, %dma_wait3A_1840] : memref<16x1000000xf32, #tpu.memory_space<hbm>> -> memref<8x128xf32, #tpu.memory_space<hbm>>
      tpu.wait_dma2 semaphore(%arg19 : memref<!tpu.dma_semaphore, #tpu.memory_space<semaphore_mem>>) src(%dma_wait3A_1841 : memref<8x128xf32, #tpu.memory_space<hbm>>) dst(%dma_wait3A_1838 : memref<8x128xf32, #tpu.memory_space<vmem>>)
      %dma_wait3A_1842 = arith.constant 0 : i32
      %dma_wait3A_1843 = arith.constant 0 : i32
      %dma_wait3A_1844 = arith.constant 0 : i32
      %dma_wait3A_1845 = tpu.memref_slice %arg13[%dma_wait3A_1842, %dma_wait3A_1843, %dma_wait3A_1844] : memref<8x16x128xf32, #tpu.memory_space<vmem>> -> memref<1x8x128xf32, #tpu.memory_space<vmem>>
      %dma_wait3A_1846 = tpu.memref_squeeze %dma_wait3A_1845 : memref<1x8x128xf32, #tpu.memory_space<vmem>> -> memref<8x128xf32, #tpu.memory_space<vmem>>
      %dma_wait3A_1847 = arith.constant 0 : i32
      %dma_wait3A_1848 = arith.constant 0 : i32
      %dma_wait3A_1849 = tpu.memref_slice %arg5[%dma_wait3A_1847, %dma_wait3A_1848] : memref<16x1000000xf32, #tpu.memory_space<hbm>> -> memref<8x128xf32, #tpu.memory_space<hbm>>
      %dma_wait3A_1850 = arith.constant 0 : i32
      %dma_wait3A_1851 = arith.constant 0 : i32
      %dma_wait3A_1852 = tpu.memref_slice %arg13[%dma_wait3A_1842, %dma_wait3A_1850, %dma_wait3A_1851] : memref<8x16x128xf32, #tpu.memory_space<vmem>> -> memref<1x8x128xf32, #tpu.memory_space<vmem>>
      %dma_wait3A_1853 = tpu.memref_squeeze %dma_wait3A_1852 : memref<1x8x128xf32, #tpu.memory_space<vmem>> -> memref<8x128xf32, #tpu.memory_space<vmem>>
      %dma_wait3A_1854 = arith.constant 0 : i32
      %dma_wait3A_1855 = arith.constant 0 : i32
      %dma_wait3A_1856 = tpu.memref_slice %arg5[%dma_wait3A_1854, %dma_wait3A_1855] : memref<16x1000000xf32, #tpu.memory_space<hbm>> -> memref<8x128xf32, #tpu.memory_space<hbm>>
      tpu.wait_dma2 semaphore(%arg21 : memref<!tpu.dma_semaphore, #tpu.memory_space<semaphore_mem>>) src(%dma_wait3A_1856 : memref<8x128xf32, #tpu.memory_space<hbm>>) dst(%dma_wait3A_1853 : memref<8x128xf32, #tpu.memory_space<vmem>>)
      %dma_wait3A_1857 = arith.constant 0 : i32
      %dma_wait3A_1858 = arith.constant 0 : i32
      %dma_wait3A_1859 = arith.constant 0 : i32
      %dma_wait3A_1860 = tpu.memref_slice %arg11[%dma_wait3A_1857, %dma_wait3A_1858, %dma_wait3A_1859] : memref<8x16x128xf32, #tpu.memory_space<vmem>> -> memref<1x8x128xf32, #tpu.memory_space<vmem>>
      %dma_wait3A_1861 = tpu.memref_squeeze %dma_wait3A_1860 : memref<1x8x128xf32, #tpu.memory_space<vmem>> -> memref<8x128xf32, #tpu.memory_space<vmem>>
      %dma_wait3A_1862 = arith.constant 0 : i32
      %dma_wait3A_1863 = arith.constant 0 : i32
      %dma_wait3A_1864 = tpu.memref_slice %arg4[%dma_wait3A_1862, %dma_wait3A_1863] : memref<16x1000000xf32, #tpu.memory_space<hbm>> -> memref<8x128xf32, #tpu.memory_space<hbm>>
      %dma_wait3A_1865 = arith.constant 0 : i32
      %dma_wait3A_1866 = arith.constant 0 : i32
      %dma_wait3A_1867 = tpu.memref_slice %arg11[%dma_wait3A_1857, %dma_wait3A_1865, %dma_wait3A_1866] : memref<8x16x128xf32, #tpu.memory_space<vmem>> -> memref<1x8x128xf32, #tpu.memory_space<vmem>>
      %dma_wait3A_1868 = tpu.memref_squeeze %dma_wait3A_1867 : memref<1x8x128xf32, #tpu.memory_space<vmem>> -> memref<8x128xf32, #tpu.memory_space<vmem>>
      %dma_wait3A_1869 = arith.constant 0 : i32
      %dma_wait3A_1870 = arith.constant 0 : i32
      %dma_wait3A_1871 = tpu.memref_slice %arg4[%dma_wait3A_1869, %dma_wait3A_1870] : memref<16x1000000xf32, #tpu.memory_space<hbm>> -> memref<8x128xf32, #tpu.memory_space<hbm>>
      tpu.wait_dma2 semaphore(%arg19 : memref<!tpu.dma_semaphore, #tpu.memory_space<semaphore_mem>>) src(%dma_wait3A_1871 : memref<8x128xf32, #tpu.memory_space<hbm>>) dst(%dma_wait3A_1868 : memref<8x128xf32, #tpu.memory_space<vmem>>)
      %dma_wait3A_1872 = arith.constant 0 : i32
      %dma_wait3A_1873 = arith.constant 0 : i32
      %dma_wait3A_1874 = arith.constant 0 : i32
      %dma_wait3A_1875 = tpu.memref_slice %arg13[%dma_wait3A_1872, %dma_wait3A_1873, %dma_wait3A_1874] : memref<8x16x128xf32, #tpu.memory_space<vmem>> -> memref<1x8x128xf32, #tpu.memory_space<vmem>>
      %dma_wait3A_1876 = tpu.memref_squeeze %dma_wait3A_1875 : memref<1x8x128xf32, #tpu.memory_space<vmem>> -> memref<8x128xf32, #tpu.memory_space<vmem>>
      %dma_wait3A_1877 = arith.constant 0 : i32
      %dma_wait3A_1878 = arith.constant 0 : i32
      %dma_wait3A_1879 = tpu.memref_slice %arg5[%dma_wait3A_1877, %dma_wait3A_1878] : memref<16x1000000xf32, #tpu.memory_space<hbm>> -> memref<8x128xf32, #tpu.memory_space<hbm>>
      %dma_wait3A_1880 = arith.constant 0 : i32
      %dma_wait3A_1881 = arith.constant 0 : i32
      %dma_wait3A_1882 = tpu.memref_slice %arg13[%dma_wait3A_1872, %dma_wait3A_1880, %dma_wait3A_1881] : memref<8x16x128xf32, #tpu.memory_space<vmem>> -> memref<1x8x128xf32, #tpu.memory_space<vmem>>
      %dma_wait3A_1883 = tpu.memref_squeeze %dma_wait3A_1882 : memref<1x8x128xf32, #tpu.memory_space<vmem>> -> memref<8x128xf32, #tpu.memory_space<vmem>>
      %dma_wait3A_1884 = arith.constant 0 : i32
      %dma_wait3A_1885 = arith.constant 0 : i32
      %dma_wait3A_1886 = tpu.memref_slice %arg5[%dma_wait3A_1884, %dma_wait3A_1885] : memref<16x1000000xf32, #tpu.memory_space<hbm>> -> memref<8x128xf32, #tpu.memory_space<hbm>>
      tpu.wait_dma2 semaphore(%arg21 : memref<!tpu.dma_semaphore, #tpu.memory_space<semaphore_mem>>) src(%dma_wait3A_1886 : memref<8x128xf32, #tpu.memory_space<hbm>>) dst(%dma_wait3A_1883 : memref<8x128xf32, #tpu.memory_space<vmem>>)
      %dma_wait3A_1887 = arith.constant 0 : i32
      %dma_wait3A_1888 = arith.constant 0 : i32
      %dma_wait3A_1889 = arith.constant 0 : i32
      %dma_wait3A_1890 = tpu.memref_slice %arg11[%dma_wait3A_1887, %dma_wait3A_1888, %dma_wait3A_1889] : memref<8x16x128xf32, #tpu.memory_space<vmem>> -> memref<1x8x128xf32, #tpu.memory_space<vmem>>
      %dma_wait3A_1891 = tpu.memref_squeeze %dma_wait3A_1890 : memref<1x8x128xf32, #tpu.memory_space<vmem>> -> memref<8x128xf32, #tpu.memory_space<vmem>>
      %dma_wait3A_1892 = arith.constant 0 : i32
      %dma_wait3A_1893 = arith.constant 0 : i32
      %dma_wait3A_1894 = tpu.memref_slice %arg4[%dma_wait3A_1892, %dma_wait3A_1893] : memref<16x1000000xf32, #tpu.memory_space<hbm>> -> memref<8x128xf32, #tpu.memory_space<hbm>>
      %dma_wait3A_1895 = arith.constant 0 : i32
      %dma_wait3A_1896 = arith.constant 0 : i32
      %dma_wait3A_1897 = tpu.memref_slice %arg11[%dma_wait3A_1887, %dma_wait3A_1895, %dma_wait3A_1896] : memref<8x16x128xf32, #tpu.memory_space<vmem>> -> memref<1x8x128xf32, #tpu.memory_space<vmem>>
      %dma_wait3A_1898 = tpu.memref_squeeze %dma_wait3A_1897 : memref<1x8x128xf32, #tpu.memory_space<vmem>> -> memref<8x128xf32, #tpu.memory_space<vmem>>
      %dma_wait3A_1899 = arith.constant 0 : i32
      %dma_wait3A_1900 = arith.constant 0 : i32
      %dma_wait3A_1901 = tpu.memref_slice %arg4[%dma_wait3A_1899, %dma_wait3A_1900] : memref<16x1000000xf32, #tpu.memory_space<hbm>> -> memref<8x128xf32, #tpu.memory_space<hbm>>
      tpu.wait_dma2 semaphore(%arg19 : memref<!tpu.dma_semaphore, #tpu.memory_space<semaphore_mem>>) src(%dma_wait3A_1901 : memref<8x128xf32, #tpu.memory_space<hbm>>) dst(%dma_wait3A_1898 : memref<8x128xf32, #tpu.memory_space<vmem>>)
      %dma_wait3A_1902 = arith.constant 0 : i32
      %dma_wait3A_1903 = arith.constant 0 : i32
      %dma_wait3A_1904 = arith.constant 0 : i32
      %dma_wait3A_1905 = tpu.memref_slice %arg13[%dma_wait3A_1902, %dma_wait3A_1903, %dma_wait3A_1904] : memref<8x16x128xf32, #tpu.memory_space<vmem>> -> memref<1x8x128xf32, #tpu.memory_space<vmem>>
      %dma_wait3A_1906 = tpu.memref_squeeze %dma_wait3A_1905 : memref<1x8x128xf32, #tpu.memory_space<vmem>> -> memref<8x128xf32, #tpu.memory_space<vmem>>
      %dma_wait3A_1907 = arith.constant 0 : i32
      %dma_wait3A_1908 = arith.constant 0 : i32
      %dma_wait3A_1909 = tpu.memref_slice %arg5[%dma_wait3A_1907, %dma_wait3A_1908] : memref<16x1000000xf32, #tpu.memory_space<hbm>> -> memref<8x128xf32, #tpu.memory_space<hbm>>
      %dma_wait3A_1910 = arith.constant 0 : i32
      %dma_wait3A_1911 = arith.constant 0 : i32
      %dma_wait3A_1912 = tpu.memref_slice %arg13[%dma_wait3A_1902, %dma_wait3A_1910, %dma_wait3A_1911] : memref<8x16x128xf32, #tpu.memory_space<vmem>> -> memref<1x8x128xf32, #tpu.memory_space<vmem>>
      %dma_wait3A_1913 = tpu.memref_squeeze %dma_wait3A_1912 : memref<1x8x128xf32, #tpu.memory_space<vmem>> -> memref<8x128xf32, #tpu.memory_space<vmem>>
      %dma_wait3A_1914 = arith.constant 0 : i32
      %dma_wait3A_1915 = arith.constant 0 : i32
      %dma_wait3A_1916 = tpu.memref_slice %arg5[%dma_wait3A_1914, %dma_wait3A_1915] : memref<16x1000000xf32, #tpu.memory_space<hbm>> -> memref<8x128xf32, #tpu.memory_space<hbm>>
      tpu.wait_dma2 semaphore(%arg21 : memref<!tpu.dma_semaphore, #tpu.memory_space<semaphore_mem>>) src(%dma_wait3A_1916 : memref<8x128xf32, #tpu.memory_space<hbm>>) dst(%dma_wait3A_1913 : memref<8x128xf32, #tpu.memory_space<vmem>>)
      %dma_wait3A_1917 = arith.constant 0 : i32
      %dma_wait3A_1918 = arith.constant 0 : i32
      %dma_wait3A_1919 = arith.constant 0 : i32
      %dma_wait3A_1920 = tpu.memref_slice %arg11[%dma_wait3A_1917, %dma_wait3A_1918, %dma_wait3A_1919] : memref<8x16x128xf32, #tpu.memory_space<vmem>> -> memref<1x8x128xf32, #tpu.memory_space<vmem>>
      %dma_wait3A_1921 = tpu.memref_squeeze %dma_wait3A_1920 : memref<1x8x128xf32, #tpu.memory_space<vmem>> -> memref<8x128xf32, #tpu.memory_space<vmem>>
      %dma_wait3A_1922 = arith.constant 0 : i32
      %dma_wait3A_1923 = arith.constant 0 : i32
      %dma_wait3A_1924 = tpu.memref_slice %arg4[%dma_wait3A_1922, %dma_wait3A_1923] : memref<16x1000000xf32, #tpu.memory_space<hbm>> -> memref<8x128xf32, #tpu.memory_space<hbm>>
      %dma_wait3A_1925 = arith.constant 0 : i32
      %dma_wait3A_1926 = arith.constant 0 : i32
      %dma_wait3A_1927 = tpu.memref_slice %arg11[%dma_wait3A_1917, %dma_wait3A_1925, %dma_wait3A_1926] : memref<8x16x128xf32, #tpu.memory_space<vmem>> -> memref<1x8x128xf32, #tpu.memory_space<vmem>>
      %dma_wait3A_1928 = tpu.memref_squeeze %dma_wait3A_1927 : memref<1x8x128xf32, #tpu.memory_space<vmem>> -> memref<8x128xf32, #tpu.memory_space<vmem>>
      %dma_wait3A_1929 = arith.constant 0 : i32
      %dma_wait3A_1930 = arith.constant 0 : i32
      %dma_wait3A_1931 = tpu.memref_slice %arg4[%dma_wait3A_1929, %dma_wait3A_1930] : memref<16x1000000xf32, #tpu.memory_space<hbm>> -> memref<8x128xf32, #tpu.memory_space<hbm>>
      tpu.wait_dma2 semaphore(%arg19 : memref<!tpu.dma_semaphore, #tpu.memory_space<semaphore_mem>>) src(%dma_wait3A_1931 : memref<8x128xf32, #tpu.memory_space<hbm>>) dst(%dma_wait3A_1928 : memref<8x128xf32, #tpu.memory_space<vmem>>)
      %dma_wait3A_1932 = arith.constant 0 : i32
      %dma_wait3A_1933 = arith.constant 0 : i32
      %dma_wait3A_1934 = arith.constant 0 : i32
      %dma_wait3A_1935 = tpu.memref_slice %arg13[%dma_wait3A_1932, %dma_wait3A_1933, %dma_wait3A_1934] : memref<8x16x128xf32, #tpu.memory_space<vmem>> -> memref<1x8x128xf32, #tpu.memory_space<vmem>>
      %dma_wait3A_1936 = tpu.memref_squeeze %dma_wait3A_1935 : memref<1x8x128xf32, #tpu.memory_space<vmem>> -> memref<8x128xf32, #tpu.memory_space<vmem>>
      %dma_wait3A_1937 = arith.constant 0 : i32
      %dma_wait3A_1938 = arith.constant 0 : i32
      %dma_wait3A_1939 = tpu.memref_slice %arg5[%dma_wait3A_1937, %dma_wait3A_1938] : memref<16x1000000xf32, #tpu.memory_space<hbm>> -> memref<8x128xf32, #tpu.memory_space<hbm>>
      %dma_wait3A_1940 = arith.constant 0 : i32
      %dma_wait3A_1941 = arith.constant 0 : i32
      %dma_wait3A_1942 = tpu.memref_slice %arg13[%dma_wait3A_1932, %dma_wait3A_1940, %dma_wait3A_1941] : memref<8x16x128xf32, #tpu.memory_space<vmem>> -> memref<1x8x128xf32, #tpu.memory_space<vmem>>
      %dma_wait3A_1943 = tpu.memref_squeeze %dma_wait3A_1942 : memref<1x8x128xf32, #tpu.memory_space<vmem>> -> memref<8x128xf32, #tpu.memory_space<vmem>>
      %dma_wait3A_1944 = arith.constant 0 : i32
      %dma_wait3A_1945 = arith.constant 0 : i32
      %dma_wait3A_1946 = tpu.memref_slice %arg5[%dma_wait3A_1944, %dma_wait3A_1945] : memref<16x1000000xf32, #tpu.memory_space<hbm>> -> memref<8x128xf32, #tpu.memory_space<hbm>>
      tpu.wait_dma2 semaphore(%arg21 : memref<!tpu.dma_semaphore, #tpu.memory_space<semaphore_mem>>) src(%dma_wait3A_1946 : memref<8x128xf32, #tpu.memory_space<hbm>>) dst(%dma_wait3A_1943 : memref<8x128xf32, #tpu.memory_space<vmem>>)
      %dma_wait3A_1947 = arith.constant 0 : i32
      %dma_wait3A_1948 = arith.constant 0 : i32
      %dma_wait3A_1949 = arith.constant 0 : i32
      %dma_wait3A_1950 = tpu.memref_slice %arg11[%dma_wait3A_1947, %dma_wait3A_1948, %dma_wait3A_1949] : memref<8x16x128xf32, #tpu.memory_space<vmem>> -> memref<1x8x128xf32, #tpu.memory_space<vmem>>
      %dma_wait3A_1951 = tpu.memref_squeeze %dma_wait3A_1950 : memref<1x8x128xf32, #tpu.memory_space<vmem>> -> memref<8x128xf32, #tpu.memory_space<vmem>>
      %dma_wait3A_1952 = arith.constant 0 : i32
      %dma_wait3A_1953 = arith.constant 0 : i32
      %dma_wait3A_1954 = tpu.memref_slice %arg4[%dma_wait3A_1952, %dma_wait3A_1953] : memref<16x1000000xf32, #tpu.memory_space<hbm>> -> memref<8x128xf32, #tpu.memory_space<hbm>>
      %dma_wait3A_1955 = arith.constant 0 : i32
      %dma_wait3A_1956 = arith.constant 0 : i32
      %dma_wait3A_1957 = tpu.memref_slice %arg11[%dma_wait3A_1947, %dma_wait3A_1955, %dma_wait3A_1956] : memref<8x16x128xf32, #tpu.memory_space<vmem>> -> memref<1x8x128xf32, #tpu.memory_space<vmem>>
      %dma_wait3A_1958 = tpu.memref_squeeze %dma_wait3A_1957 : memref<1x8x128xf32, #tpu.memory_space<vmem>> -> memref<8x128xf32, #tpu.memory_space<vmem>>
      %dma_wait3A_1959 = arith.constant 0 : i32
      %dma_wait3A_1960 = arith.constant 0 : i32
      %dma_wait3A_1961 = tpu.memref_slice %arg4[%dma_wait3A_1959, %dma_wait3A_1960] : memref<16x1000000xf32, #tpu.memory_space<hbm>> -> memref<8x128xf32, #tpu.memory_space<hbm>>
      tpu.wait_dma2 semaphore(%arg19 : memref<!tpu.dma_semaphore, #tpu.memory_space<semaphore_mem>>) src(%dma_wait3A_1961 : memref<8x128xf32, #tpu.memory_space<hbm>>) dst(%dma_wait3A_1958 : memref<8x128xf32, #tpu.memory_space<vmem>>)
      %dma_wait3A_1962 = arith.constant 0 : i32
      %dma_wait3A_1963 = arith.constant 0 : i32
      %dma_wait3A_1964 = arith.constant 0 : i32
      %dma_wait3A_1965 = tpu.memref_slice %arg13[%dma_wait3A_1962, %dma_wait3A_1963, %dma_wait3A_1964] : memref<8x16x128xf32, #tpu.memory_space<vmem>> -> memref<1x8x128xf32, #tpu.memory_space<vmem>>
      %dma_wait3A_1966 = tpu.memref_squeeze %dma_wait3A_1965 : memref<1x8x128xf32, #tpu.memory_space<vmem>> -> memref<8x128xf32, #tpu.memory_space<vmem>>
      %dma_wait3A_1967 = arith.constant 0 : i32
      %dma_wait3A_1968 = arith.constant 0 : i32
      %dma_wait3A_1969 = tpu.memref_slice %arg5[%dma_wait3A_1967, %dma_wait3A_1968] : memref<16x1000000xf32, #tpu.memory_space<hbm>> -> memref<8x128xf32, #tpu.memory_space<hbm>>
      %dma_wait3A_1970 = arith.constant 0 : i32
      %dma_wait3A_1971 = arith.constant 0 : i32
      %dma_wait3A_1972 = tpu.memref_slice %arg13[%dma_wait3A_1962, %dma_wait3A_1970, %dma_wait3A_1971] : memref<8x16x128xf32, #tpu.memory_space<vmem>> -> memref<1x8x128xf32, #tpu.memory_space<vmem>>
      %dma_wait3A_1973 = tpu.memref_squeeze %dma_wait3A_1972 : memref<1x8x128xf32, #tpu.memory_space<vmem>> -> memref<8x128xf32, #tpu.memory_space<vmem>>
      %dma_wait3A_1974 = arith.constant 0 : i32
      %dma_wait3A_1975 = arith.constant 0 : i32
      %dma_wait3A_1976 = tpu.memref_slice %arg5[%dma_wait3A_1974, %dma_wait3A_1975] : memref<16x1000000xf32, #tpu.memory_space<hbm>> -> memref<8x128xf32, #tpu.memory_space<hbm>>
      tpu.wait_dma2 semaphore(%arg21 : memref<!tpu.dma_semaphore, #tpu.memory_space<semaphore_mem>>) src(%dma_wait3A_1976 : memref<8x128xf32, #tpu.memory_space<hbm>>) dst(%dma_wait3A_1973 : memref<8x128xf32, #tpu.memory_space<vmem>>)
      %dma_wait3A_1977 = arith.constant 0 : i32
      %dma_wait3A_1978 = arith.constant 0 : i32
      %dma_wait3A_1979 = arith.constant 0 : i32
      %dma_wait3A_1980 = tpu.memref_slice %arg11[%dma_wait3A_1977, %dma_wait3A_1978, %dma_wait3A_1979] : memref<8x16x128xf32, #tpu.memory_space<vmem>> -> memref<1x8x128xf32, #tpu.memory_space<vmem>>
      %dma_wait3A_1981 = tpu.memref_squeeze %dma_wait3A_1980 : memref<1x8x128xf32, #tpu.memory_space<vmem>> -> memref<8x128xf32, #tpu.memory_space<vmem>>
      %dma_wait3A_1982 = arith.constant 0 : i32
      %dma_wait3A_1983 = arith.constant 0 : i32
      %dma_wait3A_1984 = tpu.memref_slice %arg4[%dma_wait3A_1982, %dma_wait3A_1983] : memref<16x1000000xf32, #tpu.memory_space<hbm>> -> memref<8x128xf32, #tpu.memory_space<hbm>>
      %dma_wait3A_1985 = arith.constant 0 : i32
      %dma_wait3A_1986 = arith.constant 0 : i32
      %dma_wait3A_1987 = tpu.memref_slice %arg11[%dma_wait3A_1977, %dma_wait3A_1985, %dma_wait3A_1986] : memref<8x16x128xf32, #tpu.memory_space<vmem>> -> memref<1x8x128xf32, #tpu.memory_space<vmem>>
      %dma_wait3A_1988 = tpu.memref_squeeze %dma_wait3A_1987 : memref<1x8x128xf32, #tpu.memory_space<vmem>> -> memref<8x128xf32, #tpu.memory_space<vmem>>
      %dma_wait3A_1989 = arith.constant 0 : i32
      %dma_wait3A_1990 = arith.constant 0 : i32
      %dma_wait3A_1991 = tpu.memref_slice %arg4[%dma_wait3A_1989, %dma_wait3A_1990] : memref<16x1000000xf32, #tpu.memory_space<hbm>> -> memref<8x128xf32, #tpu.memory_space<hbm>>
      tpu.wait_dma2 semaphore(%arg19 : memref<!tpu.dma_semaphore, #tpu.memory_space<semaphore_mem>>) src(%dma_wait3A_1991 : memref<8x128xf32, #tpu.memory_space<hbm>>) dst(%dma_wait3A_1988 : memref<8x128xf32, #tpu.memory_space<vmem>>)
      %dma_wait3A_1992 = arith.constant 0 : i32
      %dma_wait3A_1993 = arith.constant 0 : i32
      %dma_wait3A_1994 = arith.constant 0 : i32
      %dma_wait3A_1995 = tpu.memref_slice %arg13[%dma_wait3A_1992, %dma_wait3A_1993, %dma_wait3A_1994] : memref<8x16x128xf32, #tpu.memory_space<vmem>> -> memref<1x8x128xf32, #tpu.memory_space<vmem>>
      %dma_wait3A_1996 = tpu.memref_squeeze %dma_wait3A_1995 : memref<1x8x128xf32, #tpu.memory_space<vmem>> -> memref<8x128xf32, #tpu.memory_space<vmem>>
      %dma_wait3A_1997 = arith.constant 0 : i32
      %dma_wait3A_1998 = arith.constant 0 : i32
      %dma_wait3A_1999 = tpu.memref_slice %arg5[%dma_wait3A_1997, %dma_wait3A_1998] : memref<16x1000000xf32, #tpu.memory_space<hbm>> -> memref<8x128xf32, #tpu.memory_space<hbm>>
      %dma_wait3A_2000 = arith.constant 0 : i32
      %dma_wait3A_2001 = arith.constant 0 : i32
      %dma_wait3A_2002 = tpu.memref_slice %arg13[%dma_wait3A_1992, %dma_wait3A_2000, %dma_wait3A_2001] : memref<8x16x128xf32, #tpu.memory_space<vmem>> -> memref<1x8x128xf32, #tpu.memory_space<vmem>>
      %dma_wait3A_2003 = tpu.memref_squeeze %dma_wait3A_2002 : memref<1x8x128xf32, #tpu.memory_space<vmem>> -> memref<8x128xf32, #tpu.memory_space<vmem>>
      %dma_wait3A_2004 = arith.constant 0 : i32
      %dma_wait3A_2005 = arith.constant 0 : i32
      %dma_wait3A_2006 = tpu.memref_slice %arg5[%dma_wait3A_2004, %dma_wait3A_2005] : memref<16x1000000xf32, #tpu.memory_space<hbm>> -> memref<8x128xf32, #tpu.memory_space<hbm>>
      tpu.wait_dma2 semaphore(%arg21 : memref<!tpu.dma_semaphore, #tpu.memory_space<semaphore_mem>>) src(%dma_wait3A_2006 : memref<8x128xf32, #tpu.memory_space<hbm>>) dst(%dma_wait3A_2003 : memref<8x128xf32, #tpu.memory_space<vmem>>)
      %dma_wait3A_2007 = arith.constant 0 : i32
      %dma_wait3A_2008 = arith.constant 0 : i32
      %dma_wait3A_2009 = arith.constant 0 : i32
      %dma_wait3A_2010 = tpu.memref_slice %arg11[%dma_wait3A_2007, %dma_wait3A_2008, %dma_wait3A_2009] : memref<8x16x128xf32, #tpu.memory_space<vmem>> -> memref<1x8x128xf32, #tpu.memory_space<vmem>>
      %dma_wait3A_2011 = tpu.memref_squeeze %dma_wait3A_2010 : memref<1x8x128xf32, #tpu.memory_space<vmem>> -> memref<8x128xf32, #tpu.memory_space<vmem>>
      %dma_wait3A_2012 = arith.constant 0 : i32
      %dma_wait3A_2013 = arith.constant 0 : i32
      %dma_wait3A_2014 = tpu.memref_slice %arg4[%dma_wait3A_2012, %dma_wait3A_2013] : memref<16x1000000xf32, #tpu.memory_space<hbm>> -> memref<8x128xf32, #tpu.memory_space<hbm>>
      %dma_wait3A_2015 = arith.constant 0 : i32
      %dma_wait3A_2016 = arith.constant 0 : i32
      %dma_wait3A_2017 = tpu.memref_slice %arg11[%dma_wait3A_2007, %dma_wait3A_2015, %dma_wait3A_2016] : memref<8x16x128xf32, #tpu.memory_space<vmem>> -> memref<1x8x128xf32, #tpu.memory_space<vmem>>
      %dma_wait3A_2018 = tpu.memref_squeeze %dma_wait3A_2017 : memref<1x8x128xf32, #tpu.memory_space<vmem>> -> memref<8x128xf32, #tpu.memory_space<vmem>>
      %dma_wait3A_2019 = arith.constant 0 : i32
      %dma_wait3A_2020 = arith.constant 0 : i32
      %dma_wait3A_2021 = tpu.memref_slice %arg4[%dma_wait3A_2019, %dma_wait3A_2020] : memref<16x1000000xf32, #tpu.memory_space<hbm>> -> memref<8x128xf32, #tpu.memory_space<hbm>>
      tpu.wait_dma2 semaphore(%arg19 : memref<!tpu.dma_semaphore, #tpu.memory_space<semaphore_mem>>) src(%dma_wait3A_2021 : memref<8x128xf32, #tpu.memory_space<hbm>>) dst(%dma_wait3A_2018 : memref<8x128xf32, #tpu.memory_space<vmem>>)
      %dma_wait3A_2022 = arith.constant 0 : i32
      %dma_wait3A_2023 = arith.constant 0 : i32
      %dma_wait3A_2024 = arith.constant 0 : i32
      %dma_wait3A_2025 = tpu.memref_slice %arg13[%dma_wait3A_2022, %dma_wait3A_2023, %dma_wait3A_2024] : memref<8x16x128xf32, #tpu.memory_space<vmem>> -> memref<1x8x128xf32, #tpu.memory_space<vmem>>
      %dma_wait3A_2026 = tpu.memref_squeeze %dma_wait3A_2025 : memref<1x8x128xf32, #tpu.memory_space<vmem>> -> memref<8x128xf32, #tpu.memory_space<vmem>>
      %dma_wait3A_2027 = arith.constant 0 : i32
      %dma_wait3A_2028 = arith.constant 0 : i32
      %dma_wait3A_2029 = tpu.memref_slice %arg5[%dma_wait3A_2027, %dma_wait3A_2028] : memref<16x1000000xf32, #tpu.memory_space<hbm>> -> memref<8x128xf32, #tpu.memory_space<hbm>>
      %dma_wait3A_2030 = arith.constant 0 : i32
      %dma_wait3A_2031 = arith.constant 0 : i32
      %dma_wait3A_2032 = tpu.memref_slice %arg13[%dma_wait3A_2022, %dma_wait3A_2030, %dma_wait3A_2031] : memref<8x16x128xf32, #tpu.memory_space<vmem>> -> memref<1x8x128xf32, #tpu.memory_space<vmem>>
      %dma_wait3A_2033 = tpu.memref_squeeze %dma_wait3A_2032 : memref<1x8x128xf32, #tpu.memory_space<vmem>> -> memref<8x128xf32, #tpu.memory_space<vmem>>
      %dma_wait3A_2034 = arith.constant 0 : i32
      %dma_wait3A_2035 = arith.constant 0 : i32
      %dma_wait3A_2036 = tpu.memref_slice %arg5[%dma_wait3A_2034, %dma_wait3A_2035] : memref<16x1000000xf32, #tpu.memory_space<hbm>> -> memref<8x128xf32, #tpu.memory_space<hbm>>
      tpu.wait_dma2 semaphore(%arg21 : memref<!tpu.dma_semaphore, #tpu.memory_space<semaphore_mem>>) src(%dma_wait3A_2036 : memref<8x128xf32, #tpu.memory_space<hbm>>) dst(%dma_wait3A_2033 : memref<8x128xf32, #tpu.memory_space<vmem>>)
      %dma_wait3A_2037 = arith.constant 0 : i32
      %dma_wait3A_2038 = arith.constant 0 : i32
      %dma_wait3A_2039 = arith.constant 0 : i32
      %dma_wait3A_2040 = tpu.memref_slice %arg11[%dma_wait3A_2037, %dma_wait3A_2038, %dma_wait3A_2039] : memref<8x16x128xf32, #tpu.memory_space<vmem>> -> memref<1x8x128xf32, #tpu.memory_space<vmem>>
      %dma_wait3A_2041 = tpu.memref_squeeze %dma_wait3A_2040 : memref<1x8x128xf32, #tpu.memory_space<vmem>> -> memref<8x128xf32, #tpu.memory_space<vmem>>
      %dma_wait3A_2042 = arith.constant 0 : i32
      %dma_wait3A_2043 = arith.constant 0 : i32
      %dma_wait3A_2044 = tpu.memref_slice %arg4[%dma_wait3A_2042, %dma_wait3A_2043] : memref<16x1000000xf32, #tpu.memory_space<hbm>> -> memref<8x128xf32, #tpu.memory_space<hbm>>
      %dma_wait3A_2045 = arith.constant 0 : i32
      %dma_wait3A_2046 = arith.constant 0 : i32
      %dma_wait3A_2047 = tpu.memref_slice %arg11[%dma_wait3A_2037, %dma_wait3A_2045, %dma_wait3A_2046] : memref<8x16x128xf32, #tpu.memory_space<vmem>> -> memref<1x8x128xf32, #tpu.memory_space<vmem>>
      %dma_wait3A_2048 = tpu.memref_squeeze %dma_wait3A_2047 : memref<1x8x128xf32, #tpu.memory_space<vmem>> -> memref<8x128xf32, #tpu.memory_space<vmem>>
      %dma_wait3A_2049 = arith.constant 0 : i32
      %dma_wait3A_2050 = arith.constant 0 : i32
      %dma_wait3A_2051 = tpu.memref_slice %arg4[%dma_wait3A_2049, %dma_wait3A_2050] : memref<16x1000000xf32, #tpu.memory_space<hbm>> -> memref<8x128xf32, #tpu.memory_space<hbm>>
      tpu.wait_dma2 semaphore(%arg19 : memref<!tpu.dma_semaphore, #tpu.memory_space<semaphore_mem>>) src(%dma_wait3A_2051 : memref<8x128xf32, #tpu.memory_space<hbm>>) dst(%dma_wait3A_2048 : memref<8x128xf32, #tpu.memory_space<vmem>>)
      %dma_wait3A_2052 = arith.constant 0 : i32
      %dma_wait3A_2053 = arith.constant 0 : i32
      %dma_wait3A_2054 = arith.constant 0 : i32
      %dma_wait3A_2055 = tpu.memref_slice %arg13[%dma_wait3A_2052, %dma_wait3A_2053, %dma_wait3A_2054] : memref<8x16x128xf32, #tpu.memory_space<vmem>> -> memref<1x8x128xf32, #tpu.memory_space<vmem>>
      %dma_wait3A_2056 = tpu.memref_squeeze %dma_wait3A_2055 : memref<1x8x128xf32, #tpu.memory_space<vmem>> -> memref<8x128xf32, #tpu.memory_space<vmem>>
      %dma_wait3A_2057 = arith.constant 0 : i32
      %dma_wait3A_2058 = arith.constant 0 : i32
      %dma_wait3A_2059 = tpu.memref_slice %arg5[%dma_wait3A_2057, %dma_wait3A_2058] : memref<16x1000000xf32, #tpu.memory_space<hbm>> -> memref<8x128xf32, #tpu.memory_space<hbm>>
      %dma_wait3A_2060 = arith.constant 0 : i32
      %dma_wait3A_2061 = arith.constant 0 : i32
      %dma_wait3A_2062 = tpu.memref_slice %arg13[%dma_wait3A_2052, %dma_wait3A_2060, %dma_wait3A_2061] : memref<8x16x128xf32, #tpu.memory_space<vmem>> -> memref<1x8x128xf32, #tpu.memory_space<vmem>>
      %dma_wait3A_2063 = tpu.memref_squeeze %dma_wait3A_2062 : memref<1x8x128xf32, #tpu.memory_space<vmem>> -> memref<8x128xf32, #tpu.memory_space<vmem>>
      %dma_wait3A_2064 = arith.constant 0 : i32
      %dma_wait3A_2065 = arith.constant 0 : i32
      %dma_wait3A_2066 = tpu.memref_slice %arg5[%dma_wait3A_2064, %dma_wait3A_2065] : memref<16x1000000xf32, #tpu.memory_space<hbm>> -> memref<8x128xf32, #tpu.memory_space<hbm>>
      tpu.wait_dma2 semaphore(%arg21 : memref<!tpu.dma_semaphore, #tpu.memory_space<semaphore_mem>>) src(%dma_wait3A_2066 : memref<8x128xf32, #tpu.memory_space<hbm>>) dst(%dma_wait3A_2063 : memref<8x128xf32, #tpu.memory_space<vmem>>)
      %dma_wait3A_2067 = arith.constant 0 : i32
      %dma_wait3A_2068 = arith.constant 0 : i32
      %dma_wait3A_2069 = arith.constant 0 : i32
      %dma_wait3A_2070 = tpu.memref_slice %arg11[%dma_wait3A_2067, %dma_wait3A_2068, %dma_wait3A_2069] : memref<8x16x128xf32, #tpu.memory_space<vmem>> -> memref<1x8x128xf32, #tpu.memory_space<vmem>>
      %dma_wait3A_2071 = tpu.memref_squeeze %dma_wait3A_2070 : memref<1x8x128xf32, #tpu.memory_space<vmem>> -> memref<8x128xf32, #tpu.memory_space<vmem>>
      %dma_wait3A_2072 = arith.constant 0 : i32
      %dma_wait3A_2073 = arith.constant 0 : i32
      %dma_wait3A_2074 = tpu.memref_slice %arg4[%dma_wait3A_2072, %dma_wait3A_2073] : memref<16x1000000xf32, #tpu.memory_space<hbm>> -> memref<8x128xf32, #tpu.memory_space<hbm>>
      %dma_wait3A_2075 = arith.constant 0 : i32
      %dma_wait3A_2076 = arith.constant 0 : i32
      %dma_wait3A_2077 = tpu.memref_slice %arg11[%dma_wait3A_2067, %dma_wait3A_2075, %dma_wait3A_2076] : memref<8x16x128xf32, #tpu.memory_space<vmem>> -> memref<1x8x128xf32, #tpu.memory_space<vmem>>
      %dma_wait3A_2078 = tpu.memref_squeeze %dma_wait3A_2077 : memref<1x8x128xf32, #tpu.memory_space<vmem>> -> memref<8x128xf32, #tpu.memory_space<vmem>>
      %dma_wait3A_2079 = arith.constant 0 : i32
      %dma_wait3A_2080 = arith.constant 0 : i32
      %dma_wait3A_2081 = tpu.memref_slice %arg4[%dma_wait3A_2079, %dma_wait3A_2080] : memref<16x1000000xf32, #tpu.memory_space<hbm>> -> memref<8x128xf32, #tpu.memory_space<hbm>>
      tpu.wait_dma2 semaphore(%arg19 : memref<!tpu.dma_semaphore, #tpu.memory_space<semaphore_mem>>) src(%dma_wait3A_2081 : memref<8x128xf32, #tpu.memory_space<hbm>>) dst(%dma_wait3A_2078 : memref<8x128xf32, #tpu.memory_space<vmem>>)
      %dma_wait3A_2082 = arith.constant 0 : i32
      %dma_wait3A_2083 = arith.constant 0 : i32
      %dma_wait3A_2084 = arith.constant 0 : i32
      %dma_wait3A_2085 = tpu.memref_slice %arg13[%dma_wait3A_2082, %dma_wait3A_2083, %dma_wait3A_2084] : memref<8x16x128xf32, #tpu.memory_space<vmem>> -> memref<1x8x128xf32, #tpu.memory_space<vmem>>
      %dma_wait3A_2086 = tpu.memref_squeeze %dma_wait3A_2085 : memref<1x8x128xf32, #tpu.memory_space<vmem>> -> memref<8x128xf32, #tpu.memory_space<vmem>>
      %dma_wait3A_2087 = arith.constant 0 : i32
      %dma_wait3A_2088 = arith.constant 0 : i32
      %dma_wait3A_2089 = tpu.memref_slice %arg5[%dma_wait3A_2087, %dma_wait3A_2088] : memref<16x1000000xf32, #tpu.memory_space<hbm>> -> memref<8x128xf32, #tpu.memory_space<hbm>>
      %dma_wait3A_2090 = arith.constant 0 : i32
      %dma_wait3A_2091 = arith.constant 0 : i32
      %dma_wait3A_2092 = tpu.memref_slice %arg13[%dma_wait3A_2082, %dma_wait3A_2090, %dma_wait3A_2091] : memref<8x16x128xf32, #tpu.memory_space<vmem>> -> memref<1x8x128xf32, #tpu.memory_space<vmem>>
      %dma_wait3A_2093 = tpu.memref_squeeze %dma_wait3A_2092 : memref<1x8x128xf32, #tpu.memory_space<vmem>> -> memref<8x128xf32, #tpu.memory_space<vmem>>
      %dma_wait3A_2094 = arith.constant 0 : i32
      %dma_wait3A_2095 = arith.constant 0 : i32
      %dma_wait3A_2096 = tpu.memref_slice %arg5[%dma_wait3A_2094, %dma_wait3A_2095] : memref<16x1000000xf32, #tpu.memory_space<hbm>> -> memref<8x128xf32, #tpu.memory_space<hbm>>
      tpu.wait_dma2 semaphore(%arg21 : memref<!tpu.dma_semaphore, #tpu.memory_space<semaphore_mem>>) src(%dma_wait3A_2096 : memref<8x128xf32, #tpu.memory_space<hbm>>) dst(%dma_wait3A_2093 : memref<8x128xf32, #tpu.memory_space<vmem>>)
      %dma_wait3A_2097 = arith.constant 0 : i32
      %dma_wait3A_2098 = arith.constant 0 : i32
      %dma_wait3A_2099 = arith.constant 0 : i32
      %dma_wait3A_2100 = tpu.memref_slice %arg11[%dma_wait3A_2097, %dma_wait3A_2098, %dma_wait3A_2099] : memref<8x16x128xf32, #tpu.memory_space<vmem>> -> memref<1x8x128xf32, #tpu.memory_space<vmem>>
      %dma_wait3A_2101 = tpu.memref_squeeze %dma_wait3A_2100 : memref<1x8x128xf32, #tpu.memory_space<vmem>> -> memref<8x128xf32, #tpu.memory_space<vmem>>
      %dma_wait3A_2102 = arith.constant 0 : i32
      %dma_wait3A_2103 = arith.constant 0 : i32
      %dma_wait3A_2104 = tpu.memref_slice %arg4[%dma_wait3A_2102, %dma_wait3A_2103] : memref<16x1000000xf32, #tpu.memory_space<hbm>> -> memref<8x128xf32, #tpu.memory_space<hbm>>
      %dma_wait3A_2105 = arith.constant 0 : i32
      %dma_wait3A_2106 = arith.constant 0 : i32
      %dma_wait3A_2107 = tpu.memref_slice %arg11[%dma_wait3A_2097, %dma_wait3A_2105, %dma_wait3A_2106] : memref<8x16x128xf32, #tpu.memory_space<vmem>> -> memref<1x8x128xf32, #tpu.memory_space<vmem>>
      %dma_wait3A_2108 = tpu.memref_squeeze %dma_wait3A_2107 : memref<1x8x128xf32, #tpu.memory_space<vmem>> -> memref<8x128xf32, #tpu.memory_space<vmem>>
      %dma_wait3A_2109 = arith.constant 0 : i32
      %dma_wait3A_2110 = arith.constant 0 : i32
      %dma_wait3A_2111 = tpu.memref_slice %arg4[%dma_wait3A_2109, %dma_wait3A_2110] : memref<16x1000000xf32, #tpu.memory_space<hbm>> -> memref<8x128xf32, #tpu.memory_space<hbm>>
      tpu.wait_dma2 semaphore(%arg19 : memref<!tpu.dma_semaphore, #tpu.memory_space<semaphore_mem>>) src(%dma_wait3A_2111 : memref<8x128xf32, #tpu.memory_space<hbm>>) dst(%dma_wait3A_2108 : memref<8x128xf32, #tpu.memory_space<vmem>>)
      %dma_wait3A_2112 = arith.constant 0 : i32
      %dma_wait3A_2113 = arith.constant 0 : i32
      %dma_wait3A_2114 = arith.constant 0 : i32
      %dma_wait3A_2115 = tpu.memref_slice %arg13[%dma_wait3A_2112, %dma_wait3A_2113, %dma_wait3A_2114] : memref<8x16x128xf32, #tpu.memory_space<vmem>> -> memref<1x8x128xf32, #tpu.memory_space<vmem>>
      %dma_wait3A_2116 = tpu.memref_squeeze %dma_wait3A_2115 : memref<1x8x128xf32, #tpu.memory_space<vmem>> -> memref<8x128xf32, #tpu.memory_space<vmem>>
      %dma_wait3A_2117 = arith.constant 0 : i32
      %dma_wait3A_2118 = arith.constant 0 : i32
      %dma_wait3A_2119 = tpu.memref_slice %arg5[%dma_wait3A_2117, %dma_wait3A_2118] : memref<16x1000000xf32, #tpu.memory_space<hbm>> -> memref<8x128xf32, #tpu.memory_space<hbm>>
      %dma_wait3A_2120 = arith.constant 0 : i32
      %dma_wait3A_2121 = arith.constant 0 : i32
      %dma_wait3A_2122 = tpu.memref_slice %arg13[%dma_wait3A_2112, %dma_wait3A_2120, %dma_wait3A_2121] : memref<8x16x128xf32, #tpu.memory_space<vmem>> -> memref<1x8x128xf32, #tpu.memory_space<vmem>>
      %dma_wait3A_2123 = tpu.memref_squeeze %dma_wait3A_2122 : memref<1x8x128xf32, #tpu.memory_space<vmem>> -> memref<8x128xf32, #tpu.memory_space<vmem>>
      %dma_wait3A_2124 = arith.constant 0 : i32
      %dma_wait3A_2125 = arith.constant 0 : i32
      %dma_wait3A_2126 = tpu.memref_slice %arg5[%dma_wait3A_2124, %dma_wait3A_2125] : memref<16x1000000xf32, #tpu.memory_space<hbm>> -> memref<8x128xf32, #tpu.memory_space<hbm>>
      tpu.wait_dma2 semaphore(%arg21 : memref<!tpu.dma_semaphore, #tpu.memory_space<semaphore_mem>>) src(%dma_wait3A_2126 : memref<8x128xf32, #tpu.memory_space<hbm>>) dst(%dma_wait3A_2123 : memref<8x128xf32, #tpu.memory_space<vmem>>)
      %dma_wait3A_2127 = arith.constant 0 : i32
      %dma_wait3A_2128 = arith.constant 0 : i32
      %dma_wait3A_2129 = arith.constant 0 : i32
      %dma_wait3A_2130 = tpu.memref_slice %arg11[%dma_wait3A_2127, %dma_wait3A_2128, %dma_wait3A_2129] : memref<8x16x128xf32, #tpu.memory_space<vmem>> -> memref<1x8x128xf32, #tpu.memory_space<vmem>>
      %dma_wait3A_2131 = tpu.memref_squeeze %dma_wait3A_2130 : memref<1x8x128xf32, #tpu.memory_space<vmem>> -> memref<8x128xf32, #tpu.memory_space<vmem>>
      %dma_wait3A_2132 = arith.constant 0 : i32
      %dma_wait3A_2133 = arith.constant 0 : i32
      %dma_wait3A_2134 = tpu.memref_slice %arg4[%dma_wait3A_2132, %dma_wait3A_2133] : memref<16x1000000xf32, #tpu.memory_space<hbm>> -> memref<8x128xf32, #tpu.memory_space<hbm>>
      %dma_wait3A_2135 = arith.constant 0 : i32
      %dma_wait3A_2136 = arith.constant 0 : i32
      %dma_wait3A_2137 = tpu.memref_slice %arg11[%dma_wait3A_2127, %dma_wait3A_2135, %dma_wait3A_2136] : memref<8x16x128xf32, #tpu.memory_space<vmem>> -> memref<1x8x128xf32, #tpu.memory_space<vmem>>
      %dma_wait3A_2138 = tpu.memref_squeeze %dma_wait3A_2137 : memref<1x8x128xf32, #tpu.memory_space<vmem>> -> memref<8x128xf32, #tpu.memory_space<vmem>>
      %dma_wait3A_2139 = arith.constant 0 : i32
      %dma_wait3A_2140 = arith.constant 0 : i32
      %dma_wait3A_2141 = tpu.memref_slice %arg4[%dma_wait3A_2139, %dma_wait3A_2140] : memref<16x1000000xf32, #tpu.memory_space<hbm>> -> memref<8x128xf32, #tpu.memory_space<hbm>>
      tpu.wait_dma2 semaphore(%arg19 : memref<!tpu.dma_semaphore, #tpu.memory_space<semaphore_mem>>) src(%dma_wait3A_2141 : memref<8x128xf32, #tpu.memory_space<hbm>>) dst(%dma_wait3A_2138 : memref<8x128xf32, #tpu.memory_space<vmem>>)
      %dma_wait3A_2142 = arith.constant 0 : i32
      %dma_wait3A_2143 = arith.constant 0 : i32
      %dma_wait3A_2144 = arith.constant 0 : i32
      %dma_wait3A_2145 = tpu.memref_slice %arg13[%dma_wait3A_2142, %dma_wait3A_2143, %dma_wait3A_2144] : memref<8x16x128xf32, #tpu.memory_space<vmem>> -> memref<1x8x128xf32, #tpu.memory_space<vmem>>
      %dma_wait3A_2146 = tpu.memref_squeeze %dma_wait3A_2145 : memref<1x8x128xf32, #tpu.memory_space<vmem>> -> memref<8x128xf32, #tpu.memory_space<vmem>>
      %dma_wait3A_2147 = arith.constant 0 : i32
      %dma_wait3A_2148 = arith.constant 0 : i32
      %dma_wait3A_2149 = tpu.memref_slice %arg5[%dma_wait3A_2147, %dma_wait3A_2148] : memref<16x1000000xf32, #tpu.memory_space<hbm>> -> memref<8x128xf32, #tpu.memory_space<hbm>>
      %dma_wait3A_2150 = arith.constant 0 : i32
      %dma_wait3A_2151 = arith.constant 0 : i32
      %dma_wait3A_2152 = tpu.memref_slice %arg13[%dma_wait3A_2142, %dma_wait3A_2150, %dma_wait3A_2151] : memref<8x16x128xf32, #tpu.memory_space<vmem>> -> memref<1x8x128xf32, #tpu.memory_space<vmem>>
      %dma_wait3A_2153 = tpu.memref_squeeze %dma_wait3A_2152 : memref<1x8x128xf32, #tpu.memory_space<vmem>> -> memref<8x128xf32, #tpu.memory_space<vmem>>
      %dma_wait3A_2154 = arith.constant 0 : i32
      %dma_wait3A_2155 = arith.constant 0 : i32
      %dma_wait3A_2156 = tpu.memref_slice %arg5[%dma_wait3A_2154, %dma_wait3A_2155] : memref<16x1000000xf32, #tpu.memory_space<hbm>> -> memref<8x128xf32, #tpu.memory_space<hbm>>
      tpu.wait_dma2 semaphore(%arg21 : memref<!tpu.dma_semaphore, #tpu.memory_space<semaphore_mem>>) src(%dma_wait3A_2156 : memref<8x128xf32, #tpu.memory_space<hbm>>) dst(%dma_wait3A_2153 : memref<8x128xf32, #tpu.memory_space<vmem>>)
      %dma_wait3A_2157 = arith.constant 0 : i32
      %dma_wait3A_2158 = arith.constant 0 : i32
      %dma_wait3A_2159 = arith.constant 0 : i32
      %dma_wait3A_2160 = tpu.memref_slice %arg11[%dma_wait3A_2157, %dma_wait3A_2158, %dma_wait3A_2159] : memref<8x16x128xf32, #tpu.memory_space<vmem>> -> memref<1x8x128xf32, #tpu.memory_space<vmem>>
      %dma_wait3A_2161 = tpu.memref_squeeze %dma_wait3A_2160 : memref<1x8x128xf32, #tpu.memory_space<vmem>> -> memref<8x128xf32, #tpu.memory_space<vmem>>
      %dma_wait3A_2162 = arith.constant 0 : i32
      %dma_wait3A_2163 = arith.constant 0 : i32
      %dma_wait3A_2164 = tpu.memref_slice %arg4[%dma_wait3A_2162, %dma_wait3A_2163] : memref<16x1000000xf32, #tpu.memory_space<hbm>> -> memref<8x128xf32, #tpu.memory_space<hbm>>
      %dma_wait3A_2165 = arith.constant 0 : i32
      %dma_wait3A_2166 = arith.constant 0 : i32
      %dma_wait3A_2167 = tpu.memref_slice %arg11[%dma_wait3A_2157, %dma_wait3A_2165, %dma_wait3A_2166] : memref<8x16x128xf32, #tpu.memory_space<vmem>> -> memref<1x8x128xf32, #tpu.memory_space<vmem>>
      %dma_wait3A_2168 = tpu.memref_squeeze %dma_wait3A_2167 : memref<1x8x128xf32, #tpu.memory_space<vmem>> -> memref<8x128xf32, #tpu.memory_space<vmem>>
      %dma_wait3A_2169 = arith.constant 0 : i32
      %dma_wait3A_2170 = arith.constant 0 : i32
      %dma_wait3A_2171 = tpu.memref_slice %arg4[%dma_wait3A_2169, %dma_wait3A_2170] : memref<16x1000000xf32, #tpu.memory_space<hbm>> -> memref<8x128xf32, #tpu.memory_space<hbm>>
      tpu.wait_dma2 semaphore(%arg19 : memref<!tpu.dma_semaphore, #tpu.memory_space<semaphore_mem>>) src(%dma_wait3A_2171 : memref<8x128xf32, #tpu.memory_space<hbm>>) dst(%dma_wait3A_2168 : memref<8x128xf32, #tpu.memory_space<vmem>>)
      %dma_wait3A_2172 = arith.constant 0 : i32
      %dma_wait3A_2173 = arith.constant 0 : i32
      %dma_wait3A_2174 = arith.constant 0 : i32
      %dma_wait3A_2175 = tpu.memref_slice %arg13[%dma_wait3A_2172, %dma_wait3A_2173, %dma_wait3A_2174] : memref<8x16x128xf32, #tpu.memory_space<vmem>> -> memref<1x8x128xf32, #tpu.memory_space<vmem>>
      %dma_wait3A_2176 = tpu.memref_squeeze %dma_wait3A_2175 : memref<1x8x128xf32, #tpu.memory_space<vmem>> -> memref<8x128xf32, #tpu.memory_space<vmem>>
      %dma_wait3A_2177 = arith.constant 0 : i32
      %dma_wait3A_2178 = arith.constant 0 : i32
      %dma_wait3A_2179 = tpu.memref_slice %arg5[%dma_wait3A_2177, %dma_wait3A_2178] : memref<16x1000000xf32, #tpu.memory_space<hbm>> -> memref<8x128xf32, #tpu.memory_space<hbm>>
      %dma_wait3A_2180 = arith.constant 0 : i32
      %dma_wait3A_2181 = arith.constant 0 : i32
      %dma_wait3A_2182 = tpu.memref_slice %arg13[%dma_wait3A_2172, %dma_wait3A_2180, %dma_wait3A_2181] : memref<8x16x128xf32, #tpu.memory_space<vmem>> -> memref<1x8x128xf32, #tpu.memory_space<vmem>>
      %dma_wait3A_2183 = tpu.memref_squeeze %dma_wait3A_2182 : memref<1x8x128xf32, #tpu.memory_space<vmem>> -> memref<8x128xf32, #tpu.memory_space<vmem>>
      %dma_wait3A_2184 = arith.constant 0 : i32
      %dma_wait3A_2185 = arith.constant 0 : i32
      %dma_wait3A_2186 = tpu.memref_slice %arg5[%dma_wait3A_2184, %dma_wait3A_2185] : memref<16x1000000xf32, #tpu.memory_space<hbm>> -> memref<8x128xf32, #tpu.memory_space<hbm>>
      tpu.wait_dma2 semaphore(%arg21 : memref<!tpu.dma_semaphore, #tpu.memory_space<semaphore_mem>>) src(%dma_wait3A_2186 : memref<8x128xf32, #tpu.memory_space<hbm>>) dst(%dma_wait3A_2183 : memref<8x128xf32, #tpu.memory_space<vmem>>)
      %dma_wait3A_2187 = arith.constant 0 : i32
      %dma_wait3A_2188 = arith.constant 0 : i32
      %dma_wait3A_2189 = arith.constant 0 : i32
      %dma_wait3A_2190 = tpu.memref_slice %arg11[%dma_wait3A_2187, %dma_wait3A_2188, %dma_wait3A_2189] : memref<8x16x128xf32, #tpu.memory_space<vmem>> -> memref<1x8x128xf32, #tpu.memory_space<vmem>>
      %dma_wait3A_2191 = tpu.memref_squeeze %dma_wait3A_2190 : memref<1x8x128xf32, #tpu.memory_space<vmem>> -> memref<8x128xf32, #tpu.memory_space<vmem>>
      %dma_wait3A_2192 = arith.constant 0 : i32
      %dma_wait3A_2193 = arith.constant 0 : i32
      %dma_wait3A_2194 = tpu.memref_slice %arg4[%dma_wait3A_2192, %dma_wait3A_2193] : memref<16x1000000xf32, #tpu.memory_space<hbm>> -> memref<8x128xf32, #tpu.memory_space<hbm>>
      %dma_wait3A_2195 = arith.constant 0 : i32
      %dma_wait3A_2196 = arith.constant 0 : i32
      %dma_wait3A_2197 = tpu.memref_slice %arg11[%dma_wait3A_2187, %dma_wait3A_2195, %dma_wait3A_2196] : memref<8x16x128xf32, #tpu.memory_space<vmem>> -> memref<1x8x128xf32, #tpu.memory_space<vmem>>
      %dma_wait3A_2198 = tpu.memref_squeeze %dma_wait3A_2197 : memref<1x8x128xf32, #tpu.memory_space<vmem>> -> memref<8x128xf32, #tpu.memory_space<vmem>>
      %dma_wait3A_2199 = arith.constant 0 : i32
      %dma_wait3A_2200 = arith.constant 0 : i32
      %dma_wait3A_2201 = tpu.memref_slice %arg4[%dma_wait3A_2199, %dma_wait3A_2200] : memref<16x1000000xf32, #tpu.memory_space<hbm>> -> memref<8x128xf32, #tpu.memory_space<hbm>>
      tpu.wait_dma2 semaphore(%arg19 : memref<!tpu.dma_semaphore, #tpu.memory_space<semaphore_mem>>) src(%dma_wait3A_2201 : memref<8x128xf32, #tpu.memory_space<hbm>>) dst(%dma_wait3A_2198 : memref<8x128xf32, #tpu.memory_space<vmem>>)
      %dma_wait3A_2202 = arith.constant 0 : i32
      %dma_wait3A_2203 = arith.constant 0 : i32
      %dma_wait3A_2204 = arith.constant 0 : i32
      %dma_wait3A_2205 = tpu.memref_slice %arg13[%dma_wait3A_2202, %dma_wait3A_2203, %dma_wait3A_2204] : memref<8x16x128xf32, #tpu.memory_space<vmem>> -> memref<1x8x128xf32, #tpu.memory_space<vmem>>
      %dma_wait3A_2206 = tpu.memref_squeeze %dma_wait3A_2205 : memref<1x8x128xf32, #tpu.memory_space<vmem>> -> memref<8x128xf32, #tpu.memory_space<vmem>>
      %dma_wait3A_2207 = arith.constant 0 : i32
      %dma_wait3A_2208 = arith.constant 0 : i32
      %dma_wait3A_2209 = tpu.memref_slice %arg5[%dma_wait3A_2207, %dma_wait3A_2208] : memref<16x1000000xf32, #tpu.memory_space<hbm>> -> memref<8x128xf32, #tpu.memory_space<hbm>>
      %dma_wait3A_2210 = arith.constant 0 : i32
      %dma_wait3A_2211 = arith.constant 0 : i32
      %dma_wait3A_2212 = tpu.memref_slice %arg13[%dma_wait3A_2202, %dma_wait3A_2210, %dma_wait3A_2211] : memref<8x16x128xf32, #tpu.memory_space<vmem>> -> memref<1x8x128xf32, #tpu.memory_space<vmem>>
      %dma_wait3A_2213 = tpu.memref_squeeze %dma_wait3A_2212 : memref<1x8x128xf32, #tpu.memory_space<vmem>> -> memref<8x128xf32, #tpu.memory_space<vmem>>
      %dma_wait3A_2214 = arith.constant 0 : i32
      %dma_wait3A_2215 = arith.constant 0 : i32
      %dma_wait3A_2216 = tpu.memref_slice %arg5[%dma_wait3A_2214, %dma_wait3A_2215] : memref<16x1000000xf32, #tpu.memory_space<hbm>> -> memref<8x128xf32, #tpu.memory_space<hbm>>
      tpu.wait_dma2 semaphore(%arg21 : memref<!tpu.dma_semaphore, #tpu.memory_space<semaphore_mem>>) src(%dma_wait3A_2216 : memref<8x128xf32, #tpu.memory_space<hbm>>) dst(%dma_wait3A_2213 : memref<8x128xf32, #tpu.memory_space<vmem>>)
      %dma_wait3A_2217 = arith.constant 0 : i32
      %dma_wait3A_2218 = arith.constant 0 : i32
      %dma_wait3A_2219 = arith.constant 0 : i32
      %dma_wait3A_2220 = tpu.memref_slice %arg11[%dma_wait3A_2217, %dma_wait3A_2218, %dma_wait3A_2219] : memref<8x16x128xf32, #tpu.memory_space<vmem>> -> memref<1x8x128xf32, #tpu.memory_space<vmem>>
      %dma_wait3A_2221 = tpu.memref_squeeze %dma_wait3A_2220 : memref<1x8x128xf32, #tpu.memory_space<vmem>> -> memref<8x128xf32, #tpu.memory_space<vmem>>
      %dma_wait3A_2222 = arith.constant 0 : i32
      %dma_wait3A_2223 = arith.constant 0 : i32
      %dma_wait3A_2224 = tpu.memref_slice %arg4[%dma_wait3A_2222, %dma_wait3A_2223] : memref<16x1000000xf32, #tpu.memory_space<hbm>> -> memref<8x128xf32, #tpu.memory_space<hbm>>
      %dma_wait3A_2225 = arith.constant 0 : i32
      %dma_wait3A_2226 = arith.constant 0 : i32
      %dma_wait3A_2227 = tpu.memref_slice %arg11[%dma_wait3A_2217, %dma_wait3A_2225, %dma_wait3A_2226] : memref<8x16x128xf32, #tpu.memory_space<vmem>> -> memref<1x8x128xf32, #tpu.memory_space<vmem>>
      %dma_wait3A_2228 = tpu.memref_squeeze %dma_wait3A_2227 : memref<1x8x128xf32, #tpu.memory_space<vmem>> -> memref<8x128xf32, #tpu.memory_space<vmem>>
      %dma_wait3A_2229 = arith.constant 0 : i32
      %dma_wait3A_2230 = arith.constant 0 : i32
      %dma_wait3A_2231 = tpu.memref_slice %arg4[%dma_wait3A_2229, %dma_wait3A_2230] : memref<16x1000000xf32, #tpu.memory_space<hbm>> -> memref<8x128xf32, #tpu.memory_space<hbm>>
      tpu.wait_dma2 semaphore(%arg19 : memref<!tpu.dma_semaphore, #tpu.memory_space<semaphore_mem>>) src(%dma_wait3A_2231 : memref<8x128xf32, #tpu.memory_space<hbm>>) dst(%dma_wait3A_2228 : memref<8x128xf32, #tpu.memory_space<vmem>>)
      %dma_wait3A_2232 = arith.constant 0 : i32
      %dma_wait3A_2233 = arith.constant 0 : i32
      %dma_wait3A_2234 = arith.constant 0 : i32
      %dma_wait3A_2235 = tpu.memref_slice %arg13[%dma_wait3A_2232, %dma_wait3A_2233, %dma_wait3A_2234] : memref<8x16x128xf32, #tpu.memory_space<vmem>> -> memref<1x8x128xf32, #tpu.memory_space<vmem>>
      %dma_wait3A_2236 = tpu.memref_squeeze %dma_wait3A_2235 : memref<1x8x128xf32, #tpu.memory_space<vmem>> -> memref<8x128xf32, #tpu.memory_space<vmem>>
      %dma_wait3A_2237 = arith.constant 0 : i32
      %dma_wait3A_2238 = arith.constant 0 : i32
      %dma_wait3A_2239 = tpu.memref_slice %arg5[%dma_wait3A_2237, %dma_wait3A_2238] : memref<16x1000000xf32, #tpu.memory_space<hbm>> -> memref<8x128xf32, #tpu.memory_space<hbm>>
      %dma_wait3A_2240 = arith.constant 0 : i32
      %dma_wait3A_2241 = arith.constant 0 : i32
      %dma_wait3A_2242 = tpu.memref_slice %arg13[%dma_wait3A_2232, %dma_wait3A_2240, %dma_wait3A_2241] : memref<8x16x128xf32, #tpu.memory_space<vmem>> -> memref<1x8x128xf32, #tpu.memory_space<vmem>>
      %dma_wait3A_2243 = tpu.memref_squeeze %dma_wait3A_2242 : memref<1x8x128xf32, #tpu.memory_space<vmem>> -> memref<8x128xf32, #tpu.memory_space<vmem>>
      %dma_wait3A_2244 = arith.constant 0 : i32
      %dma_wait3A_2245 = arith.constant 0 : i32
      %dma_wait3A_2246 = tpu.memref_slice %arg5[%dma_wait3A_2244, %dma_wait3A_2245] : memref<16x1000000xf32, #tpu.memory_space<hbm>> -> memref<8x128xf32, #tpu.memory_space<hbm>>
      tpu.wait_dma2 semaphore(%arg21 : memref<!tpu.dma_semaphore, #tpu.memory_space<semaphore_mem>>) src(%dma_wait3A_2246 : memref<8x128xf32, #tpu.memory_space<hbm>>) dst(%dma_wait3A_2243 : memref<8x128xf32, #tpu.memory_space<vmem>>)
      %dma_wait3A_2247 = arith.constant 0 : i32
      %dma_wait3A_2248 = arith.constant 0 : i32
      %dma_wait3A_2249 = arith.constant 0 : i32
      %dma_wait3A_2250 = tpu.memref_slice %arg11[%dma_wait3A_2247, %dma_wait3A_2248, %dma_wait3A_2249] : memref<8x16x128xf32, #tpu.memory_space<vmem>> -> memref<1x8x128xf32, #tpu.memory_space<vmem>>
      %dma_wait3A_2251 = tpu.memref_squeeze %dma_wait3A_2250 : memref<1x8x128xf32, #tpu.memory_space<vmem>> -> memref<8x128xf32, #tpu.memory_space<vmem>>
      %dma_wait3A_2252 = arith.constant 0 : i32
      %dma_wait3A_2253 = arith.constant 0 : i32
      %dma_wait3A_2254 = tpu.memref_slice %arg4[%dma_wait3A_2252, %dma_wait3A_2253] : memref<16x1000000xf32, #tpu.memory_space<hbm>> -> memref<8x128xf32, #tpu.memory_space<hbm>>
      %dma_wait3A_2255 = arith.constant 0 : i32
      %dma_wait3A_2256 = arith.constant 0 : i32
      %dma_wait3A_2257 = tpu.memref_slice %arg11[%dma_wait3A_2247, %dma_wait3A_2255, %dma_wait3A_2256] : memref<8x16x128xf32, #tpu.memory_space<vmem>> -> memref<1x8x128xf32, #tpu.memory_space<vmem>>
      %dma_wait3A_2258 = tpu.memref_squeeze %dma_wait3A_2257 : memref<1x8x128xf32, #tpu.memory_space<vmem>> -> memref<8x128xf32, #tpu.memory_space<vmem>>
      %dma_wait3A_2259 = arith.constant 0 : i32
      %dma_wait3A_2260 = arith.constant 0 : i32
      %dma_wait3A_2261 = tpu.memref_slice %arg4[%dma_wait3A_2259, %dma_wait3A_2260] : memref<16x1000000xf32, #tpu.memory_space<hbm>> -> memref<8x128xf32, #tpu.memory_space<hbm>>
      tpu.wait_dma2 semaphore(%arg19 : memref<!tpu.dma_semaphore, #tpu.memory_space<semaphore_mem>>) src(%dma_wait3A_2261 : memref<8x128xf32, #tpu.memory_space<hbm>>) dst(%dma_wait3A_2258 : memref<8x128xf32, #tpu.memory_space<vmem>>)
      %dma_wait3A_2262 = arith.constant 0 : i32
      %dma_wait3A_2263 = arith.constant 0 : i32
      %dma_wait3A_2264 = arith.constant 0 : i32
      %dma_wait3A_2265 = tpu.memref_slice %arg13[%dma_wait3A_2262, %dma_wait3A_2263, %dma_wait3A_2264] : memref<8x16x128xf32, #tpu.memory_space<vmem>> -> memref<1x8x128xf32, #tpu.memory_space<vmem>>
      %dma_wait3A_2266 = tpu.memref_squeeze %dma_wait3A_2265 : memref<1x8x128xf32, #tpu.memory_space<vmem>> -> memref<8x128xf32, #tpu.memory_space<vmem>>
      %dma_wait3A_2267 = arith.constant 0 : i32
      %dma_wait3A_2268 = arith.constant 0 : i32
      %dma_wait3A_2269 = tpu.memref_slice %arg5[%dma_wait3A_2267, %dma_wait3A_2268] : memref<16x1000000xf32, #tpu.memory_space<hbm>> -> memref<8x128xf32, #tpu.memory_space<hbm>>
      %dma_wait3A_2270 = arith.constant 0 : i32
      %dma_wait3A_2271 = arith.constant 0 : i32
      %dma_wait3A_2272 = tpu.memref_slice %arg13[%dma_wait3A_2262, %dma_wait3A_2270, %dma_wait3A_2271] : memref<8x16x128xf32, #tpu.memory_space<vmem>> -> memref<1x8x128xf32, #tpu.memory_space<vmem>>
      %dma_wait3A_2273 = tpu.memref_squeeze %dma_wait3A_2272 : memref<1x8x128xf32, #tpu.memory_space<vmem>> -> memref<8x128xf32, #tpu.memory_space<vmem>>
      %dma_wait3A_2274 = arith.constant 0 : i32
      %dma_wait3A_2275 = arith.constant 0 : i32
      %dma_wait3A_2276 = tpu.memref_slice %arg5[%dma_wait3A_2274, %dma_wait3A_2275] : memref<16x1000000xf32, #tpu.memory_space<hbm>> -> memref<8x128xf32, #tpu.memory_space<hbm>>
      tpu.wait_dma2 semaphore(%arg21 : memref<!tpu.dma_semaphore, #tpu.memory_space<semaphore_mem>>) src(%dma_wait3A_2276 : memref<8x128xf32, #tpu.memory_space<hbm>>) dst(%dma_wait3A_2273 : memref<8x128xf32, #tpu.memory_space<vmem>>)
      %mul3A_2277 = arith.constant 8 : i32
      %mul3A_2278 = arith.muli %add3A_1796, %mul3A_2277 : i32
      %add3A_2279 = arith.constant 0 : i32
      %add3A_2280 = arith.addi %mul3A_2278, %add3A_2279 : i32
      %slice3A_2281 = vector.extract_strided_slice %get3A_547 {offsets = [8], sizes = [1], strides = [1]} : vector<16xi32> to vector<1xi32>
      %squeeze3A_2282 = vector.extract %slice3A_2281[0] : i32 from vector<1xi32>
      %and3A_2283 = arith.constant 127 : i32
      %and3A_2284 = arith.andi %squeeze3A_2282, %and3A_2283 : i32
      %slice3A_2285 = vector.extract_strided_slice %get3A_551 {offsets = [8], sizes = [1], strides = [1]} : vector<16xi32> to vector<1xi32>
      %squeeze3A_2286 = vector.extract %slice3A_2285[0] : i32 from vector<1xi32>
      %and3A_2287 = arith.constant 127 : i32
      %and3A_2288 = arith.andi %squeeze3A_2286, %and3A_2287 : i32
      %broadcast_in_dim3A_2289 = arith.constant 0 : i32
      %broadcast_in_dim3A_2290 = vector.broadcast %broadcast_in_dim3A_2289 : i32 to vector<16xi32>
      %broadcast_in_dim3A_2291 = arith.constant 0 : i32
      %broadcast_in_dim3A_2292 = vector.broadcast %broadcast_in_dim3A_2291 : i32 to vector<16xi32>
      %add3A_2293 = vector.broadcast %and3A_2284 : i32 to vector<16xi32>
      %add3A_2294 = arith.addi %broadcast_in_dim3A_2292, %add3A_2293 : vector<16xi32>
      %gather3A_2295 = tpu.vector_load_idx %arg11[%broadcast_in_dim3A_2290, %iota3A, %add3A_2294] : memref<8x16x128xf32, #tpu.memory_space<vmem>>[vector<16xi32>, vector<16xi32>, vector<16xi32>], vector<16xf32>,
      %broadcast_in_dim3A_2296 = arith.constant 0 : i32
      %broadcast_in_dim3A_2297 = vector.broadcast %broadcast_in_dim3A_2296 : i32 to vector<16xi32>
      %add3A_2298 = vector.broadcast %and3A_2288 : i32 to vector<16xi32>
      %add3A_2299 = arith.addi %broadcast_in_dim3A_2297, %add3A_2298 : vector<16xi32>
      %gather3A_2300 = tpu.vector_load_idx %arg13[%broadcast_in_dim3A_2290, %iota3A, %add3A_2299] : memref<8x16x128xf32, #tpu.memory_space<vmem>>[vector<16xi32>, vector<16xi32>, vector<16xi32>], vector<16xf32>,
      %mul3A_2301 = arith.constant 512 : i32
      %mul3A_2302 = vector.broadcast %mul3A_2301 : i32 to vector<16xi32>
      %mul3A_2303 = arith.muli %iota3A, %mul3A_2302 : vector<16xi32>
      %add3A_2304 = vector.broadcast %add3A_2280 : i32 to vector<16xi32>
      %add3A_2305 = arith.addi %mul3A_2303, %add3A_2304 : vector<16xi32>
      tpu.vector_store_idx %arg14[%add3A_2305], %gather3A_2295 : memref<8192xf32, #tpu.memory_space<vmem>>[vector<16xi32>], vector<16xf32>,
      tpu.vector_store_idx %arg15[%add3A_2305], %gather3A_2300 : memref<8192xf32, #tpu.memory_space<vmem>>[vector<16xi32>], vector<16xf32>,
      %mul3A_2306 = arith.constant 8 : i32
      %mul3A_2307 = arith.muli %add3A_1796, %mul3A_2306 : i32
      %add3A_2308 = arith.constant 1 : i32
      %add3A_2309 = arith.addi %mul3A_2307, %add3A_2308 : i32
      %slice3A_2310 = vector.extract_strided_slice %get3A_547 {offsets = [9], sizes = [1], strides = [1]} : vector<16xi32> to vector<1xi32>
      %squeeze3A_2311 = vector.extract %slice3A_2310[0] : i32 from vector<1xi32>
      %and3A_2312 = arith.constant 127 : i32
      %and3A_2313 = arith.andi %squeeze3A_2311, %and3A_2312 : i32
      %slice3A_2314 = vector.extract_strided_slice %get3A_551 {offsets = [9], sizes = [1], strides = [1]} : vector<16xi32> to vector<1xi32>
      %squeeze3A_2315 = vector.extract %slice3A_2314[0] : i32 from vector<1xi32>
      %and3A_2316 = arith.constant 127 : i32
      %and3A_2317 = arith.andi %squeeze3A_2315, %and3A_2316 : i32
      %broadcast_in_dim3A_2318 = arith.constant 1 : i32
      %broadcast_in_dim3A_2319 = vector.broadcast %broadcast_in_dim3A_2318 : i32 to vector<16xi32>
      %broadcast_in_dim3A_2320 = arith.constant 0 : i32
      %broadcast_in_dim3A_2321 = vector.broadcast %broadcast_in_dim3A_2320 : i32 to vector<16xi32>
      %add3A_2322 = vector.broadcast %and3A_2313 : i32 to vector<16xi32>
      %add3A_2323 = arith.addi %broadcast_in_dim3A_2321, %add3A_2322 : vector<16xi32>
      %gather3A_2324 = tpu.vector_load_idx %arg11[%broadcast_in_dim3A_2319, %iota3A, %add3A_2323] : memref<8x16x128xf32, #tpu.memory_space<vmem>>[vector<16xi32>, vector<16xi32>, vector<16xi32>], vector<16xf32>,
      %broadcast_in_dim3A_2325 = arith.constant 0 : i32
      %broadcast_in_dim3A_2326 = vector.broadcast %broadcast_in_dim3A_2325 : i32 to vector<16xi32>
      %add3A_2327 = vector.broadcast %and3A_2317 : i32 to vector<16xi32>
      %add3A_2328 = arith.addi %broadcast_in_dim3A_2326, %add3A_2327 : vector<16xi32>
      %gather3A_2329 = tpu.vector_load_idx %arg13[%broadcast_in_dim3A_2319, %iota3A, %add3A_2328] : memref<8x16x128xf32, #tpu.memory_space<vmem>>[vector<16xi32>, vector<16xi32>, vector<16xi32>], vector<16xf32>,
      %mul3A_2330 = arith.constant 512 : i32
      %mul3A_2331 = vector.broadcast %mul3A_2330 : i32 to vector<16xi32>
      %mul3A_2332 = arith.muli %iota3A, %mul3A_2331 : vector<16xi32>
      %add3A_2333 = vector.broadcast %add3A_2309 : i32 to vector<16xi32>
      %add3A_2334 = arith.addi %mul3A_2332, %add3A_2333 : vector<16xi32>
      tpu.vector_store_idx %arg14[%add3A_2334], %gather3A_2324 : memref<8192xf32, #tpu.memory_space<vmem>>[vector<16xi32>], vector<16xf32>,
      tpu.vector_store_idx %arg15[%add3A_2334], %gather3A_2329 : memref<8192xf32, #tpu.memory_space<vmem>>[vector<16xi32>], vector<16xf32>,
      %mul3A_2335 = arith.constant 8 : i32
      %mul3A_2336 = arith.muli %add3A_1796, %mul3A_2335 : i32
      %add3A_2337 = arith.constant 2 : i32
      %add3A_2338 = arith.addi %mul3A_2336, %add3A_2337 : i32
      %slice3A_2339 = vector.extract_strided_slice %get3A_547 {offsets = [10], sizes = [1], strides = [1]} : vector<16xi32> to vector<1xi32>
      %squeeze3A_2340 = vector.extract %slice3A_2339[0] : i32 from vector<1xi32>
      %and3A_2341 = arith.constant 127 : i32
      %and3A_2342 = arith.andi %squeeze3A_2340, %and3A_2341 : i32
      %slice3A_2343 = vector.extract_strided_slice %get3A_551 {offsets = [10], sizes = [1], strides = [1]} : vector<16xi32> to vector<1xi32>
      %squeeze3A_2344 = vector.extract %slice3A_2343[0] : i32 from vector<1xi32>
      %and3A_2345 = arith.constant 127 : i32
      %and3A_2346 = arith.andi %squeeze3A_2344, %and3A_2345 : i32
      %broadcast_in_dim3A_2347 = arith.constant 2 : i32
      %broadcast_in_dim3A_2348 = vector.broadcast %broadcast_in_dim3A_2347 : i32 to vector<16xi32>
      %broadcast_in_dim3A_2349 = arith.constant 0 : i32
      %broadcast_in_dim3A_2350 = vector.broadcast %broadcast_in_dim3A_2349 : i32 to vector<16xi32>
      %add3A_2351 = vector.broadcast %and3A_2342 : i32 to vector<16xi32>
      %add3A_2352 = arith.addi %broadcast_in_dim3A_2350, %add3A_2351 : vector<16xi32>
      %gather3A_2353 = tpu.vector_load_idx %arg11[%broadcast_in_dim3A_2348, %iota3A, %add3A_2352] : memref<8x16x128xf32, #tpu.memory_space<vmem>>[vector<16xi32>, vector<16xi32>, vector<16xi32>], vector<16xf32>,
      %broadcast_in_dim3A_2354 = arith.constant 0 : i32
      %broadcast_in_dim3A_2355 = vector.broadcast %broadcast_in_dim3A_2354 : i32 to vector<16xi32>
      %add3A_2356 = vector.broadcast %and3A_2346 : i32 to vector<16xi32>
      %add3A_2357 = arith.addi %broadcast_in_dim3A_2355, %add3A_2356 : vector<16xi32>
      %gather3A_2358 = tpu.vector_load_idx %arg13[%broadcast_in_dim3A_2348, %iota3A, %add3A_2357] : memref<8x16x128xf32, #tpu.memory_space<vmem>>[vector<16xi32>, vector<16xi32>, vector<16xi32>], vector<16xf32>,
      %mul3A_2359 = arith.constant 512 : i32
      %mul3A_2360 = vector.broadcast %mul3A_2359 : i32 to vector<16xi32>
      %mul3A_2361 = arith.muli %iota3A, %mul3A_2360 : vector<16xi32>
      %add3A_2362 = vector.broadcast %add3A_2338 : i32 to vector<16xi32>
      %add3A_2363 = arith.addi %mul3A_2361, %add3A_2362 : vector<16xi32>
      tpu.vector_store_idx %arg14[%add3A_2363], %gather3A_2353 : memref<8192xf32, #tpu.memory_space<vmem>>[vector<16xi32>], vector<16xf32>,
      tpu.vector_store_idx %arg15[%add3A_2363], %gather3A_2358 : memref<8192xf32, #tpu.memory_space<vmem>>[vector<16xi32>], vector<16xf32>,
      %mul3A_2364 = arith.constant 8 : i32
      %mul3A_2365 = arith.muli %add3A_1796, %mul3A_2364 : i32
      %add3A_2366 = arith.constant 3 : i32
      %add3A_2367 = arith.addi %mul3A_2365, %add3A_2366 : i32
      %slice3A_2368 = vector.extract_strided_slice %get3A_547 {offsets = [11], sizes = [1], strides = [1]} : vector<16xi32> to vector<1xi32>
      %squeeze3A_2369 = vector.extract %slice3A_2368[0] : i32 from vector<1xi32>
      %and3A_2370 = arith.constant 127 : i32
      %and3A_2371 = arith.andi %squeeze3A_2369, %and3A_2370 : i32
      %slice3A_2372 = vector.extract_strided_slice %get3A_551 {offsets = [11], sizes = [1], strides = [1]} : vector<16xi32> to vector<1xi32>
      %squeeze3A_2373 = vector.extract %slice3A_2372[0] : i32 from vector<1xi32>
      %and3A_2374 = arith.constant 127 : i32
      %and3A_2375 = arith.andi %squeeze3A_2373, %and3A_2374 : i32
      %broadcast_in_dim3A_2376 = arith.constant 3 : i32
      %broadcast_in_dim3A_2377 = vector.broadcast %broadcast_in_dim3A_2376 : i32 to vector<16xi32>
      %broadcast_in_dim3A_2378 = arith.constant 0 : i32
      %broadcast_in_dim3A_2379 = vector.broadcast %broadcast_in_dim3A_2378 : i32 to vector<16xi32>
      %add3A_2380 = vector.broadcast %and3A_2371 : i32 to vector<16xi32>
      %add3A_2381 = arith.addi %broadcast_in_dim3A_2379, %add3A_2380 : vector<16xi32>
      %gather3A_2382 = tpu.vector_load_idx %arg11[%broadcast_in_dim3A_2377, %iota3A, %add3A_2381] : memref<8x16x128xf32, #tpu.memory_space<vmem>>[vector<16xi32>, vector<16xi32>, vector<16xi32>], vector<16xf32>,
      %broadcast_in_dim3A_2383 = arith.constant 0 : i32
      %broadcast_in_dim3A_2384 = vector.broadcast %broadcast_in_dim3A_2383 : i32 to vector<16xi32>
      %add3A_2385 = vector.broadcast %and3A_2375 : i32 to vector<16xi32>
      %add3A_2386 = arith.addi %broadcast_in_dim3A_2384, %add3A_2385 : vector<16xi32>
      %gather3A_2387 = tpu.vector_load_idx %arg13[%broadcast_in_dim3A_2377, %iota3A, %add3A_2386] : memref<8x16x128xf32, #tpu.memory_space<vmem>>[vector<16xi32>, vector<16xi32>, vector<16xi32>], vector<16xf32>,
      %mul3A_2388 = arith.constant 512 : i32
      %mul3A_2389 = vector.broadcast %mul3A_2388 : i32 to vector<16xi32>
      %mul3A_2390 = arith.muli %iota3A, %mul3A_2389 : vector<16xi32>
      %add3A_2391 = vector.broadcast %add3A_2367 : i32 to vector<16xi32>
      %add3A_2392 = arith.addi %mul3A_2390, %add3A_2391 : vector<16xi32>
      tpu.vector_store_idx %arg14[%add3A_2392], %gather3A_2382 : memref<8192xf32, #tpu.memory_space<vmem>>[vector<16xi32>], vector<16xf32>,
      tpu.vector_store_idx %arg15[%add3A_2392], %gather3A_2387 : memref<8192xf32, #tpu.memory_space<vmem>>[vector<16xi32>], vector<16xf32>,
      %mul3A_2393 = arith.constant 8 : i32
      %mul3A_2394 = arith.muli %add3A_1796, %mul3A_2393 : i32
      %add3A_2395 = arith.constant 4 : i32
      %add3A_2396 = arith.addi %mul3A_2394, %add3A_2395 : i32
      %slice3A_2397 = vector.extract_strided_slice %get3A_547 {offsets = [12], sizes = [1], strides = [1]} : vector<16xi32> to vector<1xi32>
      %squeeze3A_2398 = vector.extract %slice3A_2397[0] : i32 from vector<1xi32>
      %and3A_2399 = arith.constant 127 : i32
      %and3A_2400 = arith.andi %squeeze3A_2398, %and3A_2399 : i32
      %slice3A_2401 = vector.extract_strided_slice %get3A_551 {offsets = [12], sizes = [1], strides = [1]} : vector<16xi32> to vector<1xi32>
      %squeeze3A_2402 = vector.extract %slice3A_2401[0] : i32 from vector<1xi32>
      %and3A_2403 = arith.constant 127 : i32
      %and3A_2404 = arith.andi %squeeze3A_2402, %and3A_2403 : i32
      %broadcast_in_dim3A_2405 = arith.constant 4 : i32
      %broadcast_in_dim3A_2406 = vector.broadcast %broadcast_in_dim3A_2405 : i32 to vector<16xi32>
      %broadcast_in_dim3A_2407 = arith.constant 0 : i32
      %broadcast_in_dim3A_2408 = vector.broadcast %broadcast_in_dim3A_2407 : i32 to vector<16xi32>
      %add3A_2409 = vector.broadcast %and3A_2400 : i32 to vector<16xi32>
      %add3A_2410 = arith.addi %broadcast_in_dim3A_2408, %add3A_2409 : vector<16xi32>
      %gather3A_2411 = tpu.vector_load_idx %arg11[%broadcast_in_dim3A_2406, %iota3A, %add3A_2410] : memref<8x16x128xf32, #tpu.memory_space<vmem>>[vector<16xi32>, vector<16xi32>, vector<16xi32>], vector<16xf32>,
      %broadcast_in_dim3A_2412 = arith.constant 0 : i32
      %broadcast_in_dim3A_2413 = vector.broadcast %broadcast_in_dim3A_2412 : i32 to vector<16xi32>
      %add3A_2414 = vector.broadcast %and3A_2404 : i32 to vector<16xi32>
      %add3A_2415 = arith.addi %broadcast_in_dim3A_2413, %add3A_2414 : vector<16xi32>
      %gather3A_2416 = tpu.vector_load_idx %arg13[%broadcast_in_dim3A_2406, %iota3A, %add3A_2415] : memref<8x16x128xf32, #tpu.memory_space<vmem>>[vector<16xi32>, vector<16xi32>, vector<16xi32>], vector<16xf32>,
      %mul3A_2417 = arith.constant 512 : i32
      %mul3A_2418 = vector.broadcast %mul3A_2417 : i32 to vector<16xi32>
      %mul3A_2419 = arith.muli %iota3A, %mul3A_2418 : vector<16xi32>
      %add3A_2420 = vector.broadcast %add3A_2396 : i32 to vector<16xi32>
      %add3A_2421 = arith.addi %mul3A_2419, %add3A_2420 : vector<16xi32>
      tpu.vector_store_idx %arg14[%add3A_2421], %gather3A_2411 : memref<8192xf32, #tpu.memory_space<vmem>>[vector<16xi32>], vector<16xf32>,
      tpu.vector_store_idx %arg15[%add3A_2421], %gather3A_2416 : memref<8192xf32, #tpu.memory_space<vmem>>[vector<16xi32>], vector<16xf32>,
      %mul3A_2422 = arith.constant 8 : i32
      %mul3A_2423 = arith.muli %add3A_1796, %mul3A_2422 : i32
      %add3A_2424 = arith.constant 5 : i32
      %add3A_2425 = arith.addi %mul3A_2423, %add3A_2424 : i32
      %slice3A_2426 = vector.extract_strided_slice %get3A_547 {offsets = [13], sizes = [1], strides = [1]} : vector<16xi32> to vector<1xi32>
      %squeeze3A_2427 = vector.extract %slice3A_2426[0] : i32 from vector<1xi32>
      %and3A_2428 = arith.constant 127 : i32
      %and3A_2429 = arith.andi %squeeze3A_2427, %and3A_2428 : i32
      %slice3A_2430 = vector.extract_strided_slice %get3A_551 {offsets = [13], sizes = [1], strides = [1]} : vector<16xi32> to vector<1xi32>
      %squeeze3A_2431 = vector.extract %slice3A_2430[0] : i32 from vector<1xi32>
      %and3A_2432 = arith.constant 127 : i32
      %and3A_2433 = arith.andi %squeeze3A_2431, %and3A_2432 : i32
      %broadcast_in_dim3A_2434 = arith.constant 5 : i32
      %broadcast_in_dim3A_2435 = vector.broadcast %broadcast_in_dim3A_2434 : i32 to vector<16xi32>
      %broadcast_in_dim3A_2436 = arith.constant 0 : i32
      %broadcast_in_dim3A_2437 = vector.broadcast %broadcast_in_dim3A_2436 : i32 to vector<16xi32>
      %add3A_2438 = vector.broadcast %and3A_2429 : i32 to vector<16xi32>
      %add3A_2439 = arith.addi %broadcast_in_dim3A_2437, %add3A_2438 : vector<16xi32>
      %gather3A_2440 = tpu.vector_load_idx %arg11[%broadcast_in_dim3A_2435, %iota3A, %add3A_2439] : memref<8x16x128xf32, #tpu.memory_space<vmem>>[vector<16xi32>, vector<16xi32>, vector<16xi32>], vector<16xf32>,
      %broadcast_in_dim3A_2441 = arith.constant 0 : i32
      %broadcast_in_dim3A_2442 = vector.broadcast %broadcast_in_dim3A_2441 : i32 to vector<16xi32>
      %add3A_2443 = vector.broadcast %and3A_2433 : i32 to vector<16xi32>
      %add3A_2444 = arith.addi %broadcast_in_dim3A_2442, %add3A_2443 : vector<16xi32>
      %gather3A_2445 = tpu.vector_load_idx %arg13[%broadcast_in_dim3A_2435, %iota3A, %add3A_2444] : memref<8x16x128xf32, #tpu.memory_space<vmem>>[vector<16xi32>, vector<16xi32>, vector<16xi32>], vector<16xf32>,
      %mul3A_2446 = arith.constant 512 : i32
      %mul3A_2447 = vector.broadcast %mul3A_2446 : i32 to vector<16xi32>
      %mul3A_2448 = arith.muli %iota3A, %mul3A_2447 : vector<16xi32>
      %add3A_2449 = vector.broadcast %add3A_2425 : i32 to vector<16xi32>
      %add3A_2450 = arith.addi %mul3A_2448, %add3A_2449 : vector<16xi32>
      tpu.vector_store_idx %arg14[%add3A_2450], %gather3A_2440 : memref<8192xf32, #tpu.memory_space<vmem>>[vector<16xi32>], vector<16xf32>,
      tpu.vector_store_idx %arg15[%add3A_2450], %gather3A_2445 : memref<8192xf32, #tpu.memory_space<vmem>>[vector<16xi32>], vector<16xf32>,
      %mul3A_2451 = arith.constant 8 : i32
      %mul3A_2452 = arith.muli %add3A_1796, %mul3A_2451 : i32
      %add3A_2453 = arith.constant 6 : i32
      %add3A_2454 = arith.addi %mul3A_2452, %add3A_2453 : i32
      %slice3A_2455 = vector.extract_strided_slice %get3A_547 {offsets = [14], sizes = [1], strides = [1]} : vector<16xi32> to vector<1xi32>
      %squeeze3A_2456 = vector.extract %slice3A_2455[0] : i32 from vector<1xi32>
      %and3A_2457 = arith.constant 127 : i32
      %and3A_2458 = arith.andi %squeeze3A_2456, %and3A_2457 : i32
      %slice3A_2459 = vector.extract_strided_slice %get3A_551 {offsets = [14], sizes = [1], strides = [1]} : vector<16xi32> to vector<1xi32>
      %squeeze3A_2460 = vector.extract %slice3A_2459[0] : i32 from vector<1xi32>
      %and3A_2461 = arith.constant 127 : i32
      %and3A_2462 = arith.andi %squeeze3A_2460, %and3A_2461 : i32
      %broadcast_in_dim3A_2463 = arith.constant 6 : i32
      %broadcast_in_dim3A_2464 = vector.broadcast %broadcast_in_dim3A_2463 : i32 to vector<16xi32>
      %broadcast_in_dim3A_2465 = arith.constant 0 : i32
      %broadcast_in_dim3A_2466 = vector.broadcast %broadcast_in_dim3A_2465 : i32 to vector<16xi32>
      %add3A_2467 = vector.broadcast %and3A_2458 : i32 to vector<16xi32>
      %add3A_2468 = arith.addi %broadcast_in_dim3A_2466, %add3A_2467 : vector<16xi32>
      %gather3A_2469 = tpu.vector_load_idx %arg11[%broadcast_in_dim3A_2464, %iota3A, %add3A_2468] : memref<8x16x128xf32, #tpu.memory_space<vmem>>[vector<16xi32>, vector<16xi32>, vector<16xi32>], vector<16xf32>,
      %broadcast_in_dim3A_2470 = arith.constant 0 : i32
      %broadcast_in_dim3A_2471 = vector.broadcast %broadcast_in_dim3A_2470 : i32 to vector<16xi32>
      %add3A_2472 = vector.broadcast %and3A_2462 : i32 to vector<16xi32>
      %add3A_2473 = arith.addi %broadcast_in_dim3A_2471, %add3A_2472 : vector<16xi32>
      %gather3A_2474 = tpu.vector_load_idx %arg13[%broadcast_in_dim3A_2464, %iota3A, %add3A_2473] : memref<8x16x128xf32, #tpu.memory_space<vmem>>[vector<16xi32>, vector<16xi32>, vector<16xi32>], vector<16xf32>,
      %mul3A_2475 = arith.constant 512 : i32
      %mul3A_2476 = vector.broadcast %mul3A_2475 : i32 to vector<16xi32>
      %mul3A_2477 = arith.muli %iota3A, %mul3A_2476 : vector<16xi32>
      %add3A_2478 = vector.broadcast %add3A_2454 : i32 to vector<16xi32>
      %add3A_2479 = arith.addi %mul3A_2477, %add3A_2478 : vector<16xi32>
      tpu.vector_store_idx %arg14[%add3A_2479], %gather3A_2469 : memref<8192xf32, #tpu.memory_space<vmem>>[vector<16xi32>], vector<16xf32>,
      tpu.vector_store_idx %arg15[%add3A_2479], %gather3A_2474 : memref<8192xf32, #tpu.memory_space<vmem>>[vector<16xi32>], vector<16xf32>,
      %mul3A_2480 = arith.constant 8 : i32
      %mul3A_2481 = arith.muli %add3A_1796, %mul3A_2480 : i32
      %add3A_2482 = arith.constant 7 : i32
      %add3A_2483 = arith.addi %mul3A_2481, %add3A_2482 : i32
      %slice3A_2484 = vector.extract_strided_slice %get3A_547 {offsets = [15], sizes = [1], strides = [1]} : vector<16xi32> to vector<1xi32>
      %squeeze3A_2485 = vector.extract %slice3A_2484[0] : i32 from vector<1xi32>
      %and3A_2486 = arith.constant 127 : i32
      %and3A_2487 = arith.andi %squeeze3A_2485, %and3A_2486 : i32
      %slice3A_2488 = vector.extract_strided_slice %get3A_551 {offsets = [15], sizes = [1], strides = [1]} : vector<16xi32> to vector<1xi32>
      %squeeze3A_2489 = vector.extract %slice3A_2488[0] : i32 from vector<1xi32>
      %and3A_2490 = arith.constant 127 : i32
      %and3A_2491 = arith.andi %squeeze3A_2489, %and3A_2490 : i32
      %broadcast_in_dim3A_2492 = arith.constant 7 : i32
      %broadcast_in_dim3A_2493 = vector.broadcast %broadcast_in_dim3A_2492 : i32 to vector<16xi32>
      %broadcast_in_dim3A_2494 = arith.constant 0 : i32
      %broadcast_in_dim3A_2495 = vector.broadcast %broadcast_in_dim3A_2494 : i32 to vector<16xi32>
      %add3A_2496 = vector.broadcast %and3A_2487 : i32 to vector<16xi32>
      %add3A_2497 = arith.addi %broadcast_in_dim3A_2495, %add3A_2496 : vector<16xi32>
      %gather3A_2498 = tpu.vector_load_idx %arg11[%broadcast_in_dim3A_2493, %iota3A, %add3A_2497] : memref<8x16x128xf32, #tpu.memory_space<vmem>>[vector<16xi32>, vector<16xi32>, vector<16xi32>], vector<16xf32>,
      %broadcast_in_dim3A_2499 = arith.constant 0 : i32
      %broadcast_in_dim3A_2500 = vector.broadcast %broadcast_in_dim3A_2499 : i32 to vector<16xi32>
      %add3A_2501 = vector.broadcast %and3A_2491 : i32 to vector<16xi32>
      %add3A_2502 = arith.addi %broadcast_in_dim3A_2500, %add3A_2501 : vector<16xi32>
      %gather3A_2503 = tpu.vector_load_idx %arg13[%broadcast_in_dim3A_2493, %iota3A, %add3A_2502] : memref<8x16x128xf32, #tpu.memory_space<vmem>>[vector<16xi32>, vector<16xi32>, vector<16xi32>], vector<16xf32>,
      %mul3A_2504 = arith.constant 512 : i32
      %mul3A_2505 = vector.broadcast %mul3A_2504 : i32 to vector<16xi32>
      %mul3A_2506 = arith.muli %iota3A, %mul3A_2505 : vector<16xi32>
      %add3A_2507 = vector.broadcast %add3A_2483 : i32 to vector<16xi32>
      %add3A_2508 = arith.addi %mul3A_2506, %add3A_2507 : vector<16xi32>
      tpu.vector_store_idx %arg14[%add3A_2508], %gather3A_2498 : memref<8192xf32, #tpu.memory_space<vmem>>[vector<16xi32>], vector<16xf32>,
      tpu.vector_store_idx %arg15[%add3A_2508], %gather3A_2503 : memref<8192xf32, #tpu.memory_space<vmem>>[vector<16xi32>], vector<16xf32>,
    }
    %scan3A_533 = arith.constant 32 : i32
    %scan3A_534 = arith.constant 0 : i32
    %scan3A_535 = arith.constant 32 : i32
    %scan3A_536 = arith.addi %scan3A_534, %scan3A_535 : i32
    %scan3A_537 = arith.constant 1 : i32
    scf.for %scan3A_539 = %scan3A_534 to %scan3A_536 step %scan3A_537  : i32 {
      %mul3A_540 = arith.constant 16 : i32
      %mul3A_541 = arith.muli %scan3A_539, %mul3A_540 : i32
      %add3A_542 = arith.constant 0 : i32
      %add3A_543 = arith.addi %add3A_542, %mul3A_541 : i32
      %broadcast_in_dim3A_544 = arith.constant 0.000000e+00 : f32
      %broadcast_in_dim3A_545 = vector.broadcast %broadcast_in_dim3A_544 : f32 to vector<16xf32>
      %broadcast_in_dim3A_546 = arith.constant 0.000000e+00 : f32
      %broadcast_in_dim3A_547 = vector.broadcast %broadcast_in_dim3A_546 : f32 to vector<16xf32>
      %add3A_548 = arith.constant 0 : i32
      %add3A_549 = arith.addi %add3A_548, %add3A_543 : i32
      %get3A_550 = arith.index_cast %add3A_549 : i32 to index
      %get3A_551 = tpu.vector_load %arg14[%get3A_550] {strides = array<i32>} : memref<8192xf32, #tpu.memory_space<vmem>>, vector<16xf32>,
      %get3A_552 = arith.index_cast %add3A_549 : i32 to index
      %get3A_553 = tpu.vector_load %arg15[%get3A_552] {strides = array<i32>} : memref<8192xf32, #tpu.memory_space<vmem>>, vector<16xf32>,
      %mul3A_554 = arith.mulf %get3A_551, %get3A_553 : vector<16xf32>
      %add3A_555 = arith.addf %broadcast_in_dim3A_545, %mul3A_554 : vector<16xf32>
      %mul3A_556 = arith.mulf %get3A_551, %get3A_551 : vector<16xf32>
      %mul3A_557 = arith.mulf %get3A_553, %get3A_553 : vector<16xf32>
      %add3A_558 = arith.addf %mul3A_556, %mul3A_557 : vector<16xf32>
      %add3A_559 = arith.addf %broadcast_in_dim3A_547, %add3A_558 : vector<16xf32>
      %add3A_560 = arith.constant 512 : i32
      %add3A_561 = arith.addi %add3A_560, %add3A_543 : i32
      %get3A_562 = arith.index_cast %add3A_561 : i32 to index
      %get3A_563 = tpu.vector_load %arg14[%get3A_562] {strides = array<i32>} : memref<8192xf32, #tpu.memory_space<vmem>>, vector<16xf32>,
      %get3A_564 = arith.index_cast %add3A_561 : i32 to index
      %get3A_565 = tpu.vector_load %arg15[%get3A_564] {strides = array<i32>} : memref<8192xf32, #tpu.memory_space<vmem>>, vector<16xf32>,
      %mul3A_566 = arith.mulf %get3A_563, %get3A_565 : vector<16xf32>
      %add3A_567 = arith.addf %add3A_555, %mul3A_566 : vector<16xf32>
      %mul3A_568 = arith.mulf %get3A_563, %get3A_563 : vector<16xf32>
      %mul3A_569 = arith.mulf %get3A_565, %get3A_565 : vector<16xf32>
      %add3A_570 = arith.addf %mul3A_568, %mul3A_569 : vector<16xf32>
      %add3A_571 = arith.addf %add3A_559, %add3A_570 : vector<16xf32>
      %add3A_572 = arith.constant 1024 : i32
      %add3A_573 = arith.addi %add3A_572, %add3A_543 : i32
      %get3A_574 = arith.index_cast %add3A_573 : i32 to index
      %get3A_575 = tpu.vector_load %arg14[%get3A_574] {strides = array<i32>} : memref<8192xf32, #tpu.memory_space<vmem>>, vector<16xf32>,
      %get3A_576 = arith.index_cast %add3A_573 : i32 to index
      %get3A_577 = tpu.vector_load %arg15[%get3A_576] {strides = array<i32>} : memref<8192xf32, #tpu.memory_space<vmem>>, vector<16xf32>,
      %mul3A_578 = arith.mulf %get3A_575, %get3A_577 : vector<16xf32>
      %add3A_579 = arith.addf %add3A_567, %mul3A_578 : vector<16xf32>
      %mul3A_580 = arith.mulf %get3A_575, %get3A_575 : vector<16xf32>
      %mul3A_581 = arith.mulf %get3A_577, %get3A_577 : vector<16xf32>
      %add3A_582 = arith.addf %mul3A_580, %mul3A_581 : vector<16xf32>
      %add3A_583 = arith.addf %add3A_571, %add3A_582 : vector<16xf32>
      %add3A_584 = arith.constant 1536 : i32
      %add3A_585 = arith.addi %add3A_584, %add3A_543 : i32
      %get3A_586 = arith.index_cast %add3A_585 : i32 to index
      %get3A_587 = tpu.vector_load %arg14[%get3A_586] {strides = array<i32>} : memref<8192xf32, #tpu.memory_space<vmem>>, vector<16xf32>,
      %get3A_588 = arith.index_cast %add3A_585 : i32 to index
      %get3A_589 = tpu.vector_load %arg15[%get3A_588] {strides = array<i32>} : memref<8192xf32, #tpu.memory_space<vmem>>, vector<16xf32>,
      %mul3A_590 = arith.mulf %get3A_587, %get3A_589 : vector<16xf32>
      %add3A_591 = arith.addf %add3A_579, %mul3A_590 : vector<16xf32>
      %mul3A_592 = arith.mulf %get3A_587, %get3A_587 : vector<16xf32>
      %mul3A_593 = arith.mulf %get3A_589, %get3A_589 : vector<16xf32>
      %add3A_594 = arith.addf %mul3A_592, %mul3A_593 : vector<16xf32>
      %add3A_595 = arith.addf %add3A_583, %add3A_594 : vector<16xf32>
      %add3A_596 = arith.constant 2048 : i32
      %add3A_597 = arith.addi %add3A_596, %add3A_543 : i32
      %get3A_598 = arith.index_cast %add3A_597 : i32 to index
      %get3A_599 = tpu.vector_load %arg14[%get3A_598] {strides = array<i32>} : memref<8192xf32, #tpu.memory_space<vmem>>, vector<16xf32>,
      %get3A_600 = arith.index_cast %add3A_597 : i32 to index
      %get3A_601 = tpu.vector_load %arg15[%get3A_600] {strides = array<i32>} : memref<8192xf32, #tpu.memory_space<vmem>>, vector<16xf32>,
      %mul3A_602 = arith.mulf %get3A_599, %get3A_601 : vector<16xf32>
      %add3A_603 = arith.addf %add3A_591, %mul3A_602 : vector<16xf32>
      %mul3A_604 = arith.mulf %get3A_599, %get3A_599 : vector<16xf32>
      %mul3A_605 = arith.mulf %get3A_601, %get3A_601 : vector<16xf32>
      %add3A_606 = arith.addf %mul3A_604, %mul3A_605 : vector<16xf32>
      %add3A_607 = arith.addf %add3A_595, %add3A_606 : vector<16xf32>
      %add3A_608 = arith.constant 2560 : i32
      %add3A_609 = arith.addi %add3A_608, %add3A_543 : i32
      %get3A_610 = arith.index_cast %add3A_609 : i32 to index
      %get3A_611 = tpu.vector_load %arg14[%get3A_610] {strides = array<i32>} : memref<8192xf32, #tpu.memory_space<vmem>>, vector<16xf32>,
      %get3A_612 = arith.index_cast %add3A_609 : i32 to index
      %get3A_613 = tpu.vector_load %arg15[%get3A_612] {strides = array<i32>} : memref<8192xf32, #tpu.memory_space<vmem>>, vector<16xf32>,
      %mul3A_614 = arith.mulf %get3A_611, %get3A_613 : vector<16xf32>
      %add3A_615 = arith.addf %add3A_603, %mul3A_614 : vector<16xf32>
      %mul3A_616 = arith.mulf %get3A_611, %get3A_611 : vector<16xf32>
      %mul3A_617 = arith.mulf %get3A_613, %get3A_613 : vector<16xf32>
      %add3A_618 = arith.addf %mul3A_616, %mul3A_617 : vector<16xf32>
      %add3A_619 = arith.addf %add3A_607, %add3A_618 : vector<16xf32>
      %add3A_620 = arith.constant 3072 : i32
      %add3A_621 = arith.addi %add3A_620, %add3A_543 : i32
      %get3A_622 = arith.index_cast %add3A_621 : i32 to index
      %get3A_623 = tpu.vector_load %arg14[%get3A_622] {strides = array<i32>} : memref<8192xf32, #tpu.memory_space<vmem>>, vector<16xf32>,
      %get3A_624 = arith.index_cast %add3A_621 : i32 to index
      %get3A_625 = tpu.vector_load %arg15[%get3A_624] {strides = array<i32>} : memref<8192xf32, #tpu.memory_space<vmem>>, vector<16xf32>,
      %mul3A_626 = arith.mulf %get3A_623, %get3A_625 : vector<16xf32>
      %add3A_627 = arith.addf %add3A_615, %mul3A_626 : vector<16xf32>
      %mul3A_628 = arith.mulf %get3A_623, %get3A_623 : vector<16xf32>
      %mul3A_629 = arith.mulf %get3A_625, %get3A_625 : vector<16xf32>
      %add3A_630 = arith.addf %mul3A_628, %mul3A_629 : vector<16xf32>
      %add3A_631 = arith.addf %add3A_619, %add3A_630 : vector<16xf32>
      %add3A_632 = arith.constant 3584 : i32
      %add3A_633 = arith.addi %add3A_632, %add3A_543 : i32
      %get3A_634 = arith.index_cast %add3A_633 : i32 to index
      %get3A_635 = tpu.vector_load %arg14[%get3A_634] {strides = array<i32>} : memref<8192xf32, #tpu.memory_space<vmem>>, vector<16xf32>,
      %get3A_636 = arith.index_cast %add3A_633 : i32 to index
      %get3A_637 = tpu.vector_load %arg15[%get3A_636] {strides = array<i32>} : memref<8192xf32, #tpu.memory_space<vmem>>, vector<16xf32>,
      %mul3A_638 = arith.mulf %get3A_635, %get3A_637 : vector<16xf32>
      %add3A_639 = arith.addf %add3A_627, %mul3A_638 : vector<16xf32>
      %mul3A_640 = arith.mulf %get3A_635, %get3A_635 : vector<16xf32>
      %mul3A_641 = arith.mulf %get3A_637, %get3A_637 : vector<16xf32>
      %add3A_642 = arith.addf %mul3A_640, %mul3A_641 : vector<16xf32>
      %add3A_643 = arith.addf %add3A_631, %add3A_642 : vector<16xf32>
      %add3A_644 = arith.constant 4096 : i32
      %add3A_645 = arith.addi %add3A_644, %add3A_543 : i32
      %get3A_646 = arith.index_cast %add3A_645 : i32 to index
      %get3A_647 = tpu.vector_load %arg14[%get3A_646] {strides = array<i32>} : memref<8192xf32, #tpu.memory_space<vmem>>, vector<16xf32>,
      %get3A_648 = arith.index_cast %add3A_645 : i32 to index
      %get3A_649 = tpu.vector_load %arg15[%get3A_648] {strides = array<i32>} : memref<8192xf32, #tpu.memory_space<vmem>>, vector<16xf32>,
      %mul3A_650 = arith.mulf %get3A_647, %get3A_649 : vector<16xf32>
      %add3A_651 = arith.addf %add3A_639, %mul3A_650 : vector<16xf32>
      %mul3A_652 = arith.mulf %get3A_647, %get3A_647 : vector<16xf32>
      %mul3A_653 = arith.mulf %get3A_649, %get3A_649 : vector<16xf32>
      %add3A_654 = arith.addf %mul3A_652, %mul3A_653 : vector<16xf32>
      %add3A_655 = arith.addf %add3A_643, %add3A_654 : vector<16xf32>
      %add3A_656 = arith.constant 4608 : i32
      %add3A_657 = arith.addi %add3A_656, %add3A_543 : i32
      %get3A_658 = arith.index_cast %add3A_657 : i32 to index
      %get3A_659 = tpu.vector_load %arg14[%get3A_658] {strides = array<i32>} : memref<8192xf32, #tpu.memory_space<vmem>>, vector<16xf32>,
      %get3A_660 = arith.index_cast %add3A_657 : i32 to index
      %get3A_661 = tpu.vector_load %arg15[%get3A_660] {strides = array<i32>} : memref<8192xf32, #tpu.memory_space<vmem>>, vector<16xf32>,
      %mul3A_662 = arith.mulf %get3A_659, %get3A_661 : vector<16xf32>
      %add3A_663 = arith.addf %add3A_651, %mul3A_662 : vector<16xf32>
      %mul3A_664 = arith.mulf %get3A_659, %get3A_659 : vector<16xf32>
      %mul3A_665 = arith.mulf %get3A_661, %get3A_661 : vector<16xf32>
      %add3A_666 = arith.addf %mul3A_664, %mul3A_665 : vector<16xf32>
      %add3A_667 = arith.addf %add3A_655, %add3A_666 : vector<16xf32>
      %add3A_668 = arith.constant 5120 : i32
      %add3A_669 = arith.addi %add3A_668, %add3A_543 : i32
      %get3A_670 = arith.index_cast %add3A_669 : i32 to index
      %get3A_671 = tpu.vector_load %arg14[%get3A_670] {strides = array<i32>} : memref<8192xf32, #tpu.memory_space<vmem>>, vector<16xf32>,
      %get3A_672 = arith.index_cast %add3A_669 : i32 to index
      %get3A_673 = tpu.vector_load %arg15[%get3A_672] {strides = array<i32>} : memref<8192xf32, #tpu.memory_space<vmem>>, vector<16xf32>,
      %mul3A_674 = arith.mulf %get3A_671, %get3A_673 : vector<16xf32>
      %add3A_675 = arith.addf %add3A_663, %mul3A_674 : vector<16xf32>
      %mul3A_676 = arith.mulf %get3A_671, %get3A_671 : vector<16xf32>
      %mul3A_677 = arith.mulf %get3A_673, %get3A_673 : vector<16xf32>
      %add3A_678 = arith.addf %mul3A_676, %mul3A_677 : vector<16xf32>
      %add3A_679 = arith.addf %add3A_667, %add3A_678 : vector<16xf32>
      %add3A_680 = arith.constant 5632 : i32
      %add3A_681 = arith.addi %add3A_680, %add3A_543 : i32
      %get3A_682 = arith.index_cast %add3A_681 : i32 to index
      %get3A_683 = tpu.vector_load %arg14[%get3A_682] {strides = array<i32>} : memref<8192xf32, #tpu.memory_space<vmem>>, vector<16xf32>,
      %get3A_684 = arith.index_cast %add3A_681 : i32 to index
      %get3A_685 = tpu.vector_load %arg15[%get3A_684] {strides = array<i32>} : memref<8192xf32, #tpu.memory_space<vmem>>, vector<16xf32>,
      %mul3A_686 = arith.mulf %get3A_683, %get3A_685 : vector<16xf32>
      %add3A_687 = arith.addf %add3A_675, %mul3A_686 : vector<16xf32>
      %mul3A_688 = arith.mulf %get3A_683, %get3A_683 : vector<16xf32>
      %mul3A_689 = arith.mulf %get3A_685, %get3A_685 : vector<16xf32>
      %add3A_690 = arith.addf %mul3A_688, %mul3A_689 : vector<16xf32>
      %add3A_691 = arith.addf %add3A_679, %add3A_690 : vector<16xf32>
      %add3A_692 = arith.constant 6144 : i32
      %add3A_693 = arith.addi %add3A_692, %add3A_543 : i32
      %get3A_694 = arith.index_cast %add3A_693 : i32 to index
      %get3A_695 = tpu.vector_load %arg14[%get3A_694] {strides = array<i32>} : memref<8192xf32, #tpu.memory_space<vmem>>, vector<16xf32>,
      %get3A_696 = arith.index_cast %add3A_693 : i32 to index
      %get3A_697 = tpu.vector_load %arg15[%get3A_696] {strides = array<i32>} : memref<8192xf32, #tpu.memory_space<vmem>>, vector<16xf32>,
      %mul3A_698 = arith.mulf %get3A_695, %get3A_697 : vector<16xf32>
      %add3A_699 = arith.addf %add3A_687, %mul3A_698 : vector<16xf32>
      %mul3A_700 = arith.mulf %get3A_695, %get3A_695 : vector<16xf32>
      %mul3A_701 = arith.mulf %get3A_697, %get3A_697 : vector<16xf32>
      %add3A_702 = arith.addf %mul3A_700, %mul3A_701 : vector<16xf32>
      %add3A_703 = arith.addf %add3A_691, %add3A_702 : vector<16xf32>
      %add3A_704 = arith.constant 6656 : i32
      %add3A_705 = arith.addi %add3A_704, %add3A_543 : i32
      %get3A_706 = arith.index_cast %add3A_705 : i32 to index
      %get3A_707 = tpu.vector_load %arg14[%get3A_706] {strides = array<i32>} : memref<8192xf32, #tpu.memory_space<vmem>>, vector<16xf32>,
      %get3A_708 = arith.index_cast %add3A_705 : i32 to index
      %get3A_709 = tpu.vector_load %arg15[%get3A_708] {strides = array<i32>} : memref<8192xf32, #tpu.memory_space<vmem>>, vector<16xf32>,
      %mul3A_710 = arith.mulf %get3A_707, %get3A_709 : vector<16xf32>
      %add3A_711 = arith.addf %add3A_699, %mul3A_710 : vector<16xf32>
      %mul3A_712 = arith.mulf %get3A_707, %get3A_707 : vector<16xf32>
      %mul3A_713 = arith.mulf %get3A_709, %get3A_709 : vector<16xf32>
      %add3A_714 = arith.addf %mul3A_712, %mul3A_713 : vector<16xf32>
      %add3A_715 = arith.addf %add3A_703, %add3A_714 : vector<16xf32>
      %add3A_716 = arith.constant 7168 : i32
      %add3A_717 = arith.addi %add3A_716, %add3A_543 : i32
      %get3A_718 = arith.index_cast %add3A_717 : i32 to index
      %get3A_719 = tpu.vector_load %arg14[%get3A_718] {strides = array<i32>} : memref<8192xf32, #tpu.memory_space<vmem>>, vector<16xf32>,
      %get3A_720 = arith.index_cast %add3A_717 : i32 to index
      %get3A_721 = tpu.vector_load %arg15[%get3A_720] {strides = array<i32>} : memref<8192xf32, #tpu.memory_space<vmem>>, vector<16xf32>,
      %mul3A_722 = arith.mulf %get3A_719, %get3A_721 : vector<16xf32>
      %add3A_723 = arith.addf %add3A_711, %mul3A_722 : vector<16xf32>
      %mul3A_724 = arith.mulf %get3A_719, %get3A_719 : vector<16xf32>
      %mul3A_725 = arith.mulf %get3A_721, %get3A_721 : vector<16xf32>
      %add3A_726 = arith.addf %mul3A_724, %mul3A_725 : vector<16xf32>
      %add3A_727 = arith.addf %add3A_715, %add3A_726 : vector<16xf32>
      %add3A_728 = arith.constant 7680 : i32
      %add3A_729 = arith.addi %add3A_728, %add3A_543 : i32
      %get3A_730 = arith.index_cast %add3A_729 : i32 to index
      %get3A_731 = tpu.vector_load %arg14[%get3A_730] {strides = array<i32>} : memref<8192xf32, #tpu.memory_space<vmem>>, vector<16xf32>,
      %get3A_732 = arith.index_cast %add3A_729 : i32 to index
      %get3A_733 = tpu.vector_load %arg15[%get3A_732] {strides = array<i32>} : memref<8192xf32, #tpu.memory_space<vmem>>, vector<16xf32>,
      %mul3A_734 = arith.mulf %get3A_731, %get3A_733 : vector<16xf32>
      %add3A_735 = arith.addf %add3A_723, %mul3A_734 : vector<16xf32>
      %mul3A_736 = arith.mulf %get3A_731, %get3A_731 : vector<16xf32>
      %mul3A_737 = arith.mulf %get3A_733, %get3A_733 : vector<16xf32>
      %add3A_738 = arith.addf %mul3A_736, %mul3A_737 : vector<16xf32>
      %add3A_739 = arith.addf %add3A_727, %add3A_738 : vector<16xf32>
      %swap3A_740 = arith.index_cast %add3A_543 : i32 to index
      %swap3A_741 = tpu.vector_load %arg16[%swap3A_740] {strides = array<i32>} : memref<512xf32, #tpu.memory_space<vmem>>, vector<16xf32>,
      tpu.vector_store %arg16[%swap3A_740], %add3A_735 {strides = array<i32>} : memref<512xf32, #tpu.memory_space<vmem>>, vector<16xf32>,
      %get3A_742 = arith.constant 0 : index
      %get3A_743 = tpu.vector_load %arg17[%get3A_742] {strides = array<i32>} : memref<16xf32, #tpu.memory_space<vmem>>, vector<16xf32>,
      %add3A_744 = arith.addf %get3A_743, %add3A_739 : vector<16xf32>
      %swap3A_745 = arith.constant 0 : index
      %swap3A_746 = tpu.vector_load %arg17[%swap3A_745] {strides = array<i32>} : memref<16xf32, #tpu.memory_space<vmem>>, vector<16xf32>,
      tpu.vector_store %arg17[%swap3A_745], %add3A_744 {strides = array<i32>} : memref<16xf32, #tpu.memory_space<vmem>>, vector<16xf32>,
    }
    %scan3A_538 = arith.constant 32 : i32
    "tpu.region"() ({
      %run_scoped3A = tpu.sem_alloc : memref<!tpu.dma_semaphore, #tpu.memory_space<semaphore_mem>>
      %dma_start3A_539 = tpu.memref_slice %arg6[%mul3A_2] : memref<16384xf32, #tpu.memory_space<hbm>> -> memref<512xf32, #tpu.memory_space<hbm>>
      %dma_start3A_540 = tpu.memref_slice %arg6[%mul3A_2] : memref<16384xf32, #tpu.memory_space<hbm>> -> memref<512xf32, #tpu.memory_space<hbm>>
      tpu.enqueue_dma source(%arg16 : memref<512xf32, #tpu.memory_space<vmem>>) target(%dma_start3A_540 : memref<512xf32, #tpu.memory_space<hbm>>) target_semaphore(%run_scoped3A : memref<!tpu.dma_semaphore, #tpu.memory_space<semaphore_mem>>)
      %dma_wait3A = tpu.memref_slice %arg6[%mul3A_2] : memref<16384xf32, #tpu.memory_space<hbm>> -> memref<512xf32, #tpu.memory_space<hbm>>
      %dma_wait3A_541 = tpu.memref_slice %arg6[%mul3A_2] : memref<16384xf32, #tpu.memory_space<hbm>> -> memref<512xf32, #tpu.memory_space<hbm>>
      tpu.wait_dma2 semaphore(%run_scoped3A : memref<!tpu.dma_semaphore, #tpu.memory_space<semaphore_mem>>) src(%arg16 : memref<512xf32, #tpu.memory_space<vmem>>) dst(%dma_wait3A_541 : memref<512xf32, #tpu.memory_space<hbm>>)
      tpu.yield
    }) : () -> ()
    "tpu.region"() ({
      %run_scoped3A = tpu.sem_alloc : memref<!tpu.dma_semaphore, #tpu.memory_space<semaphore_mem>>
      %dma_start3A_539 = arith.constant 0 : i32
      %dma_start3A_540 = tpu.memref_slice %arg7[%add3A, %dma_start3A_539] : memref<32x16xf32, #tpu.memory_space<hbm>> -> memref<1x16xf32, #tpu.memory_space<hbm>>
      %dma_start3A_541 = tpu.memref_squeeze %dma_start3A_540 : memref<1x16xf32, #tpu.memory_space<hbm>> -> memref<16xf32, #tpu.memory_space<hbm>>
      %dma_start3A_542 = arith.constant 0 : i32
      %dma_start3A_543 = tpu.memref_slice %arg7[%add3A, %dma_start3A_542] : memref<32x16xf32, #tpu.memory_space<hbm>> -> memref<1x16xf32, #tpu.memory_space<hbm>>
      %dma_start3A_544 = tpu.memref_squeeze %dma_start3A_543 : memref<1x16xf32, #tpu.memory_space<hbm>> -> memref<16xf32, #tpu.memory_space<hbm>>
      tpu.enqueue_dma source(%arg17 : memref<16xf32, #tpu.memory_space<vmem>>) target(%dma_start3A_544 : memref<16xf32, #tpu.memory_space<hbm>>) target_semaphore(%run_scoped3A : memref<!tpu.dma_semaphore, #tpu.memory_space<semaphore_mem>>)
      %dma_wait3A = arith.constant 0 : i32
      %dma_wait3A_545 = tpu.memref_slice %arg7[%add3A, %dma_wait3A] : memref<32x16xf32, #tpu.memory_space<hbm>> -> memref<1x16xf32, #tpu.memory_space<hbm>>
      %dma_wait3A_546 = tpu.memref_squeeze %dma_wait3A_545 : memref<1x16xf32, #tpu.memory_space<hbm>> -> memref<16xf32, #tpu.memory_space<hbm>>
      %dma_wait3A_547 = arith.constant 0 : i32
      %dma_wait3A_548 = tpu.memref_slice %arg7[%add3A, %dma_wait3A_547] : memref<32x16xf32, #tpu.memory_space<hbm>> -> memref<1x16xf32, #tpu.memory_space<hbm>>
      %dma_wait3A_549 = tpu.memref_squeeze %dma_wait3A_548 : memref<1x16xf32, #tpu.memory_space<hbm>> -> memref<16xf32, #tpu.memory_space<hbm>>
      tpu.wait_dma2 semaphore(%run_scoped3A : memref<!tpu.dma_semaphore, #tpu.memory_space<semaphore_mem>>) src(%arg17 : memref<16xf32, #tpu.memory_space<vmem>>) dst(%dma_wait3A_549 : memref<16xf32, #tpu.memory_space<hbm>>)
      tpu.yield
    }) : () -> ()
    return
  }
}

module attributes {stable_mosaic.version = 14 : i64} {
  func.func @_reg_body(%arg0: memref<32x16xf32, #tpu.memory_space<vmem>>, %arg1: memref<1x1xf32, #tpu.memory_space<smem>>) attributes {dimension_semantics = [], scalar_prefetch = 0 : i64, scratch_operands = 0 : i64, tpu.core_type = #tpu.core_type<tc>} {
    %get3A = arith.constant 0 : index
    %get3A_0 = arith.constant 0 : index
    %get3A_1 = vector.load %arg0[%get3A, %get3A_0] : memref<32x16xf32, #tpu.memory_space<vmem>>, vector<32x16xf32>
    %reduce_sum3A = vector.shape_cast %get3A_1 : vector<32x16xf32> to vector<1x32x16xf32>
    %reduce_sum3A_2 = arith.constant dense<0.000000e+00> : vector<1xf32>
    %reduce_sum3A_3 = vector.multi_reduction <add>, %reduce_sum3A, %reduce_sum3A_2 [1, 2] : vector<1x32x16xf32> to vector<1xf32>
    %reduce_sum3A_4 = vector.shape_cast %reduce_sum3A_3 : vector<1xf32> to vector<1x1x1xf32>
    %reduce_sum3A_5 = vector.extract %reduce_sum3A_4[0, 0, 0] : f32 from vector<1x1x1xf32>
    %mul3A = arith.constant 1.000000e-03 : f32
    %mul3A_6 = arith.mulf %mul3A, %reduce_sum3A_5 : f32
    %swap3A = arith.constant 0 : index
    %swap3A_7 = arith.constant 0 : index
    %swap3A_8 = memref.load %arg1[%swap3A, %swap3A_7] : memref<1x1xf32, #tpu.memory_space<smem>>
    memref.store %mul3A_6, %arg1[%swap3A, %swap3A_7] : memref<1x1xf32, #tpu.memory_space<smem>>
    return
  }
}

</mosaic_0001>

<sc_bundles>
// kernel: kernel.4.cloned.1.call-start
scs
__scs_entry_jumppad:
0x0: {  	(pc) =	sbr.rel $0x88, $3  }
0x1: {  	(tag) =	ssettag $0x0;
	lr =	simm.s32 $0x1  }
0x2: {  	[smem:$0x3F9D] =	sst lr;
	_ =	strace $0xD0000000  }
0x3: {  	_ = 	snop  }
0x4: {  	_ = 	snop  }
0x5: {  	_ = 	snop  }
0x6: {  	_ = 	snop  }
0x7: {  	_ = 	snop  }
__scs_overlays_trampoline_lowered:
0x8: {  	[smem:$0x3FAC] =	sst s0  }
0x9: {  	[smem:$0x3FAD] =	sst s1  }
0xa: {  	[smem:$0x3FAE] =	sst s2  }
0xb: {  	[smem:$0x3FAF] =	sst s3  }
0xc: {  	[smem:$0x3FB0] =	sst s4  }
0xd: {  	[smem:$0x3FB1] =	sst s5  }
0xe: {  	[smem:$0x3FB2] =	sst s6  }
0xf: {  	[smem:$0x3FB3] =	sst s7  }
0x10: {  	[smem:$0x3FB4] =	sst s8  }
0x11: {  	[smem:$0x3FB5] =	sst s9;
	s0 =	simm.s32 @!p0 $0x0  }
0x12: {  	s1 =	sld [smem:$0x3F9B];
	s0 =	simm.s32 @p0 $0x1  }
0x13: {  	[smem:$0x3FB6] =	sst s0;
	s0 =	simm.s32 @!p1 $0x0  }
0x14: {  	s2 =	sld [smem:$0x3F9A];
	s0 =	simm.s32 @p1 $0x1  }
0x15: {  	[smem:$0x3FB7] =	sst s0;
	s0 =	simm.s32 @!p2 $0x0  }
0x16: {  	s3 =	sld [smem:$0x3FDB];
	s0 =	simm.s32 @p2 $0x1  }
0x17: {  	s4 =	simm.s32 $0x1BF5;
	[smem:$0x3FB9] =	sst s0  }
0x18: {  	s0 =	sld [smem:$0x3F9C];
	_ =	swait.ge [sflag:s4], $0x0  }
0x19: {  	s7 =	sld [smem:$0x3F9D]  }
0x1a: {  	s8 =	sadd.s32 $0xFFFFE003, lr  }
0x1b: {  	s9 =	sadd.s32 $0xFFFFFEF7, lr;
	s5 =	simm.s32 $0xFFFFFFFF;
	p2 =	slt.u32 s8, $0xFFFFF086  }
0x1c: {  	p1 =	slt.u32 s9, $0xF7A;
	s5 =	simm.s32 @!p2 $0x0  }
0x1d: {  	s5 =	simm.s32 @p1 $0x1;
	p0 =	seq.s32 s7, s2  }
0x1e: {  	s7 =	smul.u32 @!p0 $0xF7A, s2;
	p2 =	seq.s32 @!p0 s5, $0x0  }
0x1f: {  	s9 =	smul.u32 $0xF7A, s1;
	s8 =	simm.s32 @!p0 $0x1BF5;
	p2 =	por !p2, p0  }
0x20: {  	[sflag:s8] =	ssyncset.s32 @!p0 $0xFFFFF086;
	s6 =	sadd.s32 @!p0 s3, s7;
	s7 =	simm.s32 @!p0 $0x108  }
0x21: {  	s3 =	sadd.s32 s3, s9;
	s6 =	sadd.s32 @!p0 $0x88, s6;
	s7 =	simm.s32 @p2 $0x1082  }
0x22: {  	[simem:s7], [sflag:s8] =	dma.local @!p0 [hbm:s6], $0xF7A  }
0x23: {  	s9 =	sor.u32 $0xD0000000, s2;
	s6 =	simm.s32 $0x108;
	_ =	swait.ge @!p0 [sflag:s8], $0x0  }
0x24: {  	s3 =	sadd.s32 $0x88, s3;
	s6 =	simm.s32 @!p1 $0x1082;
	[sflag:s4] =	ssyncset.s32 $0xFFFFF086  }
0x25: {  	[simem:s6], [sflag:s4] =	dma.local [hbm:s3], $0xF7A  }
0x26: {  	[smem:$0x3F9D] =	sst s1;
	(tag) =	ssettag s2;
	_ =	strace s9  }
0x27: {  	s1 =	sld [smem:$0x3FAD]  }
0x28: {  	s2 =	sld [smem:$0x3FAE]  }
0x29: {  	s4 =	sld [smem:$0x3FB0]  }
0x2a: {  	p0 =	seq.s32 s5, $0x0;
	s5 =	sld [smem:$0x3FB1]  }
0x2b: {  	s6 =	sld [smem:$0x3FB2]  }
0x2c: {  	s7 =	sld [smem:$0x3FB3]  }
0x2d: {  	s3 =	simm.s32 $0x108;
	s8 =	sld [smem:$0x3FB4]  }
0x2e: {  	s3 =	simm.s32 @!p0 $0x1082;
	s9 =	sld [smem:$0x3FB5]  }
0x2f: {  	lr =	sadd.s32 s0, s3;
	s0 =	sld [smem:$0x3FAC]  }
0x30: {  	s3 =	sld [smem:$0x3FAF]  }
0x31: {  	[smem:$0x3FB8] =	sst s10  }
0x32: {  	s10 =	sld [smem:$0x3FB6];
	_ =	sdelay $0x3  }
0x33: {  	p0 =	seq.s32 s10, $0x1;
	s10 =	sld [smem:$0x3FB8];
	_ =	sdelay $0x3  }
0x34: {  	[smem:$0x3FB8] =	sst s10  }
0x35: {  	s10 =	sld [smem:$0x3FB7];
	_ =	sdelay $0x3  }
0x36: {  	p1 =	seq.s32 s10, $0x1;
	s10 =	sld [smem:$0x3FB8];
	_ =	sdelay $0x3  }
0x37: {  	[smem:$0x3FB8] =	sst s10  }
0x38: {  	s10 =	sld [smem:$0x3FB9]  }
0x39: {  	_ = 	snop;
	(pc) =	sbr.ind lr, $3  }
0x3a: {  	_ = 	snop  }
0x3b: {  	_ = 	snop  }
0x3c: {  	p2 =	seq.s32 s10, $0x1;
	s10 =	sld [smem:$0x3FB8]  }
0x3d: {  	_ =	shalt  }
0x3e: {  	_ =	shalt  }
0x3f: {  	_ =	shalt  }
0x40: {  	_ =	shalt  }
0x41: {  	_ =	shalt  }
0x42: {  	_ =	shalt  }
0x43: {  	_ =	shalt  }
0x44: {  	_ =	shalt  }
0x45: {  	_ =	shalt  }
0x46: {  	_ =	shalt  }
0x47: {  	_ =	shalt  }
0x48: {  	_ =	shalt  }
0x49: {  	_ =	shalt  }
0x4a: {  	_ =	shalt  }
0x4b: {  	_ =	shalt  }
0x4c: {  	_ =	shalt  }
0x4d: {  	_ =	shalt  }
0x4e: {  	_ =	shalt  }
0x4f: {  	_ =	shalt  }
0x50: {  	_ =	shalt  }
0x51: {  	_ =	shalt  }
0x52: {  	_ =	shalt  }
0x53: {  	_ =	shalt  }
0x54: {  	_ =	shalt  }
0x55: {  	_ =	shalt  }
0x56: {  	_ =	shalt  }
0x57: {  	_ =	shalt  }
0x58: {  	_ =	shalt  }
0x59: {  	_ =	shalt  }
0x5a: {  	_ =	shalt  }
0x5b: {  	_ =	shalt  }
0x5c: {  	_ =	shalt  }
0x5d: {  	_ =	shalt  }
0x5e: {  	_ =	shalt  }
0x5f: {  	_ =	shalt  }
0x60: {  	_ =	shalt  }
0x61: {  	_ =	shalt  }
0x62: {  	_ =	shalt  }
0x63: {  	_ =	shalt  }
0x64: {  	_ =	shalt  }
0x65: {  	_ =	shalt  }
0x66: {  	_ =	shalt  }
0x67: {  	_ =	shalt  }
0x68: {  	_ =	shalt  }
0x69: {  	_ =	shalt  }
0x6a: {  	_ =	shalt  }
0x6b: {  	_ =	shalt  }
0x6c: {  	_ =	shalt  }
0x6d: {  	_ =	shalt  }
0x6e: {  	_ =	shalt  }
0x6f: {  	_ =	shalt  }
0x70: {  	_ =	shalt  }
0x71: {  	_ =	shalt  }
0x72: {  	_ =	shalt  }
0x73: {  	_ =	shalt  }
0x74: {  	_ =	shalt  }
0x75: {  	_ =	shalt  }
0x76: {  	_ =	shalt  }
0x77: {  	_ =	shalt  }
0x78: {  	_ =	shalt  }
0x79: {  	_ =	shalt  }
0x7a: {  	_ =	shalt  }
0x7b: {  	_ =	shalt  }
0x7c: {  	_ =	shalt  }
0x7d: {  	_ =	shalt  }
0x7e: {  	_ =	shalt  }
0x7f: {  	_ =	shalt  }
0x80: {  	_ =	shalt  }
0x81: {  	_ =	shalt  }
0x82: {  	_ =	shalt  }
0x83: {  	_ =	shalt  }
0x84: {  	_ =	shalt  }
0x85: {  	_ =	shalt  }
0x86: {  	_ =	shalt  }
0x87: {  	_ =	shalt  }
.Lfunc_end0:
.L_simem_size_0:
called_computation_lowered:
.L_overlay_start_0:
0x88: {  	s2 =	sld [smem:$0x3FD9]  }
0x89: {  	s3 =	sld [smem:$0x3FFE];
	_ =	sdelay $0x1  }
0x8a: {  	s1 =	srdreg.scid  }
0x8b: {  	s0 =	sand.u32 $0x1, s1  }
0x8c: {  	s14 =	sshll.u32 s0, $0xA;
	s2 =	sadd.s32 s3, s2  }
0x8d: {  	s2 =	sadd.s32 s2, s14  }
0x8e: {  	[smem:$0x3FC4] =	sst s2  }
0x8f: {  	_ = 	snop  }
0x90: {  	s2 =	sld [smem:$0x3FC9]  }
0x91: {  	s15 =	sld [smem:$0x3FD0]  }
0x92: {  	s4 =	sld [smem:$0x3FC8]  }
0x93: {  	s5 =	sld [smem:$0x3FC7]  }
0x94: {  	s7 =	simm.s32 $0xA;
	s8 =	simm.s32 $0x10;
	s6 =	sld [smem:$0x3FC6]  }
0x95: {  	[smem:s8], [sflag:s7] =	dma.local [hbm:s15], $0x1  }
0x96: {  	_ =	swait.eq [sflag:s7], $0x1  }
0x97: {  	[sflag:s7] =	ssyncset.done $0x0  }
0x98: {  	[sflag:s7] =	ssyncadd.s32 $0xFFFFFFFF  }
0x99: {  	s16 =	sld [smem:$0x10];
	(tm) =	ssettm $0x1  }
0x9a: {  	s17 =	sld [smem:$0x3FFB];
	_ =	sdelay $0x3  }
0x9b: {  	_ =	strace s17  }
0x9c: {  	s7 =	sld [smem:$0x3FFC];
	_ =	sdelay $0x3  }
0x9d: {  	_ =	strace s7  }
0x9e: {  	s7 =	sld [smem:$0x3FFD];
	_ =	sdelay $0x3  }
0x9f: {  	_ =	strace s7  }
0xa0: {  	_ =	strace $0x8FFFFFFF  }
0xa1: {  	s18 =	sld [smem:$0x3FDB];
	_ =	sdelay $0x1  }
0xa2: {  	s19 =	simm.s32 $_scs_section_size  }
0xa3: {  	s9 =	simm.s32 $_size__tile_overlayer_lowered;
	s10 =	simm.s32 $_tile_overlayer_lowered  }
0xa4: {  	s22 =	simm.s32 $0x1BFF;
	s21 =	sshll.u32 s10, $0x1;
	s7 =	sadd.s32 s19, s18  }
0xa5: {  	s11 =	simm.s32 $0x0;
	s20 =	sshll.u32 s9, $0x1;
	s9 =	sadd.s32 s21, s7  }
0xa6: {  	[timem:s11], [sflag:s22] =	dma.local [hbm:s9], s20  }
0xa7: {  	_ =	swait.ge [sflag:s22], s20  }
0xa8: {  	s8 =	ssub.s32 $0x0, s20;
	[sflag:s22] =	ssyncset.done $0x0  }
0xa9: {  	[sflag:s22] =	ssyncadd.s32 s8;
	_ =	sdelay $0x1  }
0xaa: {  	s23 =	simm.s32 $0x1B8B  }
0xab: {  	_ =	swait.ge [sflag:s23], $0x1  }
0xac: {  	[sflag:s23] =	ssyncset.done $0x0  }
0xad: {  	s25 =	simm.s32 $0x1B8E;
	s24 =	sld [smem:$0x3FFE];
	[sflag:s23] =	ssyncadd.s32 $0xFFFFFFFF  }
0xae: {  	s26 =	simm.s32 $execute0_lowered;
	[smem:$0x3FD2] =	sst s25  }
0xaf: {  	s9 =	sshll.u32 s26, $0x1;
	_ =	strace $0x80000046;
	[dreg:$0x1] =	wrdreg $0xFFFFFFFF  }
0xb0: {  	s28 =	simm.s32 $_size_execute0_lowered;
	s7 =	sadd.s32 s7, s9;
	[dreg:$0x0] =	wrdreg $0x0  }
0xb1: {  	s9 =	sshll.u32 s28, $0x1;
	[dreg:$0x2] =	wrdreg s7  }
0xb2: {  	[dreg:$0x3] =	wrdreg s9  }
0xb3: {  	[dreg:$0x4] =	wrdreg $0xC0  }
0xb4: {  	_ =	task [dreg:s11], $0x5FFFF  }
0xb5: {  	[dreg:$0x1] =	wrdreg $0xFFFFFFFF  }
0xb6: {  	[dreg:$0x0] =	wrdreg $0x60  }
0xb7: {  	[dreg:$0x2] =	wrdreg s2  }
0xb8: {  	[dreg:$0x3] =	wrdreg s4  }
0xb9: {  	[dreg:$0x4] =	wrdreg s5  }
0xba: {  	[dreg:$0x5] =	wrdreg s6  }
0xbb: {  	[dreg:$0x6] =	wrdreg s16  }
0xbc: {  	[dreg:$0x7] =	wrdreg s24  }
0xbd: {  	[dreg:$0x8] =	wrdreg $0x9  }
0xbe: {  	_ =	task.clear_ibuf [dreg:s11], $0x9FFFF;
	_ =	strace $0x90000046  }
0xbf: {  	s29 =	simm.s32 $0x9;
	_ =	strace $0x80000048  }
0xc0: {  	_ =	swait.ge [sflag:s29], $0x1  }
0xc1: {  	[sflag:s29] =	ssyncadd.s32 $0xFFFFFFFF  }
0xc2: {  	_ =	strace $0x90000048  }
0xc3: {  	_ =	sfence  }
0xc4: {  	s30 =	sld [smem:$0x0];
	_ =	sdelay $0x2  }
0xc5: {  	s31 =	sshll.u32 s1, $0xD;
	s1 =	sshrl.u32 s1, $0x2  }
0xc6: {  	s3 =	sand.u32 $0x4000, s31;
	s1 =	sadd.s32 s1, s30  }
0xc7: {  	s0 =	sor.u32 s3, s0;
	s1 =	sshll.u32 s1, $0x11  }
0xc8: {  	s0 =	sor.u32 s1, s0  }
0xc9: {  	s0 =	sadd.s32 $0x8F2B, s0  }
0xca: {  	[sflag:s0] =	ssyncadd.remote.s32 $0x1  }
0xcb: {  	_ =	sfence.sel $0xFFFF  }
0xcc: {  	[dreg:$0x0] =	wrdreg $0xFFFFFFFF;
	(pc) =	sbr.abs _section_cstart, $3  }
0xcd: {  	[dreg:$0x1] =	wrdreg $0xFFFFFFFF  }
0xce: {  	_ =	task.clear_ibuf [dreg:s11], $0x2FFFF;
	_ =	strace $0x9FFFFFFF  }
0xcf: {  	(tm) =	ssettm $0x7FFFFFFF  }
tec
execute0_lowered:
.L_overlay_start_1:
0x0: {  	(tag) =	ssettag $0x1  }
0x1: {  	s0 =	rddreg [dreg:$0x0]  }
0x2: {  	s3 =	rddreg [dreg:$0x1]  }
0x3: {  	s2 =	rddreg [dreg:$0x3]  }
0x4: {  	s5 =	rddreg [dreg:$0x4]  }
0x5: {  	s6 =	rddreg [dreg:$0x5];
	s7 =	srdreg.scid  }
0x6: {  	s8 =	stileid.u32;
	s4 =	simm.s32 $0x0;
	s14 =	simm.s32 $0xC400  }
0x7: {  	s28 =	simm.s32 $0x3;
	s29 =	simm.s32 $0x10400;
	s30 =	simm.s32 $0x12400  }
0x8: {  	s31 =	simm.s32 $0x2;
	s7 =	sand.u32 $0x1, s7;
	s8 =	sshll.u32 s8, $0x1  }
0x9: {  	s1 =	simm.s32 $0x0;
	[smem:$0x7FF] =	sst s4;
	s8 =	sor.u32 s7, s8  }
0xa: {  	s7 =	ssub.s32 $0x2, s7;
	s9 =	sshll.u32 s8, $0x4;
	s8 =	sshll.u32 s8, $0x6  }
0xb: {  	v2 =	vlaneseq.u32;
	_ =	strace $0x80000047;
	s22 =	sshrl.u32 s7, $0x1;
	s0 =	sadd.s32 s0, s8  }
0xc: {  	v0 =	vmul.u32 $0x80, v2;
	s6 =	sadd.s32 s9, s6;
	s23 =	sadd.s32 s3, s8;
	[dreg:$0x7] =	wrdreg s0  }
0xd: {  	s7 =	ssub.s32 s7, s22;
	s24 =	sadd.s32 s5, s8;
	[dreg:$0x8] =	wrdreg s23  }
0xe: {  	v1 =	vimm.f32 $0.0e+00;
	v2 =	vmul.u32 $0x200, v2;
	v3 =	vor.u32 $0x800, v0;
	s5 =	simm.s32 $0x5;
	[dreg:$0x9] =	wrdreg s24;
	s25 =	sadd.s32 $0xA00, s6  }
0xf: {  	v4 =	vor.u32 $0x1000, v0;
	v5 =	vor.u32 $0x1800, v0;
	v6 =	vor.u32 $0x2000, v0;
	s8 =	simm.s32 $0x4400;
	s26 =	smax.u32 s7, $0x1;
	[dreg:$0xa] =	wrdreg s25  }
0x10: {  	v7 =	vor.u32 $0x2800, v0;
	v8 =	vor.u32 $0x3000, v0;
	v9 =	vor.u32 $0x3800, v0;
	s0 =	simm.s32 $0x4;
	[dreg:$0xb] =	wrdreg s26;
	s26 =	simm.s32 $0x1  }
.LBB2_1:
0x11: {  	[dreg:$0xc] =	wrdreg s1  }
0x12: {  	s3 =	rddreg [dreg:$0x7]  }
0x13: {  	[tilespmem:s4], [sflag:$0x5] =	stream.linear.gather [hbm4b:s3+s4], $0x200, $0x38;
	[tilespmem:$0x14680] =	vst v63  }
0x14: {  	_ =	swait.ge [sflag:s5], $0x200  }
0x15: {  	[sflag:s5] =	ssyncset.done $0x0  }
0x16: {  	s6 =	simm.s32 $0x200;
	s25 =	rddreg [dreg:$0x8];
	[sflag:s5] =	ssyncadd.s32 $0xFFFFFE00  }
0x17: {  	[tilespmem:s6], [sflag:$0x5] =	stream.linear.gather [hbm4b:s25+s4], $0x200, $0x38;
	[tilespmem:$0x14680] =	vst v63  }
0x18: {  	_ =	swait.ge [sflag:s5], $0x200  }
0x19: {  	[sflag:s5] =	ssyncset.done $0x0  }
0x1a: {  	[sflag:s5] =	ssyncadd.s32 $0xFFFFFE00  }
0x1b: {  	v10 =	vld [tilespmem:$0x200]  }
0x1c: {  	v11 =	vld [tilespmem:$0x0];
	_ =	sdelay $0x3  }
0x1d: {  	(v2sf) =	vpush v10, $0x0  }
0x1e: {  	(v2sf) =	vpush v11, $0x0;
	_ =	sdelay $0x3  }
0x1f: {  	(v2sf) =	vpush v10, $0x1;
	_ =	sdelay $0x1  }
0x20: {  	(v2sf) =	vpush v11, $0x1;
	_ =	sdelay $0x7  }
0x21: {  	s1 =	spop (v2sf);
	(v2sf) =	vpush v10, $0x2  }
0x22: {  	s9 =	spop (v2sf)  }
0x23: {  	s7 =	rddreg [dreg:$0x2];
	(v2sf) =	vpush v11, $0x2;
	s5 =	sand.u32 $0xFFFFF80, s9  }
0x24: {  	s10 =	simm.s32 $0x400;
	s11 =	simm.s32 $0x800;
	[tilespmem:$0x14600] =	vst v1;
	s5 =	sadd.s32 s7, s5  }
0x25: {  	[tilespmem:s10], [sflag:$0x1] =	stream.linear.gather [hbm4b:s5+s4], $0x400, $0x38;
	[tilespmem:$0x14680] =	vst v63  }
0x26: {  	s3 =	sand.u32 $0xFFFFF80, s1;
	s15 =	spop (v2sf);
	s5 =	sadd.s32 $0xF4280, s5  }
0x27: {  	[tilespmem:s11], [sflag:$0x1] =	stream.linear.gather [hbm4b:s5+s4], $0x400, $0x38;
	[tilespmem:$0x14680] =	vst v63  }
0x28: {  	s12 =	simm.s32 $0x8400;
	s3 =	sadd.s32 s2, s3;
	s16 =	spop (v2sf)  }
0x29: {  	[tilespmem:s12], [sflag:$0x3] =	stream.linear.gather [hbm4b:s3+s4], $0x400, $0x38;
	[tilespmem:$0x14680] =	vst v63  }
0x2a: {  	s13 =	simm.s32 $0x8800;
	(v2sf) =	vpush v10, $0x3;
	s5 =	sand.u32 $0xFFFFF80, s16;
	s3 =	sadd.s32 $0xF4280, s3  }
0x2b: {  	[tilespmem:s13], [sflag:$0x3] =	stream.linear.gather [hbm4b:s3+s4], $0x400, $0x38;
	[tilespmem:$0x14680] =	vst v63  }
0x2c: {  	s17 =	simm.s32 $0xC00;
	(v2sf) =	vpush v11, $0x3;
	s5 =	sadd.s32 s7, s5  }
0x2d: {  	[tilespmem:s17], [sflag:$0x1] =	stream.linear.gather [hbm4b:s5+s4], $0x400, $0x38;
	[tilespmem:$0x14680] =	vst v63  }
0x2e: {  	s18 =	simm.s32 $0x1000;
	s3 =	sand.u32 $0xFFFFF80, s15;
	s5 =	sadd.s32 $0xF4280, s5  }
0x2f: {  	[tilespmem:s18], [sflag:$0x1] =	stream.linear.gather [hbm4b:s5+s4], $0x400, $0x38;
	[tilespmem:$0x14680] =	vst v63  }
0x30: {  	s19 =	simm.s32 $0x8C00;
	s3 =	sadd.s32 s2, s3;
	s21 =	spop (v2sf)  }
0x31: {  	[tilespmem:s19], [sflag:$0x3] =	stream.linear.gather [hbm4b:s3+s4], $0x400, $0x38;
	[tilespmem:$0x14680] =	vst v63  }
0x32: {  	s22 =	spop (v2sf)  }
0x33: {  	s20 =	simm.s32 $0x9000;
	(v2sf) =	vpush v10, $0x4;
	s3 =	sadd.s32 $0xF4280, s3;
	s5 =	sand.u32 $0xFFFFF80, s22  }
0x34: {  	(v2sf) =	vpush v11, $0x4;
	[tilespmem:s20], [sflag:$0x3] =	stream.linear.gather [hbm4b:s3+s4], $0x400, $0x38;
	[tilespmem:$0x14680] =	vst v63  }
0x35: {  	s23 =	simm.s32 $0x1400;
	s5 =	sadd.s32 s7, s5  }
0x36: {  	[tilespmem:s23], [sflag:$0x1] =	stream.linear.gather [hbm4b:s5+s4], $0x400, $0x38;
	[tilespmem:$0x14680] =	vst v63  }
0x37: {  	s24 =	simm.s32 $0x1800;
	s3 =	sand.u32 $0xFFFFF80, s21;
	s5 =	sadd.s32 $0xF4280, s5  }
0x38: {  	[tilespmem:s24], [sflag:$0x1] =	stream.linear.gather [hbm4b:s5+s4], $0x400, $0x38;
	[tilespmem:$0x14680] =	vst v63  }
0x39: {  	s25 =	simm.s32 $0x9400;
	s6 =	spop (v2sf);
	s3 =	sadd.s32 s2, s3  }
0x3a: {  	(v2sf) =	vpush v10, $0x5;
	[tilespmem:s25], [sflag:$0x3] =	stream.linear.gather [hbm4b:s3+s4], $0x400, $0x38;
	[tilespmem:$0x14680] =	vst v63  }
0x3b: {  	s9 =	spop (v2sf);
	s5 =	simm.s32 $0x9800;
	s3 =	sadd.s32 $0xF4280, s3  }
0x3c: {  	(v2sf) =	vpush v11, $0x5;
	[tilespmem:s5], [sflag:$0x3] =	stream.linear.gather [hbm4b:s3+s4], $0x400, $0x38;
	[tilespmem:$0x14680] =	vst v63  }
0x3d: {  	s5 =	sand.u32 $0xFFFFF80, s9  }
0x3e: {  	s10 =	simm.s32 $0x1C00;
	s5 =	sadd.s32 s7, s5  }
0x3f: {  	[tilespmem:s10], [sflag:$0x1] =	stream.linear.gather [hbm4b:s5+s4], $0x400, $0x38;
	[tilespmem:$0x14680] =	vst v63  }
0x40: {  	s11 =	simm.s32 $0x2000;
	s5 =	sadd.s32 $0xF4280, s5  }
0x41: {  	[tilespmem:s11], [sflag:$0x1] =	stream.linear.gather [hbm4b:s5+s4], $0x400, $0x38;
	[tilespmem:$0x14680] =	vst v63  }
0x42: {  	s3 =	sand.u32 $0xFFFFF80, s6;
	s15 =	spop (v2sf);
	(v2sf) =	vpush v10, $0x6  }
0x43: {  	s12 =	simm.s32 $0x9C00;
	s3 =	sadd.s32 s2, s3;
	s16 =	spop (v2sf)  }
0x44: {  	(v2sf) =	vpush v11, $0x6;
	[tilespmem:s12], [sflag:$0x3] =	stream.linear.gather [hbm4b:s3+s4], $0x400, $0x38;
	[tilespmem:$0x14680] =	vst v63  }
0x45: {  	s13 =	simm.s32 $0xA000;
	s3 =	sadd.s32 $0xF4280, s3;
	s5 =	sand.u32 $0xFFFFF80, s16  }
0x46: {  	[tilespmem:s13], [sflag:$0x3] =	stream.linear.gather [hbm4b:s3+s4], $0x400, $0x38;
	[tilespmem:$0x14680] =	vst v63  }
0x47: {  	s17 =	simm.s32 $0x2400;
	s18 =	simm.s32 $0x2800;
	s5 =	sadd.s32 s7, s5  }
0x48: {  	[tilespmem:s17], [sflag:$0x1] =	stream.linear.gather [hbm4b:s5+s4], $0x400, $0x38;
	[tilespmem:$0x14680] =	vst v63  }
0x49: {  	s21 =	spop (v2sf);
	s3 =	sand.u32 $0xFFFFF80, s15;
	s5 =	sadd.s32 $0xF4280, s5  }
0x4a: {  	[tilespmem:s18], [sflag:$0x1] =	stream.linear.gather [hbm4b:s5+s4], $0x400, $0x38;
	[tilespmem:$0x14680] =	vst v63  }
0x4b: {  	s19 =	simm.s32 $0xA400;
	s22 =	spop (v2sf);
	s3 =	sadd.s32 s2, s3  }
0x4c: {  	(v2sf) =	vpush v10, $0x7;
	[tilespmem:s19], [sflag:$0x3] =	stream.linear.gather [hbm4b:s3+s4], $0x400, $0x38;
	[tilespmem:$0x14680] =	vst v63  }
0x4d: {  	s20 =	simm.s32 $0xA800;
	s5 =	sand.u32 $0xFFFFF80, s22;
	s3 =	sadd.s32 $0xF4280, s3  }
0x4e: {  	(v2sf) =	vpush v11, $0x7;
	[tilespmem:s20], [sflag:$0x3] =	stream.linear.gather [hbm4b:s3+s4], $0x400, $0x38;
	[tilespmem:$0x14680] =	vst v63  }
0x4f: {  	s23 =	simm.s32 $0x2C00;
	s24 =	simm.s32 $0x3000;
	s5 =	sadd.s32 s7, s5  }
0x50: {  	[tilespmem:s23], [sflag:$0x1] =	stream.linear.gather [hbm4b:s5+s4], $0x400, $0x38;
	[tilespmem:$0x14680] =	vst v63  }
0x51: {  	s3 =	sand.u32 $0xFFFFF80, s21;
	s5 =	sadd.s32 $0xF4280, s5;
	s25 =	spop (v2sf)  }
0x52: {  	[tilespmem:s24], [sflag:$0x1] =	stream.linear.gather [hbm4b:s5+s4], $0x400, $0x38;
	[tilespmem:$0x14680] =	vst v63  }
0x53: {  	s9 =	simm.s32 $0xAC00;
	s3 =	sadd.s32 s2, s3;
	s10 =	spop (v2sf)  }
0x54: {  	[tilespmem:s9], [sflag:$0x3] =	stream.linear.gather [hbm4b:s3+s4], $0x400, $0x38;
	[tilespmem:$0x14680] =	vst v63  }
0x55: {  	s11 =	simm.s32 $0xB000;
	s12 =	sand.u32 $0xFFFFF80, s10;
	s3 =	sadd.s32 $0xF4280, s3  }
0x56: {  	[tilespmem:s11], [sflag:$0x3] =	stream.linear.gather [hbm4b:s3+s4], $0x400, $0x38;
	[tilespmem:$0x14680] =	vst v63  }
0x57: {  	s13 =	simm.s32 $0x3400;
	s3 =	sadd.s32 s7, s12  }
0x58: {  	[tilespmem:s13], [sflag:$0x1] =	stream.linear.gather [hbm4b:s3+s4], $0x400, $0x38;
	[tilespmem:$0x14680] =	vst v63  }
0x59: {  	s15 =	simm.s32 $0x3800;
	s16 =	sand.u32 $0xFFFFF80, s25;
	s3 =	sadd.s32 $0xF4280, s3  }
0x5a: {  	[tilespmem:s15], [sflag:$0x1] =	stream.linear.gather [hbm4b:s3+s4], $0x400, $0x38;
	[tilespmem:$0x14680] =	vst v63  }
0x5b: {  	s17 =	simm.s32 $0xB400;
	s18 =	spop (v2sf);
	s3 =	sadd.s32 s2, s16  }
0x5c: {  	[tilespmem:s17], [sflag:$0x3] =	stream.linear.gather [hbm4b:s3+s4], $0x400, $0x38;
	[tilespmem:$0x14680] =	vst v63  }
0x5d: {  	s19 =	simm.s32 $0xB800;
	s20 =	spop (v2sf);
	s3 =	sadd.s32 $0xF4280, s3  }
0x5e: {  	[tilespmem:s19], [sflag:$0x3] =	stream.linear.gather [hbm4b:s3+s4], $0x400, $0x38;
	[tilespmem:$0x14680] =	vst v63  }
0x5f: {  	s3 =	sand.u32 $0xFFFFF80, s20  }
0x60: {  	s21 =	simm.s32 $0x3C00;
	s3 =	sadd.s32 s7, s3  }
0x61: {  	[tilespmem:s21], [sflag:$0x1] =	stream.linear.gather [hbm4b:s3+s4], $0x400, $0x38;
	[tilespmem:$0x14680] =	vst v63  }
0x62: {  	s22 =	simm.s32 $0x4000;
	s23 =	sand.u32 $0xFFFFF80, s18;
	s3 =	sadd.s32 $0xF4280, s3  }
0x63: {  	[tilespmem:s22], [sflag:$0x1] =	stream.linear.gather [hbm4b:s3+s4], $0x400, $0x38;
	[tilespmem:$0x14680] =	vst v63  }
.Ltmp0:
0x64: {  	s24 =	simm.s32 $0xBC00;
	s3 =	sadd.s32 s2, s23;
	(pc) =	sbr.rel .LBB2_2-.Ltmp0, $4  }
0x65: {  	[tilespmem:s24], [sflag:$0x3] =	stream.linear.gather [hbm4b:s3+s4], $0x400, $0x38;
	[tilespmem:$0x14680] =	vst v63  }
0x66: {  	s25 =	simm.s32 $0xC000;
	s3 =	sadd.s32 $0xF4280, s3  }
0x67: {  	[tilespmem:s25], [sflag:$0x3] =	stream.linear.gather [hbm4b:s3+s4], $0x400, $0x38;
	[tilespmem:$0x14680] =	vst v63  }
0x68: {  	s5 =	simm.s32 $0x210;
	s11 =	simm.s32 $0x10;
	s3 =	simm.s32 $0xF  }
.LBB2_4:
0x69: {  	_ =	swait.ge [sflag:s31], $0x400  }
0x6a: {  	[sflag:s31] =	ssyncset.done $0x0  }
0x6b: {  	[sflag:s31] =	ssyncadd.s32 $0xFFFFFC00  }
0x6c: {  	_ =	swait.ge [sflag:s0], $0x400  }
0x6d: {  	[sflag:s0] =	ssyncset.done $0x0  }
0x6e: {  	[sflag:s0] =	ssyncadd.s32 $0xFFFFFC00  }
0x6f: {  	_ =	swait.ge [sflag:s31], $0x400  }
0x70: {  	[sflag:s31] =	ssyncset.done $0x0  }
0x71: {  	[sflag:s31] =	ssyncadd.s32 $0xFFFFFC00  }
0x72: {  	_ =	swait.ge [sflag:s0], $0x400  }
0x73: {  	[sflag:s0] =	ssyncset.done $0x0  }
0x74: {  	[sflag:s0] =	ssyncadd.s32 $0xFFFFFC00  }
0x75: {  	_ =	swait.ge [sflag:s31], $0x400  }
0x76: {  	[sflag:s31] =	ssyncset.done $0x0  }
0x77: {  	[sflag:s31] =	ssyncadd.s32 $0xFFFFFC00  }
0x78: {  	_ =	swait.ge [sflag:s0], $0x400  }
0x79: {  	[sflag:s0] =	ssyncset.done $0x0  }
0x7a: {  	[sflag:s0] =	ssyncadd.s32 $0xFFFFFC00  }
0x7b: {  	_ =	swait.ge [sflag:s31], $0x400  }
0x7c: {  	[sflag:s31] =	ssyncset.done $0x0  }
0x7d: {  	[sflag:s31] =	ssyncadd.s32 $0xFFFFFC00  }
0x7e: {  	_ =	swait.ge [sflag:s0], $0x400  }
0x7f: {  	[sflag:s0] =	ssyncset.done $0x0  }
0x80: {  	[sflag:s0] =	ssyncadd.s32 $0xFFFFFC00  }
0x81: {  	_ =	swait.ge [sflag:s31], $0x400  }
0x82: {  	[sflag:s31] =	ssyncset.done $0x0  }
0x83: {  	[sflag:s31] =	ssyncadd.s32 $0xFFFFFC00  }
0x84: {  	_ =	swait.ge [sflag:s0], $0x400  }
0x85: {  	[sflag:s0] =	ssyncset.done $0x0  }
0x86: {  	[sflag:s0] =	ssyncadd.s32 $0xFFFFFC00  }
0x87: {  	_ =	swait.ge [sflag:s31], $0x400  }
0x88: {  	[sflag:s31] =	ssyncset.done $0x0  }
0x89: {  	[sflag:s31] =	ssyncadd.s32 $0xFFFFFC00  }
0x8a: {  	_ =	swait.ge [sflag:s0], $0x400  }
0x8b: {  	[sflag:s0] =	ssyncset.done $0x0  }
0x8c: {  	[sflag:s0] =	ssyncadd.s32 $0xFFFFFC00  }
0x8d: {  	_ =	swait.ge [sflag:s31], $0x400  }
0x8e: {  	[sflag:s31] =	ssyncset.done $0x0  }
0x8f: {  	[sflag:s31] =	ssyncadd.s32 $0xFFFFFC00  }
0x90: {  	_ =	swait.ge [sflag:s0], $0x400  }
0x91: {  	[sflag:s0] =	ssyncset.done $0x0  }
0x92: {  	[sflag:s0] =	ssyncadd.s32 $0xFFFFFC00  }
0x93: {  	_ =	swait.ge [sflag:s31], $0x400  }
0x94: {  	[sflag:s31] =	ssyncset.done $0x0  }
0x95: {  	[sflag:s31] =	ssyncadd.s32 $0xFFFFFC00  }
0x96: {  	_ =	swait.ge [sflag:s0], $0x400  }
0x97: {  	[sflag:s0] =	ssyncset.done $0x0  }
0x98: {  	[sflag:s0] =	ssyncadd.s32 $0xFFFFFC00  }
0x99: {  	_ =	swait.ge [sflag:s31], $0x400  }
0x9a: {  	[sflag:s31] =	ssyncset.done $0x0  }
0x9b: {  	[sflag:s31] =	ssyncadd.s32 $0xFFFFFC00  }
0x9c: {  	_ =	swait.ge [sflag:s0], $0x400  }
0x9d: {  	[sflag:s0] =	ssyncset.done $0x0  }
0x9e: {  	[sflag:s0] =	ssyncadd.s32 $0xFFFFFC00  }
0x9f: {  	_ =	swait.ge [sflag:s31], $0x400  }
0xa0: {  	[sflag:s31] =	ssyncset.done $0x0  }
0xa1: {  	[sflag:s31] =	ssyncadd.s32 $0xFFFFFC00  }
0xa2: {  	_ =	swait.ge [sflag:s0], $0x400  }
0xa3: {  	[sflag:s0] =	ssyncset.done $0x0  }
0xa4: {  	[sflag:s0] =	ssyncadd.s32 $0xFFFFFC00  }
0xa5: {  	_ =	swait.ge [sflag:s31], $0x400  }
0xa6: {  	[sflag:s31] =	ssyncset.done $0x0  }
0xa7: {  	[sflag:s31] =	ssyncadd.s32 $0xFFFFFC00  }
0xa8: {  	_ =	swait.ge [sflag:s0], $0x400  }
0xa9: {  	[sflag:s0] =	ssyncset.done $0x0  }
0xaa: {  	[sflag:s0] =	ssyncadd.s32 $0xFFFFFC00  }
0xab: {  	_ =	swait.ge [sflag:s31], $0x400  }
0xac: {  	[sflag:s31] =	ssyncset.done $0x0  }
0xad: {  	[sflag:s31] =	ssyncadd.s32 $0xFFFFFC00  }
0xae: {  	_ =	swait.ge [sflag:s0], $0x400  }
0xaf: {  	[sflag:s0] =	ssyncset.done $0x0  }
0xb0: {  	[sflag:s0] =	ssyncadd.s32 $0xFFFFFC00  }
0xb1: {  	_ =	swait.ge [sflag:s31], $0x400  }
0xb2: {  	[sflag:s31] =	ssyncset.done $0x0  }
0xb3: {  	[sflag:s31] =	ssyncadd.s32 $0xFFFFFC00  }
0xb4: {  	_ =	swait.ge [sflag:s0], $0x400  }
0xb5: {  	[sflag:s0] =	ssyncset.done $0x0  }
0xb6: {  	[sflag:s0] =	ssyncadd.s32 $0xFFFFFC00  }
0xb7: {  	_ =	swait.ge [sflag:s31], $0x400  }
0xb8: {  	[sflag:s31] =	ssyncset.done $0x0  }
0xb9: {  	[sflag:s31] =	ssyncadd.s32 $0xFFFFFC00  }
0xba: {  	_ =	swait.ge [sflag:s0], $0x400  }
0xbb: {  	[sflag:s0] =	ssyncset.done $0x0  }
0xbc: {  	[sflag:s0] =	ssyncadd.s32 $0xFFFFFC00  }
0xbd: {  	_ =	swait.ge [sflag:s31], $0x400  }
0xbe: {  	[sflag:s31] =	ssyncset.done $0x0  }
0xbf: {  	[sflag:s31] =	ssyncadd.s32 $0xFFFFFC00  }
0xc0: {  	_ =	swait.ge [sflag:s0], $0x400  }
0xc1: {  	[sflag:s0] =	ssyncset.done $0x0  }
0xc2: {  	[sflag:s0] =	ssyncadd.s32 $0xFFFFFC00  }
0xc3: {  	_ =	swait.ge [sflag:s31], $0x400  }
0xc4: {  	s1 =	rddreg [dreg:$0xd]  }
0xc5: {  	s6 =	sand.u32 $0x7F, s1  }
0xc6: {  	s8 =	sand.u32 $0x7F, s8;
	[sflag:s31] =	ssyncset.done $0x0;
	v10 =	vor.u32 s6, v0  }
0xc7: {  	v11 =	vor.u32 s8, v0;
	[sflag:s31] =	ssyncadd.s32 $0xFFFFFC00  }
0xc8: {  	_ =	swait.ge [sflag:s0], $0x400  }
0xc9: {  	[sflag:s0] =	ssyncset.done $0x0  }
0xca: {  	s8 =	simm.s32 $0x4400;
	s1 =	sadd.s32 $0xFFFFFFF9, s3;
	[sflag:s0] =	ssyncadd.s32 $0xFFFFFC00  }
0xcb: {  	s14 =	simm.s32 $0xC400;
	v12 =	vor.u32 s1, v2;
	v10 =	vld.idx.msk [tilespmem:v10+s8+$0x0], $0xffff  }
0xcc: {  	s7 =	sand.u32 $0x7F, s7;
	v11 =	vld.idx.msk [tilespmem:v11+s14+$0x0], $0xffff  }
0xcd: {  	s9 =	sand.u32 $0x7F, s9;
	v13 =	vor.u32 s7, v3  }
0xce: {  	v14 =	vor.u32 s9, v3;
	_ =	sdelay $0x1  }
0xcf: {  	[tilespmem:v12+s29+$0x0] =	vst.idx.msk $0xffff, v10  }
0xd0: {  	s18 =	sadd.s32 $0xFFFFFFFA, s3;
	[tilespmem:v12+s30+$0x0] =	vst.idx.msk $0xffff, v11  }
0xd1: {  	v11 =	vor.u32 s18, v2;
	v10 =	vld.idx.msk [tilespmem:v13+s8+$0x0], $0xffff  }
0xd2: {  	s20 =	sand.u32 $0x7F, s10;
	v12 =	vld.idx.msk [tilespmem:v14+s14+$0x0], $0xffff  }
0xd3: {  	v52 =	vor.u32 s20, v4;
	s1 =	sand.u32 $0x7F, s13  }
0xd4: {  	v53 =	vor.u32 s1, v4;
	_ =	sdelay $0x1  }
0xd5: {  	[tilespmem:v11+s29+$0x0] =	vst.idx.msk $0xffff, v10  }
0xd6: {  	s7 =	sadd.s32 $0xFFFFFFFB, s3;
	[tilespmem:v11+s30+$0x0] =	vst.idx.msk $0xffff, v12  }
0xd7: {  	v11 =	vor.u32 s7, v2;
	v10 =	vld.idx.msk [tilespmem:v52+s8+$0x0], $0xffff  }
0xd8: {  	s9 =	sand.u32 $0x7F, s15;
	v12 =	vld.idx.msk [tilespmem:v53+s14+$0x0], $0xffff  }
0xd9: {  	s10 =	sand.u32 $0x7F, s16;
	v54 =	vor.u32 s9, v5  }
0xda: {  	v55 =	vor.u32 s10, v5;
	_ =	sdelay $0x1  }
0xdb: {  	[tilespmem:v11+s29+$0x0] =	vst.idx.msk $0xffff, v10  }
0xdc: {  	s13 =	sadd.s32 $0xFFFFFFFC, s3;
	[tilespmem:v11+s30+$0x0] =	vst.idx.msk $0xffff, v12  }
0xdd: {  	v11 =	vor.u32 s13, v2;
	v10 =	vld.idx.msk [tilespmem:v54+s8+$0x0], $0xffff  }
0xde: {  	s15 =	sand.u32 $0x7F, s17;
	v12 =	vld.idx.msk [tilespmem:v55+s14+$0x0], $0xffff  }
0xdf: {  	s16 =	sand.u32 $0x7F, s19;
	v56 =	vor.u32 s15, v6  }
0xe0: {  	v57 =	vor.u32 s16, v6;
	_ =	sdelay $0x1  }
0xe1: {  	[tilespmem:v11+s29+$0x0] =	vst.idx.msk $0xffff, v10  }
0xe2: {  	s17 =	sadd.s32 $0xFFFFFFFD, s3;
	[tilespmem:v11+s30+$0x0] =	vst.idx.msk $0xffff, v12  }
0xe3: {  	v11 =	vor.u32 s17, v2;
	v10 =	vld.idx.msk [tilespmem:v56+s8+$0x0], $0xffff  }
0xe4: {  	s18 =	sand.u32 $0x7F, s21;
	v12 =	vld.idx.msk [tilespmem:v57+s14+$0x0], $0xffff  }
0xe5: {  	s19 =	sand.u32 $0x7F, s22;
	v58 =	vor.u32 s18, v7  }
0xe6: {  	v59 =	vor.u32 s19, v7;
	_ =	sdelay $0x1  }
0xe7: {  	[tilespmem:v11+s29+$0x0] =	vst.idx.msk $0xffff, v10  }
0xe8: {  	s20 =	sadd.s32 $0xFFFFFFFE, s3;
	[tilespmem:v11+s30+$0x0] =	vst.idx.msk $0xffff, v12  }
0xe9: {  	v11 =	vor.u32 s20, v2;
	v10 =	vld.idx.msk [tilespmem:v58+s8+$0x0], $0xffff  }
0xea: {  	s21 =	sand.u32 $0x7F, s23;
	v12 =	vld.idx.msk [tilespmem:v59+s14+$0x0], $0xffff  }
0xeb: {  	s22 =	sand.u32 $0x7F, s25;
	v60 =	vor.u32 s21, v8  }
0xec: {  	v61 =	vor.u32 s22, v8;
	_ =	sdelay $0x1  }
0xed: {  	[tilespmem:v11+s29+$0x0] =	vst.idx.msk $0xffff, v10  }
0xee: {  	s23 =	sadd.s32 $0xFFFFFFFF, s3;
	[tilespmem:v11+s30+$0x0] =	vst.idx.msk $0xffff, v12  }
0xef: {  	v11 =	vor.u32 s23, v2;
	v10 =	vld.idx.msk [tilespmem:v60+s8+$0x0], $0xffff  }
0xf0: {  	s24 =	sand.u32 $0x7F, s24;
	v12 =	vld.idx.msk [tilespmem:v61+s14+$0x0], $0xffff  }
0xf1: {  	s25 =	sand.u32 $0x7F, s12;
	v62 =	vor.u32 s24, v9  }
0xf2: {  	v63 =	vor.u32 s25, v9;
	_ =	sdelay $0x1  }
0xf3: {  	[tilespmem:v11+s29+$0x0] =	vst.idx.msk $0xffff, v10  }
0xf4: {  	[tilespmem:v11+s30+$0x0] =	vst.idx.msk $0xffff, v12  }
0xf5: {  	v11 =	vor.u32 s3, v2;
	s3 =	sadd.s32 $0x10, s3;
	v10 =	vld.idx.msk [tilespmem:v62+s8+$0x0], $0xffff  }
0xf6: {  	v12 =	vld.idx.msk [tilespmem:v63+s14+$0x0], $0xffff;
	p0 =	sne.s32 s3, $0x20F  }
.Ltmp1:
0xf7: {  	_ = 	snop;
	(pc) =	sbr.rel @!p0 .LBB2_5-.Ltmp1, $3  }
0xf8: {  	_ =	sdelay $0x1  }
0xf9: {  	[tilespmem:v11+s29+$0x0] =	vst.idx.msk $0xffff, v10  }
0xfa: {  	s11 =	sadd.s32 $0x10, s11;
	s5 =	sadd.s32 $0x10, s5;
	[tilespmem:v11+s30+$0x0] =	vst.idx.msk $0xffff, v12  }
.LBB2_2:
0xfb: {  	v11 =	vld [tilespmem:s11+$0xFFFFFFF0];
	_ =	sdelay $0x4  }
0xfc: {  	v10 =	vld [tilespmem:s5+$0xFFFFFFF0];
	(v2sf) =	vpush v11, $0x8;
	_ =	sdelay $0x4  }
0xfd: {  	(v2sf) =	vpush v10, $0x8;
	_ =	sdelay $0x6  }
0xfe: {  	(v2sf) =	vpush v11, $0x9;
	_ =	sdelay $0x1  }
0xff: {  	(v2sf) =	vpush v10, $0x9  }
0x100: {  	s1 =	spop (v2sf)  }
0x101: {  	[dreg:$0xd] =	wrdreg s1  }
0x102: {  	s7 =	sand.u32 $0xFFFFF80, s1;
	s1 =	rddreg [dreg:$0x2]  }
0x103: {  	s7 =	sadd.s32 s1, s7  }
0x104: {  	[tilespmem:s8], [sflag:$0x2] =	stream.linear.gather [hbm4b:s7+s4], $0x400, $0x38;
	[tilespmem:$0x14680] =	vst v63  }
0x105: {  	s8 =	spop (v2sf)  }
0x106: {  	s6 =	simm.s32 $0x4800;
	s7 =	sadd.s32 $0xF4280, s7;
	s17 =	sand.u32 $0xFFFFF80, s8  }
0x107: {  	(v2sf) =	vpush v11, $0xA;
	[tilespmem:s6], [sflag:$0x2] =	stream.linear.gather [hbm4b:s7+s4], $0x400, $0x38;
	[tilespmem:$0x14680] =	vst v63  }
0x108: {  	s7 =	sadd.s32 s2, s17  }
0x109: {  	(v2sf) =	vpush v10, $0xA;
	[tilespmem:s14], [sflag:$0x4] =	stream.linear.gather [hbm4b:s7+s4], $0x400, $0x38;
	[tilespmem:$0x14680] =	vst v63  }
0x10a: {  	s18 =	simm.s32 $0xC800;
	s7 =	sadd.s32 $0xF4280, s7  }
0x10b: {  	[tilespmem:s18], [sflag:$0x4] =	stream.linear.gather [hbm4b:s7+s4], $0x400, $0x38;
	[tilespmem:$0x14680] =	vst v63  }
0x10c: {  	s7 =	spop (v2sf)  }
0x10d: {  	s9 =	sand.u32 $0xFFFFF80, s7  }
0x10e: {  	s19 =	simm.s32 $0x4C00;
	s10 =	sadd.s32 s1, s9;
	s9 =	spop (v2sf)  }
0x10f: {  	(v2sf) =	vpush v11, $0xB;
	[tilespmem:s19], [sflag:$0x2] =	stream.linear.gather [hbm4b:s10+s4], $0x400, $0x38;
	[tilespmem:$0x14680] =	vst v63  }
0x110: {  	s20 =	simm.s32 $0x5000;
	s10 =	sadd.s32 $0xF4280, s10;
	s21 =	sand.u32 $0xFFFFF80, s9  }
0x111: {  	[tilespmem:s20], [sflag:$0x2] =	stream.linear.gather [hbm4b:s10+s4], $0x400, $0x38;
	[tilespmem:$0x14680] =	vst v63  }
0x112: {  	s22 =	simm.s32 $0xCC00;
	s10 =	sadd.s32 s2, s21  }
0x113: {  	[tilespmem:s22], [sflag:$0x4] =	stream.linear.gather [hbm4b:s10+s4], $0x400, $0x38;
	[tilespmem:$0x14680] =	vst v63  }
0x114: {  	s23 =	simm.s32 $0xD000;
	s10 =	sadd.s32 $0xF4280, s10  }
0x115: {  	[tilespmem:s23], [sflag:$0x4] =	stream.linear.gather [hbm4b:s10+s4], $0x400, $0x38;
	[tilespmem:$0x14680] =	vst v63  }
0x116: {  	s10 =	spop (v2sf);
	(v2sf) =	vpush v10, $0xB  }
0x117: {  	s12 =	sand.u32 $0xFFFFF80, s10  }
0x118: {  	s24 =	simm.s32 $0x5400;
	s13 =	spop (v2sf);
	(v2sf) =	vpush v11, $0xC;
	s12 =	sadd.s32 s1, s12  }
0x119: {  	[tilespmem:s24], [sflag:$0x2] =	stream.linear.gather [hbm4b:s12+s4], $0x400, $0x38;
	[tilespmem:$0x14680] =	vst v63  }
0x11a: {  	s25 =	simm.s32 $0x5800;
	s14 =	sand.u32 $0xFFFFF80, s13;
	s12 =	sadd.s32 $0xF4280, s12  }
0x11b: {  	[tilespmem:s25], [sflag:$0x2] =	stream.linear.gather [hbm4b:s12+s4], $0x400, $0x38;
	[tilespmem:$0x14680] =	vst v63  }
0x11c: {  	s15 =	simm.s32 $0xD400;
	s12 =	sadd.s32 s2, s14  }
0x11d: {  	[tilespmem:s15], [sflag:$0x4] =	stream.linear.gather [hbm4b:s12+s4], $0x400, $0x38;
	[tilespmem:$0x14680] =	vst v63  }
0x11e: {  	s16 =	simm.s32 $0xD800;
	s12 =	sadd.s32 $0xF4280, s12;
	s15 =	spop (v2sf);
	(v2sf) =	vpush v10, $0xC  }
0x11f: {  	[tilespmem:s16], [sflag:$0x4] =	stream.linear.gather [hbm4b:s12+s4], $0x400, $0x38;
	[tilespmem:$0x14680] =	vst v63  }
0x120: {  	s17 =	sand.u32 $0xFFFFF80, s15  }
0x121: {  	s18 =	simm.s32 $0x5C00;
	s12 =	sadd.s32 s1, s17  }
0x122: {  	[tilespmem:s18], [sflag:$0x2] =	stream.linear.gather [hbm4b:s12+s4], $0x400, $0x38;
	[tilespmem:$0x14680] =	vst v63  }
0x123: {  	s19 =	simm.s32 $0x6000;
	s12 =	sadd.s32 $0xF4280, s12  }
0x124: {  	[tilespmem:s19], [sflag:$0x2] =	stream.linear.gather [hbm4b:s12+s4], $0x400, $0x38;
	[tilespmem:$0x14680] =	vst v63  }
0x125: {  	s16 =	spop (v2sf);
	(v2sf) =	vpush v11, $0xD  }
0x126: {  	s20 =	sand.u32 $0xFFFFF80, s16  }
0x127: {  	s21 =	simm.s32 $0xDC00;
	s17 =	spop (v2sf);
	s12 =	sadd.s32 s2, s20  }
0x128: {  	[tilespmem:s21], [sflag:$0x4] =	stream.linear.gather [hbm4b:s12+s4], $0x400, $0x38;
	[tilespmem:$0x14680] =	vst v63  }
0x129: {  	s22 =	simm.s32 $0xE000;
	(v2sf) =	vpush v10, $0xD;
	s23 =	sand.u32 $0xFFFFF80, s17;
	s12 =	sadd.s32 $0xF4280, s12  }
0x12a: {  	[tilespmem:s22], [sflag:$0x4] =	stream.linear.gather [hbm4b:s12+s4], $0x400, $0x38;
	[tilespmem:$0x14680] =	vst v63  }
0x12b: {  	s24 =	simm.s32 $0x6400;
	s12 =	sadd.s32 s1, s23  }
0x12c: {  	[tilespmem:s24], [sflag:$0x2] =	stream.linear.gather [hbm4b:s12+s4], $0x400, $0x38;
	[tilespmem:$0x14680] =	vst v63  }
0x12d: {  	s25 =	simm.s32 $0x6800;
	s12 =	sadd.s32 $0xF4280, s12;
	s19 =	spop (v2sf)  }
0x12e: {  	(v2sf) =	vpush v11, $0xE;
	[tilespmem:s25], [sflag:$0x2] =	stream.linear.gather [hbm4b:s12+s4], $0x400, $0x38;
	[tilespmem:$0x14680] =	vst v63  }
0x12f: {  	s6 =	sand.u32 $0xFFFFF80, s19  }
0x130: {  	s14 =	simm.s32 $0xE400;
	s12 =	sadd.s32 s2, s6  }
0x131: {  	[tilespmem:s14], [sflag:$0x4] =	stream.linear.gather [hbm4b:s12+s4], $0x400, $0x38;
	[tilespmem:$0x14680] =	vst v63  }
0x132: {  	s18 =	simm.s32 $0xE800;
	s12 =	sadd.s32 $0xF4280, s12  }
0x133: {  	[tilespmem:s18], [sflag:$0x4] =	stream.linear.gather [hbm4b:s12+s4], $0x400, $0x38;
	[tilespmem:$0x14680] =	vst v63  }
0x134: {  	s21 =	spop (v2sf)  }
0x135: {  	(v2sf) =	vpush v10, $0xE;
	s20 =	sand.u32 $0xFFFFF80, s21  }
0x136: {  	s22 =	simm.s32 $0x6C00;
	s12 =	sadd.s32 s1, s20  }
0x137: {  	[tilespmem:s22], [sflag:$0x2] =	stream.linear.gather [hbm4b:s12+s4], $0x400, $0x38;
	[tilespmem:$0x14680] =	vst v63  }
0x138: {  	s22 =	spop (v2sf)  }
0x139: {  	s23 =	simm.s32 $0x7000;
	s12 =	sadd.s32 $0xF4280, s12;
	(v2sf) =	vpush v11, $0xF;
	s24 =	sand.u32 $0xFFFFF80, s22  }
0x13a: {  	[tilespmem:s23], [sflag:$0x2] =	stream.linear.gather [hbm4b:s12+s4], $0x400, $0x38;
	[tilespmem:$0x14680] =	vst v63  }
0x13b: {  	s25 =	simm.s32 $0xEC00;
	s12 =	sadd.s32 s2, s24  }
0x13c: {  	[tilespmem:s25], [sflag:$0x4] =	stream.linear.gather [hbm4b:s12+s4], $0x400, $0x38;
	[tilespmem:$0x14680] =	vst v63  }
0x13d: {  	s14 =	simm.s32 $0xF000;
	s12 =	sadd.s32 $0xF4280, s12;
	s23 =	spop (v2sf)  }
0x13e: {  	(v2sf) =	vpush v10, $0xF;
	[tilespmem:s14], [sflag:$0x4] =	stream.linear.gather [hbm4b:s12+s4], $0x400, $0x38;
	[tilespmem:$0x14680] =	vst v63  }
0x13f: {  	s18 =	sand.u32 $0xFFFFF80, s23  }
0x140: {  	s20 =	simm.s32 $0x7400;
	s12 =	sadd.s32 s1, s18  }
0x141: {  	[tilespmem:s20], [sflag:$0x2] =	stream.linear.gather [hbm4b:s12+s4], $0x400, $0x38;
	[tilespmem:$0x14680] =	vst v63  }
0x142: {  	s24 =	simm.s32 $0x7800;
	s12 =	sadd.s32 $0xF4280, s12  }
0x143: {  	[tilespmem:s24], [sflag:$0x2] =	stream.linear.gather [hbm4b:s12+s4], $0x400, $0x38;
	[tilespmem:$0x14680] =	vst v63  }
0x144: {  	s25 =	spop (v2sf)  }
0x145: {  	s6 =	sand.u32 $0xFFFFF80, s25  }
0x146: {  	s14 =	simm.s32 $0xF400;
	s12 =	sadd.s32 s2, s6  }
0x147: {  	[tilespmem:s14], [sflag:$0x4] =	stream.linear.gather [hbm4b:s12+s4], $0x400, $0x38;
	[tilespmem:$0x14680] =	vst v63  }
0x148: {  	s24 =	spop (v2sf)  }
0x149: {  	s18 =	simm.s32 $0xF800;
	s12 =	sadd.s32 $0xF4280, s12;
	s20 =	sand.u32 $0xFFFFF80, s24  }
0x14a: {  	[tilespmem:s18], [sflag:$0x4] =	stream.linear.gather [hbm4b:s12+s4], $0x400, $0x38;
	[tilespmem:$0x14680] =	vst v63  }
0x14b: {  	s6 =	sadd.s32 s1, s20;
	s18 =	simm.s32 $0x7C00  }
0x14c: {  	[tilespmem:s18], [sflag:$0x2] =	stream.linear.gather [hbm4b:s6+s4], $0x400, $0x38;
	[tilespmem:$0x14680] =	vst v63  }
0x14d: {  	s20 =	simm.s32 $0x8000;
	s14 =	sadd.s32 $0xF4280, s6;
	s12 =	spop (v2sf)  }
0x14e: {  	[tilespmem:s20], [sflag:$0x2] =	stream.linear.gather [hbm4b:s14+s4], $0x400, $0x38;
	[tilespmem:$0x14680] =	vst v63  }
0x14f: {  	s6 =	sand.u32 $0xFFFFF80, s12  }
0x150: {  	s18 =	simm.s32 $0xFC00;
	s14 =	sadd.s32 s2, s6  }
0x151: {  	[tilespmem:s18], [sflag:$0x4] =	stream.linear.gather [hbm4b:s14+s4], $0x400, $0x38;
	[tilespmem:$0x14680] =	vst v63  }
0x152: {  	s20 =	simm.s32 $0x10000;
	s14 =	sadd.s32 $0xF4280, s14  }
0x153: {  	[tilespmem:s20], [sflag:$0x4] =	stream.linear.gather [hbm4b:s14+s4], $0x400, $0x38;
	[tilespmem:$0x14680] =	vst v63  }
0x154: {  	_ =	swait.ge [sflag:s26], $0x400  }
0x155: {  	[sflag:s26] =	ssyncset.done $0x0  }
0x156: {  	[sflag:s26] =	ssyncadd.s32 $0xFFFFFC00  }
0x157: {  	_ =	swait.ge [sflag:s28], $0x400  }
0x158: {  	[sflag:s28] =	ssyncset.done $0x0  }
0x159: {  	[sflag:s28] =	ssyncadd.s32 $0xFFFFFC00  }
0x15a: {  	_ =	swait.ge [sflag:s26], $0x400  }
0x15b: {  	[sflag:s26] =	ssyncset.done $0x0  }
0x15c: {  	[sflag:s26] =	ssyncadd.s32 $0xFFFFFC00  }
0x15d: {  	_ =	swait.ge [sflag:s28], $0x400  }
0x15e: {  	[sflag:s28] =	ssyncset.done $0x0  }
0x15f: {  	[sflag:s28] =	ssyncadd.s32 $0xFFFFFC00  }
0x160: {  	_ =	swait.ge [sflag:s26], $0x400  }
0x161: {  	[sflag:s26] =	ssyncset.done $0x0  }
0x162: {  	[sflag:s26] =	ssyncadd.s32 $0xFFFFFC00  }
0x163: {  	_ =	swait.ge [sflag:s28], $0x400  }
0x164: {  	[sflag:s28] =	ssyncset.done $0x0  }
0x165: {  	[sflag:s28] =	ssyncadd.s32 $0xFFFFFC00  }
0x166: {  	_ =	swait.ge [sflag:s26], $0x400  }
0x167: {  	[sflag:s26] =	ssyncset.done $0x0  }
0x168: {  	[sflag:s26] =	ssyncadd.s32 $0xFFFFFC00  }
0x169: {  	_ =	swait.ge [sflag:s28], $0x400  }
0x16a: {  	[sflag:s28] =	ssyncset.done $0x0  }
0x16b: {  	[sflag:s28] =	ssyncadd.s32 $0xFFFFFC00  }
0x16c: {  	_ =	swait.ge [sflag:s26], $0x400  }
0x16d: {  	[sflag:s26] =	ssyncset.done $0x0  }
0x16e: {  	[sflag:s26] =	ssyncadd.s32 $0xFFFFFC00  }
0x16f: {  	_ =	swait.ge [sflag:s28], $0x400  }
0x170: {  	[sflag:s28] =	ssyncset.done $0x0  }
0x171: {  	[sflag:s28] =	ssyncadd.s32 $0xFFFFFC00  }
0x172: {  	_ =	swait.ge [sflag:s26], $0x400  }
0x173: {  	[sflag:s26] =	ssyncset.done $0x0  }
0x174: {  	[sflag:s26] =	ssyncadd.s32 $0xFFFFFC00  }
0x175: {  	_ =	swait.ge [sflag:s28], $0x400  }
0x176: {  	[sflag:s28] =	ssyncset.done $0x0  }
0x177: {  	[sflag:s28] =	ssyncadd.s32 $0xFFFFFC00  }
0x178: {  	_ =	swait.ge [sflag:s26], $0x400  }
0x179: {  	[sflag:s26] =	ssyncset.done $0x0  }
0x17a: {  	[sflag:s26] =	ssyncadd.s32 $0xFFFFFC00  }
0x17b: {  	_ =	swait.ge [sflag:s28], $0x400  }
0x17c: {  	[sflag:s28] =	ssyncset.done $0x0  }
0x17d: {  	[sflag:s28] =	ssyncadd.s32 $0xFFFFFC00  }
0x17e: {  	_ =	swait.ge [sflag:s26], $0x400  }
0x17f: {  	[sflag:s26] =	ssyncset.done $0x0  }
0x180: {  	[sflag:s26] =	ssyncadd.s32 $0xFFFFFC00  }
0x181: {  	_ =	swait.ge [sflag:s28], $0x400  }
0x182: {  	[sflag:s28] =	ssyncset.done $0x0  }
0x183: {  	[sflag:s28] =	ssyncadd.s32 $0xFFFFFC00  }
0x184: {  	_ =	swait.ge [sflag:s26], $0x400  }
0x185: {  	[sflag:s26] =	ssyncset.done $0x0  }
0x186: {  	[sflag:s26] =	ssyncadd.s32 $0xFFFFFC00  }
0x187: {  	_ =	swait.ge [sflag:s28], $0x400  }
0x188: {  	[sflag:s28] =	ssyncset.done $0x0  }
0x189: {  	[sflag:s28] =	ssyncadd.s32 $0xFFFFFC00  }
0x18a: {  	_ =	swait.ge [sflag:s26], $0x400  }
0x18b: {  	[sflag:s26] =	ssyncset.done $0x0  }
0x18c: {  	[sflag:s26] =	ssyncadd.s32 $0xFFFFFC00  }
0x18d: {  	_ =	swait.ge [sflag:s28], $0x400  }
0x18e: {  	[sflag:s28] =	ssyncset.done $0x0  }
0x18f: {  	[sflag:s28] =	ssyncadd.s32 $0xFFFFFC00  }
0x190: {  	_ =	swait.ge [sflag:s26], $0x400  }
0x191: {  	[sflag:s26] =	ssyncset.done $0x0  }
0x192: {  	[sflag:s26] =	ssyncadd.s32 $0xFFFFFC00  }
0x193: {  	_ =	swait.ge [sflag:s28], $0x400  }
0x194: {  	[sflag:s28] =	ssyncset.done $0x0  }
0x195: {  	[sflag:s28] =	ssyncadd.s32 $0xFFFFFC00  }
0x196: {  	_ =	swait.ge [sflag:s26], $0x400  }
0x197: {  	[sflag:s26] =	ssyncset.done $0x0  }
0x198: {  	[sflag:s26] =	ssyncadd.s32 $0xFFFFFC00  }
0x199: {  	_ =	swait.ge [sflag:s28], $0x400  }
0x19a: {  	[sflag:s28] =	ssyncset.done $0x0  }
0x19b: {  	[sflag:s28] =	ssyncadd.s32 $0xFFFFFC00  }
0x19c: {  	_ =	swait.ge [sflag:s26], $0x400  }
0x19d: {  	[sflag:s26] =	ssyncset.done $0x0  }
0x19e: {  	[sflag:s26] =	ssyncadd.s32 $0xFFFFFC00  }
0x19f: {  	_ =	swait.ge [sflag:s28], $0x400  }
0x1a0: {  	[sflag:s28] =	ssyncset.done $0x0  }
0x1a1: {  	[sflag:s28] =	ssyncadd.s32 $0xFFFFFC00  }
0x1a2: {  	_ =	swait.ge [sflag:s26], $0x400  }
0x1a3: {  	[sflag:s26] =	ssyncset.done $0x0  }
0x1a4: {  	[sflag:s26] =	ssyncadd.s32 $0xFFFFFC00  }
0x1a5: {  	_ =	swait.ge [sflag:s28], $0x400  }
0x1a6: {  	[sflag:s28] =	ssyncset.done $0x0  }
0x1a7: {  	[sflag:s28] =	ssyncadd.s32 $0xFFFFFC00  }
0x1a8: {  	_ =	swait.ge [sflag:s26], $0x400  }
0x1a9: {  	[sflag:s26] =	ssyncset.done $0x0  }
0x1aa: {  	[sflag:s26] =	ssyncadd.s32 $0xFFFFFC00  }
0x1ab: {  	_ =	swait.ge [sflag:s28], $0x400  }
0x1ac: {  	[sflag:s28] =	ssyncset.done $0x0  }
0x1ad: {  	[sflag:s28] =	ssyncadd.s32 $0xFFFFFC00  }
0x1ae: {  	_ =	swait.ge [sflag:s26], $0x400  }
0x1af: {  	[sflag:s26] =	ssyncset.done $0x0  }
0x1b0: {  	[sflag:s26] =	ssyncadd.s32 $0xFFFFFC00  }
0x1b1: {  	_ =	swait.ge [sflag:s28], $0x400  }
0x1b2: {  	(v2sf) =	vpush v11, $0x0  }
0x1b3: {  	(v2sf) =	vpush v10, $0x0;
	_ =	sdelay $0x5  }
0x1b4: {  	(v2sf) =	vpush v11, $0x1  }
0x1b5: {  	(v2sf) =	vpush v10, $0x1;
	_ =	sdelay $0x5  }
0x1b6: {  	(v2sf) =	vpush v11, $0x2  }
0x1b7: {  	s1 =	spop (v2sf);
	(v2sf) =	vpush v10, $0x2  }
0x1b8: {  	s14 =	sand.u32 $0x7F, s1;
	s18 =	spop (v2sf)  }
0x1b9: {  	s18 =	sand.u32 $0x7F, s18;
	v12 =	vor.u32 s14, v0  }
0x1ba: {  	v13 =	vor.u32 s18, v0;
	_ =	sdelay $0x1  }
0x1bb: {  	[sflag:s28] =	ssyncset.done $0x0  }
0x1bc: {  	s6 =	sadd.s32 $0xFFFFFFF1, s3;
	s20 =	simm.s32 $0x400;
	[sflag:s28] =	ssyncadd.s32 $0xFFFFFC00;
	(v2sf) =	vpush v11, $0x3  }
0x1bd: {  	v14 =	vor.u32 s6, v2;
	s1 =	simm.s32 $0x8400;
	s18 =	spop (v2sf);
	(v2sf) =	vpush v10, $0x3;
	v12 =	vld.idx.msk [tilespmem:v12+s20+$0x0], $0xffff  }
0x1be: {  	s14 =	sand.u32 $0x7F, s18;
	s6 =	spop (v2sf);
	v13 =	vld.idx.msk [tilespmem:v13+s1+$0x0], $0xffff  }
0x1bf: {  	s18 =	sand.u32 $0x7F, s6;
	v15 =	vor.u32 s14, v3  }
0x1c0: {  	v16 =	vor.u32 s18, v3;
	_ =	sdelay $0x1  }
0x1c1: {  	[tilespmem:v14+s29+$0x0] =	vst.idx.msk $0xffff, v12  }
0x1c2: {  	(v2sf) =	vpush v11, $0x4;
	s6 =	sadd.s32 $0xFFFFFFF2, s3;
	[tilespmem:v14+s30+$0x0] =	vst.idx.msk $0xffff, v13  }
0x1c3: {  	v48 =	vor.u32 s6, v2;
	s18 =	spop (v2sf);
	(v2sf) =	vpush v10, $0x4;
	v12 =	vld.idx.msk [tilespmem:v15+s20+$0x0], $0xffff  }
0x1c4: {  	s14 =	sand.u32 $0x7F, s18;
	v14 =	vld.idx.msk [tilespmem:v16+s1+$0x0], $0xffff;
	s6 =	spop (v2sf)  }
0x1c5: {  	v49 =	vor.u32 s14, v4;
	s18 =	sand.u32 $0x7F, s6  }
0x1c6: {  	v50 =	vor.u32 s18, v4;
	_ =	sdelay $0x1  }
0x1c7: {  	[tilespmem:v48+s29+$0x0] =	vst.idx.msk $0xffff, v12  }
0x1c8: {  	(v2sf) =	vpush v11, $0x5;
	s6 =	sadd.s32 $0xFFFFFFF3, s3;
	[tilespmem:v48+s30+$0x0] =	vst.idx.msk $0xffff, v14  }
0x1c9: {  	v51 =	vor.u32 s6, v2;
	s18 =	spop (v2sf);
	(v2sf) =	vpush v10, $0x5;
	v12 =	vld.idx.msk [tilespmem:v49+s20+$0x0], $0xffff  }
0x1ca: {  	s14 =	sand.u32 $0x7F, s18;
	s6 =	spop (v2sf);
	v14 =	vld.idx.msk [tilespmem:v50+s1+$0x0], $0xffff  }
0x1cb: {  	s18 =	sand.u32 $0x7F, s6;
	v52 =	vor.u32 s14, v5  }
0x1cc: {  	v53 =	vor.u32 s18, v5;
	_ =	sdelay $0x1  }
0x1cd: {  	[tilespmem:v51+s29+$0x0] =	vst.idx.msk $0xffff, v12  }
0x1ce: {  	(v2sf) =	vpush v11, $0x6;
	s6 =	sadd.s32 $0xFFFFFFF4, s3;
	[tilespmem:v51+s30+$0x0] =	vst.idx.msk $0xffff, v14  }
0x1cf: {  	v54 =	vor.u32 s6, v2;
	s18 =	spop (v2sf);
	(v2sf) =	vpush v10, $0x6;
	v12 =	vld.idx.msk [tilespmem:v52+s20+$0x0], $0xffff  }
0x1d0: {  	s14 =	sand.u32 $0x7F, s18;
	s6 =	spop (v2sf);
	v14 =	vld.idx.msk [tilespmem:v53+s1+$0x0], $0xffff  }
0x1d1: {  	s18 =	sand.u32 $0x7F, s6;
	v55 =	vor.u32 s14, v6  }
0x1d2: {  	v56 =	vor.u32 s18, v6;
	_ =	sdelay $0x1  }
0x1d3: {  	[tilespmem:v54+s29+$0x0] =	vst.idx.msk $0xffff, v12  }
0x1d4: {  	(v2sf) =	vpush v11, $0x7;
	s6 =	sadd.s32 $0xFFFFFFF5, s3;
	[tilespmem:v54+s30+$0x0] =	vst.idx.msk $0xffff, v14  }
0x1d5: {  	v57 =	vor.u32 s6, v2;
	s18 =	spop (v2sf);
	(v2sf) =	vpush v10, $0x7;
	v11 =	vld.idx.msk [tilespmem:v55+s20+$0x0], $0xffff  }
0x1d6: {  	s14 =	sand.u32 $0x7F, s18;
	s6 =	spop (v2sf);
	v10 =	vld.idx.msk [tilespmem:v56+s1+$0x0], $0xffff  }
0x1d7: {  	v58 =	vor.u32 s14, v7;
	s18 =	sand.u32 $0x7F, s6  }
0x1d8: {  	v59 =	vor.u32 s18, v7;
	_ =	sdelay $0x1  }
0x1d9: {  	[tilespmem:v57+s29+$0x0] =	vst.idx.msk $0xffff, v11  }
0x1da: {  	s6 =	sadd.s32 $0xFFFFFFF6, s3;
	[tilespmem:v57+s30+$0x0] =	vst.idx.msk $0xffff, v10  }
0x1db: {  	s18 =	spop (v2sf);
	v11 =	vor.u32 s6, v2;
	v10 =	vld.idx.msk [tilespmem:v58+s20+$0x0], $0xffff  }
0x1dc: {  	s18 =	sand.u32 $0x7F, s18;
	s6 =	spop (v2sf);
	v12 =	vld.idx.msk [tilespmem:v59+s1+$0x0], $0xffff  }
0x1dd: {  	v60 =	vor.u32 s18, v8;
	s14 =	sand.u32 $0x7F, s6  }
0x1de: {  	v61 =	vor.u32 s14, v8;
	_ =	sdelay $0x1  }
0x1df: {  	[tilespmem:v11+s29+$0x0] =	vst.idx.msk $0xffff, v10  }
0x1e0: {  	s18 =	sadd.s32 $0xFFFFFFF7, s3;
	[tilespmem:v11+s30+$0x0] =	vst.idx.msk $0xffff, v12  }
0x1e1: {  	s6 =	spop (v2sf);
	v11 =	vor.u32 s18, v2;
	v10 =	vld.idx.msk [tilespmem:v60+s20+$0x0], $0xffff  }
0x1e2: {  	s18 =	sand.u32 $0x7F, s6;
	s6 =	spop (v2sf);
	v12 =	vld.idx.msk [tilespmem:v61+s1+$0x0], $0xffff  }
0x1e3: {  	v62 =	vor.u32 s18, v9;
	s6 =	sand.u32 $0x7F, s6  }
0x1e4: {  	v63 =	vor.u32 s6, v9;
	_ =	sdelay $0x1  }
0x1e5: {  	[tilespmem:v11+s29+$0x0] =	vst.idx.msk $0xffff, v10  }
0x1e6: {  	s18 =	sadd.s32 $0xFFFFFFF8, s3;
	[tilespmem:v11+s30+$0x0] =	vst.idx.msk $0xffff, v12  }
0x1e7: {  	v10 =	vor.u32 s18, v2;
	v11 =	vld.idx.msk [tilespmem:v62+s20+$0x0], $0xffff  }
0x1e8: {  	p0 =	seq.s32 s3, $0x1FF;
	v12 =	vld.idx.msk [tilespmem:v63+s1+$0x0], $0xffff  }
.Ltmp2:
0x1e9: {  	_ = 	snop;
	(pc) =	sbr.rel @p0 .LBB2_4-.Ltmp2, $3  }
0x1ea: {  	_ =	sdelay $0x1  }
0x1eb: {  	[tilespmem:v10+s29+$0x0] =	vst.idx.msk $0xffff, v11  }
0x1ec: {  	[tilespmem:v10+s30+$0x0] =	vst.idx.msk $0xffff, v12  }
0x1ed: {  	v10 =	vld [tilespmem:s5+$0x0]  }
0x1ee: {  	v11 =	vld [tilespmem:s11+$0x0];
	_ =	sdelay $0x3  }
0x1ef: {  	(v2sf) =	vpush v10, $0x0  }
0x1f0: {  	(v2sf) =	vpush v11, $0x0;
	_ =	sdelay $0x9  }
0x1f1: {  	(v2sf) =	vpush v10, $0x1  }
0x1f2: {  	(v2sf) =	vpush v11, $0x1;
	_ =	sdelay $0x2  }
0x1f3: {  	s14 =	spop (v2sf)  }
0x1f4: {  	s18 =	spop (v2sf)  }
0x1f5: {  	s6 =	smov.u32 s2;
	s2 =	rddreg [dreg:$0x2];
	s18 =	sand.u32 $0xFFFFF80, s18  }
0x1f6: {  	s20 =	simm.s32 $0x400;
	s18 =	sadd.s32 s2, s18  }
0x1f7: {  	[tilespmem:s20], [sflag:$0x1] =	stream.linear.gather [hbm4b:s18+s4], $0x400, $0x38;
	[tilespmem:$0x14680] =	vst v63  }
0x1f8: {  	s1 =	simm.s32 $0x800;
	s14 =	sand.u32 $0xFFFFF80, s14;
	s18 =	sadd.s32 $0xF4280, s18  }
0x1f9: {  	[tilespmem:s1], [sflag:$0x1] =	stream.linear.gather [hbm4b:s18+s4], $0x400, $0x38;
	[tilespmem:$0x14680] =	vst v63  }
0x1fa: {  	(v2sf) =	vpush v10, $0x2;
	s14 =	sadd.s32 s6, s14;
	s1 =	simm.s32 $0x8400  }
0x1fb: {  	(v2sf) =	vpush v11, $0x2;
	[tilespmem:s1], [sflag:$0x3] =	stream.linear.gather [hbm4b:s14+s4], $0x400, $0x38;
	[tilespmem:$0x14680] =	vst v63  }
0x1fc: {  	s20 =	simm.s32 $0x8800;
	s14 =	sadd.s32 $0xF4280, s14  }
0x1fd: {  	[tilespmem:s20], [sflag:$0x3] =	stream.linear.gather [hbm4b:s14+s4], $0x400, $0x38;
	[tilespmem:$0x14680] =	vst v63  }
0x1fe: {  	s14 =	spop (v2sf)  }
0x1ff: {  	s1 =	spop (v2sf)  }
0x200: {  	s18 =	sand.u32 $0xFFFFF80, s1  }
0x201: {  	s20 =	simm.s32 $0xC00;
	s18 =	sadd.s32 s2, s18  }
0x202: {  	[tilespmem:s20], [sflag:$0x1] =	stream.linear.gather [hbm4b:s18+s4], $0x400, $0x38;
	[tilespmem:$0x14680] =	vst v63  }
0x203: {  	s14 =	sand.u32 $0xFFFFF80, s14;
	s18 =	sadd.s32 $0xF4280, s18;
	s20 =	simm.s32 $0x1000  }
0x204: {  	[tilespmem:s20], [sflag:$0x1] =	stream.linear.gather [hbm4b:s18+s4], $0x400, $0x38;
	[tilespmem:$0x14680] =	vst v63  }
0x205: {  	(v2sf) =	vpush v10, $0x3;
	s14 =	sadd.s32 s6, s14;
	s18 =	simm.s32 $0x8C00  }
0x206: {  	(v2sf) =	vpush v11, $0x3;
	[tilespmem:s18], [sflag:$0x3] =	stream.linear.gather [hbm4b:s14+s4], $0x400, $0x38;
	[tilespmem:$0x14680] =	vst v63  }
0x207: {  	s20 =	simm.s32 $0x9000;
	s14 =	sadd.s32 $0xF4280, s14  }
0x208: {  	[tilespmem:s20], [sflag:$0x3] =	stream.linear.gather [hbm4b:s14+s4], $0x400, $0x38;
	[tilespmem:$0x14680] =	vst v63  }
0x209: {  	s14 =	spop (v2sf)  }
0x20a: {  	s1 =	spop (v2sf)  }
0x20b: {  	s18 =	sand.u32 $0xFFFFF80, s1  }
0x20c: {  	s20 =	simm.s32 $0x1400;
	s18 =	sadd.s32 s2, s18  }
0x20d: {  	[tilespmem:s20], [sflag:$0x1] =	stream.linear.gather [hbm4b:s18+s4], $0x400, $0x38;
	[tilespmem:$0x14680] =	vst v63  }
0x20e: {  	s14 =	sand.u32 $0xFFFFF80, s14;
	s18 =	sadd.s32 $0xF4280, s18;
	s20 =	simm.s32 $0x1800  }
0x20f: {  	[tilespmem:s20], [sflag:$0x1] =	stream.linear.gather [hbm4b:s18+s4], $0x400, $0x38;
	[tilespmem:$0x14680] =	vst v63  }
0x210: {  	(v2sf) =	vpush v10, $0x4;
	s14 =	sadd.s32 s6, s14;
	s18 =	simm.s32 $0x9400  }
0x211: {  	(v2sf) =	vpush v11, $0x4;
	[tilespmem:s18], [sflag:$0x3] =	stream.linear.gather [hbm4b:s14+s4], $0x400, $0x38;
	[tilespmem:$0x14680] =	vst v63  }
0x212: {  	s20 =	simm.s32 $0x9800;
	s14 =	sadd.s32 $0xF4280, s14  }
0x213: {  	[tilespmem:s20], [sflag:$0x3] =	stream.linear.gather [hbm4b:s14+s4], $0x400, $0x38;
	[tilespmem:$0x14680] =	vst v63  }
0x214: {  	s14 =	spop (v2sf)  }
0x215: {  	s1 =	spop (v2sf)  }
0x216: {  	s18 =	sand.u32 $0xFFFFF80, s1  }
0x217: {  	s20 =	simm.s32 $0x1C00;
	s18 =	sadd.s32 s2, s18  }
0x218: {  	[tilespmem:s20], [sflag:$0x1] =	stream.linear.gather [hbm4b:s18+s4], $0x400, $0x38;
	[tilespmem:$0x14680] =	vst v63  }
0x219: {  	s14 =	sand.u32 $0xFFFFF80, s14;
	s18 =	sadd.s32 $0xF4280, s18;
	s20 =	simm.s32 $0x2000  }
0x21a: {  	[tilespmem:s20], [sflag:$0x1] =	stream.linear.gather [hbm4b:s18+s4], $0x400, $0x38;
	[tilespmem:$0x14680] =	vst v63  }
0x21b: {  	(v2sf) =	vpush v10, $0x5;
	s14 =	sadd.s32 s6, s14;
	s18 =	simm.s32 $0x9C00  }
0x21c: {  	(v2sf) =	vpush v11, $0x5;
	[tilespmem:s18], [sflag:$0x3] =	stream.linear.gather [hbm4b:s14+s4], $0x400, $0x38;
	[tilespmem:$0x14680] =	vst v63  }
0x21d: {  	s20 =	simm.s32 $0xA000;
	s14 =	sadd.s32 $0xF4280, s14  }
0x21e: {  	[tilespmem:s20], [sflag:$0x3] =	stream.linear.gather [hbm4b:s14+s4], $0x400, $0x38;
	[tilespmem:$0x14680] =	vst v63  }
0x21f: {  	s14 =	spop (v2sf)  }
0x220: {  	s1 =	spop (v2sf)  }
0x221: {  	s18 =	sand.u32 $0xFFFFF80, s1  }
0x222: {  	s20 =	simm.s32 $0x2400;
	s18 =	sadd.s32 s2, s18  }
0x223: {  	[tilespmem:s20], [sflag:$0x1] =	stream.linear.gather [hbm4b:s18+s4], $0x400, $0x38;
	[tilespmem:$0x14680] =	vst v63  }
0x224: {  	(v2sf) =	vpush v10, $0x6;
	s14 =	sand.u32 $0xFFFFF80, s14;
	s18 =	sadd.s32 $0xF4280, s18;
	s20 =	simm.s32 $0x2800  }
0x225: {  	(v2sf) =	vpush v11, $0x6;
	[tilespmem:s20], [sflag:$0x1] =	stream.linear.gather [hbm4b:s18+s4], $0x400, $0x38;
	[tilespmem:$0x14680] =	vst v63  }
0x226: {  	s14 =	sadd.s32 s6, s14;
	s18 =	simm.s32 $0xA400  }
0x227: {  	[tilespmem:s18], [sflag:$0x3] =	stream.linear.gather [hbm4b:s14+s4], $0x400, $0x38;
	[tilespmem:$0x14680] =	vst v63  }
0x228: {  	s20 =	simm.s32 $0xA800;
	s14 =	sadd.s32 $0xF4280, s14  }
0x229: {  	[tilespmem:s20], [sflag:$0x3] =	stream.linear.gather [hbm4b:s14+s4], $0x400, $0x38;
	[tilespmem:$0x14680] =	vst v63  }
0x22a: {  	s14 =	spop (v2sf)  }
0x22b: {  	s1 =	spop (v2sf)  }
0x22c: {  	s18 =	sand.u32 $0xFFFFF80, s1  }
0x22d: {  	s20 =	simm.s32 $0x2C00;
	s18 =	sadd.s32 s2, s18  }
0x22e: {  	(v2sf) =	vpush v10, $0x7;
	[tilespmem:s20], [sflag:$0x1] =	stream.linear.gather [hbm4b:s18+s4], $0x400, $0x38;
	[tilespmem:$0x14680] =	vst v63  }
0x22f: {  	s14 =	sand.u32 $0xFFFFF80, s14;
	(v2sf) =	vpush v11, $0x7;
	s18 =	sadd.s32 $0xF4280, s18;
	s20 =	simm.s32 $0x3000  }
0x230: {  	[tilespmem:s20], [sflag:$0x1] =	stream.linear.gather [hbm4b:s18+s4], $0x400, $0x38;
	[tilespmem:$0x14680] =	vst v63  }
0x231: {  	s14 =	sadd.s32 s6, s14;
	s18 =	simm.s32 $0xAC00  }
0x232: {  	[tilespmem:s18], [sflag:$0x3] =	stream.linear.gather [hbm4b:s14+s4], $0x400, $0x38;
	[tilespmem:$0x14680] =	vst v63  }
0x233: {  	s18 =	spop (v2sf)  }
0x234: {  	s20 =	simm.s32 $0xB000;
	s14 =	sadd.s32 $0xF4280, s14;
	s1 =	spop (v2sf)  }
0x235: {  	[tilespmem:s20], [sflag:$0x3] =	stream.linear.gather [hbm4b:s14+s4], $0x400, $0x38;
	[tilespmem:$0x14680] =	vst v63  }
0x236: {  	s14 =	sand.u32 $0xFFFFF80, s1  }
0x237: {  	s20 =	simm.s32 $0x3400;
	s14 =	sadd.s32 s2, s14  }
0x238: {  	[tilespmem:s20], [sflag:$0x1] =	stream.linear.gather [hbm4b:s14+s4], $0x400, $0x38;
	[tilespmem:$0x14680] =	vst v63  }
0x239: {  	s1 =	sand.u32 $0xFFFFF80, s18;
	s14 =	sadd.s32 $0xF4280, s14;
	s20 =	simm.s32 $0x3800  }
0x23a: {  	[tilespmem:s20], [sflag:$0x1] =	stream.linear.gather [hbm4b:s14+s4], $0x400, $0x38;
	[tilespmem:$0x14680] =	vst v63  }
0x23b: {  	s18 =	simm.s32 $0xB400;
	s14 =	sadd.s32 s6, s1  }
0x23c: {  	[tilespmem:s18], [sflag:$0x3] =	stream.linear.gather [hbm4b:s14+s4], $0x400, $0x38;
	[tilespmem:$0x14680] =	vst v63  }
0x23d: {  	s18 =	spop (v2sf)  }
0x23e: {  	s20 =	simm.s32 $0xB800;
	s14 =	sadd.s32 $0xF4280, s14;
	s1 =	spop (v2sf)  }
0x23f: {  	[tilespmem:s20], [sflag:$0x3] =	stream.linear.gather [hbm4b:s14+s4], $0x400, $0x38;
	[tilespmem:$0x14680] =	vst v63  }
0x240: {  	s14 =	sand.u32 $0xFFFFF80, s1  }
0x241: {  	s20 =	simm.s32 $0x3C00;
	s14 =	sadd.s32 s2, s14  }
0x242: {  	[tilespmem:s20], [sflag:$0x1] =	stream.linear.gather [hbm4b:s14+s4], $0x400, $0x38;
	[tilespmem:$0x14680] =	vst v63  }
0x243: {  	s14 =	sadd.s32 $0xF4280, s14;
	s20 =	simm.s32 $0x4000  }
0x244: {  	[tilespmem:s20], [sflag:$0x1] =	stream.linear.gather [hbm4b:s14+s4], $0x400, $0x38;
	[tilespmem:$0x14680] =	vst v63  }
.Ltmp3:
0x245: {  	s1 =	sand.u32 $0xFFFFF80, s18;
	(pc) =	sbr.rel .LBB2_4-.Ltmp3, $4  }
0x246: {  	s18 =	simm.s32 $0xBC00;
	s14 =	sadd.s32 s6, s1  }
0x247: {  	[tilespmem:s18], [sflag:$0x3] =	stream.linear.gather [hbm4b:s14+s4], $0x400, $0x38;
	[tilespmem:$0x14680] =	vst v63  }
0x248: {  	s2 =	smov.u32 s6;
	s20 =	simm.s32 $0xC000;
	s14 =	sadd.s32 $0xF4280, s14  }
0x249: {  	[tilespmem:s20], [sflag:$0x3] =	stream.linear.gather [hbm4b:s14+s4], $0x400, $0x38;
	[tilespmem:$0x14680] =	vst v63  }
.LBB2_5:
0x24a: {  	s3 =	simm.s32 $0x0  }
0x24b: {  	v11 =	vld [tilespmem:s3+$0x10400]  }
0x24c: {  	v12 =	vld [tilespmem:s3+$0x12400]  }
0x24d: {  	v10 =	vld [tilespmem:s3+$0x12600]  }
0x24e: {  	v13 =	vld [tilespmem:s3+$0x10600]  }
0x24f: {  	v14 =	vld [tilespmem:s3+$0x12800]  }
0x250: {  	v15 =	vld [tilespmem:s3+$0x10800]  }
0x251: {  	v17 =	vld [tilespmem:s3+$0x12A00];
	v18 =	vmul.f32 v11, v11;
	v11 =	vmul.f32 v12, v11  }
0x252: {  	v19 =	vld [tilespmem:s3+$0x10A00]  }
0x253: {  	v21 =	vld [tilespmem:s3+$0x12C00];
	v16 =	vmul.f32 v10, v10;
	v10 =	vmul.f32 v10, v13;
	v11 =	vadd.f32 $0.0e+00, v11  }
0x254: {  	v22 =	vld [tilespmem:s3+$0x10C00]  }
0x255: {  	v44 =	vld [tilespmem:s3+$0x12E00];
	v12 =	vmul.f32 v12, v12;
	v10 =	vadd.f32 v10, v11;
	v11 =	vmul.f32 v14, v15  }
0x256: {  	v46 =	vld [tilespmem:s3+$0x10E00];
	v20 =	vmul.f32 v13, v13;
	v42 =	vmul.f32 v14, v14  }
0x257: {  	v48 =	vld [tilespmem:s3+$0x13000];
	v43 =	vmul.f32 v15, v15;
	v10 =	vadd.f32 v11, v10;
	v11 =	vmul.f32 v17, v19  }
0x258: {  	v50 =	vld [tilespmem:s3+$0x11000];
	v45 =	vmul.f32 v17, v17;
	v12 =	vadd.f32 v12, v18;
	v16 =	vadd.f32 v16, v20  }
0x259: {  	v53 =	vld [tilespmem:s3+$0x13200];
	v47 =	vmul.f32 v19, v19;
	v10 =	vadd.f32 v11, v10;
	v11 =	vmul.f32 v21, v22  }
0x25a: {  	v55 =	vld [tilespmem:s3+$0x11200];
	v49 =	vmul.f32 v21, v21;
	v13 =	vadd.f32 v42, v43;
	v12 =	vadd.f32 v16, v12  }
0x25b: {  	v58 =	vld [tilespmem:s3+$0x13400];
	v52 =	vmul.f32 v22, v22;
	v10 =	vadd.f32 v11, v10;
	v11 =	vmul.f32 v44, v46  }
0x25c: {  	v60 =	vld [tilespmem:s3+$0x11400];
	v54 =	vmul.f32 v44, v44;
	v51 =	vadd.f32 v45, v47;
	v12 =	vadd.f32 v13, v12  }
0x25d: {  	v63 =	vld [tilespmem:s3+$0x13600];
	v57 =	vmul.f32 v46, v46;
	v10 =	vadd.f32 v11, v10;
	v11 =	vmul.f32 v48, v50  }
0x25e: {  	v25 =	vld [tilespmem:s3+$0x11600];
	v59 =	vmul.f32 v48, v48;
	v56 =	vadd.f32 v49, v52;
	v12 =	vadd.f32 v51, v12  }
0x25f: {  	v28 =	vld [tilespmem:s3+$0x13800];
	v62 =	vmul.f32 v50, v50;
	v10 =	vadd.f32 v11, v10;
	v11 =	vmul.f32 v53, v55  }
0x260: {  	v30 =	vld [tilespmem:s3+$0x11800];
	v24 =	vmul.f32 v53, v53;
	v61 =	vadd.f32 v54, v57;
	v12 =	vadd.f32 v56, v12  }
0x261: {  	v33 =	vld [tilespmem:s3+$0x13A00];
	v27 =	vmul.f32 v55, v55;
	v10 =	vadd.f32 v11, v10;
	v11 =	vmul.f32 v58, v60  }
0x262: {  	v35 =	vld [tilespmem:s3+$0x11A00];
	v29 =	vmul.f32 v58, v58;
	v26 =	vadd.f32 v59, v62;
	v12 =	vadd.f32 v61, v12  }
0x263: {  	v38 =	vld [tilespmem:s3+$0x13C00];
	v32 =	vmul.f32 v60, v60;
	v10 =	vadd.f32 v11, v10;
	v11 =	vmul.f32 v63, v25  }
0x264: {  	v40 =	vld [tilespmem:s3+$0x11C00];
	v34 =	vmul.f32 v63, v63;
	v31 =	vadd.f32 v24, v27;
	v12 =	vadd.f32 v26, v12  }
0x265: {  	v37 =	vmul.f32 v25, v25;
	v43 =	vld [tilespmem:s3+$0x13E00];
	v10 =	vadd.f32 v11, v10;
	v11 =	vmul.f32 v28, v30  }
0x266: {  	v39 =	vmul.f32 v28, v28;
	v36 =	vadd.f32 v29, v32;
	v45 =	vld [tilespmem:s3+$0x11E00];
	v12 =	vadd.f32 v31, v12  }
0x267: {  	v41 =	vadd.f32 v34, v37;
	v48 =	vld [tilespmem:s3+$0x14000];
	v10 =	vadd.f32 v11, v10;
	v11 =	vmul.f32 v33, v35  }
0x268: {  	v42 =	vmul.f32 v30, v30;
	v47 =	vmul.f32 v35, v35;
	v50 =	vld [tilespmem:s3+$0x12000];
	v12 =	vadd.f32 v36, v12  }
0x269: {  	v49 =	vmul.f32 v38, v38;
	v53 =	vld [tilespmem:s3+$0x14200];
	v10 =	vadd.f32 v11, v10;
	v11 =	vmul.f32 v38, v40  }
0x26a: {  	v44 =	vmul.f32 v33, v33;
	v46 =	vadd.f32 v39, v42;
	v55 =	vld [tilespmem:s3+$0x12200];
	v12 =	vadd.f32 v41, v12  }
0x26b: {  	v52 =	vmul.f32 v40, v40;
	v10 =	vadd.f32 v11, v10;
	v11 =	vmul.f32 v43, v45  }
0x26c: {  	v54 =	vmul.f32 v43, v43;
	v51 =	vadd.f32 v44, v47;
	v12 =	vadd.f32 v46, v12  }
0x26d: {  	v57 =	vmul.f32 v45, v45;
	v10 =	vadd.f32 v11, v10;
	v11 =	vmul.f32 v48, v50  }
0x26e: {  	v56 =	vadd.f32 v49, v52;
	v12 =	vadd.f32 v51, v12  }
0x26f: {  	v58 =	vadd.f32 v54, v57;
	v61 =	vmul.f32 v53, v55;
	v10 =	vadd.f32 v11, v10  }
0x270: {  	v59 =	vmul.f32 v48, v48;
	v60 =	vmul.f32 v50, v50;
	v12 =	vadd.f32 v56, v12  }
0x271: {  	v62 =	vmul.f32 v55, v55;
	v10 =	vadd.f32 v61, v10  }
0x272: {  	v15 =	vmul.f32 v53, v53;
	v12 =	vadd.f32 v58, v12;
	v11 =	vadd.f32 v59, v60  }
0x273: {  	[tilespmem:s3+$0x14400] =	vst v10  }
0x274: {  	v63 =	vadd.f32 v15, v62;
	v11 =	vadd.f32 v11, v12;
	v10 =	vld [tilespmem:$0x14600];
	_ =	sdelay $0x1  }
0x275: {  	s3 =	simm.s32 $0x40;
	v11 =	vadd.f32 v63, v11  }
.LBB2_6:
0x276: {  	_ =	sdelay $0x1  }
0x277: {  	p0 =	sne.s32 s3, $0x7C0;
	s5 =	smov.u32 s3;
	s3 =	sadd.s32 $0x40, s3;
	v10 =	vadd.f32 v11, v10  }
0x278: {  	_ = 	snop  }
0x279: {  	s5 =	sshra.s32 s5, $0x2;
	[tilespmem:$0x14600] =	vst v10  }
0x27a: {  	v10 =	vld [tilespmem:s5+$0x12600]  }
0x27b: {  	v11 =	vld [tilespmem:s5+$0x10400]  }
0x27c: {  	v12 =	vld [tilespmem:s5+$0x12400]  }
0x27d: {  	v13 =	vld [tilespmem:s5+$0x10600]  }
0x27e: {  	v14 =	vld [tilespmem:s5+$0x12800]  }
0x27f: {  	v15 =	vmul.f32 v10, v10;
	v16 =	vld [tilespmem:s5+$0x10800]  }
0x280: {  	v17 =	vmul.f32 v11, v11;
	v18 =	vld [tilespmem:s5+$0x12A00]  }
0x281: {  	v11 =	vmul.f32 v12, v11;
	v12 =	vmul.f32 v12, v12;
	v19 =	vld [tilespmem:s5+$0x10A00]  }
0x282: {  	v10 =	vmul.f32 v10, v13;
	v13 =	vmul.f32 v13, v13;
	v20 =	vld [tilespmem:s5+$0x12C00]  }
0x283: {  	v11 =	vadd.f32 $0.0e+00, v11;
	v21 =	vmul.f32 v14, v14;
	v22 =	vld [tilespmem:s5+$0x10C00]  }
0x284: {  	v12 =	vadd.f32 v12, v17;
	v13 =	vadd.f32 v15, v13;
	v15 =	vmul.f32 v16, v16;
	v17 =	vld [tilespmem:s5+$0x12E00]  }
0x285: {  	v10 =	vadd.f32 v10, v11;
	v11 =	vmul.f32 v14, v16;
	v14 =	vmul.f32 v18, v18;
	v16 =	vld [tilespmem:s5+$0x10E00]  }
0x286: {  	v12 =	vadd.f32 v13, v12;
	v13 =	vadd.f32 v21, v15;
	v15 =	vmul.f32 v19, v19;
	v21 =	vld [tilespmem:s5+$0x13000]  }
0x287: {  	v10 =	vadd.f32 v11, v10;
	v11 =	vmul.f32 v18, v19;
	v18 =	vmul.f32 v20, v20;
	v19 =	vld [tilespmem:s5+$0x11000]  }
0x288: {  	v12 =	vadd.f32 v13, v12;
	v13 =	vadd.f32 v14, v15;
	v14 =	vmul.f32 v22, v22;
	v15 =	vld [tilespmem:s5+$0x13200]  }
0x289: {  	v10 =	vadd.f32 v11, v10;
	v11 =	vmul.f32 v20, v22;
	v20 =	vmul.f32 v17, v17;
	v22 =	vld [tilespmem:s5+$0x11200]  }
0x28a: {  	v12 =	vadd.f32 v13, v12;
	v13 =	vadd.f32 v18, v14;
	v14 =	vmul.f32 v16, v16;
	v18 =	vld [tilespmem:s5+$0x13400]  }
0x28b: {  	v10 =	vadd.f32 v11, v10;
	v11 =	vmul.f32 v17, v16;
	v16 =	vmul.f32 v21, v21;
	v17 =	vld [tilespmem:s5+$0x11400]  }
0x28c: {  	v12 =	vadd.f32 v13, v12;
	v13 =	vadd.f32 v20, v14;
	v14 =	vmul.f32 v19, v19;
	v20 =	vld [tilespmem:s5+$0x13600]  }
0x28d: {  	v10 =	vadd.f32 v11, v10;
	v11 =	vmul.f32 v21, v19;
	v19 =	vmul.f32 v15, v15;
	v21 =	vld [tilespmem:s5+$0x11600]  }
0x28e: {  	v12 =	vadd.f32 v13, v12;
	v13 =	vadd.f32 v16, v14;
	v14 =	vmul.f32 v22, v22;
	v16 =	vld [tilespmem:s5+$0x13800]  }
0x28f: {  	v10 =	vadd.f32 v11, v10;
	v11 =	vmul.f32 v15, v22;
	v15 =	vmul.f32 v18, v18;
	v22 =	vld [tilespmem:s5+$0x11800]  }
0x290: {  	v12 =	vadd.f32 v13, v12;
	v13 =	vadd.f32 v19, v14;
	v14 =	vmul.f32 v17, v17;
	v19 =	vld [tilespmem:s5+$0x13A00]  }
0x291: {  	v10 =	vadd.f32 v11, v10;
	v11 =	vmul.f32 v18, v17;
	v17 =	vmul.f32 v20, v20;
	v18 =	vld [tilespmem:s5+$0x11A00]  }
0x292: {  	v12 =	vadd.f32 v13, v12;
	v13 =	vadd.f32 v15, v14;
	v14 =	vmul.f32 v21, v21;
	v15 =	vld [tilespmem:s5+$0x13C00]  }
0x293: {  	v10 =	vadd.f32 v11, v10;
	v11 =	vmul.f32 v20, v21;
	v20 =	vmul.f32 v16, v16;
	v21 =	vld [tilespmem:s5+$0x11C00]  }
0x294: {  	v12 =	vadd.f32 v13, v12;
	v13 =	vadd.f32 v17, v14;
	v14 =	vmul.f32 v22, v22;
	v17 =	vld [tilespmem:s5+$0x13E00]  }
0x295: {  	v10 =	vadd.f32 v11, v10;
	v11 =	vmul.f32 v16, v22;
	v16 =	vmul.f32 v19, v19;
	v22 =	vld [tilespmem:s5+$0x11E00]  }
0x296: {  	v12 =	vadd.f32 v13, v12;
	v13 =	vadd.f32 v20, v14;
	v14 =	vmul.f32 v18, v18;
	v20 =	vld [tilespmem:s5+$0x14000]  }
0x297: {  	v10 =	vadd.f32 v11, v10;
	v11 =	vmul.f32 v19, v18;
	v18 =	vmul.f32 v15, v15;
	v19 =	vld [tilespmem:s5+$0x12000]  }
0x298: {  	v12 =	vadd.f32 v13, v12;
	v13 =	vadd.f32 v16, v14;
	v14 =	vmul.f32 v21, v21;
	v16 =	vld [tilespmem:s5+$0x14200]  }
0x299: {  	v10 =	vadd.f32 v11, v10;
	v11 =	vmul.f32 v15, v21;
	v15 =	vmul.f32 v17, v17;
	v21 =	vld [tilespmem:s5+$0x12200]  }
0x29a: {  	v12 =	vadd.f32 v13, v12;
	v13 =	vadd.f32 v18, v14;
	v14 =	vmul.f32 v22, v22  }
0x29b: {  	v10 =	vadd.f32 v11, v10;
	v11 =	vmul.f32 v17, v22;
	v17 =	vmul.f32 v20, v20  }
0x29c: {  	v12 =	vadd.f32 v13, v12;
	v13 =	vadd.f32 v15, v14;
	v14 =	vmul.f32 v19, v19  }
0x29d: {  	v10 =	vadd.f32 v11, v10;
	v11 =	vmul.f32 v20, v19  }
0x29e: {  	v12 =	vadd.f32 v13, v12;
	v13 =	vadd.f32 v17, v14;
	v14 =	vmul.f32 v16, v21  }
0x29f: {  	v10 =	vadd.f32 v11, v10;
	v11 =	vmul.f32 v21, v21  }
0x2a0: {  	v12 =	vadd.f32 v13, v12  }
0x2a1: {  	v10 =	vadd.f32 v14, v10  }
.Ltmp4:
0x2a2: {  	v13 =	vmul.f32 v16, v16;
	(pc) =	sbr.rel @p0 .LBB2_6-.Ltmp4, $3  }
0x2a3: {  	[tilespmem:s5+$0x14400] =	vst v10  }
0x2a4: {  	v11 =	vadd.f32 v13, v11;
	v10 =	vld [tilespmem:$0x14600];
	_ =	sdelay $0x1  }
0x2a5: {  	v11 =	vadd.f32 v11, v12  }
0x2a6: {  	_ =	sdelay $0x1  }
0x2a7: {  	v10 =	vadd.f32 v11, v10;
	_ =	sdelay $0x1  }
0x2a8: {  	s3 =	rddreg [dreg:$0x9];
	s1 =	simm.s32 $0x14400;
	s5 =	simm.s32 $0x5;
	[tilespmem:$0x14600] =	vst v10  }
0x2a9: {  	[hbm4b:s3+s4] =	stream.linear.scatter [tilespmem:s1], [sflag:$0x5], $0x200, $0x38;
	[tilespmem:$0x14680] =	vst v63  }
0x2aa: {  	_ =	swait.ge [sflag:s5], $0x200  }
0x2ab: {  	[sflag:s5] =	ssyncset.done $0x0  }
0x2ac: {  	s23 =	simm.s32 $0x14600;
	s22 =	rddreg [dreg:$0xa];
	[sflag:s5] =	ssyncadd.s32 $0xFFFFFE00  }
0x2ad: {  	[hbm4b:s22+s4] =	stream.linear.scatter [tilespmem:s23], [sflag:$0x5], $0x80, $0x38;
	[tilespmem:$0x14680] =	vst v63  }
0x2ae: {  	_ =	swait.ge [sflag:s5], $0x80  }
0x2af: {  	s24 =	rddreg [dreg:$0xc]  }
0x2b0: {  	s25 =	rddreg [dreg:$0xb];
	s1 =	sadd.s32 $0x1, s24  }
0x2b1: {  	p0 =	sne.s32 s1, s25  }
.Ltmp5:
0x2b2: {  	_ = 	snop;
	(pc) =	sbr.rel @p0 .LBB2_1-.Ltmp5, $3  }
0x2b3: {  	_ =	sdelay $0x1  }
0x2b4: {  	[sflag:s5] =	ssyncset.done $0x0  }
0x2b5: {  	[sflag:s5] =	ssyncadd.s32 $0xFFFFFF80  }
0x2b6: {  	_ =	sfence.sel $0x180000  }
0x2b7: {  	[bflag:$0x0] =	sbarrier.arrive $0xFFFF  }
0x2b8: {  	_ =	strace $0x90000047  }
0x2b9: {  	s0 =	stileid.u32;
	[bflag:$0x2] =	sbarrier.arrive $0xFFFF  }
0x2ba: {  	p0 =	sne.s32 s0, $0x0;
	s0 =	rddreg [dreg:$0x6]  }
0x2bb: {  	s0 =	sadd.s32 @!p0 $0x100000, s0  }
0x2bc: {  	[sflag:s0] =	ssyncadd.tile.s32 @!p0 $0x1;
	_ =	shalt  }
.Lfunc_end2:
_tile_overlayer_lowered:
.L_overlay_start_2:
0x2bd: {  	(tag) =	ssettag $0x2  }
0x2be: {  	s0 =	rddreg [dreg:$0x0];
	s2 =	stileid.u32  }
0x2bf: {  	s1 =	rddreg [dreg:$0x1];
	p0 =	sne.s32 s2, $0x0  }
0x2c0: {  	s3 =	rddreg [dreg:$0x2];
	[bflag:$0x3] =	sbarrier.arrive $0xFFFF;
	s2 =	simm.s32 @!p0 $0x1C05  }
0x2c1: {  	[timem:s3], [sflag:s2] =	dma.local @!p0 [hbm:s0], s1  }
0x2c2: {  	s0 =	simm.s32 @!p0 $0x5  }
0x2c3: {  	_ =	swait.ge @!p0 [sflag:s0], s1  }
0x2c4: {  	s1 =	ssub.s32 @!p0 $0x0, s1;
	[sflag:s0] =	ssyncset.done @!p0 $0x0  }
0x2c5: {  	[sflag:s0] =	ssyncadd.s32 @!p0 s1  }
0x2c6: {  	[bflag:$0x3] =	sbarrier.arrive $0xFFFF  }
0x2c7: {  	_ =	shalt  }

</sc_bundles>
